<compile_context>
chip_gen: v7x
topology: tpu7x:2x2x1
jax: 0.10.2.dev20260603
libtpu: 0.0.44.dev20260713+nightly
codegen_flags: <defaults>
</compile_context>

<pallas_src>
import functools

import jax
import jax.numpy as jnp
from jax import lax
from jax.experimental import pallas as pl
from jax.experimental.pallas import tpu as pltpu
from jax.experimental.pallas import tpu_sc as plsc

N = 10000
D = 128
E = 320000
NW = 32
NTILE = 16
CHUNK = 128
CPT = 80
NG = 10
E_PAD = NW * CPT * CHUNK
N_PAD = 10112
RPT = N_PAD // NTILE

_mesh = plsc.VectorSubcoreMesh(core_axis_name="c", subcore_axis_name="s")


def _deg_body(idxr_hbm, ones_hbm, zeros_hbm, degp_hbm, ibuf0, ibuf1, ones_v,
              deg_sh, ssem0, ssem1):
    c = lax.axis_index("c")
    s = lax.axis_index("s")
    wid = s * 2 + c
    r0 = s * RPT
    pltpu.sync_copy(zeros_hbm.at[pl.ds(r0, RPT)], deg_sh.at[pl.ds(r0, RPT)])
    pltpu.sync_copy(ones_hbm, ones_v)
    plsc.subcore_barrier()

    ibufs = (ibuf0, ibuf1)
    ssems = (ssem0, ssem1)

    def issue(g, p):
        pltpu.sync_copy(idxr_hbm.at[wid * NG + g], ibufs[p])
        for t in range(8):
            pltpu.async_copy(ones_v, deg_sh.at[ibufs[p].at[0].at[t]],
                             ssems[p], add=True)

    def drain(p):
        for t in range(8):
            pltpu.make_async_copy(ones_v, deg_sh.at[ibufs[p].at[0].at[t]],
                                  ssems[p]).wait()

    def body(m2, carry):
        g0 = 2 * m2

        @pl.when(m2 > 0)
        def _():
            drain(0)

        issue(g0, 0)

        @pl.when(m2 > 0)
        def _():
            drain(1)

        issue(g0 + 1, 1)
        return carry

    lax.fori_loop(0, NG // 2, body, 0)
    drain(0)
    drain(1)
    plsc.subcore_barrier()
    pltpu.sync_copy(deg_sh.at[pl.ds(r0, RPT)],
                    degp_hbm.at[pl.ds(c * N_PAD + r0, RPT)])


_deg_call = functools.partial(
    pl.kernel,
    out_type=jax.ShapeDtypeStruct((2 * N_PAD, 16), jnp.float32),
    mesh=_mesh,
    scratch_types=[
        pltpu.VMEM((1, 8, CHUNK), jnp.int32),
        pltpu.VMEM((1, 8, CHUNK), jnp.int32),
        pltpu.VMEM((CHUNK, 16), jnp.float32),
        pltpu.VMEM_SHARED((N_PAD, 16), jnp.float32),
        pltpu.SemaphoreType.DMA,
        pltpu.SemaphoreType.DMA,
    ],
    compiler_params=pltpu.CompilerParams(use_tc_tiling_on_sc=False),
)(_deg_body)


def _scat_body(t_hbm, idxg_hbm, zeros_hbm, aggp_hbm,
               ibuf0, ibuf1, dbuf0, dbuf1, agg_sh, isem0, isem1, dsem0, dsem1):
    c = lax.axis_index("c")
    s = lax.axis_index("s")
    wid = s * 2 + c
    r0 = s * RPT
    pltpu.sync_copy(zeros_hbm.at[pl.ds(r0, RPT)], agg_sh.at[pl.ds(r0, RPT)])
    plsc.subcore_barrier()

    ibufs = (ibuf0, ibuf1)
    isems = (isem0, isem1)
    dbufs = (dbuf0, dbuf1)
    dsems = (dsem0, dsem1)

    def istart(g, p):
        pltpu.async_copy(idxg_hbm.at[wid * NG + g], ibufs[p], isems[p])

    def iwait(p):
        pltpu.make_async_copy(idxg_hbm.at[0], ibufs[p], isems[p]).wait()

    H = CHUNK // 2

    def gstart(ibuf, t, p):
        idx = ibuf.at[0].at[t]
        for q in range(2):
            pltpu.async_copy(t_hbm.at[idx.at[pl.ds(q * H, H)]],
                             dbufs[p].at[pl.ds(q * H, H)], dsems[p])

    def chunk_fin(ibuf, t):
        pltpu.make_async_copy(t_hbm.at[ibuf.at[0].at[t]],
                              dbufs[t % 2], dsems[t % 2]).wait()
        pltpu.sync_copy(dbufs[t % 2], agg_sh.at[ibuf.at[1].at[t]], add=True)

    istart(0, 0)
    iwait(0)
    gstart(ibuf0, 0, 0)

    def body(m2, carry):
        istart(2 * m2 + 1, 1)
        for t in range(8):
            if t < 7:
                gstart(ibuf0, t + 1, (t + 1) % 2)
            else:
                iwait(1)
                gstart(ibuf1, 0, 0)
            chunk_fin(ibuf0, t)

        @pl.when(m2 < NG // 2 - 1)
        def _():
            istart(2 * m2 + 2, 0)

        for t in range(8):
            if t < 7:
                gstart(ibuf1, t + 1, (t + 1) % 2)
            else:
                @pl.when(m2 < NG // 2 - 1)
                def _():
                    iwait(0)
                    gstart(ibuf0, 0, 0)
            chunk_fin(ibuf1, t)
        return carry

    lax.fori_loop(0, NG // 2, body, 0)

    plsc.subcore_barrier()
    pltpu.sync_copy(agg_sh.at[pl.ds(r0, RPT)],
                    aggp_hbm.at[pl.ds(c * N_PAD + r0, RPT)])


_scat_call = functools.partial(
    pl.kernel,
    out_type=jax.ShapeDtypeStruct((2 * N_PAD, D), jnp.float32),
    mesh=_mesh,
    scratch_types=[
        pltpu.VMEM((2, 8, CHUNK), jnp.int32),
        pltpu.VMEM((2, 8, CHUNK), jnp.int32),
        pltpu.VMEM((CHUNK, D), jnp.float32),
        pltpu.VMEM((CHUNK, D), jnp.float32),
        pltpu.VMEM_SHARED((N_PAD, D), jnp.float32),
        pltpu.SemaphoreType.DMA,
        pltpu.SemaphoreType.DMA,
        pltpu.SemaphoreType.DMA,
        pltpu.SemaphoreType.DMA,
    ],
    compiler_params=pltpu.CompilerParams(use_tc_tiling_on_sc=False),
)(_scat_body)


_BLK = 1000


def _mm_body(x_ref, degp_ref, wm_ref, ws_ref, bm_ref, bs_ref, t_ref, base_ref):
    x = x_ref[...]
    d = degp_ref[0] + degp_ref[1]
    dis = jnp.where(d > 0, lax.rsqrt(d), 0.0)[:, 0:1]
    t_ref[...] = jnp.dot(x, wm_ref[...], preferred_element_type=jnp.float32) * dis
    base_ref[...] = (jnp.dot(x, ws_ref[...], preferred_element_type=jnp.float32)
                     + bm_ref[...] + bs_ref[...])


def _mm_call(feats, degp, wm_t, ws_t, bmsg, bskip):
    grid = N // _BLK
    return pl.pallas_call(
        _mm_body,
        grid=(grid,),
        in_specs=[
            pl.BlockSpec((_BLK, D), lambda i: (i, 0)),
            pl.BlockSpec((2, _BLK, 16), lambda i: (0, i, 0)),
            pl.BlockSpec((D, D), lambda i: (0, 0)),
            pl.BlockSpec((D, D), lambda i: (0, 0)),
            pl.BlockSpec((D,), lambda i: (0,)),
            pl.BlockSpec((D,), lambda i: (0,)),
        ],
        out_specs=[
            pl.BlockSpec((_BLK, D), lambda i: (i, 0)),
            pl.BlockSpec((_BLK, D), lambda i: (i, 0)),
        ],
        out_shape=[
            jax.ShapeDtypeStruct((N, D), jnp.float32),
            jax.ShapeDtypeStruct((N, D), jnp.float32),
        ],
    )(feats, degp, wm_t, ws_t, bmsg, bskip)


def _fin_body(aggp_ref, degp_ref, base_ref, o_ref):
    d = degp_ref[0] + degp_ref[1]
    dis = jnp.where(d > 0, lax.rsqrt(d), 0.0)[:, 0:1]
    o_ref[...] = (aggp_ref[0] + aggp_ref[1]) * dis + base_ref[...]


def _fin_call(aggp, degp, base):
    grid = N // _BLK
    return pl.pallas_call(
        _fin_body,
        grid=(grid,),
        in_specs=[
            pl.BlockSpec((2, _BLK, D), lambda i: (0, i, 0)),
            pl.BlockSpec((2, _BLK, 16), lambda i: (0, i, 0)),
            pl.BlockSpec((_BLK, D), lambda i: (i, 0)),
        ],
        out_specs=pl.BlockSpec((_BLK, D), lambda i: (i, 0)),
        out_shape=jax.ShapeDtypeStruct((N, D), jnp.float32),
    )(aggp, degp, base)


def kernel(feats, edge_index, linear_skip_weight, linear_skip_bias,
           linear_msg_weight, linear_msg_bias):
    row = edge_index[0]
    col = edge_index[1]
    pad = E_PAD - E
    rows = jnp.concatenate([row, jnp.zeros((pad,), jnp.int32)])
    cols = jnp.concatenate([col, jnp.full((pad,), N, jnp.int32)])
    idxg = jnp.stack([rows.reshape(NW, NG, 8, CHUNK),
                      cols.reshape(NW, NG, 8, CHUNK)], axis=2)
    idxg = idxg.reshape(NW * NG, 2, 8, CHUNK)

    ones16 = jnp.ones((CHUNK, 16), jnp.float32)
    zeros16 = jnp.zeros((N_PAD, 16), jnp.float32)
    zerosD = jnp.zeros((N_PAD, D), jnp.float32)

    rows_deg = jnp.concatenate([row, jnp.full((pad,), N, jnp.int32)])
    degp_flat = _deg_call(rows_deg.reshape(NW * NG, 1, 8, CHUNK), ones16, zeros16)
    degp = degp_flat.reshape(2, N_PAD, 16)[:, :N]

    t, base = _mm_call(feats, degp, linear_msg_weight.T, linear_skip_weight.T,
                       linear_msg_bias, linear_skip_bias)

    aggp_flat = _scat_call(t, idxg, zerosD)
    aggp = aggp_flat.reshape(2, N_PAD, D)[:, :N]

    return _fin_call(aggp, degp, base)

# --- scband reference (transcript-rebuilt; emitter-appended) ---
"""Pipeline reference for scband-gcnlayer-8632884264995 (READ-ONLY COPY).

The authoritative reference and input builder live on the scoring server;
editing this copy changes nothing except your own understanding.
"""

import jax, jax.numpy as jnp
import numpy as np

N, E, D = 10000, 320000, 128


def setup_inputs(seed: int = 0) -> dict:
    key = jax.random.key(seed)
    k1, k2, k3, k4 = jax.random.split(key, 4)
    feats = jax.random.normal(k1, (N, D), dtype=jnp.float32)
    edge_index = jax.random.randint(k2, (2, E), 0, N, dtype=jnp.int32)
    # xavier_normal_ with relu gain: std = sqrt(2) * sqrt(2/(fan_in+fan_out)) = 0.125 for 128->128
    std = float(np.sqrt(2.0) * np.sqrt(2.0 / (D + D)))
    linear_skip_weight = jax.random.normal(k3, (D, D), dtype=jnp.float32) * std
    linear_skip_bias = jnp.zeros((D,), dtype=jnp.float32)
    linear_msg_weight = jax.random.normal(k4, (D, D), dtype=jnp.float32) * std
    linear_msg_bias = jnp.zeros((D,), dtype=jnp.float32)
    return {
        "feats": feats,
        "edge_index": edge_index,
        "linear_skip_weight": linear_skip_weight,
        "linear_skip_bias": linear_skip_bias,
        "linear_msg_weight": linear_msg_weight,
        "linear_msg_bias": linear_msg_bias,
    }


def reference(feats, edge_index, linear_skip_weight, linear_skip_bias, linear_msg_weight, linear_msg_bias):
    row = edge_index[0]  # src nodes (DGL edges()[0])
    col = edge_index[1]  # dst nodes
    num_nodes = feats.shape[0]
    # norm(): deg = scatter_add of ones over src index; deg^-0.5 with inf -> 0
    edge_weight = jnp.ones((row.shape[0],), dtype=feats.dtype)
    deg = jax.ops.segment_sum(edge_weight, row, num_segments=num_nodes)
    deg_inv_sqrt = jnp.where(deg > 0, deg ** -0.5, 0.0)
    # feat_src = feats * norm; copy_u + sum aggregation to dst
    feat_src = feats * deg_inv_sqrt[:, None]
    agg = jnp.zeros_like(feats).at[col].add(feat_src[row])
    rst = agg * deg_inv_sqrt[:, None]
    rst_ = rst @ linear_msg_weight.T + linear_msg_bias
    # cfg.gnn.skip_connection == 'affine'
    skip_x = feats @ linear_skip_weight.T + linear_skip_bias
    return rst_ + skip_x

if __name__ == "__main__":
    import jax
    _d = setup_inputs()
    print(jax.jit(kernel)(*tuple(_d.values())))

</pallas_src>

<mosaic_0001>
#map = affine_map<(d0, d1) -> (0, 0)>
#map1 = affine_map<(d0, d1) -> (0, 0, 0, 0)>
module attributes {stable_mosaic.version = 14 : i64} {
  func.func @_scat_body(%arg0: i32, %arg1: i32, %arg2: memref<10000x128xf32, #tpu.memory_space<hbm>>, %arg3: memref<320x2x8x128xi32, #tpu.memory_space<hbm>>, %arg4: memref<10112x128xf32, #tpu.memory_space<hbm>>, %arg5: memref<20224x128xf32, #tpu.memory_space<hbm>>, %arg6: memref<2x8x128xi32, #tpu.memory_space<vmem>>, %arg7: memref<2x8x128xi32, #tpu.memory_space<vmem>>, %arg8: memref<128x128xf32, #tpu.memory_space<vmem>>, %arg9: memref<128x128xf32, #tpu.memory_space<vmem>>, %arg10: memref<10112x128xf32, #tpu.memory_space<vmem_shared>>, %arg11: memref<!tpu.dma_semaphore, #tpu.memory_space<semaphore_mem>>, %arg12: memref<!tpu.dma_semaphore, #tpu.memory_space<semaphore_mem>>, %arg13: memref<!tpu.dma_semaphore, #tpu.memory_space<semaphore_mem>>, %arg14: memref<!tpu.dma_semaphore, #tpu.memory_space<semaphore_mem>>) attributes {dimension_semantics = [#tpu.dimension_semantics<core_parallel>, #tpu.dimension_semantics<subcore_parallel>], iteration_bounds = array<i64: 2, 16>, scalar_prefetch = 0 : i64, scratch_operands = 9 : i64, tpu.core_type = #tpu.core_type<sc_vector_subcore>, window_params = [{transform_indices = #map}, {transform_indices = #map1}, {transform_indices = #map}, {transform_indices = #map}]} {
    %mul3A = arith.constant 2 : i32
    %mul3A_0 = arith.muli %arg1, %mul3A : i32
    %add3A = arith.addi %mul3A_0, %arg0 : i32
    %mul3A_1 = arith.constant 632 : i32
    %mul3A_2 = arith.muli %arg1, %mul3A_1 : i32
    "tpu.region"() ({
      %run_scoped3A = tpu.sem_alloc : memref<!tpu.dma_semaphore, #tpu.memory_space<semaphore_mem>>
      %dma_start3A_69 = arith.constant 0 : i32
      %dma_start3A_70 = tpu.memref_slice %arg10[%mul3A_2, %dma_start3A_69] : memref<10112x128xf32, #tpu.memory_space<vmem_shared>> -> memref<632x128xf32, #tpu.memory_space<vmem_shared>>
      %dma_start3A_71 = arith.constant 0 : i32
      %dma_start3A_72 = tpu.memref_slice %arg4[%mul3A_2, %dma_start3A_71] : memref<10112x128xf32, #tpu.memory_space<hbm>> -> memref<632x128xf32, #tpu.memory_space<hbm>>
      tpu.enqueue_dma source(%dma_start3A_72 : memref<632x128xf32, #tpu.memory_space<hbm>>) target(%dma_start3A_70 : memref<632x128xf32, #tpu.memory_space<vmem_shared>>) target_semaphore(%run_scoped3A : memref<!tpu.dma_semaphore, #tpu.memory_space<semaphore_mem>>)
      %dma_wait3A_73 = arith.constant 0 : i32
      %dma_wait3A_74 = tpu.memref_slice %arg10[%mul3A_2, %dma_wait3A_73] : memref<10112x128xf32, #tpu.memory_space<vmem_shared>> -> memref<632x128xf32, #tpu.memory_space<vmem_shared>>
      %dma_wait3A_75 = arith.constant 0 : i32
      %dma_wait3A_76 = tpu.memref_slice %arg4[%mul3A_2, %dma_wait3A_75] : memref<10112x128xf32, #tpu.memory_space<hbm>> -> memref<632x128xf32, #tpu.memory_space<hbm>>
      tpu.wait_dma2 semaphore(%run_scoped3A : memref<!tpu.dma_semaphore, #tpu.memory_space<semaphore_mem>>) src(%dma_wait3A_76 : memref<632x128xf32, #tpu.memory_space<hbm>>) dst(%dma_wait3A_74 : memref<632x128xf32, #tpu.memory_space<vmem_shared>>)
      tpu.yield
    }) : () -> ()
    %barrier3A = arith.constant 0 : index
    tpu.barrier barrier_id(%barrier3A)
    %mul3A_3 = arith.constant 10 : i32
    %mul3A_4 = arith.muli %add3A, %mul3A_3 : i32
    %add3A_5 = arith.constant 0 : i32
    %add3A_6 = arith.addi %mul3A_4, %add3A_5 : i32
    %dma_start3A = arith.constant 0 : i32
    %dma_start3A_7 = arith.constant 0 : i32
    %dma_start3A_8 = arith.constant 0 : i32
    %dma_start3A_9 = tpu.memref_slice %arg3[%add3A_6, %dma_start3A, %dma_start3A_7, %dma_start3A_8] : memref<320x2x8x128xi32, #tpu.memory_space<hbm>> -> memref<1x2x8x128xi32, #tpu.memory_space<hbm>>
    %dma_start3A_10 = tpu.memref_squeeze %dma_start3A_9 : memref<1x2x8x128xi32, #tpu.memory_space<hbm>> -> memref<2x8x128xi32, #tpu.memory_space<hbm>>
    %dma_start3A_11 = arith.constant 0 : i32
    %dma_start3A_12 = arith.constant 0 : i32
    %dma_start3A_13 = arith.constant 0 : i32
    %dma_start3A_14 = tpu.memref_slice %arg3[%add3A_6, %dma_start3A_11, %dma_start3A_12, %dma_start3A_13] : memref<320x2x8x128xi32, #tpu.memory_space<hbm>> -> memref<1x2x8x128xi32, #tpu.memory_space<hbm>>
    %dma_start3A_15 = tpu.memref_squeeze %dma_start3A_14 : memref<1x2x8x128xi32, #tpu.memory_space<hbm>> -> memref<2x8x128xi32, #tpu.memory_space<hbm>>
    tpu.enqueue_dma source(%dma_start3A_15 : memref<2x8x128xi32, #tpu.memory_space<hbm>>) target(%arg6 : memref<2x8x128xi32, #tpu.memory_space<vmem>>) target_semaphore(%arg11 : memref<!tpu.dma_semaphore, #tpu.memory_space<semaphore_mem>>)
    %dma_wait3A = arith.constant 0 : i32
    %dma_wait3A_16 = arith.constant 0 : i32
    %dma_wait3A_17 = arith.constant 0 : i32
    %dma_wait3A_18 = arith.constant 0 : i32
    %dma_wait3A_19 = tpu.memref_slice %arg3[%dma_wait3A, %dma_wait3A_16, %dma_wait3A_17, %dma_wait3A_18] : memref<320x2x8x128xi32, #tpu.memory_space<hbm>> -> memref<1x2x8x128xi32, #tpu.memory_space<hbm>>
    %dma_wait3A_20 = tpu.memref_squeeze %dma_wait3A_19 : memref<1x2x8x128xi32, #tpu.memory_space<hbm>> -> memref<2x8x128xi32, #tpu.memory_space<hbm>>
    %dma_wait3A_21 = arith.constant 0 : i32
    %dma_wait3A_22 = arith.constant 0 : i32
    %dma_wait3A_23 = arith.constant 0 : i32
    %dma_wait3A_24 = tpu.memref_slice %arg3[%dma_wait3A, %dma_wait3A_21, %dma_wait3A_22, %dma_wait3A_23] : memref<320x2x8x128xi32, #tpu.memory_space<hbm>> -> memref<1x2x8x128xi32, #tpu.memory_space<hbm>>
    %dma_wait3A_25 = tpu.memref_squeeze %dma_wait3A_24 : memref<1x2x8x128xi32, #tpu.memory_space<hbm>> -> memref<2x8x128xi32, #tpu.memory_space<hbm>>
    tpu.wait_dma2 semaphore(%arg11 : memref<!tpu.dma_semaphore, #tpu.memory_space<semaphore_mem>>) src(%dma_wait3A_25 : memref<2x8x128xi32, #tpu.memory_space<hbm>>) dst(%arg6 : memref<2x8x128xi32, #tpu.memory_space<vmem>>)
    %dma_start3A_26 = arith.constant 0 : i32
    %dma_start3A_27 = arith.constant 0 : i32
    %dma_start3A_28 = arith.constant 0 : i32
    %dma_start3A_29 = arith.constant 0 : i32
    %dma_start3A_30 = tpu.memref_slice %arg8[%dma_start3A_28, %dma_start3A_29] : memref<128x128xf32, #tpu.memory_space<vmem>> -> memref<64x128xf32, #tpu.memory_space<vmem>>
    %dma_start3A_31 = arith.constant 0 : i32
    %dma_start3A_32 = arith.constant 0 : i32
    %dma_start3A_33 = tpu.memref_slice %arg6[%dma_start3A_26, %dma_start3A_31, %dma_start3A_32] : memref<2x8x128xi32, #tpu.memory_space<vmem>> -> memref<1x8x128xi32, #tpu.memory_space<vmem>>
    %dma_start3A_34 = tpu.memref_squeeze %dma_start3A_33 : memref<1x8x128xi32, #tpu.memory_space<vmem>> -> memref<8x128xi32, #tpu.memory_space<vmem>>
    %dma_start3A_35 = arith.constant 0 : i32
    %dma_start3A_36 = tpu.memref_slice %dma_start3A_34[%dma_start3A_27, %dma_start3A_35] : memref<8x128xi32, #tpu.memory_space<vmem>> -> memref<1x128xi32, #tpu.memory_space<vmem>>
    %dma_start3A_37 = tpu.memref_squeeze %dma_start3A_36 : memref<1x128xi32, #tpu.memory_space<vmem>> -> memref<128xi32, #tpu.memory_space<vmem>>
    %dma_start3A_38 = arith.constant 0 : i32
    %dma_start3A_39 = tpu.memref_slice %dma_start3A_37[%dma_start3A_38] : memref<128xi32, #tpu.memory_space<vmem>> -> memref<64xi32, #tpu.memory_space<vmem>>
    %dma_start3A_40 = arith.constant 0 : i32
    %dma_start3A_41 = arith.constant 0 : i32
    %dma_start3A_42 = tpu.memref_slice %arg2[%dma_start3A_40, %dma_start3A_41] : memref<10000x128xf32, #tpu.memory_space<hbm>> -> memref<10000x128xf32, #tpu.memory_space<hbm>>
    tpu.enqueue_indirect_dma source(%dma_start3A_42 : memref<10000x128xf32, #tpu.memory_space<hbm>>) target(%dma_start3A_30 : memref<64x128xf32, #tpu.memory_space<vmem>>) offsets(%dma_start3A_39 : memref<64xi32, #tpu.memory_space<vmem>>) semaphore(%arg13 : memref<!tpu.dma_semaphore, #tpu.memory_space<semaphore_mem>>)
    %dma_start3A_43 = arith.constant 0 : i32
    %dma_start3A_44 = arith.constant 0 : i32
    %dma_start3A_45 = arith.constant 64 : i32
    %dma_start3A_46 = arith.constant 0 : i32
    %dma_start3A_47 = tpu.memref_slice %arg8[%dma_start3A_45, %dma_start3A_46] : memref<128x128xf32, #tpu.memory_space<vmem>> -> memref<64x128xf32, #tpu.memory_space<vmem>>
    %dma_start3A_48 = arith.constant 0 : i32
    %dma_start3A_49 = arith.constant 0 : i32
    %dma_start3A_50 = tpu.memref_slice %arg6[%dma_start3A_43, %dma_start3A_48, %dma_start3A_49] : memref<2x8x128xi32, #tpu.memory_space<vmem>> -> memref<1x8x128xi32, #tpu.memory_space<vmem>>
    %dma_start3A_51 = tpu.memref_squeeze %dma_start3A_50 : memref<1x8x128xi32, #tpu.memory_space<vmem>> -> memref<8x128xi32, #tpu.memory_space<vmem>>
    %dma_start3A_52 = arith.constant 0 : i32
    %dma_start3A_53 = tpu.memref_slice %dma_start3A_51[%dma_start3A_44, %dma_start3A_52] : memref<8x128xi32, #tpu.memory_space<vmem>> -> memref<1x128xi32, #tpu.memory_space<vmem>>
    %dma_start3A_54 = tpu.memref_squeeze %dma_start3A_53 : memref<1x128xi32, #tpu.memory_space<vmem>> -> memref<128xi32, #tpu.memory_space<vmem>>
    %dma_start3A_55 = arith.constant 64 : i32
    %dma_start3A_56 = tpu.memref_slice %dma_start3A_54[%dma_start3A_55] : memref<128xi32, #tpu.memory_space<vmem>> -> memref<64xi32, #tpu.memory_space<vmem>>
    %dma_start3A_57 = arith.constant 0 : i32
    %dma_start3A_58 = arith.constant 0 : i32
    %dma_start3A_59 = tpu.memref_slice %arg2[%dma_start3A_57, %dma_start3A_58] : memref<10000x128xf32, #tpu.memory_space<hbm>> -> memref<10000x128xf32, #tpu.memory_space<hbm>>
    tpu.enqueue_indirect_dma source(%dma_start3A_59 : memref<10000x128xf32, #tpu.memory_space<hbm>>) target(%dma_start3A_47 : memref<64x128xf32, #tpu.memory_space<vmem>>) offsets(%dma_start3A_56 : memref<64xi32, #tpu.memory_space<vmem>>) semaphore(%arg13 : memref<!tpu.dma_semaphore, #tpu.memory_space<semaphore_mem>>)
    %scan3A = arith.constant 0 : i32
    %scan3A_60 = arith.constant 0 : i32
    %scan3A_61 = arith.constant 5 : i32
    %scan3A_62 = arith.addi %scan3A_60, %scan3A_61 : i32
    %scan3A_63 = arith.constant 1 : i32
    scf.for %scan3A_69 = %scan3A_60 to %scan3A_62 step %scan3A_63  : i32 {
      %mul3A_70 = arith.constant 2 : i32
      %mul3A_71 = arith.muli %mul3A_70, %scan3A_69 : i32
      %add3A_72 = arith.constant 1 : i32
      %add3A_73 = arith.addi %mul3A_71, %add3A_72 : i32
      %mul3A_74 = arith.constant 10 : i32
      %mul3A_75 = arith.muli %add3A, %mul3A_74 : i32
      %add3A_76 = arith.addi %mul3A_75, %add3A_73 : i32
      %dma_start3A_77 = arith.constant 0 : i32
      %dma_start3A_78 = arith.constant 0 : i32
      %dma_start3A_79 = arith.constant 0 : i32
      %dma_start3A_80 = tpu.memref_slice %arg3[%add3A_76, %dma_start3A_77, %dma_start3A_78, %dma_start3A_79] : memref<320x2x8x128xi32, #tpu.memory_space<hbm>> -> memref<1x2x8x128xi32, #tpu.memory_space<hbm>>
      %dma_start3A_81 = tpu.memref_squeeze %dma_start3A_80 : memref<1x2x8x128xi32, #tpu.memory_space<hbm>> -> memref<2x8x128xi32, #tpu.memory_space<hbm>>
      %dma_start3A_82 = arith.constant 0 : i32
      %dma_start3A_83 = arith.constant 0 : i32
      %dma_start3A_84 = arith.constant 0 : i32
      %dma_start3A_85 = tpu.memref_slice %arg3[%add3A_76, %dma_start3A_82, %dma_start3A_83, %dma_start3A_84] : memref<320x2x8x128xi32, #tpu.memory_space<hbm>> -> memref<1x2x8x128xi32, #tpu.memory_space<hbm>>
      %dma_start3A_86 = tpu.memref_squeeze %dma_start3A_85 : memref<1x2x8x128xi32, #tpu.memory_space<hbm>> -> memref<2x8x128xi32, #tpu.memory_space<hbm>>
      tpu.enqueue_dma source(%dma_start3A_86 : memref<2x8x128xi32, #tpu.memory_space<hbm>>) target(%arg7 : memref<2x8x128xi32, #tpu.memory_space<vmem>>) target_semaphore(%arg12 : memref<!tpu.dma_semaphore, #tpu.memory_space<semaphore_mem>>)
      %dma_start3A_87 = arith.constant 0 : i32
      %dma_start3A_88 = arith.constant 1 : i32
      %dma_start3A_89 = arith.constant 0 : i32
      %dma_start3A_90 = arith.constant 0 : i32
      %dma_start3A_91 = tpu.memref_slice %arg9[%dma_start3A_89, %dma_start3A_90] : memref<128x128xf32, #tpu.memory_space<vmem>> -> memref<64x128xf32, #tpu.memory_space<vmem>>
      %dma_start3A_92 = arith.constant 0 : i32
      %dma_start3A_93 = arith.constant 0 : i32
      %dma_start3A_94 = tpu.memref_slice %arg6[%dma_start3A_87, %dma_start3A_92, %dma_start3A_93] : memref<2x8x128xi32, #tpu.memory_space<vmem>> -> memref<1x8x128xi32, #tpu.memory_space<vmem>>
      %dma_start3A_95 = tpu.memref_squeeze %dma_start3A_94 : memref<1x8x128xi32, #tpu.memory_space<vmem>> -> memref<8x128xi32, #tpu.memory_space<vmem>>
      %dma_start3A_96 = arith.constant 0 : i32
      %dma_start3A_97 = tpu.memref_slice %dma_start3A_95[%dma_start3A_88, %dma_start3A_96] : memref<8x128xi32, #tpu.memory_space<vmem>> -> memref<1x128xi32, #tpu.memory_space<vmem>>
      %dma_start3A_98 = tpu.memref_squeeze %dma_start3A_97 : memref<1x128xi32, #tpu.memory_space<vmem>> -> memref<128xi32, #tpu.memory_space<vmem>>
      %dma_start3A_99 = arith.constant 0 : i32
      %dma_start3A_100 = tpu.memref_slice %dma_start3A_98[%dma_start3A_99] : memref<128xi32, #tpu.memory_space<vmem>> -> memref<64xi32, #tpu.memory_space<vmem>>
      %dma_start3A_101 = arith.constant 0 : i32
      %dma_start3A_102 = arith.constant 0 : i32
      %dma_start3A_103 = tpu.memref_slice %arg2[%dma_start3A_101, %dma_start3A_102] : memref<10000x128xf32, #tpu.memory_space<hbm>> -> memref<10000x128xf32, #tpu.memory_space<hbm>>
      tpu.enqueue_indirect_dma source(%dma_start3A_103 : memref<10000x128xf32, #tpu.memory_space<hbm>>) target(%dma_start3A_91 : memref<64x128xf32, #tpu.memory_space<vmem>>) offsets(%dma_start3A_100 : memref<64xi32, #tpu.memory_space<vmem>>) semaphore(%arg14 : memref<!tpu.dma_semaphore, #tpu.memory_space<semaphore_mem>>)
      %dma_start3A_104 = arith.constant 0 : i32
      %dma_start3A_105 = arith.constant 1 : i32
      %dma_start3A_106 = arith.constant 64 : i32
      %dma_start3A_107 = arith.constant 0 : i32
      %dma_start3A_108 = tpu.memref_slice %arg9[%dma_start3A_106, %dma_start3A_107] : memref<128x128xf32, #tpu.memory_space<vmem>> -> memref<64x128xf32, #tpu.memory_space<vmem>>
      %dma_start3A_109 = arith.constant 0 : i32
      %dma_start3A_110 = arith.constant 0 : i32
      %dma_start3A_111 = tpu.memref_slice %arg6[%dma_start3A_104, %dma_start3A_109, %dma_start3A_110] : memref<2x8x128xi32, #tpu.memory_space<vmem>> -> memref<1x8x128xi32, #tpu.memory_space<vmem>>
      %dma_start3A_112 = tpu.memref_squeeze %dma_start3A_111 : memref<1x8x128xi32, #tpu.memory_space<vmem>> -> memref<8x128xi32, #tpu.memory_space<vmem>>
      %dma_start3A_113 = arith.constant 0 : i32
      %dma_start3A_114 = tpu.memref_slice %dma_start3A_112[%dma_start3A_105, %dma_start3A_113] : memref<8x128xi32, #tpu.memory_space<vmem>> -> memref<1x128xi32, #tpu.memory_space<vmem>>
      %dma_start3A_115 = tpu.memref_squeeze %dma_start3A_114 : memref<1x128xi32, #tpu.memory_space<vmem>> -> memref<128xi32, #tpu.memory_space<vmem>>
      %dma_start3A_116 = arith.constant 64 : i32
      %dma_start3A_117 = tpu.memref_slice %dma_start3A_115[%dma_start3A_116] : memref<128xi32, #tpu.memory_space<vmem>> -> memref<64xi32, #tpu.memory_space<vmem>>
      %dma_start3A_118 = arith.constant 0 : i32
      %dma_start3A_119 = arith.constant 0 : i32
      %dma_start3A_120 = tpu.memref_slice %arg2[%dma_start3A_118, %dma_start3A_119] : memref<10000x128xf32, #tpu.memory_space<hbm>> -> memref<10000x128xf32, #tpu.memory_space<hbm>>
      tpu.enqueue_indirect_dma source(%dma_start3A_120 : memref<10000x128xf32, #tpu.memory_space<hbm>>) target(%dma_start3A_108 : memref<64x128xf32, #tpu.memory_space<vmem>>) offsets(%dma_start3A_117 : memref<64xi32, #tpu.memory_space<vmem>>) semaphore(%arg14 : memref<!tpu.dma_semaphore, #tpu.memory_space<semaphore_mem>>)
      %dma_wait3A_121 = arith.constant 0 : i32
      %dma_wait3A_122 = arith.constant 0 : i32
      %dma_wait3A_123 = arith.constant 0 : i32
      %dma_wait3A_124 = arith.constant 0 : i32
      %dma_wait3A_125 = tpu.memref_slice %arg6[%dma_wait3A_121, %dma_wait3A_123, %dma_wait3A_124] : memref<2x8x128xi32, #tpu.memory_space<vmem>> -> memref<1x8x128xi32, #tpu.memory_space<vmem>>
      %dma_wait3A_126 = tpu.memref_squeeze %dma_wait3A_125 : memref<1x8x128xi32, #tpu.memory_space<vmem>> -> memref<8x128xi32, #tpu.memory_space<vmem>>
      %dma_wait3A_127 = arith.constant 0 : i32
      %dma_wait3A_128 = tpu.memref_slice %dma_wait3A_126[%dma_wait3A_122, %dma_wait3A_127] : memref<8x128xi32, #tpu.memory_space<vmem>> -> memref<1x128xi32, #tpu.memory_space<vmem>>
      %dma_wait3A_129 = tpu.memref_squeeze %dma_wait3A_128 : memref<1x128xi32, #tpu.memory_space<vmem>> -> memref<128xi32, #tpu.memory_space<vmem>>
      %dma_wait3A_130 = arith.constant 0 : i32
      %dma_wait3A_131 = arith.constant 0 : i32
      %dma_wait3A_132 = tpu.memref_slice %arg2[%dma_wait3A_130, %dma_wait3A_131] : memref<10000x128xf32, #tpu.memory_space<hbm>> -> memref<10000x128xf32, #tpu.memory_space<hbm>>
      tpu.wait_indirect_dma semaphore(%arg13 : memref<!tpu.dma_semaphore, #tpu.memory_space<semaphore_mem>>) src(%dma_wait3A_132 : memref<10000x128xf32, #tpu.memory_space<hbm>>) dst(%arg8 : memref<128x128xf32, #tpu.memory_space<vmem>>)
      %run_scoped3A = arith.constant 1 : i32
      %run_scoped3A_133 = arith.constant 0 : i32
      "tpu.region"() ({
        %run_scoped3A_838 = tpu.sem_alloc : memref<!tpu.dma_semaphore, #tpu.memory_space<semaphore_mem>>
        %dma_start3A_839 = arith.constant 0 : i32
        %dma_start3A_840 = arith.constant 0 : i32
        %dma_start3A_841 = tpu.memref_slice %arg6[%run_scoped3A, %dma_start3A_839, %dma_start3A_840] : memref<2x8x128xi32, #tpu.memory_space<vmem>> -> memref<1x8x128xi32, #tpu.memory_space<vmem>>
        %dma_start3A_842 = tpu.memref_squeeze %dma_start3A_841 : memref<1x8x128xi32, #tpu.memory_space<vmem>> -> memref<8x128xi32, #tpu.memory_space<vmem>>
        %dma_start3A_843 = arith.constant 0 : i32
        %dma_start3A_844 = tpu.memref_slice %dma_start3A_842[%run_scoped3A_133, %dma_start3A_843] : memref<8x128xi32, #tpu.memory_space<vmem>> -> memref<1x128xi32, #tpu.memory_space<vmem>>
        %dma_start3A_845 = tpu.memref_squeeze %dma_start3A_844 : memref<1x128xi32, #tpu.memory_space<vmem>> -> memref<128xi32, #tpu.memory_space<vmem>>
        %dma_start3A_846 = arith.constant 0 : i32
        %dma_start3A_847 = arith.constant 0 : i32
        %dma_start3A_848 = tpu.memref_slice %arg10[%dma_start3A_846, %dma_start3A_847] : memref<10112x128xf32, #tpu.memory_space<vmem_shared>> -> memref<10112x128xf32, #tpu.memory_space<vmem_shared>>
        tpu.enqueue_indirect_dma source(%arg8 : memref<128x128xf32, #tpu.memory_space<vmem>>) target(%dma_start3A_848 : memref<10112x128xf32, #tpu.memory_space<vmem_shared>>) offsets(%dma_start3A_845 : memref<128xi32, #tpu.memory_space<vmem>>) semaphore(%run_scoped3A_838 : memref<!tpu.dma_semaphore, #tpu.memory_space<semaphore_mem>>) {add = true}
        %dma_wait3A_849 = arith.constant 0 : i32
        %dma_wait3A_850 = arith.constant 0 : i32
        %dma_wait3A_851 = tpu.memref_slice %arg6[%run_scoped3A, %dma_wait3A_849, %dma_wait3A_850] : memref<2x8x128xi32, #tpu.memory_space<vmem>> -> memref<1x8x128xi32, #tpu.memory_space<vmem>>
        %dma_wait3A_852 = tpu.memref_squeeze %dma_wait3A_851 : memref<1x8x128xi32, #tpu.memory_space<vmem>> -> memref<8x128xi32, #tpu.memory_space<vmem>>
        %dma_wait3A_853 = arith.constant 0 : i32
        %dma_wait3A_854 = tpu.memref_slice %dma_wait3A_852[%run_scoped3A_133, %dma_wait3A_853] : memref<8x128xi32, #tpu.memory_space<vmem>> -> memref<1x128xi32, #tpu.memory_space<vmem>>
        %dma_wait3A_855 = tpu.memref_squeeze %dma_wait3A_854 : memref<1x128xi32, #tpu.memory_space<vmem>> -> memref<128xi32, #tpu.memory_space<vmem>>
        %dma_wait3A_856 = arith.constant 0 : i32
        %dma_wait3A_857 = arith.constant 0 : i32
        %dma_wait3A_858 = tpu.memref_slice %arg10[%dma_wait3A_856, %dma_wait3A_857] : memref<10112x128xf32, #tpu.memory_space<vmem_shared>> -> memref<10112x128xf32, #tpu.memory_space<vmem_shared>>
        tpu.wait_indirect_dma semaphore(%run_scoped3A_838 : memref<!tpu.dma_semaphore, #tpu.memory_space<semaphore_mem>>) src(%arg8 : memref<128x128xf32, #tpu.memory_space<vmem>>) dst(%dma_wait3A_858 : memref<10112x128xf32, #tpu.memory_space<vmem_shared>>)
        tpu.yield
      }) : () -> ()
      %dma_start3A_134 = arith.constant 0 : i32
      %dma_start3A_135 = arith.constant 2 : i32
      %dma_start3A_136 = arith.constant 0 : i32
      %dma_start3A_137 = arith.constant 0 : i32
      %dma_start3A_138 = tpu.memref_slice %arg8[%dma_start3A_136, %dma_start3A_137] : memref<128x128xf32, #tpu.memory_space<vmem>> -> memref<64x128xf32, #tpu.memory_space<vmem>>
      %dma_start3A_139 = arith.constant 0 : i32
      %dma_start3A_140 = arith.constant 0 : i32
      %dma_start3A_141 = tpu.memref_slice %arg6[%dma_start3A_134, %dma_start3A_139, %dma_start3A_140] : memref<2x8x128xi32, #tpu.memory_space<vmem>> -> memref<1x8x128xi32, #tpu.memory_space<vmem>>
      %dma_start3A_142 = tpu.memref_squeeze %dma_start3A_141 : memref<1x8x128xi32, #tpu.memory_space<vmem>> -> memref<8x128xi32, #tpu.memory_space<vmem>>
      %dma_start3A_143 = arith.constant 0 : i32
      %dma_start3A_144 = tpu.memref_slice %dma_start3A_142[%dma_start3A_135, %dma_start3A_143] : memref<8x128xi32, #tpu.memory_space<vmem>> -> memref<1x128xi32, #tpu.memory_space<vmem>>
      %dma_start3A_145 = tpu.memref_squeeze %dma_start3A_144 : memref<1x128xi32, #tpu.memory_space<vmem>> -> memref<128xi32, #tpu.memory_space<vmem>>
      %dma_start3A_146 = arith.constant 0 : i32
      %dma_start3A_147 = tpu.memref_slice %dma_start3A_145[%dma_start3A_146] : memref<128xi32, #tpu.memory_space<vmem>> -> memref<64xi32, #tpu.memory_space<vmem>>
      %dma_start3A_148 = arith.constant 0 : i32
      %dma_start3A_149 = arith.constant 0 : i32
      %dma_start3A_150 = tpu.memref_slice %arg2[%dma_start3A_148, %dma_start3A_149] : memref<10000x128xf32, #tpu.memory_space<hbm>> -> memref<10000x128xf32, #tpu.memory_space<hbm>>
      tpu.enqueue_indirect_dma source(%dma_start3A_150 : memref<10000x128xf32, #tpu.memory_space<hbm>>) target(%dma_start3A_138 : memref<64x128xf32, #tpu.memory_space<vmem>>) offsets(%dma_start3A_147 : memref<64xi32, #tpu.memory_space<vmem>>) semaphore(%arg13 : memref<!tpu.dma_semaphore, #tpu.memory_space<semaphore_mem>>)
      %dma_start3A_151 = arith.constant 0 : i32
      %dma_start3A_152 = arith.constant 2 : i32
      %dma_start3A_153 = arith.constant 64 : i32
      %dma_start3A_154 = arith.constant 0 : i32
      %dma_start3A_155 = tpu.memref_slice %arg8[%dma_start3A_153, %dma_start3A_154] : memref<128x128xf32, #tpu.memory_space<vmem>> -> memref<64x128xf32, #tpu.memory_space<vmem>>
      %dma_start3A_156 = arith.constant 0 : i32
      %dma_start3A_157 = arith.constant 0 : i32
      %dma_start3A_158 = tpu.memref_slice %arg6[%dma_start3A_151, %dma_start3A_156, %dma_start3A_157] : memref<2x8x128xi32, #tpu.memory_space<vmem>> -> memref<1x8x128xi32, #tpu.memory_space<vmem>>
      %dma_start3A_159 = tpu.memref_squeeze %dma_start3A_158 : memref<1x8x128xi32, #tpu.memory_space<vmem>> -> memref<8x128xi32, #tpu.memory_space<vmem>>
      %dma_start3A_160 = arith.constant 0 : i32
      %dma_start3A_161 = tpu.memref_slice %dma_start3A_159[%dma_start3A_152, %dma_start3A_160] : memref<8x128xi32, #tpu.memory_space<vmem>> -> memref<1x128xi32, #tpu.memory_space<vmem>>
      %dma_start3A_162 = tpu.memref_squeeze %dma_start3A_161 : memref<1x128xi32, #tpu.memory_space<vmem>> -> memref<128xi32, #tpu.memory_space<vmem>>
      %dma_start3A_163 = arith.constant 64 : i32
      %dma_start3A_164 = tpu.memref_slice %dma_start3A_162[%dma_start3A_163] : memref<128xi32, #tpu.memory_space<vmem>> -> memref<64xi32, #tpu.memory_space<vmem>>
      %dma_start3A_165 = arith.constant 0 : i32
      %dma_start3A_166 = arith.constant 0 : i32
      %dma_start3A_167 = tpu.memref_slice %arg2[%dma_start3A_165, %dma_start3A_166] : memref<10000x128xf32, #tpu.memory_space<hbm>> -> memref<10000x128xf32, #tpu.memory_space<hbm>>
      tpu.enqueue_indirect_dma source(%dma_start3A_167 : memref<10000x128xf32, #tpu.memory_space<hbm>>) target(%dma_start3A_155 : memref<64x128xf32, #tpu.memory_space<vmem>>) offsets(%dma_start3A_164 : memref<64xi32, #tpu.memory_space<vmem>>) semaphore(%arg13 : memref<!tpu.dma_semaphore, #tpu.memory_space<semaphore_mem>>)
      %dma_wait3A_168 = arith.constant 0 : i32
      %dma_wait3A_169 = arith.constant 1 : i32
      %dma_wait3A_170 = arith.constant 0 : i32
      %dma_wait3A_171 = arith.constant 0 : i32
      %dma_wait3A_172 = tpu.memref_slice %arg6[%dma_wait3A_168, %dma_wait3A_170, %dma_wait3A_171] : memref<2x8x128xi32, #tpu.memory_space<vmem>> -> memref<1x8x128xi32, #tpu.memory_space<vmem>>
      %dma_wait3A_173 = tpu.memref_squeeze %dma_wait3A_172 : memref<1x8x128xi32, #tpu.memory_space<vmem>> -> memref<8x128xi32, #tpu.memory_space<vmem>>
      %dma_wait3A_174 = arith.constant 0 : i32
      %dma_wait3A_175 = tpu.memref_slice %dma_wait3A_173[%dma_wait3A_169, %dma_wait3A_174] : memref<8x128xi32, #tpu.memory_space<vmem>> -> memref<1x128xi32, #tpu.memory_space<vmem>>
      %dma_wait3A_176 = tpu.memref_squeeze %dma_wait3A_175 : memref<1x128xi32, #tpu.memory_space<vmem>> -> memref<128xi32, #tpu.memory_space<vmem>>
      %dma_wait3A_177 = arith.constant 0 : i32
      %dma_wait3A_178 = arith.constant 0 : i32
      %dma_wait3A_179 = tpu.memref_slice %arg2[%dma_wait3A_177, %dma_wait3A_178] : memref<10000x128xf32, #tpu.memory_space<hbm>> -> memref<10000x128xf32, #tpu.memory_space<hbm>>
      tpu.wait_indirect_dma semaphore(%arg14 : memref<!tpu.dma_semaphore, #tpu.memory_space<semaphore_mem>>) src(%dma_wait3A_179 : memref<10000x128xf32, #tpu.memory_space<hbm>>) dst(%arg9 : memref<128x128xf32, #tpu.memory_space<vmem>>)
      %run_scoped3A_180 = arith.constant 1 : i32
      %run_scoped3A_181 = arith.constant 1 : i32
      "tpu.region"() ({
        %run_scoped3A_838 = tpu.sem_alloc : memref<!tpu.dma_semaphore, #tpu.memory_space<semaphore_mem>>
        %dma_start3A_839 = arith.constant 0 : i32
        %dma_start3A_840 = arith.constant 0 : i32
        %dma_start3A_841 = tpu.memref_slice %arg6[%run_scoped3A_180, %dma_start3A_839, %dma_start3A_840] : memref<2x8x128xi32, #tpu.memory_space<vmem>> -> memref<1x8x128xi32, #tpu.memory_space<vmem>>
        %dma_start3A_842 = tpu.memref_squeeze %dma_start3A_841 : memref<1x8x128xi32, #tpu.memory_space<vmem>> -> memref<8x128xi32, #tpu.memory_space<vmem>>
        %dma_start3A_843 = arith.constant 0 : i32
        %dma_start3A_844 = tpu.memref_slice %dma_start3A_842[%run_scoped3A_181, %dma_start3A_843] : memref<8x128xi32, #tpu.memory_space<vmem>> -> memref<1x128xi32, #tpu.memory_space<vmem>>
        %dma_start3A_845 = tpu.memref_squeeze %dma_start3A_844 : memref<1x128xi32, #tpu.memory_space<vmem>> -> memref<128xi32, #tpu.memory_space<vmem>>
        %dma_start3A_846 = arith.constant 0 : i32
        %dma_start3A_847 = arith.constant 0 : i32
        %dma_start3A_848 = tpu.memref_slice %arg10[%dma_start3A_846, %dma_start3A_847] : memref<10112x128xf32, #tpu.memory_space<vmem_shared>> -> memref<10112x128xf32, #tpu.memory_space<vmem_shared>>
        tpu.enqueue_indirect_dma source(%arg9 : memref<128x128xf32, #tpu.memory_space<vmem>>) target(%dma_start3A_848 : memref<10112x128xf32, #tpu.memory_space<vmem_shared>>) offsets(%dma_start3A_845 : memref<128xi32, #tpu.memory_space<vmem>>) semaphore(%run_scoped3A_838 : memref<!tpu.dma_semaphore, #tpu.memory_space<semaphore_mem>>) {add = true}
        %dma_wait3A_849 = arith.constant 0 : i32
        %dma_wait3A_850 = arith.constant 0 : i32
        %dma_wait3A_851 = tpu.memref_slice %arg6[%run_scoped3A_180, %dma_wait3A_849, %dma_wait3A_850] : memref<2x8x128xi32, #tpu.memory_space<vmem>> -> memref<1x8x128xi32, #tpu.memory_space<vmem>>
        %dma_wait3A_852 = tpu.memref_squeeze %dma_wait3A_851 : memref<1x8x128xi32, #tpu.memory_space<vmem>> -> memref<8x128xi32, #tpu.memory_space<vmem>>
        %dma_wait3A_853 = arith.constant 0 : i32
        %dma_wait3A_854 = tpu.memref_slice %dma_wait3A_852[%run_scoped3A_181, %dma_wait3A_853] : memref<8x128xi32, #tpu.memory_space<vmem>> -> memref<1x128xi32, #tpu.memory_space<vmem>>
        %dma_wait3A_855 = tpu.memref_squeeze %dma_wait3A_854 : memref<1x128xi32, #tpu.memory_space<vmem>> -> memref<128xi32, #tpu.memory_space<vmem>>
        %dma_wait3A_856 = arith.constant 0 : i32
        %dma_wait3A_857 = arith.constant 0 : i32
        %dma_wait3A_858 = tpu.memref_slice %arg10[%dma_wait3A_856, %dma_wait3A_857] : memref<10112x128xf32, #tpu.memory_space<vmem_shared>> -> memref<10112x128xf32, #tpu.memory_space<vmem_shared>>
        tpu.wait_indirect_dma semaphore(%run_scoped3A_838 : memref<!tpu.dma_semaphore, #tpu.memory_space<semaphore_mem>>) src(%arg9 : memref<128x128xf32, #tpu.memory_space<vmem>>) dst(%dma_wait3A_858 : memref<10112x128xf32, #tpu.memory_space<vmem_shared>>)
        tpu.yield
      }) : () -> ()
      %dma_start3A_182 = arith.constant 0 : i32
      %dma_start3A_183 = arith.constant 3 : i32
      %dma_start3A_184 = arith.constant 0 : i32
      %dma_start3A_185 = arith.constant 0 : i32
      %dma_start3A_186 = tpu.memref_slice %arg9[%dma_start3A_184, %dma_start3A_185] : memref<128x128xf32, #tpu.memory_space<vmem>> -> memref<64x128xf32, #tpu.memory_space<vmem>>
      %dma_start3A_187 = arith.constant 0 : i32
      %dma_start3A_188 = arith.constant 0 : i32
      %dma_start3A_189 = tpu.memref_slice %arg6[%dma_start3A_182, %dma_start3A_187, %dma_start3A_188] : memref<2x8x128xi32, #tpu.memory_space<vmem>> -> memref<1x8x128xi32, #tpu.memory_space<vmem>>
      %dma_start3A_190 = tpu.memref_squeeze %dma_start3A_189 : memref<1x8x128xi32, #tpu.memory_space<vmem>> -> memref<8x128xi32, #tpu.memory_space<vmem>>
      %dma_start3A_191 = arith.constant 0 : i32
      %dma_start3A_192 = tpu.memref_slice %dma_start3A_190[%dma_start3A_183, %dma_start3A_191] : memref<8x128xi32, #tpu.memory_space<vmem>> -> memref<1x128xi32, #tpu.memory_space<vmem>>
      %dma_start3A_193 = tpu.memref_squeeze %dma_start3A_192 : memref<1x128xi32, #tpu.memory_space<vmem>> -> memref<128xi32, #tpu.memory_space<vmem>>
      %dma_start3A_194 = arith.constant 0 : i32
      %dma_start3A_195 = tpu.memref_slice %dma_start3A_193[%dma_start3A_194] : memref<128xi32, #tpu.memory_space<vmem>> -> memref<64xi32, #tpu.memory_space<vmem>>
      %dma_start3A_196 = arith.constant 0 : i32
      %dma_start3A_197 = arith.constant 0 : i32
      %dma_start3A_198 = tpu.memref_slice %arg2[%dma_start3A_196, %dma_start3A_197] : memref<10000x128xf32, #tpu.memory_space<hbm>> -> memref<10000x128xf32, #tpu.memory_space<hbm>>
      tpu.enqueue_indirect_dma source(%dma_start3A_198 : memref<10000x128xf32, #tpu.memory_space<hbm>>) target(%dma_start3A_186 : memref<64x128xf32, #tpu.memory_space<vmem>>) offsets(%dma_start3A_195 : memref<64xi32, #tpu.memory_space<vmem>>) semaphore(%arg14 : memref<!tpu.dma_semaphore, #tpu.memory_space<semaphore_mem>>)
      %dma_start3A_199 = arith.constant 0 : i32
      %dma_start3A_200 = arith.constant 3 : i32
      %dma_start3A_201 = arith.constant 64 : i32
      %dma_start3A_202 = arith.constant 0 : i32
      %dma_start3A_203 = tpu.memref_slice %arg9[%dma_start3A_201, %dma_start3A_202] : memref<128x128xf32, #tpu.memory_space<vmem>> -> memref<64x128xf32, #tpu.memory_space<vmem>>
      %dma_start3A_204 = arith.constant 0 : i32
      %dma_start3A_205 = arith.constant 0 : i32
      %dma_start3A_206 = tpu.memref_slice %arg6[%dma_start3A_199, %dma_start3A_204, %dma_start3A_205] : memref<2x8x128xi32, #tpu.memory_space<vmem>> -> memref<1x8x128xi32, #tpu.memory_space<vmem>>
      %dma_start3A_207 = tpu.memref_squeeze %dma_start3A_206 : memref<1x8x128xi32, #tpu.memory_space<vmem>> -> memref<8x128xi32, #tpu.memory_space<vmem>>
      %dma_start3A_208 = arith.constant 0 : i32
      %dma_start3A_209 = tpu.memref_slice %dma_start3A_207[%dma_start3A_200, %dma_start3A_208] : memref<8x128xi32, #tpu.memory_space<vmem>> -> memref<1x128xi32, #tpu.memory_space<vmem>>
      %dma_start3A_210 = tpu.memref_squeeze %dma_start3A_209 : memref<1x128xi32, #tpu.memory_space<vmem>> -> memref<128xi32, #tpu.memory_space<vmem>>
      %dma_start3A_211 = arith.constant 64 : i32
      %dma_start3A_212 = tpu.memref_slice %dma_start3A_210[%dma_start3A_211] : memref<128xi32, #tpu.memory_space<vmem>> -> memref<64xi32, #tpu.memory_space<vmem>>
      %dma_start3A_213 = arith.constant 0 : i32
      %dma_start3A_214 = arith.constant 0 : i32
      %dma_start3A_215 = tpu.memref_slice %arg2[%dma_start3A_213, %dma_start3A_214] : memref<10000x128xf32, #tpu.memory_space<hbm>> -> memref<10000x128xf32, #tpu.memory_space<hbm>>
      tpu.enqueue_indirect_dma source(%dma_start3A_215 : memref<10000x128xf32, #tpu.memory_space<hbm>>) target(%dma_start3A_203 : memref<64x128xf32, #tpu.memory_space<vmem>>) offsets(%dma_start3A_212 : memref<64xi32, #tpu.memory_space<vmem>>) semaphore(%arg14 : memref<!tpu.dma_semaphore, #tpu.memory_space<semaphore_mem>>)
      %dma_wait3A_216 = arith.constant 0 : i32
      %dma_wait3A_217 = arith.constant 2 : i32
      %dma_wait3A_218 = arith.constant 0 : i32
      %dma_wait3A_219 = arith.constant 0 : i32
      %dma_wait3A_220 = tpu.memref_slice %arg6[%dma_wait3A_216, %dma_wait3A_218, %dma_wait3A_219] : memref<2x8x128xi32, #tpu.memory_space<vmem>> -> memref<1x8x128xi32, #tpu.memory_space<vmem>>
      %dma_wait3A_221 = tpu.memref_squeeze %dma_wait3A_220 : memref<1x8x128xi32, #tpu.memory_space<vmem>> -> memref<8x128xi32, #tpu.memory_space<vmem>>
      %dma_wait3A_222 = arith.constant 0 : i32
      %dma_wait3A_223 = tpu.memref_slice %dma_wait3A_221[%dma_wait3A_217, %dma_wait3A_222] : memref<8x128xi32, #tpu.memory_space<vmem>> -> memref<1x128xi32, #tpu.memory_space<vmem>>
      %dma_wait3A_224 = tpu.memref_squeeze %dma_wait3A_223 : memref<1x128xi32, #tpu.memory_space<vmem>> -> memref<128xi32, #tpu.memory_space<vmem>>
      %dma_wait3A_225 = arith.constant 0 : i32
      %dma_wait3A_226 = arith.constant 0 : i32
      %dma_wait3A_227 = tpu.memref_slice %arg2[%dma_wait3A_225, %dma_wait3A_226] : memref<10000x128xf32, #tpu.memory_space<hbm>> -> memref<10000x128xf32, #tpu.memory_space<hbm>>
      tpu.wait_indirect_dma semaphore(%arg13 : memref<!tpu.dma_semaphore, #tpu.memory_space<semaphore_mem>>) src(%dma_wait3A_227 : memref<10000x128xf32, #tpu.memory_space<hbm>>) dst(%arg8 : memref<128x128xf32, #tpu.memory_space<vmem>>)
      %run_scoped3A_228 = arith.constant 1 : i32
      %run_scoped3A_229 = arith.constant 2 : i32
      "tpu.region"() ({
        %run_scoped3A_838 = tpu.sem_alloc : memref<!tpu.dma_semaphore, #tpu.memory_space<semaphore_mem>>
        %dma_start3A_839 = arith.constant 0 : i32
        %dma_start3A_840 = arith.constant 0 : i32
        %dma_start3A_841 = tpu.memref_slice %arg6[%run_scoped3A_228, %dma_start3A_839, %dma_start3A_840] : memref<2x8x128xi32, #tpu.memory_space<vmem>> -> memref<1x8x128xi32, #tpu.memory_space<vmem>>
        %dma_start3A_842 = tpu.memref_squeeze %dma_start3A_841 : memref<1x8x128xi32, #tpu.memory_space<vmem>> -> memref<8x128xi32, #tpu.memory_space<vmem>>
        %dma_start3A_843 = arith.constant 0 : i32
        %dma_start3A_844 = tpu.memref_slice %dma_start3A_842[%run_scoped3A_229, %dma_start3A_843] : memref<8x128xi32, #tpu.memory_space<vmem>> -> memref<1x128xi32, #tpu.memory_space<vmem>>
        %dma_start3A_845 = tpu.memref_squeeze %dma_start3A_844 : memref<1x128xi32, #tpu.memory_space<vmem>> -> memref<128xi32, #tpu.memory_space<vmem>>
        %dma_start3A_846 = arith.constant 0 : i32
        %dma_start3A_847 = arith.constant 0 : i32
        %dma_start3A_848 = tpu.memref_slice %arg10[%dma_start3A_846, %dma_start3A_847] : memref<10112x128xf32, #tpu.memory_space<vmem_shared>> -> memref<10112x128xf32, #tpu.memory_space<vmem_shared>>
        tpu.enqueue_indirect_dma source(%arg8 : memref<128x128xf32, #tpu.memory_space<vmem>>) target(%dma_start3A_848 : memref<10112x128xf32, #tpu.memory_space<vmem_shared>>) offsets(%dma_start3A_845 : memref<128xi32, #tpu.memory_space<vmem>>) semaphore(%run_scoped3A_838 : memref<!tpu.dma_semaphore, #tpu.memory_space<semaphore_mem>>) {add = true}
        %dma_wait3A_849 = arith.constant 0 : i32
        %dma_wait3A_850 = arith.constant 0 : i32
        %dma_wait3A_851 = tpu.memref_slice %arg6[%run_scoped3A_228, %dma_wait3A_849, %dma_wait3A_850] : memref<2x8x128xi32, #tpu.memory_space<vmem>> -> memref<1x8x128xi32, #tpu.memory_space<vmem>>
        %dma_wait3A_852 = tpu.memref_squeeze %dma_wait3A_851 : memref<1x8x128xi32, #tpu.memory_space<vmem>> -> memref<8x128xi32, #tpu.memory_space<vmem>>
        %dma_wait3A_853 = arith.constant 0 : i32
        %dma_wait3A_854 = tpu.memref_slice %dma_wait3A_852[%run_scoped3A_229, %dma_wait3A_853] : memref<8x128xi32, #tpu.memory_space<vmem>> -> memref<1x128xi32, #tpu.memory_space<vmem>>
        %dma_wait3A_855 = tpu.memref_squeeze %dma_wait3A_854 : memref<1x128xi32, #tpu.memory_space<vmem>> -> memref<128xi32, #tpu.memory_space<vmem>>
        %dma_wait3A_856 = arith.constant 0 : i32
        %dma_wait3A_857 = arith.constant 0 : i32
        %dma_wait3A_858 = tpu.memref_slice %arg10[%dma_wait3A_856, %dma_wait3A_857] : memref<10112x128xf32, #tpu.memory_space<vmem_shared>> -> memref<10112x128xf32, #tpu.memory_space<vmem_shared>>
        tpu.wait_indirect_dma semaphore(%run_scoped3A_838 : memref<!tpu.dma_semaphore, #tpu.memory_space<semaphore_mem>>) src(%arg8 : memref<128x128xf32, #tpu.memory_space<vmem>>) dst(%dma_wait3A_858 : memref<10112x128xf32, #tpu.memory_space<vmem_shared>>)
        tpu.yield
      }) : () -> ()
      %dma_start3A_230 = arith.constant 0 : i32
      %dma_start3A_231 = arith.constant 4 : i32
      %dma_start3A_232 = arith.constant 0 : i32
      %dma_start3A_233 = arith.constant 0 : i32
      %dma_start3A_234 = tpu.memref_slice %arg8[%dma_start3A_232, %dma_start3A_233] : memref<128x128xf32, #tpu.memory_space<vmem>> -> memref<64x128xf32, #tpu.memory_space<vmem>>
      %dma_start3A_235 = arith.constant 0 : i32
      %dma_start3A_236 = arith.constant 0 : i32
      %dma_start3A_237 = tpu.memref_slice %arg6[%dma_start3A_230, %dma_start3A_235, %dma_start3A_236] : memref<2x8x128xi32, #tpu.memory_space<vmem>> -> memref<1x8x128xi32, #tpu.memory_space<vmem>>
      %dma_start3A_238 = tpu.memref_squeeze %dma_start3A_237 : memref<1x8x128xi32, #tpu.memory_space<vmem>> -> memref<8x128xi32, #tpu.memory_space<vmem>>
      %dma_start3A_239 = arith.constant 0 : i32
      %dma_start3A_240 = tpu.memref_slice %dma_start3A_238[%dma_start3A_231, %dma_start3A_239] : memref<8x128xi32, #tpu.memory_space<vmem>> -> memref<1x128xi32, #tpu.memory_space<vmem>>
      %dma_start3A_241 = tpu.memref_squeeze %dma_start3A_240 : memref<1x128xi32, #tpu.memory_space<vmem>> -> memref<128xi32, #tpu.memory_space<vmem>>
      %dma_start3A_242 = arith.constant 0 : i32
      %dma_start3A_243 = tpu.memref_slice %dma_start3A_241[%dma_start3A_242] : memref<128xi32, #tpu.memory_space<vmem>> -> memref<64xi32, #tpu.memory_space<vmem>>
      %dma_start3A_244 = arith.constant 0 : i32
      %dma_start3A_245 = arith.constant 0 : i32
      %dma_start3A_246 = tpu.memref_slice %arg2[%dma_start3A_244, %dma_start3A_245] : memref<10000x128xf32, #tpu.memory_space<hbm>> -> memref<10000x128xf32, #tpu.memory_space<hbm>>
      tpu.enqueue_indirect_dma source(%dma_start3A_246 : memref<10000x128xf32, #tpu.memory_space<hbm>>) target(%dma_start3A_234 : memref<64x128xf32, #tpu.memory_space<vmem>>) offsets(%dma_start3A_243 : memref<64xi32, #tpu.memory_space<vmem>>) semaphore(%arg13 : memref<!tpu.dma_semaphore, #tpu.memory_space<semaphore_mem>>)
      %dma_start3A_247 = arith.constant 0 : i32
      %dma_start3A_248 = arith.constant 4 : i32
      %dma_start3A_249 = arith.constant 64 : i32
      %dma_start3A_250 = arith.constant 0 : i32
      %dma_start3A_251 = tpu.memref_slice %arg8[%dma_start3A_249, %dma_start3A_250] : memref<128x128xf32, #tpu.memory_space<vmem>> -> memref<64x128xf32, #tpu.memory_space<vmem>>
      %dma_start3A_252 = arith.constant 0 : i32
      %dma_start3A_253 = arith.constant 0 : i32
      %dma_start3A_254 = tpu.memref_slice %arg6[%dma_start3A_247, %dma_start3A_252, %dma_start3A_253] : memref<2x8x128xi32, #tpu.memory_space<vmem>> -> memref<1x8x128xi32, #tpu.memory_space<vmem>>
      %dma_start3A_255 = tpu.memref_squeeze %dma_start3A_254 : memref<1x8x128xi32, #tpu.memory_space<vmem>> -> memref<8x128xi32, #tpu.memory_space<vmem>>
      %dma_start3A_256 = arith.constant 0 : i32
      %dma_start3A_257 = tpu.memref_slice %dma_start3A_255[%dma_start3A_248, %dma_start3A_256] : memref<8x128xi32, #tpu.memory_space<vmem>> -> memref<1x128xi32, #tpu.memory_space<vmem>>
      %dma_start3A_258 = tpu.memref_squeeze %dma_start3A_257 : memref<1x128xi32, #tpu.memory_space<vmem>> -> memref<128xi32, #tpu.memory_space<vmem>>
      %dma_start3A_259 = arith.constant 64 : i32
      %dma_start3A_260 = tpu.memref_slice %dma_start3A_258[%dma_start3A_259] : memref<128xi32, #tpu.memory_space<vmem>> -> memref<64xi32, #tpu.memory_space<vmem>>
      %dma_start3A_261 = arith.constant 0 : i32
      %dma_start3A_262 = arith.constant 0 : i32
      %dma_start3A_263 = tpu.memref_slice %arg2[%dma_start3A_261, %dma_start3A_262] : memref<10000x128xf32, #tpu.memory_space<hbm>> -> memref<10000x128xf32, #tpu.memory_space<hbm>>
      tpu.enqueue_indirect_dma source(%dma_start3A_263 : memref<10000x128xf32, #tpu.memory_space<hbm>>) target(%dma_start3A_251 : memref<64x128xf32, #tpu.memory_space<vmem>>) offsets(%dma_start3A_260 : memref<64xi32, #tpu.memory_space<vmem>>) semaphore(%arg13 : memref<!tpu.dma_semaphore, #tpu.memory_space<semaphore_mem>>)
      %dma_wait3A_264 = arith.constant 0 : i32
      %dma_wait3A_265 = arith.constant 3 : i32
      %dma_wait3A_266 = arith.constant 0 : i32
      %dma_wait3A_267 = arith.constant 0 : i32
      %dma_wait3A_268 = tpu.memref_slice %arg6[%dma_wait3A_264, %dma_wait3A_266, %dma_wait3A_267] : memref<2x8x128xi32, #tpu.memory_space<vmem>> -> memref<1x8x128xi32, #tpu.memory_space<vmem>>
      %dma_wait3A_269 = tpu.memref_squeeze %dma_wait3A_268 : memref<1x8x128xi32, #tpu.memory_space<vmem>> -> memref<8x128xi32, #tpu.memory_space<vmem>>
      %dma_wait3A_270 = arith.constant 0 : i32
      %dma_wait3A_271 = tpu.memref_slice %dma_wait3A_269[%dma_wait3A_265, %dma_wait3A_270] : memref<8x128xi32, #tpu.memory_space<vmem>> -> memref<1x128xi32, #tpu.memory_space<vmem>>
      %dma_wait3A_272 = tpu.memref_squeeze %dma_wait3A_271 : memref<1x128xi32, #tpu.memory_space<vmem>> -> memref<128xi32, #tpu.memory_space<vmem>>
      %dma_wait3A_273 = arith.constant 0 : i32
      %dma_wait3A_274 = arith.constant 0 : i32
      %dma_wait3A_275 = tpu.memref_slice %arg2[%dma_wait3A_273, %dma_wait3A_274] : memref<10000x128xf32, #tpu.memory_space<hbm>> -> memref<10000x128xf32, #tpu.memory_space<hbm>>
      tpu.wait_indirect_dma semaphore(%arg14 : memref<!tpu.dma_semaphore, #tpu.memory_space<semaphore_mem>>) src(%dma_wait3A_275 : memref<10000x128xf32, #tpu.memory_space<hbm>>) dst(%arg9 : memref<128x128xf32, #tpu.memory_space<vmem>>)
      %run_scoped3A_276 = arith.constant 1 : i32
      %run_scoped3A_277 = arith.constant 3 : i32
      "tpu.region"() ({
        %run_scoped3A_838 = tpu.sem_alloc : memref<!tpu.dma_semaphore, #tpu.memory_space<semaphore_mem>>
        %dma_start3A_839 = arith.constant 0 : i32
        %dma_start3A_840 = arith.constant 0 : i32
        %dma_start3A_841 = tpu.memref_slice %arg6[%run_scoped3A_276, %dma_start3A_839, %dma_start3A_840] : memref<2x8x128xi32, #tpu.memory_space<vmem>> -> memref<1x8x128xi32, #tpu.memory_space<vmem>>
        %dma_start3A_842 = tpu.memref_squeeze %dma_start3A_841 : memref<1x8x128xi32, #tpu.memory_space<vmem>> -> memref<8x128xi32, #tpu.memory_space<vmem>>
        %dma_start3A_843 = arith.constant 0 : i32
        %dma_start3A_844 = tpu.memref_slice %dma_start3A_842[%run_scoped3A_277, %dma_start3A_843] : memref<8x128xi32, #tpu.memory_space<vmem>> -> memref<1x128xi32, #tpu.memory_space<vmem>>
        %dma_start3A_845 = tpu.memref_squeeze %dma_start3A_844 : memref<1x128xi32, #tpu.memory_space<vmem>> -> memref<128xi32, #tpu.memory_space<vmem>>
        %dma_start3A_846 = arith.constant 0 : i32
        %dma_start3A_847 = arith.constant 0 : i32
        %dma_start3A_848 = tpu.memref_slice %arg10[%dma_start3A_846, %dma_start3A_847] : memref<10112x128xf32, #tpu.memory_space<vmem_shared>> -> memref<10112x128xf32, #tpu.memory_space<vmem_shared>>
        tpu.enqueue_indirect_dma source(%arg9 : memref<128x128xf32, #tpu.memory_space<vmem>>) target(%dma_start3A_848 : memref<10112x128xf32, #tpu.memory_space<vmem_shared>>) offsets(%dma_start3A_845 : memref<128xi32, #tpu.memory_space<vmem>>) semaphore(%run_scoped3A_838 : memref<!tpu.dma_semaphore, #tpu.memory_space<semaphore_mem>>) {add = true}
        %dma_wait3A_849 = arith.constant 0 : i32
        %dma_wait3A_850 = arith.constant 0 : i32
        %dma_wait3A_851 = tpu.memref_slice %arg6[%run_scoped3A_276, %dma_wait3A_849, %dma_wait3A_850] : memref<2x8x128xi32, #tpu.memory_space<vmem>> -> memref<1x8x128xi32, #tpu.memory_space<vmem>>
        %dma_wait3A_852 = tpu.memref_squeeze %dma_wait3A_851 : memref<1x8x128xi32, #tpu.memory_space<vmem>> -> memref<8x128xi32, #tpu.memory_space<vmem>>
        %dma_wait3A_853 = arith.constant 0 : i32
        %dma_wait3A_854 = tpu.memref_slice %dma_wait3A_852[%run_scoped3A_277, %dma_wait3A_853] : memref<8x128xi32, #tpu.memory_space<vmem>> -> memref<1x128xi32, #tpu.memory_space<vmem>>
        %dma_wait3A_855 = tpu.memref_squeeze %dma_wait3A_854 : memref<1x128xi32, #tpu.memory_space<vmem>> -> memref<128xi32, #tpu.memory_space<vmem>>
        %dma_wait3A_856 = arith.constant 0 : i32
        %dma_wait3A_857 = arith.constant 0 : i32
        %dma_wait3A_858 = tpu.memref_slice %arg10[%dma_wait3A_856, %dma_wait3A_857] : memref<10112x128xf32, #tpu.memory_space<vmem_shared>> -> memref<10112x128xf32, #tpu.memory_space<vmem_shared>>
        tpu.wait_indirect_dma semaphore(%run_scoped3A_838 : memref<!tpu.dma_semaphore, #tpu.memory_space<semaphore_mem>>) src(%arg9 : memref<128x128xf32, #tpu.memory_space<vmem>>) dst(%dma_wait3A_858 : memref<10112x128xf32, #tpu.memory_space<vmem_shared>>)
        tpu.yield
      }) : () -> ()
      %dma_start3A_278 = arith.constant 0 : i32
      %dma_start3A_279 = arith.constant 5 : i32
      %dma_start3A_280 = arith.constant 0 : i32
      %dma_start3A_281 = arith.constant 0 : i32
      %dma_start3A_282 = tpu.memref_slice %arg9[%dma_start3A_280, %dma_start3A_281] : memref<128x128xf32, #tpu.memory_space<vmem>> -> memref<64x128xf32, #tpu.memory_space<vmem>>
      %dma_start3A_283 = arith.constant 0 : i32
      %dma_start3A_284 = arith.constant 0 : i32
      %dma_start3A_285 = tpu.memref_slice %arg6[%dma_start3A_278, %dma_start3A_283, %dma_start3A_284] : memref<2x8x128xi32, #tpu.memory_space<vmem>> -> memref<1x8x128xi32, #tpu.memory_space<vmem>>
      %dma_start3A_286 = tpu.memref_squeeze %dma_start3A_285 : memref<1x8x128xi32, #tpu.memory_space<vmem>> -> memref<8x128xi32, #tpu.memory_space<vmem>>
      %dma_start3A_287 = arith.constant 0 : i32
      %dma_start3A_288 = tpu.memref_slice %dma_start3A_286[%dma_start3A_279, %dma_start3A_287] : memref<8x128xi32, #tpu.memory_space<vmem>> -> memref<1x128xi32, #tpu.memory_space<vmem>>
      %dma_start3A_289 = tpu.memref_squeeze %dma_start3A_288 : memref<1x128xi32, #tpu.memory_space<vmem>> -> memref<128xi32, #tpu.memory_space<vmem>>
      %dma_start3A_290 = arith.constant 0 : i32
      %dma_start3A_291 = tpu.memref_slice %dma_start3A_289[%dma_start3A_290] : memref<128xi32, #tpu.memory_space<vmem>> -> memref<64xi32, #tpu.memory_space<vmem>>
      %dma_start3A_292 = arith.constant 0 : i32
      %dma_start3A_293 = arith.constant 0 : i32
      %dma_start3A_294 = tpu.memref_slice %arg2[%dma_start3A_292, %dma_start3A_293] : memref<10000x128xf32, #tpu.memory_space<hbm>> -> memref<10000x128xf32, #tpu.memory_space<hbm>>
      tpu.enqueue_indirect_dma source(%dma_start3A_294 : memref<10000x128xf32, #tpu.memory_space<hbm>>) target(%dma_start3A_282 : memref<64x128xf32, #tpu.memory_space<vmem>>) offsets(%dma_start3A_291 : memref<64xi32, #tpu.memory_space<vmem>>) semaphore(%arg14 : memref<!tpu.dma_semaphore, #tpu.memory_space<semaphore_mem>>)
      %dma_start3A_295 = arith.constant 0 : i32
      %dma_start3A_296 = arith.constant 5 : i32
      %dma_start3A_297 = arith.constant 64 : i32
      %dma_start3A_298 = arith.constant 0 : i32
      %dma_start3A_299 = tpu.memref_slice %arg9[%dma_start3A_297, %dma_start3A_298] : memref<128x128xf32, #tpu.memory_space<vmem>> -> memref<64x128xf32, #tpu.memory_space<vmem>>
      %dma_start3A_300 = arith.constant 0 : i32
      %dma_start3A_301 = arith.constant 0 : i32
      %dma_start3A_302 = tpu.memref_slice %arg6[%dma_start3A_295, %dma_start3A_300, %dma_start3A_301] : memref<2x8x128xi32, #tpu.memory_space<vmem>> -> memref<1x8x128xi32, #tpu.memory_space<vmem>>
      %dma_start3A_303 = tpu.memref_squeeze %dma_start3A_302 : memref<1x8x128xi32, #tpu.memory_space<vmem>> -> memref<8x128xi32, #tpu.memory_space<vmem>>
      %dma_start3A_304 = arith.constant 0 : i32
      %dma_start3A_305 = tpu.memref_slice %dma_start3A_303[%dma_start3A_296, %dma_start3A_304] : memref<8x128xi32, #tpu.memory_space<vmem>> -> memref<1x128xi32, #tpu.memory_space<vmem>>
      %dma_start3A_306 = tpu.memref_squeeze %dma_start3A_305 : memref<1x128xi32, #tpu.memory_space<vmem>> -> memref<128xi32, #tpu.memory_space<vmem>>
      %dma_start3A_307 = arith.constant 64 : i32
      %dma_start3A_308 = tpu.memref_slice %dma_start3A_306[%dma_start3A_307] : memref<128xi32, #tpu.memory_space<vmem>> -> memref<64xi32, #tpu.memory_space<vmem>>
      %dma_start3A_309 = arith.constant 0 : i32
      %dma_start3A_310 = arith.constant 0 : i32
      %dma_start3A_311 = tpu.memref_slice %arg2[%dma_start3A_309, %dma_start3A_310] : memref<10000x128xf32, #tpu.memory_space<hbm>> -> memref<10000x128xf32, #tpu.memory_space<hbm>>
      tpu.enqueue_indirect_dma source(%dma_start3A_311 : memref<10000x128xf32, #tpu.memory_space<hbm>>) target(%dma_start3A_299 : memref<64x128xf32, #tpu.memory_space<vmem>>) offsets(%dma_start3A_308 : memref<64xi32, #tpu.memory_space<vmem>>) semaphore(%arg14 : memref<!tpu.dma_semaphore, #tpu.memory_space<semaphore_mem>>)
      %dma_wait3A_312 = arith.constant 0 : i32
      %dma_wait3A_313 = arith.constant 4 : i32
      %dma_wait3A_314 = arith.constant 0 : i32
      %dma_wait3A_315 = arith.constant 0 : i32
      %dma_wait3A_316 = tpu.memref_slice %arg6[%dma_wait3A_312, %dma_wait3A_314, %dma_wait3A_315] : memref<2x8x128xi32, #tpu.memory_space<vmem>> -> memref<1x8x128xi32, #tpu.memory_space<vmem>>
      %dma_wait3A_317 = tpu.memref_squeeze %dma_wait3A_316 : memref<1x8x128xi32, #tpu.memory_space<vmem>> -> memref<8x128xi32, #tpu.memory_space<vmem>>
      %dma_wait3A_318 = arith.constant 0 : i32
      %dma_wait3A_319 = tpu.memref_slice %dma_wait3A_317[%dma_wait3A_313, %dma_wait3A_318] : memref<8x128xi32, #tpu.memory_space<vmem>> -> memref<1x128xi32, #tpu.memory_space<vmem>>
      %dma_wait3A_320 = tpu.memref_squeeze %dma_wait3A_319 : memref<1x128xi32, #tpu.memory_space<vmem>> -> memref<128xi32, #tpu.memory_space<vmem>>
      %dma_wait3A_321 = arith.constant 0 : i32
      %dma_wait3A_322 = arith.constant 0 : i32
      %dma_wait3A_323 = tpu.memref_slice %arg2[%dma_wait3A_321, %dma_wait3A_322] : memref<10000x128xf32, #tpu.memory_space<hbm>> -> memref<10000x128xf32, #tpu.memory_space<hbm>>
      tpu.wait_indirect_dma semaphore(%arg13 : memref<!tpu.dma_semaphore, #tpu.memory_space<semaphore_mem>>) src(%dma_wait3A_323 : memref<10000x128xf32, #tpu.memory_space<hbm>>) dst(%arg8 : memref<128x128xf32, #tpu.memory_space<vmem>>)
      %run_scoped3A_324 = arith.constant 1 : i32
      %run_scoped3A_325 = arith.constant 4 : i32
      "tpu.region"() ({
        %run_scoped3A_838 = tpu.sem_alloc : memref<!tpu.dma_semaphore, #tpu.memory_space<semaphore_mem>>
        %dma_start3A_839 = arith.constant 0 : i32
        %dma_start3A_840 = arith.constant 0 : i32
        %dma_start3A_841 = tpu.memref_slice %arg6[%run_scoped3A_324, %dma_start3A_839, %dma_start3A_840] : memref<2x8x128xi32, #tpu.memory_space<vmem>> -> memref<1x8x128xi32, #tpu.memory_space<vmem>>
        %dma_start3A_842 = tpu.memref_squeeze %dma_start3A_841 : memref<1x8x128xi32, #tpu.memory_space<vmem>> -> memref<8x128xi32, #tpu.memory_space<vmem>>
        %dma_start3A_843 = arith.constant 0 : i32
        %dma_start3A_844 = tpu.memref_slice %dma_start3A_842[%run_scoped3A_325, %dma_start3A_843] : memref<8x128xi32, #tpu.memory_space<vmem>> -> memref<1x128xi32, #tpu.memory_space<vmem>>
        %dma_start3A_845 = tpu.memref_squeeze %dma_start3A_844 : memref<1x128xi32, #tpu.memory_space<vmem>> -> memref<128xi32, #tpu.memory_space<vmem>>
        %dma_start3A_846 = arith.constant 0 : i32
        %dma_start3A_847 = arith.constant 0 : i32
        %dma_start3A_848 = tpu.memref_slice %arg10[%dma_start3A_846, %dma_start3A_847] : memref<10112x128xf32, #tpu.memory_space<vmem_shared>> -> memref<10112x128xf32, #tpu.memory_space<vmem_shared>>
        tpu.enqueue_indirect_dma source(%arg8 : memref<128x128xf32, #tpu.memory_space<vmem>>) target(%dma_start3A_848 : memref<10112x128xf32, #tpu.memory_space<vmem_shared>>) offsets(%dma_start3A_845 : memref<128xi32, #tpu.memory_space<vmem>>) semaphore(%run_scoped3A_838 : memref<!tpu.dma_semaphore, #tpu.memory_space<semaphore_mem>>) {add = true}
        %dma_wait3A_849 = arith.constant 0 : i32
        %dma_wait3A_850 = arith.constant 0 : i32
        %dma_wait3A_851 = tpu.memref_slice %arg6[%run_scoped3A_324, %dma_wait3A_849, %dma_wait3A_850] : memref<2x8x128xi32, #tpu.memory_space<vmem>> -> memref<1x8x128xi32, #tpu.memory_space<vmem>>
        %dma_wait3A_852 = tpu.memref_squeeze %dma_wait3A_851 : memref<1x8x128xi32, #tpu.memory_space<vmem>> -> memref<8x128xi32, #tpu.memory_space<vmem>>
        %dma_wait3A_853 = arith.constant 0 : i32
        %dma_wait3A_854 = tpu.memref_slice %dma_wait3A_852[%run_scoped3A_325, %dma_wait3A_853] : memref<8x128xi32, #tpu.memory_space<vmem>> -> memref<1x128xi32, #tpu.memory_space<vmem>>
        %dma_wait3A_855 = tpu.memref_squeeze %dma_wait3A_854 : memref<1x128xi32, #tpu.memory_space<vmem>> -> memref<128xi32, #tpu.memory_space<vmem>>
        %dma_wait3A_856 = arith.constant 0 : i32
        %dma_wait3A_857 = arith.constant 0 : i32
        %dma_wait3A_858 = tpu.memref_slice %arg10[%dma_wait3A_856, %dma_wait3A_857] : memref<10112x128xf32, #tpu.memory_space<vmem_shared>> -> memref<10112x128xf32, #tpu.memory_space<vmem_shared>>
        tpu.wait_indirect_dma semaphore(%run_scoped3A_838 : memref<!tpu.dma_semaphore, #tpu.memory_space<semaphore_mem>>) src(%arg8 : memref<128x128xf32, #tpu.memory_space<vmem>>) dst(%dma_wait3A_858 : memref<10112x128xf32, #tpu.memory_space<vmem_shared>>)
        tpu.yield
      }) : () -> ()
      %dma_start3A_326 = arith.constant 0 : i32
      %dma_start3A_327 = arith.constant 6 : i32
      %dma_start3A_328 = arith.constant 0 : i32
      %dma_start3A_329 = arith.constant 0 : i32
      %dma_start3A_330 = tpu.memref_slice %arg8[%dma_start3A_328, %dma_start3A_329] : memref<128x128xf32, #tpu.memory_space<vmem>> -> memref<64x128xf32, #tpu.memory_space<vmem>>
      %dma_start3A_331 = arith.constant 0 : i32
      %dma_start3A_332 = arith.constant 0 : i32
      %dma_start3A_333 = tpu.memref_slice %arg6[%dma_start3A_326, %dma_start3A_331, %dma_start3A_332] : memref<2x8x128xi32, #tpu.memory_space<vmem>> -> memref<1x8x128xi32, #tpu.memory_space<vmem>>
      %dma_start3A_334 = tpu.memref_squeeze %dma_start3A_333 : memref<1x8x128xi32, #tpu.memory_space<vmem>> -> memref<8x128xi32, #tpu.memory_space<vmem>>
      %dma_start3A_335 = arith.constant 0 : i32
      %dma_start3A_336 = tpu.memref_slice %dma_start3A_334[%dma_start3A_327, %dma_start3A_335] : memref<8x128xi32, #tpu.memory_space<vmem>> -> memref<1x128xi32, #tpu.memory_space<vmem>>
      %dma_start3A_337 = tpu.memref_squeeze %dma_start3A_336 : memref<1x128xi32, #tpu.memory_space<vmem>> -> memref<128xi32, #tpu.memory_space<vmem>>
      %dma_start3A_338 = arith.constant 0 : i32
      %dma_start3A_339 = tpu.memref_slice %dma_start3A_337[%dma_start3A_338] : memref<128xi32, #tpu.memory_space<vmem>> -> memref<64xi32, #tpu.memory_space<vmem>>
      %dma_start3A_340 = arith.constant 0 : i32
      %dma_start3A_341 = arith.constant 0 : i32
      %dma_start3A_342 = tpu.memref_slice %arg2[%dma_start3A_340, %dma_start3A_341] : memref<10000x128xf32, #tpu.memory_space<hbm>> -> memref<10000x128xf32, #tpu.memory_space<hbm>>
      tpu.enqueue_indirect_dma source(%dma_start3A_342 : memref<10000x128xf32, #tpu.memory_space<hbm>>) target(%dma_start3A_330 : memref<64x128xf32, #tpu.memory_space<vmem>>) offsets(%dma_start3A_339 : memref<64xi32, #tpu.memory_space<vmem>>) semaphore(%arg13 : memref<!tpu.dma_semaphore, #tpu.memory_space<semaphore_mem>>)
      %dma_start3A_343 = arith.constant 0 : i32
      %dma_start3A_344 = arith.constant 6 : i32
      %dma_start3A_345 = arith.constant 64 : i32
      %dma_start3A_346 = arith.constant 0 : i32
      %dma_start3A_347 = tpu.memref_slice %arg8[%dma_start3A_345, %dma_start3A_346] : memref<128x128xf32, #tpu.memory_space<vmem>> -> memref<64x128xf32, #tpu.memory_space<vmem>>
      %dma_start3A_348 = arith.constant 0 : i32
      %dma_start3A_349 = arith.constant 0 : i32
      %dma_start3A_350 = tpu.memref_slice %arg6[%dma_start3A_343, %dma_start3A_348, %dma_start3A_349] : memref<2x8x128xi32, #tpu.memory_space<vmem>> -> memref<1x8x128xi32, #tpu.memory_space<vmem>>
      %dma_start3A_351 = tpu.memref_squeeze %dma_start3A_350 : memref<1x8x128xi32, #tpu.memory_space<vmem>> -> memref<8x128xi32, #tpu.memory_space<vmem>>
      %dma_start3A_352 = arith.constant 0 : i32
      %dma_start3A_353 = tpu.memref_slice %dma_start3A_351[%dma_start3A_344, %dma_start3A_352] : memref<8x128xi32, #tpu.memory_space<vmem>> -> memref<1x128xi32, #tpu.memory_space<vmem>>
      %dma_start3A_354 = tpu.memref_squeeze %dma_start3A_353 : memref<1x128xi32, #tpu.memory_space<vmem>> -> memref<128xi32, #tpu.memory_space<vmem>>
      %dma_start3A_355 = arith.constant 64 : i32
      %dma_start3A_356 = tpu.memref_slice %dma_start3A_354[%dma_start3A_355] : memref<128xi32, #tpu.memory_space<vmem>> -> memref<64xi32, #tpu.memory_space<vmem>>
      %dma_start3A_357 = arith.constant 0 : i32
      %dma_start3A_358 = arith.constant 0 : i32
      %dma_start3A_359 = tpu.memref_slice %arg2[%dma_start3A_357, %dma_start3A_358] : memref<10000x128xf32, #tpu.memory_space<hbm>> -> memref<10000x128xf32, #tpu.memory_space<hbm>>
      tpu.enqueue_indirect_dma source(%dma_start3A_359 : memref<10000x128xf32, #tpu.memory_space<hbm>>) target(%dma_start3A_347 : memref<64x128xf32, #tpu.memory_space<vmem>>) offsets(%dma_start3A_356 : memref<64xi32, #tpu.memory_space<vmem>>) semaphore(%arg13 : memref<!tpu.dma_semaphore, #tpu.memory_space<semaphore_mem>>)
      %dma_wait3A_360 = arith.constant 0 : i32
      %dma_wait3A_361 = arith.constant 5 : i32
      %dma_wait3A_362 = arith.constant 0 : i32
      %dma_wait3A_363 = arith.constant 0 : i32
      %dma_wait3A_364 = tpu.memref_slice %arg6[%dma_wait3A_360, %dma_wait3A_362, %dma_wait3A_363] : memref<2x8x128xi32, #tpu.memory_space<vmem>> -> memref<1x8x128xi32, #tpu.memory_space<vmem>>
      %dma_wait3A_365 = tpu.memref_squeeze %dma_wait3A_364 : memref<1x8x128xi32, #tpu.memory_space<vmem>> -> memref<8x128xi32, #tpu.memory_space<vmem>>
      %dma_wait3A_366 = arith.constant 0 : i32
      %dma_wait3A_367 = tpu.memref_slice %dma_wait3A_365[%dma_wait3A_361, %dma_wait3A_366] : memref<8x128xi32, #tpu.memory_space<vmem>> -> memref<1x128xi32, #tpu.memory_space<vmem>>
      %dma_wait3A_368 = tpu.memref_squeeze %dma_wait3A_367 : memref<1x128xi32, #tpu.memory_space<vmem>> -> memref<128xi32, #tpu.memory_space<vmem>>
      %dma_wait3A_369 = arith.constant 0 : i32
      %dma_wait3A_370 = arith.constant 0 : i32
      %dma_wait3A_371 = tpu.memref_slice %arg2[%dma_wait3A_369, %dma_wait3A_370] : memref<10000x128xf32, #tpu.memory_space<hbm>> -> memref<10000x128xf32, #tpu.memory_space<hbm>>
      tpu.wait_indirect_dma semaphore(%arg14 : memref<!tpu.dma_semaphore, #tpu.memory_space<semaphore_mem>>) src(%dma_wait3A_371 : memref<10000x128xf32, #tpu.memory_space<hbm>>) dst(%arg9 : memref<128x128xf32, #tpu.memory_space<vmem>>)
      %run_scoped3A_372 = arith.constant 1 : i32
      %run_scoped3A_373 = arith.constant 5 : i32
      "tpu.region"() ({
        %run_scoped3A_838 = tpu.sem_alloc : memref<!tpu.dma_semaphore, #tpu.memory_space<semaphore_mem>>
        %dma_start3A_839 = arith.constant 0 : i32
        %dma_start3A_840 = arith.constant 0 : i32
        %dma_start3A_841 = tpu.memref_slice %arg6[%run_scoped3A_372, %dma_start3A_839, %dma_start3A_840] : memref<2x8x128xi32, #tpu.memory_space<vmem>> -> memref<1x8x128xi32, #tpu.memory_space<vmem>>
        %dma_start3A_842 = tpu.memref_squeeze %dma_start3A_841 : memref<1x8x128xi32, #tpu.memory_space<vmem>> -> memref<8x128xi32, #tpu.memory_space<vmem>>
        %dma_start3A_843 = arith.constant 0 : i32
        %dma_start3A_844 = tpu.memref_slice %dma_start3A_842[%run_scoped3A_373, %dma_start3A_843] : memref<8x128xi32, #tpu.memory_space<vmem>> -> memref<1x128xi32, #tpu.memory_space<vmem>>
        %dma_start3A_845 = tpu.memref_squeeze %dma_start3A_844 : memref<1x128xi32, #tpu.memory_space<vmem>> -> memref<128xi32, #tpu.memory_space<vmem>>
        %dma_start3A_846 = arith.constant 0 : i32
        %dma_start3A_847 = arith.constant 0 : i32
        %dma_start3A_848 = tpu.memref_slice %arg10[%dma_start3A_846, %dma_start3A_847] : memref<10112x128xf32, #tpu.memory_space<vmem_shared>> -> memref<10112x128xf32, #tpu.memory_space<vmem_shared>>
        tpu.enqueue_indirect_dma source(%arg9 : memref<128x128xf32, #tpu.memory_space<vmem>>) target(%dma_start3A_848 : memref<10112x128xf32, #tpu.memory_space<vmem_shared>>) offsets(%dma_start3A_845 : memref<128xi32, #tpu.memory_space<vmem>>) semaphore(%run_scoped3A_838 : memref<!tpu.dma_semaphore, #tpu.memory_space<semaphore_mem>>) {add = true}
        %dma_wait3A_849 = arith.constant 0 : i32
        %dma_wait3A_850 = arith.constant 0 : i32
        %dma_wait3A_851 = tpu.memref_slice %arg6[%run_scoped3A_372, %dma_wait3A_849, %dma_wait3A_850] : memref<2x8x128xi32, #tpu.memory_space<vmem>> -> memref<1x8x128xi32, #tpu.memory_space<vmem>>
        %dma_wait3A_852 = tpu.memref_squeeze %dma_wait3A_851 : memref<1x8x128xi32, #tpu.memory_space<vmem>> -> memref<8x128xi32, #tpu.memory_space<vmem>>
        %dma_wait3A_853 = arith.constant 0 : i32
        %dma_wait3A_854 = tpu.memref_slice %dma_wait3A_852[%run_scoped3A_373, %dma_wait3A_853] : memref<8x128xi32, #tpu.memory_space<vmem>> -> memref<1x128xi32, #tpu.memory_space<vmem>>
        %dma_wait3A_855 = tpu.memref_squeeze %dma_wait3A_854 : memref<1x128xi32, #tpu.memory_space<vmem>> -> memref<128xi32, #tpu.memory_space<vmem>>
        %dma_wait3A_856 = arith.constant 0 : i32
        %dma_wait3A_857 = arith.constant 0 : i32
        %dma_wait3A_858 = tpu.memref_slice %arg10[%dma_wait3A_856, %dma_wait3A_857] : memref<10112x128xf32, #tpu.memory_space<vmem_shared>> -> memref<10112x128xf32, #tpu.memory_space<vmem_shared>>
        tpu.wait_indirect_dma semaphore(%run_scoped3A_838 : memref<!tpu.dma_semaphore, #tpu.memory_space<semaphore_mem>>) src(%arg9 : memref<128x128xf32, #tpu.memory_space<vmem>>) dst(%dma_wait3A_858 : memref<10112x128xf32, #tpu.memory_space<vmem_shared>>)
        tpu.yield
      }) : () -> ()
      %dma_start3A_374 = arith.constant 0 : i32
      %dma_start3A_375 = arith.constant 7 : i32
      %dma_start3A_376 = arith.constant 0 : i32
      %dma_start3A_377 = arith.constant 0 : i32
      %dma_start3A_378 = tpu.memref_slice %arg9[%dma_start3A_376, %dma_start3A_377] : memref<128x128xf32, #tpu.memory_space<vmem>> -> memref<64x128xf32, #tpu.memory_space<vmem>>
      %dma_start3A_379 = arith.constant 0 : i32
      %dma_start3A_380 = arith.constant 0 : i32
      %dma_start3A_381 = tpu.memref_slice %arg6[%dma_start3A_374, %dma_start3A_379, %dma_start3A_380] : memref<2x8x128xi32, #tpu.memory_space<vmem>> -> memref<1x8x128xi32, #tpu.memory_space<vmem>>
      %dma_start3A_382 = tpu.memref_squeeze %dma_start3A_381 : memref<1x8x128xi32, #tpu.memory_space<vmem>> -> memref<8x128xi32, #tpu.memory_space<vmem>>
      %dma_start3A_383 = arith.constant 0 : i32
      %dma_start3A_384 = tpu.memref_slice %dma_start3A_382[%dma_start3A_375, %dma_start3A_383] : memref<8x128xi32, #tpu.memory_space<vmem>> -> memref<1x128xi32, #tpu.memory_space<vmem>>
      %dma_start3A_385 = tpu.memref_squeeze %dma_start3A_384 : memref<1x128xi32, #tpu.memory_space<vmem>> -> memref<128xi32, #tpu.memory_space<vmem>>
      %dma_start3A_386 = arith.constant 0 : i32
      %dma_start3A_387 = tpu.memref_slice %dma_start3A_385[%dma_start3A_386] : memref<128xi32, #tpu.memory_space<vmem>> -> memref<64xi32, #tpu.memory_space<vmem>>
      %dma_start3A_388 = arith.constant 0 : i32
      %dma_start3A_389 = arith.constant 0 : i32
      %dma_start3A_390 = tpu.memref_slice %arg2[%dma_start3A_388, %dma_start3A_389] : memref<10000x128xf32, #tpu.memory_space<hbm>> -> memref<10000x128xf32, #tpu.memory_space<hbm>>
      tpu.enqueue_indirect_dma source(%dma_start3A_390 : memref<10000x128xf32, #tpu.memory_space<hbm>>) target(%dma_start3A_378 : memref<64x128xf32, #tpu.memory_space<vmem>>) offsets(%dma_start3A_387 : memref<64xi32, #tpu.memory_space<vmem>>) semaphore(%arg14 : memref<!tpu.dma_semaphore, #tpu.memory_space<semaphore_mem>>)
      %dma_start3A_391 = arith.constant 0 : i32
      %dma_start3A_392 = arith.constant 7 : i32
      %dma_start3A_393 = arith.constant 64 : i32
      %dma_start3A_394 = arith.constant 0 : i32
      %dma_start3A_395 = tpu.memref_slice %arg9[%dma_start3A_393, %dma_start3A_394] : memref<128x128xf32, #tpu.memory_space<vmem>> -> memref<64x128xf32, #tpu.memory_space<vmem>>
      %dma_start3A_396 = arith.constant 0 : i32
      %dma_start3A_397 = arith.constant 0 : i32
      %dma_start3A_398 = tpu.memref_slice %arg6[%dma_start3A_391, %dma_start3A_396, %dma_start3A_397] : memref<2x8x128xi32, #tpu.memory_space<vmem>> -> memref<1x8x128xi32, #tpu.memory_space<vmem>>
      %dma_start3A_399 = tpu.memref_squeeze %dma_start3A_398 : memref<1x8x128xi32, #tpu.memory_space<vmem>> -> memref<8x128xi32, #tpu.memory_space<vmem>>
      %dma_start3A_400 = arith.constant 0 : i32
      %dma_start3A_401 = tpu.memref_slice %dma_start3A_399[%dma_start3A_392, %dma_start3A_400] : memref<8x128xi32, #tpu.memory_space<vmem>> -> memref<1x128xi32, #tpu.memory_space<vmem>>
      %dma_start3A_402 = tpu.memref_squeeze %dma_start3A_401 : memref<1x128xi32, #tpu.memory_space<vmem>> -> memref<128xi32, #tpu.memory_space<vmem>>
      %dma_start3A_403 = arith.constant 64 : i32
      %dma_start3A_404 = tpu.memref_slice %dma_start3A_402[%dma_start3A_403] : memref<128xi32, #tpu.memory_space<vmem>> -> memref<64xi32, #tpu.memory_space<vmem>>
      %dma_start3A_405 = arith.constant 0 : i32
      %dma_start3A_406 = arith.constant 0 : i32
      %dma_start3A_407 = tpu.memref_slice %arg2[%dma_start3A_405, %dma_start3A_406] : memref<10000x128xf32, #tpu.memory_space<hbm>> -> memref<10000x128xf32, #tpu.memory_space<hbm>>
      tpu.enqueue_indirect_dma source(%dma_start3A_407 : memref<10000x128xf32, #tpu.memory_space<hbm>>) target(%dma_start3A_395 : memref<64x128xf32, #tpu.memory_space<vmem>>) offsets(%dma_start3A_404 : memref<64xi32, #tpu.memory_space<vmem>>) semaphore(%arg14 : memref<!tpu.dma_semaphore, #tpu.memory_space<semaphore_mem>>)
      %dma_wait3A_408 = arith.constant 0 : i32
      %dma_wait3A_409 = arith.constant 6 : i32
      %dma_wait3A_410 = arith.constant 0 : i32
      %dma_wait3A_411 = arith.constant 0 : i32
      %dma_wait3A_412 = tpu.memref_slice %arg6[%dma_wait3A_408, %dma_wait3A_410, %dma_wait3A_411] : memref<2x8x128xi32, #tpu.memory_space<vmem>> -> memref<1x8x128xi32, #tpu.memory_space<vmem>>
      %dma_wait3A_413 = tpu.memref_squeeze %dma_wait3A_412 : memref<1x8x128xi32, #tpu.memory_space<vmem>> -> memref<8x128xi32, #tpu.memory_space<vmem>>
      %dma_wait3A_414 = arith.constant 0 : i32
      %dma_wait3A_415 = tpu.memref_slice %dma_wait3A_413[%dma_wait3A_409, %dma_wait3A_414] : memref<8x128xi32, #tpu.memory_space<vmem>> -> memref<1x128xi32, #tpu.memory_space<vmem>>
      %dma_wait3A_416 = tpu.memref_squeeze %dma_wait3A_415 : memref<1x128xi32, #tpu.memory_space<vmem>> -> memref<128xi32, #tpu.memory_space<vmem>>
      %dma_wait3A_417 = arith.constant 0 : i32
      %dma_wait3A_418 = arith.constant 0 : i32
      %dma_wait3A_419 = tpu.memref_slice %arg2[%dma_wait3A_417, %dma_wait3A_418] : memref<10000x128xf32, #tpu.memory_space<hbm>> -> memref<10000x128xf32, #tpu.memory_space<hbm>>
      tpu.wait_indirect_dma semaphore(%arg13 : memref<!tpu.dma_semaphore, #tpu.memory_space<semaphore_mem>>) src(%dma_wait3A_419 : memref<10000x128xf32, #tpu.memory_space<hbm>>) dst(%arg8 : memref<128x128xf32, #tpu.memory_space<vmem>>)
      %run_scoped3A_420 = arith.constant 1 : i32
      %run_scoped3A_421 = arith.constant 6 : i32
      "tpu.region"() ({
        %run_scoped3A_838 = tpu.sem_alloc : memref<!tpu.dma_semaphore, #tpu.memory_space<semaphore_mem>>
        %dma_start3A_839 = arith.constant 0 : i32
        %dma_start3A_840 = arith.constant 0 : i32
        %dma_start3A_841 = tpu.memref_slice %arg6[%run_scoped3A_420, %dma_start3A_839, %dma_start3A_840] : memref<2x8x128xi32, #tpu.memory_space<vmem>> -> memref<1x8x128xi32, #tpu.memory_space<vmem>>
        %dma_start3A_842 = tpu.memref_squeeze %dma_start3A_841 : memref<1x8x128xi32, #tpu.memory_space<vmem>> -> memref<8x128xi32, #tpu.memory_space<vmem>>
        %dma_start3A_843 = arith.constant 0 : i32
        %dma_start3A_844 = tpu.memref_slice %dma_start3A_842[%run_scoped3A_421, %dma_start3A_843] : memref<8x128xi32, #tpu.memory_space<vmem>> -> memref<1x128xi32, #tpu.memory_space<vmem>>
        %dma_start3A_845 = tpu.memref_squeeze %dma_start3A_844 : memref<1x128xi32, #tpu.memory_space<vmem>> -> memref<128xi32, #tpu.memory_space<vmem>>
        %dma_start3A_846 = arith.constant 0 : i32
        %dma_start3A_847 = arith.constant 0 : i32
        %dma_start3A_848 = tpu.memref_slice %arg10[%dma_start3A_846, %dma_start3A_847] : memref<10112x128xf32, #tpu.memory_space<vmem_shared>> -> memref<10112x128xf32, #tpu.memory_space<vmem_shared>>
        tpu.enqueue_indirect_dma source(%arg8 : memref<128x128xf32, #tpu.memory_space<vmem>>) target(%dma_start3A_848 : memref<10112x128xf32, #tpu.memory_space<vmem_shared>>) offsets(%dma_start3A_845 : memref<128xi32, #tpu.memory_space<vmem>>) semaphore(%run_scoped3A_838 : memref<!tpu.dma_semaphore, #tpu.memory_space<semaphore_mem>>) {add = true}
        %dma_wait3A_849 = arith.constant 0 : i32
        %dma_wait3A_850 = arith.constant 0 : i32
        %dma_wait3A_851 = tpu.memref_slice %arg6[%run_scoped3A_420, %dma_wait3A_849, %dma_wait3A_850] : memref<2x8x128xi32, #tpu.memory_space<vmem>> -> memref<1x8x128xi32, #tpu.memory_space<vmem>>
        %dma_wait3A_852 = tpu.memref_squeeze %dma_wait3A_851 : memref<1x8x128xi32, #tpu.memory_space<vmem>> -> memref<8x128xi32, #tpu.memory_space<vmem>>
        %dma_wait3A_853 = arith.constant 0 : i32
        %dma_wait3A_854 = tpu.memref_slice %dma_wait3A_852[%run_scoped3A_421, %dma_wait3A_853] : memref<8x128xi32, #tpu.memory_space<vmem>> -> memref<1x128xi32, #tpu.memory_space<vmem>>
        %dma_wait3A_855 = tpu.memref_squeeze %dma_wait3A_854 : memref<1x128xi32, #tpu.memory_space<vmem>> -> memref<128xi32, #tpu.memory_space<vmem>>
        %dma_wait3A_856 = arith.constant 0 : i32
        %dma_wait3A_857 = arith.constant 0 : i32
        %dma_wait3A_858 = tpu.memref_slice %arg10[%dma_wait3A_856, %dma_wait3A_857] : memref<10112x128xf32, #tpu.memory_space<vmem_shared>> -> memref<10112x128xf32, #tpu.memory_space<vmem_shared>>
        tpu.wait_indirect_dma semaphore(%run_scoped3A_838 : memref<!tpu.dma_semaphore, #tpu.memory_space<semaphore_mem>>) src(%arg8 : memref<128x128xf32, #tpu.memory_space<vmem>>) dst(%dma_wait3A_858 : memref<10112x128xf32, #tpu.memory_space<vmem_shared>>)
        tpu.yield
      }) : () -> ()
      %dma_wait3A_422 = arith.constant 0 : i32
      %dma_wait3A_423 = arith.constant 0 : i32
      %dma_wait3A_424 = arith.constant 0 : i32
      %dma_wait3A_425 = arith.constant 0 : i32
      %dma_wait3A_426 = tpu.memref_slice %arg3[%dma_wait3A_422, %dma_wait3A_423, %dma_wait3A_424, %dma_wait3A_425] : memref<320x2x8x128xi32, #tpu.memory_space<hbm>> -> memref<1x2x8x128xi32, #tpu.memory_space<hbm>>
      %dma_wait3A_427 = tpu.memref_squeeze %dma_wait3A_426 : memref<1x2x8x128xi32, #tpu.memory_space<hbm>> -> memref<2x8x128xi32, #tpu.memory_space<hbm>>
      %dma_wait3A_428 = arith.constant 0 : i32
      %dma_wait3A_429 = arith.constant 0 : i32
      %dma_wait3A_430 = arith.constant 0 : i32
      %dma_wait3A_431 = tpu.memref_slice %arg3[%dma_wait3A_422, %dma_wait3A_428, %dma_wait3A_429, %dma_wait3A_430] : memref<320x2x8x128xi32, #tpu.memory_space<hbm>> -> memref<1x2x8x128xi32, #tpu.memory_space<hbm>>
      %dma_wait3A_432 = tpu.memref_squeeze %dma_wait3A_431 : memref<1x2x8x128xi32, #tpu.memory_space<hbm>> -> memref<2x8x128xi32, #tpu.memory_space<hbm>>
      tpu.wait_dma2 semaphore(%arg12 : memref<!tpu.dma_semaphore, #tpu.memory_space<semaphore_mem>>) src(%dma_wait3A_432 : memref<2x8x128xi32, #tpu.memory_space<hbm>>) dst(%arg7 : memref<2x8x128xi32, #tpu.memory_space<vmem>>)
      %dma_start3A_433 = arith.constant 0 : i32
      %dma_start3A_434 = arith.constant 0 : i32
      %dma_start3A_435 = arith.constant 0 : i32
      %dma_start3A_436 = arith.constant 0 : i32
      %dma_start3A_437 = tpu.memref_slice %arg8[%dma_start3A_435, %dma_start3A_436] : memref<128x128xf32, #tpu.memory_space<vmem>> -> memref<64x128xf32, #tpu.memory_space<vmem>>
      %dma_start3A_438 = arith.constant 0 : i32
      %dma_start3A_439 = arith.constant 0 : i32
      %dma_start3A_440 = tpu.memref_slice %arg7[%dma_start3A_433, %dma_start3A_438, %dma_start3A_439] : memref<2x8x128xi32, #tpu.memory_space<vmem>> -> memref<1x8x128xi32, #tpu.memory_space<vmem>>
      %dma_start3A_441 = tpu.memref_squeeze %dma_start3A_440 : memref<1x8x128xi32, #tpu.memory_space<vmem>> -> memref<8x128xi32, #tpu.memory_space<vmem>>
      %dma_start3A_442 = arith.constant 0 : i32
      %dma_start3A_443 = tpu.memref_slice %dma_start3A_441[%dma_start3A_434, %dma_start3A_442] : memref<8x128xi32, #tpu.memory_space<vmem>> -> memref<1x128xi32, #tpu.memory_space<vmem>>
      %dma_start3A_444 = tpu.memref_squeeze %dma_start3A_443 : memref<1x128xi32, #tpu.memory_space<vmem>> -> memref<128xi32, #tpu.memory_space<vmem>>
      %dma_start3A_445 = arith.constant 0 : i32
      %dma_start3A_446 = tpu.memref_slice %dma_start3A_444[%dma_start3A_445] : memref<128xi32, #tpu.memory_space<vmem>> -> memref<64xi32, #tpu.memory_space<vmem>>
      %dma_start3A_447 = arith.constant 0 : i32
      %dma_start3A_448 = arith.constant 0 : i32
      %dma_start3A_449 = tpu.memref_slice %arg2[%dma_start3A_447, %dma_start3A_448] : memref<10000x128xf32, #tpu.memory_space<hbm>> -> memref<10000x128xf32, #tpu.memory_space<hbm>>
      tpu.enqueue_indirect_dma source(%dma_start3A_449 : memref<10000x128xf32, #tpu.memory_space<hbm>>) target(%dma_start3A_437 : memref<64x128xf32, #tpu.memory_space<vmem>>) offsets(%dma_start3A_446 : memref<64xi32, #tpu.memory_space<vmem>>) semaphore(%arg13 : memref<!tpu.dma_semaphore, #tpu.memory_space<semaphore_mem>>)
      %dma_start3A_450 = arith.constant 0 : i32
      %dma_start3A_451 = arith.constant 0 : i32
      %dma_start3A_452 = arith.constant 64 : i32
      %dma_start3A_453 = arith.constant 0 : i32
      %dma_start3A_454 = tpu.memref_slice %arg8[%dma_start3A_452, %dma_start3A_453] : memref<128x128xf32, #tpu.memory_space<vmem>> -> memref<64x128xf32, #tpu.memory_space<vmem>>
      %dma_start3A_455 = arith.constant 0 : i32
      %dma_start3A_456 = arith.constant 0 : i32
      %dma_start3A_457 = tpu.memref_slice %arg7[%dma_start3A_450, %dma_start3A_455, %dma_start3A_456] : memref<2x8x128xi32, #tpu.memory_space<vmem>> -> memref<1x8x128xi32, #tpu.memory_space<vmem>>
      %dma_start3A_458 = tpu.memref_squeeze %dma_start3A_457 : memref<1x8x128xi32, #tpu.memory_space<vmem>> -> memref<8x128xi32, #tpu.memory_space<vmem>>
      %dma_start3A_459 = arith.constant 0 : i32
      %dma_start3A_460 = tpu.memref_slice %dma_start3A_458[%dma_start3A_451, %dma_start3A_459] : memref<8x128xi32, #tpu.memory_space<vmem>> -> memref<1x128xi32, #tpu.memory_space<vmem>>
      %dma_start3A_461 = tpu.memref_squeeze %dma_start3A_460 : memref<1x128xi32, #tpu.memory_space<vmem>> -> memref<128xi32, #tpu.memory_space<vmem>>
      %dma_start3A_462 = arith.constant 64 : i32
      %dma_start3A_463 = tpu.memref_slice %dma_start3A_461[%dma_start3A_462] : memref<128xi32, #tpu.memory_space<vmem>> -> memref<64xi32, #tpu.memory_space<vmem>>
      %dma_start3A_464 = arith.constant 0 : i32
      %dma_start3A_465 = arith.constant 0 : i32
      %dma_start3A_466 = tpu.memref_slice %arg2[%dma_start3A_464, %dma_start3A_465] : memref<10000x128xf32, #tpu.memory_space<hbm>> -> memref<10000x128xf32, #tpu.memory_space<hbm>>
      tpu.enqueue_indirect_dma source(%dma_start3A_466 : memref<10000x128xf32, #tpu.memory_space<hbm>>) target(%dma_start3A_454 : memref<64x128xf32, #tpu.memory_space<vmem>>) offsets(%dma_start3A_463 : memref<64xi32, #tpu.memory_space<vmem>>) semaphore(%arg13 : memref<!tpu.dma_semaphore, #tpu.memory_space<semaphore_mem>>)
      %dma_wait3A_467 = arith.constant 0 : i32
      %dma_wait3A_468 = arith.constant 7 : i32
      %dma_wait3A_469 = arith.constant 0 : i32
      %dma_wait3A_470 = arith.constant 0 : i32
      %dma_wait3A_471 = tpu.memref_slice %arg6[%dma_wait3A_467, %dma_wait3A_469, %dma_wait3A_470] : memref<2x8x128xi32, #tpu.memory_space<vmem>> -> memref<1x8x128xi32, #tpu.memory_space<vmem>>
      %dma_wait3A_472 = tpu.memref_squeeze %dma_wait3A_471 : memref<1x8x128xi32, #tpu.memory_space<vmem>> -> memref<8x128xi32, #tpu.memory_space<vmem>>
      %dma_wait3A_473 = arith.constant 0 : i32
      %dma_wait3A_474 = tpu.memref_slice %dma_wait3A_472[%dma_wait3A_468, %dma_wait3A_473] : memref<8x128xi32, #tpu.memory_space<vmem>> -> memref<1x128xi32, #tpu.memory_space<vmem>>
      %dma_wait3A_475 = tpu.memref_squeeze %dma_wait3A_474 : memref<1x128xi32, #tpu.memory_space<vmem>> -> memref<128xi32, #tpu.memory_space<vmem>>
      %dma_wait3A_476 = arith.constant 0 : i32
      %dma_wait3A_477 = arith.constant 0 : i32
      %dma_wait3A_478 = tpu.memref_slice %arg2[%dma_wait3A_476, %dma_wait3A_477] : memref<10000x128xf32, #tpu.memory_space<hbm>> -> memref<10000x128xf32, #tpu.memory_space<hbm>>
      tpu.wait_indirect_dma semaphore(%arg14 : memref<!tpu.dma_semaphore, #tpu.memory_space<semaphore_mem>>) src(%dma_wait3A_478 : memref<10000x128xf32, #tpu.memory_space<hbm>>) dst(%arg9 : memref<128x128xf32, #tpu.memory_space<vmem>>)
      %run_scoped3A_479 = arith.constant 1 : i32
      %run_scoped3A_480 = arith.constant 7 : i32
      "tpu.region"() ({
        %run_scoped3A_838 = tpu.sem_alloc : memref<!tpu.dma_semaphore, #tpu.memory_space<semaphore_mem>>
        %dma_start3A_839 = arith.constant 0 : i32
        %dma_start3A_840 = arith.constant 0 : i32
        %dma_start3A_841 = tpu.memref_slice %arg6[%run_scoped3A_479, %dma_start3A_839, %dma_start3A_840] : memref<2x8x128xi32, #tpu.memory_space<vmem>> -> memref<1x8x128xi32, #tpu.memory_space<vmem>>
        %dma_start3A_842 = tpu.memref_squeeze %dma_start3A_841 : memref<1x8x128xi32, #tpu.memory_space<vmem>> -> memref<8x128xi32, #tpu.memory_space<vmem>>
        %dma_start3A_843 = arith.constant 0 : i32
        %dma_start3A_844 = tpu.memref_slice %dma_start3A_842[%run_scoped3A_480, %dma_start3A_843] : memref<8x128xi32, #tpu.memory_space<vmem>> -> memref<1x128xi32, #tpu.memory_space<vmem>>
        %dma_start3A_845 = tpu.memref_squeeze %dma_start3A_844 : memref<1x128xi32, #tpu.memory_space<vmem>> -> memref<128xi32, #tpu.memory_space<vmem>>
        %dma_start3A_846 = arith.constant 0 : i32
        %dma_start3A_847 = arith.constant 0 : i32
        %dma_start3A_848 = tpu.memref_slice %arg10[%dma_start3A_846, %dma_start3A_847] : memref<10112x128xf32, #tpu.memory_space<vmem_shared>> -> memref<10112x128xf32, #tpu.memory_space<vmem_shared>>
        tpu.enqueue_indirect_dma source(%arg9 : memref<128x128xf32, #tpu.memory_space<vmem>>) target(%dma_start3A_848 : memref<10112x128xf32, #tpu.memory_space<vmem_shared>>) offsets(%dma_start3A_845 : memref<128xi32, #tpu.memory_space<vmem>>) semaphore(%run_scoped3A_838 : memref<!tpu.dma_semaphore, #tpu.memory_space<semaphore_mem>>) {add = true}
        %dma_wait3A_849 = arith.constant 0 : i32
        %dma_wait3A_850 = arith.constant 0 : i32
        %dma_wait3A_851 = tpu.memref_slice %arg6[%run_scoped3A_479, %dma_wait3A_849, %dma_wait3A_850] : memref<2x8x128xi32, #tpu.memory_space<vmem>> -> memref<1x8x128xi32, #tpu.memory_space<vmem>>
        %dma_wait3A_852 = tpu.memref_squeeze %dma_wait3A_851 : memref<1x8x128xi32, #tpu.memory_space<vmem>> -> memref<8x128xi32, #tpu.memory_space<vmem>>
        %dma_wait3A_853 = arith.constant 0 : i32
        %dma_wait3A_854 = tpu.memref_slice %dma_wait3A_852[%run_scoped3A_480, %dma_wait3A_853] : memref<8x128xi32, #tpu.memory_space<vmem>> -> memref<1x128xi32, #tpu.memory_space<vmem>>
        %dma_wait3A_855 = tpu.memref_squeeze %dma_wait3A_854 : memref<1x128xi32, #tpu.memory_space<vmem>> -> memref<128xi32, #tpu.memory_space<vmem>>
        %dma_wait3A_856 = arith.constant 0 : i32
        %dma_wait3A_857 = arith.constant 0 : i32
        %dma_wait3A_858 = tpu.memref_slice %arg10[%dma_wait3A_856, %dma_wait3A_857] : memref<10112x128xf32, #tpu.memory_space<vmem_shared>> -> memref<10112x128xf32, #tpu.memory_space<vmem_shared>>
        tpu.wait_indirect_dma semaphore(%run_scoped3A_838 : memref<!tpu.dma_semaphore, #tpu.memory_space<semaphore_mem>>) src(%arg9 : memref<128x128xf32, #tpu.memory_space<vmem>>) dst(%dma_wait3A_858 : memref<10112x128xf32, #tpu.memory_space<vmem_shared>>)
        tpu.yield
      }) : () -> ()
      %lt3A = arith.constant 4 : i32
      %lt3A_481 = arith.cmpi slt, %scan3A_69, %lt3A : i32
      %convert_element_type3A = arith.extui %lt3A_481 : i1 to i32
      %cond3A = arith.constant 0 : i32
      %cond3A_482 = arith.cmpi ne, %convert_element_type3A, %cond3A : i32
      scf.if %cond3A_482 {
        %mul3A_838 = arith.constant 2 : i32
        %mul3A_839 = arith.muli %mul3A_838, %scan3A_69 : i32
        %add3A_840 = arith.constant 2 : i32
        %add3A_841 = arith.addi %mul3A_839, %add3A_840 : i32
        %mul3A_842 = arith.constant 10 : i32
        %mul3A_843 = arith.muli %add3A, %mul3A_842 : i32
        %add3A_844 = arith.addi %mul3A_843, %add3A_841 : i32
        %dma_start3A_845 = arith.constant 0 : i32
        %dma_start3A_846 = arith.constant 0 : i32
        %dma_start3A_847 = arith.constant 0 : i32
        %dma_start3A_848 = tpu.memref_slice %arg3[%add3A_844, %dma_start3A_845, %dma_start3A_846, %dma_start3A_847] : memref<320x2x8x128xi32, #tpu.memory_space<hbm>> -> memref<1x2x8x128xi32, #tpu.memory_space<hbm>>
        %dma_start3A_849 = tpu.memref_squeeze %dma_start3A_848 : memref<1x2x8x128xi32, #tpu.memory_space<hbm>> -> memref<2x8x128xi32, #tpu.memory_space<hbm>>
        %dma_start3A_850 = arith.constant 0 : i32
        %dma_start3A_851 = arith.constant 0 : i32
        %dma_start3A_852 = arith.constant 0 : i32
        %dma_start3A_853 = tpu.memref_slice %arg3[%add3A_844, %dma_start3A_850, %dma_start3A_851, %dma_start3A_852] : memref<320x2x8x128xi32, #tpu.memory_space<hbm>> -> memref<1x2x8x128xi32, #tpu.memory_space<hbm>>
        %dma_start3A_854 = tpu.memref_squeeze %dma_start3A_853 : memref<1x2x8x128xi32, #tpu.memory_space<hbm>> -> memref<2x8x128xi32, #tpu.memory_space<hbm>>
        tpu.enqueue_dma source(%dma_start3A_854 : memref<2x8x128xi32, #tpu.memory_space<hbm>>) target(%arg6 : memref<2x8x128xi32, #tpu.memory_space<vmem>>) target_semaphore(%arg11 : memref<!tpu.dma_semaphore, #tpu.memory_space<semaphore_mem>>)
      } else {
      }
      %dma_start3A_483 = arith.constant 0 : i32
      %dma_start3A_484 = arith.constant 1 : i32
      %dma_start3A_485 = arith.constant 0 : i32
      %dma_start3A_486 = arith.constant 0 : i32
      %dma_start3A_487 = tpu.memref_slice %arg9[%dma_start3A_485, %dma_start3A_486] : memref<128x128xf32, #tpu.memory_space<vmem>> -> memref<64x128xf32, #tpu.memory_space<vmem>>
      %dma_start3A_488 = arith.constant 0 : i32
      %dma_start3A_489 = arith.constant 0 : i32
      %dma_start3A_490 = tpu.memref_slice %arg7[%dma_start3A_483, %dma_start3A_488, %dma_start3A_489] : memref<2x8x128xi32, #tpu.memory_space<vmem>> -> memref<1x8x128xi32, #tpu.memory_space<vmem>>
      %dma_start3A_491 = tpu.memref_squeeze %dma_start3A_490 : memref<1x8x128xi32, #tpu.memory_space<vmem>> -> memref<8x128xi32, #tpu.memory_space<vmem>>
      %dma_start3A_492 = arith.constant 0 : i32
      %dma_start3A_493 = tpu.memref_slice %dma_start3A_491[%dma_start3A_484, %dma_start3A_492] : memref<8x128xi32, #tpu.memory_space<vmem>> -> memref<1x128xi32, #tpu.memory_space<vmem>>
      %dma_start3A_494 = tpu.memref_squeeze %dma_start3A_493 : memref<1x128xi32, #tpu.memory_space<vmem>> -> memref<128xi32, #tpu.memory_space<vmem>>
      %dma_start3A_495 = arith.constant 0 : i32
      %dma_start3A_496 = tpu.memref_slice %dma_start3A_494[%dma_start3A_495] : memref<128xi32, #tpu.memory_space<vmem>> -> memref<64xi32, #tpu.memory_space<vmem>>
      %dma_start3A_497 = arith.constant 0 : i32
      %dma_start3A_498 = arith.constant 0 : i32
      %dma_start3A_499 = tpu.memref_slice %arg2[%dma_start3A_497, %dma_start3A_498] : memref<10000x128xf32, #tpu.memory_space<hbm>> -> memref<10000x128xf32, #tpu.memory_space<hbm>>
      tpu.enqueue_indirect_dma source(%dma_start3A_499 : memref<10000x128xf32, #tpu.memory_space<hbm>>) target(%dma_start3A_487 : memref<64x128xf32, #tpu.memory_space<vmem>>) offsets(%dma_start3A_496 : memref<64xi32, #tpu.memory_space<vmem>>) semaphore(%arg14 : memref<!tpu.dma_semaphore, #tpu.memory_space<semaphore_mem>>)
      %dma_start3A_500 = arith.constant 0 : i32
      %dma_start3A_501 = arith.constant 1 : i32
      %dma_start3A_502 = arith.constant 64 : i32
      %dma_start3A_503 = arith.constant 0 : i32
      %dma_start3A_504 = tpu.memref_slice %arg9[%dma_start3A_502, %dma_start3A_503] : memref<128x128xf32, #tpu.memory_space<vmem>> -> memref<64x128xf32, #tpu.memory_space<vmem>>
      %dma_start3A_505 = arith.constant 0 : i32
      %dma_start3A_506 = arith.constant 0 : i32
      %dma_start3A_507 = tpu.memref_slice %arg7[%dma_start3A_500, %dma_start3A_505, %dma_start3A_506] : memref<2x8x128xi32, #tpu.memory_space<vmem>> -> memref<1x8x128xi32, #tpu.memory_space<vmem>>
      %dma_start3A_508 = tpu.memref_squeeze %dma_start3A_507 : memref<1x8x128xi32, #tpu.memory_space<vmem>> -> memref<8x128xi32, #tpu.memory_space<vmem>>
      %dma_start3A_509 = arith.constant 0 : i32
      %dma_start3A_510 = tpu.memref_slice %dma_start3A_508[%dma_start3A_501, %dma_start3A_509] : memref<8x128xi32, #tpu.memory_space<vmem>> -> memref<1x128xi32, #tpu.memory_space<vmem>>
      %dma_start3A_511 = tpu.memref_squeeze %dma_start3A_510 : memref<1x128xi32, #tpu.memory_space<vmem>> -> memref<128xi32, #tpu.memory_space<vmem>>
      %dma_start3A_512 = arith.constant 64 : i32
      %dma_start3A_513 = tpu.memref_slice %dma_start3A_511[%dma_start3A_512] : memref<128xi32, #tpu.memory_space<vmem>> -> memref<64xi32, #tpu.memory_space<vmem>>
      %dma_start3A_514 = arith.constant 0 : i32
      %dma_start3A_515 = arith.constant 0 : i32
      %dma_start3A_516 = tpu.memref_slice %arg2[%dma_start3A_514, %dma_start3A_515] : memref<10000x128xf32, #tpu.memory_space<hbm>> -> memref<10000x128xf32, #tpu.memory_space<hbm>>
      tpu.enqueue_indirect_dma source(%dma_start3A_516 : memref<10000x128xf32, #tpu.memory_space<hbm>>) target(%dma_start3A_504 : memref<64x128xf32, #tpu.memory_space<vmem>>) offsets(%dma_start3A_513 : memref<64xi32, #tpu.memory_space<vmem>>) semaphore(%arg14 : memref<!tpu.dma_semaphore, #tpu.memory_space<semaphore_mem>>)
      %dma_wait3A_517 = arith.constant 0 : i32
      %dma_wait3A_518 = arith.constant 0 : i32
      %dma_wait3A_519 = arith.constant 0 : i32
      %dma_wait3A_520 = arith.constant 0 : i32
      %dma_wait3A_521 = tpu.memref_slice %arg7[%dma_wait3A_517, %dma_wait3A_519, %dma_wait3A_520] : memref<2x8x128xi32, #tpu.memory_space<vmem>> -> memref<1x8x128xi32, #tpu.memory_space<vmem>>
      %dma_wait3A_522 = tpu.memref_squeeze %dma_wait3A_521 : memref<1x8x128xi32, #tpu.memory_space<vmem>> -> memref<8x128xi32, #tpu.memory_space<vmem>>
      %dma_wait3A_523 = arith.constant 0 : i32
      %dma_wait3A_524 = tpu.memref_slice %dma_wait3A_522[%dma_wait3A_518, %dma_wait3A_523] : memref<8x128xi32, #tpu.memory_space<vmem>> -> memref<1x128xi32, #tpu.memory_space<vmem>>
      %dma_wait3A_525 = tpu.memref_squeeze %dma_wait3A_524 : memref<1x128xi32, #tpu.memory_space<vmem>> -> memref<128xi32, #tpu.memory_space<vmem>>
      %dma_wait3A_526 = arith.constant 0 : i32
      %dma_wait3A_527 = arith.constant 0 : i32
      %dma_wait3A_528 = tpu.memref_slice %arg2[%dma_wait3A_526, %dma_wait3A_527] : memref<10000x128xf32, #tpu.memory_space<hbm>> -> memref<10000x128xf32, #tpu.memory_space<hbm>>
      tpu.wait_indirect_dma semaphore(%arg13 : memref<!tpu.dma_semaphore, #tpu.memory_space<semaphore_mem>>) src(%dma_wait3A_528 : memref<10000x128xf32, #tpu.memory_space<hbm>>) dst(%arg8 : memref<128x128xf32, #tpu.memory_space<vmem>>)
      %run_scoped3A_529 = arith.constant 1 : i32
      %run_scoped3A_530 = arith.constant 0 : i32
      "tpu.region"() ({
        %run_scoped3A_838 = tpu.sem_alloc : memref<!tpu.dma_semaphore, #tpu.memory_space<semaphore_mem>>
        %dma_start3A_839 = arith.constant 0 : i32
        %dma_start3A_840 = arith.constant 0 : i32
        %dma_start3A_841 = tpu.memref_slice %arg7[%run_scoped3A_529, %dma_start3A_839, %dma_start3A_840] : memref<2x8x128xi32, #tpu.memory_space<vmem>> -> memref<1x8x128xi32, #tpu.memory_space<vmem>>
        %dma_start3A_842 = tpu.memref_squeeze %dma_start3A_841 : memref<1x8x128xi32, #tpu.memory_space<vmem>> -> memref<8x128xi32, #tpu.memory_space<vmem>>
        %dma_start3A_843 = arith.constant 0 : i32
        %dma_start3A_844 = tpu.memref_slice %dma_start3A_842[%run_scoped3A_530, %dma_start3A_843] : memref<8x128xi32, #tpu.memory_space<vmem>> -> memref<1x128xi32, #tpu.memory_space<vmem>>
        %dma_start3A_845 = tpu.memref_squeeze %dma_start3A_844 : memref<1x128xi32, #tpu.memory_space<vmem>> -> memref<128xi32, #tpu.memory_space<vmem>>
        %dma_start3A_846 = arith.constant 0 : i32
        %dma_start3A_847 = arith.constant 0 : i32
        %dma_start3A_848 = tpu.memref_slice %arg10[%dma_start3A_846, %dma_start3A_847] : memref<10112x128xf32, #tpu.memory_space<vmem_shared>> -> memref<10112x128xf32, #tpu.memory_space<vmem_shared>>
        tpu.enqueue_indirect_dma source(%arg8 : memref<128x128xf32, #tpu.memory_space<vmem>>) target(%dma_start3A_848 : memref<10112x128xf32, #tpu.memory_space<vmem_shared>>) offsets(%dma_start3A_845 : memref<128xi32, #tpu.memory_space<vmem>>) semaphore(%run_scoped3A_838 : memref<!tpu.dma_semaphore, #tpu.memory_space<semaphore_mem>>) {add = true}
        %dma_wait3A_849 = arith.constant 0 : i32
        %dma_wait3A_850 = arith.constant 0 : i32
        %dma_wait3A_851 = tpu.memref_slice %arg7[%run_scoped3A_529, %dma_wait3A_849, %dma_wait3A_850] : memref<2x8x128xi32, #tpu.memory_space<vmem>> -> memref<1x8x128xi32, #tpu.memory_space<vmem>>
        %dma_wait3A_852 = tpu.memref_squeeze %dma_wait3A_851 : memref<1x8x128xi32, #tpu.memory_space<vmem>> -> memref<8x128xi32, #tpu.memory_space<vmem>>
        %dma_wait3A_853 = arith.constant 0 : i32
        %dma_wait3A_854 = tpu.memref_slice %dma_wait3A_852[%run_scoped3A_530, %dma_wait3A_853] : memref<8x128xi32, #tpu.memory_space<vmem>> -> memref<1x128xi32, #tpu.memory_space<vmem>>
        %dma_wait3A_855 = tpu.memref_squeeze %dma_wait3A_854 : memref<1x128xi32, #tpu.memory_space<vmem>> -> memref<128xi32, #tpu.memory_space<vmem>>
        %dma_wait3A_856 = arith.constant 0 : i32
        %dma_wait3A_857 = arith.constant 0 : i32
        %dma_wait3A_858 = tpu.memref_slice %arg10[%dma_wait3A_856, %dma_wait3A_857] : memref<10112x128xf32, #tpu.memory_space<vmem_shared>> -> memref<10112x128xf32, #tpu.memory_space<vmem_shared>>
        tpu.wait_indirect_dma semaphore(%run_scoped3A_838 : memref<!tpu.dma_semaphore, #tpu.memory_space<semaphore_mem>>) src(%arg8 : memref<128x128xf32, #tpu.memory_space<vmem>>) dst(%dma_wait3A_858 : memref<10112x128xf32, #tpu.memory_space<vmem_shared>>)
        tpu.yield
      }) : () -> ()
      %dma_start3A_531 = arith.constant 0 : i32
      %dma_start3A_532 = arith.constant 2 : i32
      %dma_start3A_533 = arith.constant 0 : i32
      %dma_start3A_534 = arith.constant 0 : i32
      %dma_start3A_535 = tpu.memref_slice %arg8[%dma_start3A_533, %dma_start3A_534] : memref<128x128xf32, #tpu.memory_space<vmem>> -> memref<64x128xf32, #tpu.memory_space<vmem>>
      %dma_start3A_536 = arith.constant 0 : i32
      %dma_start3A_537 = arith.constant 0 : i32
      %dma_start3A_538 = tpu.memref_slice %arg7[%dma_start3A_531, %dma_start3A_536, %dma_start3A_537] : memref<2x8x128xi32, #tpu.memory_space<vmem>> -> memref<1x8x128xi32, #tpu.memory_space<vmem>>
      %dma_start3A_539 = tpu.memref_squeeze %dma_start3A_538 : memref<1x8x128xi32, #tpu.memory_space<vmem>> -> memref<8x128xi32, #tpu.memory_space<vmem>>
      %dma_start3A_540 = arith.constant 0 : i32
      %dma_start3A_541 = tpu.memref_slice %dma_start3A_539[%dma_start3A_532, %dma_start3A_540] : memref<8x128xi32, #tpu.memory_space<vmem>> -> memref<1x128xi32, #tpu.memory_space<vmem>>
      %dma_start3A_542 = tpu.memref_squeeze %dma_start3A_541 : memref<1x128xi32, #tpu.memory_space<vmem>> -> memref<128xi32, #tpu.memory_space<vmem>>
      %dma_start3A_543 = arith.constant 0 : i32
      %dma_start3A_544 = tpu.memref_slice %dma_start3A_542[%dma_start3A_543] : memref<128xi32, #tpu.memory_space<vmem>> -> memref<64xi32, #tpu.memory_space<vmem>>
      %dma_start3A_545 = arith.constant 0 : i32
      %dma_start3A_546 = arith.constant 0 : i32
      %dma_start3A_547 = tpu.memref_slice %arg2[%dma_start3A_545, %dma_start3A_546] : memref<10000x128xf32, #tpu.memory_space<hbm>> -> memref<10000x128xf32, #tpu.memory_space<hbm>>
      tpu.enqueue_indirect_dma source(%dma_start3A_547 : memref<10000x128xf32, #tpu.memory_space<hbm>>) target(%dma_start3A_535 : memref<64x128xf32, #tpu.memory_space<vmem>>) offsets(%dma_start3A_544 : memref<64xi32, #tpu.memory_space<vmem>>) semaphore(%arg13 : memref<!tpu.dma_semaphore, #tpu.memory_space<semaphore_mem>>)
      %dma_start3A_548 = arith.constant 0 : i32
      %dma_start3A_549 = arith.constant 2 : i32
      %dma_start3A_550 = arith.constant 64 : i32
      %dma_start3A_551 = arith.constant 0 : i32
      %dma_start3A_552 = tpu.memref_slice %arg8[%dma_start3A_550, %dma_start3A_551] : memref<128x128xf32, #tpu.memory_space<vmem>> -> memref<64x128xf32, #tpu.memory_space<vmem>>
      %dma_start3A_553 = arith.constant 0 : i32
      %dma_start3A_554 = arith.constant 0 : i32
      %dma_start3A_555 = tpu.memref_slice %arg7[%dma_start3A_548, %dma_start3A_553, %dma_start3A_554] : memref<2x8x128xi32, #tpu.memory_space<vmem>> -> memref<1x8x128xi32, #tpu.memory_space<vmem>>
      %dma_start3A_556 = tpu.memref_squeeze %dma_start3A_555 : memref<1x8x128xi32, #tpu.memory_space<vmem>> -> memref<8x128xi32, #tpu.memory_space<vmem>>
      %dma_start3A_557 = arith.constant 0 : i32
      %dma_start3A_558 = tpu.memref_slice %dma_start3A_556[%dma_start3A_549, %dma_start3A_557] : memref<8x128xi32, #tpu.memory_space<vmem>> -> memref<1x128xi32, #tpu.memory_space<vmem>>
      %dma_start3A_559 = tpu.memref_squeeze %dma_start3A_558 : memref<1x128xi32, #tpu.memory_space<vmem>> -> memref<128xi32, #tpu.memory_space<vmem>>
      %dma_start3A_560 = arith.constant 64 : i32
      %dma_start3A_561 = tpu.memref_slice %dma_start3A_559[%dma_start3A_560] : memref<128xi32, #tpu.memory_space<vmem>> -> memref<64xi32, #tpu.memory_space<vmem>>
      %dma_start3A_562 = arith.constant 0 : i32
      %dma_start3A_563 = arith.constant 0 : i32
      %dma_start3A_564 = tpu.memref_slice %arg2[%dma_start3A_562, %dma_start3A_563] : memref<10000x128xf32, #tpu.memory_space<hbm>> -> memref<10000x128xf32, #tpu.memory_space<hbm>>
      tpu.enqueue_indirect_dma source(%dma_start3A_564 : memref<10000x128xf32, #tpu.memory_space<hbm>>) target(%dma_start3A_552 : memref<64x128xf32, #tpu.memory_space<vmem>>) offsets(%dma_start3A_561 : memref<64xi32, #tpu.memory_space<vmem>>) semaphore(%arg13 : memref<!tpu.dma_semaphore, #tpu.memory_space<semaphore_mem>>)
      %dma_wait3A_565 = arith.constant 0 : i32
      %dma_wait3A_566 = arith.constant 1 : i32
      %dma_wait3A_567 = arith.constant 0 : i32
      %dma_wait3A_568 = arith.constant 0 : i32
      %dma_wait3A_569 = tpu.memref_slice %arg7[%dma_wait3A_565, %dma_wait3A_567, %dma_wait3A_568] : memref<2x8x128xi32, #tpu.memory_space<vmem>> -> memref<1x8x128xi32, #tpu.memory_space<vmem>>
      %dma_wait3A_570 = tpu.memref_squeeze %dma_wait3A_569 : memref<1x8x128xi32, #tpu.memory_space<vmem>> -> memref<8x128xi32, #tpu.memory_space<vmem>>
      %dma_wait3A_571 = arith.constant 0 : i32
      %dma_wait3A_572 = tpu.memref_slice %dma_wait3A_570[%dma_wait3A_566, %dma_wait3A_571] : memref<8x128xi32, #tpu.memory_space<vmem>> -> memref<1x128xi32, #tpu.memory_space<vmem>>
      %dma_wait3A_573 = tpu.memref_squeeze %dma_wait3A_572 : memref<1x128xi32, #tpu.memory_space<vmem>> -> memref<128xi32, #tpu.memory_space<vmem>>
      %dma_wait3A_574 = arith.constant 0 : i32
      %dma_wait3A_575 = arith.constant 0 : i32
      %dma_wait3A_576 = tpu.memref_slice %arg2[%dma_wait3A_574, %dma_wait3A_575] : memref<10000x128xf32, #tpu.memory_space<hbm>> -> memref<10000x128xf32, #tpu.memory_space<hbm>>
      tpu.wait_indirect_dma semaphore(%arg14 : memref<!tpu.dma_semaphore, #tpu.memory_space<semaphore_mem>>) src(%dma_wait3A_576 : memref<10000x128xf32, #tpu.memory_space<hbm>>) dst(%arg9 : memref<128x128xf32, #tpu.memory_space<vmem>>)
      %run_scoped3A_577 = arith.constant 1 : i32
      %run_scoped3A_578 = arith.constant 1 : i32
      "tpu.region"() ({
        %run_scoped3A_838 = tpu.sem_alloc : memref<!tpu.dma_semaphore, #tpu.memory_space<semaphore_mem>>
        %dma_start3A_839 = arith.constant 0 : i32
        %dma_start3A_840 = arith.constant 0 : i32
        %dma_start3A_841 = tpu.memref_slice %arg7[%run_scoped3A_577, %dma_start3A_839, %dma_start3A_840] : memref<2x8x128xi32, #tpu.memory_space<vmem>> -> memref<1x8x128xi32, #tpu.memory_space<vmem>>
        %dma_start3A_842 = tpu.memref_squeeze %dma_start3A_841 : memref<1x8x128xi32, #tpu.memory_space<vmem>> -> memref<8x128xi32, #tpu.memory_space<vmem>>
        %dma_start3A_843 = arith.constant 0 : i32
        %dma_start3A_844 = tpu.memref_slice %dma_start3A_842[%run_scoped3A_578, %dma_start3A_843] : memref<8x128xi32, #tpu.memory_space<vmem>> -> memref<1x128xi32, #tpu.memory_space<vmem>>
        %dma_start3A_845 = tpu.memref_squeeze %dma_start3A_844 : memref<1x128xi32, #tpu.memory_space<vmem>> -> memref<128xi32, #tpu.memory_space<vmem>>
        %dma_start3A_846 = arith.constant 0 : i32
        %dma_start3A_847 = arith.constant 0 : i32
        %dma_start3A_848 = tpu.memref_slice %arg10[%dma_start3A_846, %dma_start3A_847] : memref<10112x128xf32, #tpu.memory_space<vmem_shared>> -> memref<10112x128xf32, #tpu.memory_space<vmem_shared>>
        tpu.enqueue_indirect_dma source(%arg9 : memref<128x128xf32, #tpu.memory_space<vmem>>) target(%dma_start3A_848 : memref<10112x128xf32, #tpu.memory_space<vmem_shared>>) offsets(%dma_start3A_845 : memref<128xi32, #tpu.memory_space<vmem>>) semaphore(%run_scoped3A_838 : memref<!tpu.dma_semaphore, #tpu.memory_space<semaphore_mem>>) {add = true}
        %dma_wait3A_849 = arith.constant 0 : i32
        %dma_wait3A_850 = arith.constant 0 : i32
        %dma_wait3A_851 = tpu.memref_slice %arg7[%run_scoped3A_577, %dma_wait3A_849, %dma_wait3A_850] : memref<2x8x128xi32, #tpu.memory_space<vmem>> -> memref<1x8x128xi32, #tpu.memory_space<vmem>>
        %dma_wait3A_852 = tpu.memref_squeeze %dma_wait3A_851 : memref<1x8x128xi32, #tpu.memory_space<vmem>> -> memref<8x128xi32, #tpu.memory_space<vmem>>
        %dma_wait3A_853 = arith.constant 0 : i32
        %dma_wait3A_854 = tpu.memref_slice %dma_wait3A_852[%run_scoped3A_578, %dma_wait3A_853] : memref<8x128xi32, #tpu.memory_space<vmem>> -> memref<1x128xi32, #tpu.memory_space<vmem>>
        %dma_wait3A_855 = tpu.memref_squeeze %dma_wait3A_854 : memref<1x128xi32, #tpu.memory_space<vmem>> -> memref<128xi32, #tpu.memory_space<vmem>>
        %dma_wait3A_856 = arith.constant 0 : i32
        %dma_wait3A_857 = arith.constant 0 : i32
        %dma_wait3A_858 = tpu.memref_slice %arg10[%dma_wait3A_856, %dma_wait3A_857] : memref<10112x128xf32, #tpu.memory_space<vmem_shared>> -> memref<10112x128xf32, #tpu.memory_space<vmem_shared>>
        tpu.wait_indirect_dma semaphore(%run_scoped3A_838 : memref<!tpu.dma_semaphore, #tpu.memory_space<semaphore_mem>>) src(%arg9 : memref<128x128xf32, #tpu.memory_space<vmem>>) dst(%dma_wait3A_858 : memref<10112x128xf32, #tpu.memory_space<vmem_shared>>)
        tpu.yield
      }) : () -> ()
      %dma_start3A_579 = arith.constant 0 : i32
      %dma_start3A_580 = arith.constant 3 : i32
      %dma_start3A_581 = arith.constant 0 : i32
      %dma_start3A_582 = arith.constant 0 : i32
      %dma_start3A_583 = tpu.memref_slice %arg9[%dma_start3A_581, %dma_start3A_582] : memref<128x128xf32, #tpu.memory_space<vmem>> -> memref<64x128xf32, #tpu.memory_space<vmem>>
      %dma_start3A_584 = arith.constant 0 : i32
      %dma_start3A_585 = arith.constant 0 : i32
      %dma_start3A_586 = tpu.memref_slice %arg7[%dma_start3A_579, %dma_start3A_584, %dma_start3A_585] : memref<2x8x128xi32, #tpu.memory_space<vmem>> -> memref<1x8x128xi32, #tpu.memory_space<vmem>>
      %dma_start3A_587 = tpu.memref_squeeze %dma_start3A_586 : memref<1x8x128xi32, #tpu.memory_space<vmem>> -> memref<8x128xi32, #tpu.memory_space<vmem>>
      %dma_start3A_588 = arith.constant 0 : i32
      %dma_start3A_589 = tpu.memref_slice %dma_start3A_587[%dma_start3A_580, %dma_start3A_588] : memref<8x128xi32, #tpu.memory_space<vmem>> -> memref<1x128xi32, #tpu.memory_space<vmem>>
      %dma_start3A_590 = tpu.memref_squeeze %dma_start3A_589 : memref<1x128xi32, #tpu.memory_space<vmem>> -> memref<128xi32, #tpu.memory_space<vmem>>
      %dma_start3A_591 = arith.constant 0 : i32
      %dma_start3A_592 = tpu.memref_slice %dma_start3A_590[%dma_start3A_591] : memref<128xi32, #tpu.memory_space<vmem>> -> memref<64xi32, #tpu.memory_space<vmem>>
      %dma_start3A_593 = arith.constant 0 : i32
      %dma_start3A_594 = arith.constant 0 : i32
      %dma_start3A_595 = tpu.memref_slice %arg2[%dma_start3A_593, %dma_start3A_594] : memref<10000x128xf32, #tpu.memory_space<hbm>> -> memref<10000x128xf32, #tpu.memory_space<hbm>>
      tpu.enqueue_indirect_dma source(%dma_start3A_595 : memref<10000x128xf32, #tpu.memory_space<hbm>>) target(%dma_start3A_583 : memref<64x128xf32, #tpu.memory_space<vmem>>) offsets(%dma_start3A_592 : memref<64xi32, #tpu.memory_space<vmem>>) semaphore(%arg14 : memref<!tpu.dma_semaphore, #tpu.memory_space<semaphore_mem>>)
      %dma_start3A_596 = arith.constant 0 : i32
      %dma_start3A_597 = arith.constant 3 : i32
      %dma_start3A_598 = arith.constant 64 : i32
      %dma_start3A_599 = arith.constant 0 : i32
      %dma_start3A_600 = tpu.memref_slice %arg9[%dma_start3A_598, %dma_start3A_599] : memref<128x128xf32, #tpu.memory_space<vmem>> -> memref<64x128xf32, #tpu.memory_space<vmem>>
      %dma_start3A_601 = arith.constant 0 : i32
      %dma_start3A_602 = arith.constant 0 : i32
      %dma_start3A_603 = tpu.memref_slice %arg7[%dma_start3A_596, %dma_start3A_601, %dma_start3A_602] : memref<2x8x128xi32, #tpu.memory_space<vmem>> -> memref<1x8x128xi32, #tpu.memory_space<vmem>>
      %dma_start3A_604 = tpu.memref_squeeze %dma_start3A_603 : memref<1x8x128xi32, #tpu.memory_space<vmem>> -> memref<8x128xi32, #tpu.memory_space<vmem>>
      %dma_start3A_605 = arith.constant 0 : i32
      %dma_start3A_606 = tpu.memref_slice %dma_start3A_604[%dma_start3A_597, %dma_start3A_605] : memref<8x128xi32, #tpu.memory_space<vmem>> -> memref<1x128xi32, #tpu.memory_space<vmem>>
      %dma_start3A_607 = tpu.memref_squeeze %dma_start3A_606 : memref<1x128xi32, #tpu.memory_space<vmem>> -> memref<128xi32, #tpu.memory_space<vmem>>
      %dma_start3A_608 = arith.constant 64 : i32
      %dma_start3A_609 = tpu.memref_slice %dma_start3A_607[%dma_start3A_608] : memref<128xi32, #tpu.memory_space<vmem>> -> memref<64xi32, #tpu.memory_space<vmem>>
      %dma_start3A_610 = arith.constant 0 : i32
      %dma_start3A_611 = arith.constant 0 : i32
      %dma_start3A_612 = tpu.memref_slice %arg2[%dma_start3A_610, %dma_start3A_611] : memref<10000x128xf32, #tpu.memory_space<hbm>> -> memref<10000x128xf32, #tpu.memory_space<hbm>>
      tpu.enqueue_indirect_dma source(%dma_start3A_612 : memref<10000x128xf32, #tpu.memory_space<hbm>>) target(%dma_start3A_600 : memref<64x128xf32, #tpu.memory_space<vmem>>) offsets(%dma_start3A_609 : memref<64xi32, #tpu.memory_space<vmem>>) semaphore(%arg14 : memref<!tpu.dma_semaphore, #tpu.memory_space<semaphore_mem>>)
      %dma_wait3A_613 = arith.constant 0 : i32
      %dma_wait3A_614 = arith.constant 2 : i32
      %dma_wait3A_615 = arith.constant 0 : i32
      %dma_wait3A_616 = arith.constant 0 : i32
      %dma_wait3A_617 = tpu.memref_slice %arg7[%dma_wait3A_613, %dma_wait3A_615, %dma_wait3A_616] : memref<2x8x128xi32, #tpu.memory_space<vmem>> -> memref<1x8x128xi32, #tpu.memory_space<vmem>>
      %dma_wait3A_618 = tpu.memref_squeeze %dma_wait3A_617 : memref<1x8x128xi32, #tpu.memory_space<vmem>> -> memref<8x128xi32, #tpu.memory_space<vmem>>
      %dma_wait3A_619 = arith.constant 0 : i32
      %dma_wait3A_620 = tpu.memref_slice %dma_wait3A_618[%dma_wait3A_614, %dma_wait3A_619] : memref<8x128xi32, #tpu.memory_space<vmem>> -> memref<1x128xi32, #tpu.memory_space<vmem>>
      %dma_wait3A_621 = tpu.memref_squeeze %dma_wait3A_620 : memref<1x128xi32, #tpu.memory_space<vmem>> -> memref<128xi32, #tpu.memory_space<vmem>>
      %dma_wait3A_622 = arith.constant 0 : i32
      %dma_wait3A_623 = arith.constant 0 : i32
      %dma_wait3A_624 = tpu.memref_slice %arg2[%dma_wait3A_622, %dma_wait3A_623] : memref<10000x128xf32, #tpu.memory_space<hbm>> -> memref<10000x128xf32, #tpu.memory_space<hbm>>
      tpu.wait_indirect_dma semaphore(%arg13 : memref<!tpu.dma_semaphore, #tpu.memory_space<semaphore_mem>>) src(%dma_wait3A_624 : memref<10000x128xf32, #tpu.memory_space<hbm>>) dst(%arg8 : memref<128x128xf32, #tpu.memory_space<vmem>>)
      %run_scoped3A_625 = arith.constant 1 : i32
      %run_scoped3A_626 = arith.constant 2 : i32
      "tpu.region"() ({
        %run_scoped3A_838 = tpu.sem_alloc : memref<!tpu.dma_semaphore, #tpu.memory_space<semaphore_mem>>
        %dma_start3A_839 = arith.constant 0 : i32
        %dma_start3A_840 = arith.constant 0 : i32
        %dma_start3A_841 = tpu.memref_slice %arg7[%run_scoped3A_625, %dma_start3A_839, %dma_start3A_840] : memref<2x8x128xi32, #tpu.memory_space<vmem>> -> memref<1x8x128xi32, #tpu.memory_space<vmem>>
        %dma_start3A_842 = tpu.memref_squeeze %dma_start3A_841 : memref<1x8x128xi32, #tpu.memory_space<vmem>> -> memref<8x128xi32, #tpu.memory_space<vmem>>
        %dma_start3A_843 = arith.constant 0 : i32
        %dma_start3A_844 = tpu.memref_slice %dma_start3A_842[%run_scoped3A_626, %dma_start3A_843] : memref<8x128xi32, #tpu.memory_space<vmem>> -> memref<1x128xi32, #tpu.memory_space<vmem>>
        %dma_start3A_845 = tpu.memref_squeeze %dma_start3A_844 : memref<1x128xi32, #tpu.memory_space<vmem>> -> memref<128xi32, #tpu.memory_space<vmem>>
        %dma_start3A_846 = arith.constant 0 : i32
        %dma_start3A_847 = arith.constant 0 : i32
        %dma_start3A_848 = tpu.memref_slice %arg10[%dma_start3A_846, %dma_start3A_847] : memref<10112x128xf32, #tpu.memory_space<vmem_shared>> -> memref<10112x128xf32, #tpu.memory_space<vmem_shared>>
        tpu.enqueue_indirect_dma source(%arg8 : memref<128x128xf32, #tpu.memory_space<vmem>>) target(%dma_start3A_848 : memref<10112x128xf32, #tpu.memory_space<vmem_shared>>) offsets(%dma_start3A_845 : memref<128xi32, #tpu.memory_space<vmem>>) semaphore(%run_scoped3A_838 : memref<!tpu.dma_semaphore, #tpu.memory_space<semaphore_mem>>) {add = true}
        %dma_wait3A_849 = arith.constant 0 : i32
        %dma_wait3A_850 = arith.constant 0 : i32
        %dma_wait3A_851 = tpu.memref_slice %arg7[%run_scoped3A_625, %dma_wait3A_849, %dma_wait3A_850] : memref<2x8x128xi32, #tpu.memory_space<vmem>> -> memref<1x8x128xi32, #tpu.memory_space<vmem>>
        %dma_wait3A_852 = tpu.memref_squeeze %dma_wait3A_851 : memref<1x8x128xi32, #tpu.memory_space<vmem>> -> memref<8x128xi32, #tpu.memory_space<vmem>>
        %dma_wait3A_853 = arith.constant 0 : i32
        %dma_wait3A_854 = tpu.memref_slice %dma_wait3A_852[%run_scoped3A_626, %dma_wait3A_853] : memref<8x128xi32, #tpu.memory_space<vmem>> -> memref<1x128xi32, #tpu.memory_space<vmem>>
        %dma_wait3A_855 = tpu.memref_squeeze %dma_wait3A_854 : memref<1x128xi32, #tpu.memory_space<vmem>> -> memref<128xi32, #tpu.memory_space<vmem>>
        %dma_wait3A_856 = arith.constant 0 : i32
        %dma_wait3A_857 = arith.constant 0 : i32
        %dma_wait3A_858 = tpu.memref_slice %arg10[%dma_wait3A_856, %dma_wait3A_857] : memref<10112x128xf32, #tpu.memory_space<vmem_shared>> -> memref<10112x128xf32, #tpu.memory_space<vmem_shared>>
        tpu.wait_indirect_dma semaphore(%run_scoped3A_838 : memref<!tpu.dma_semaphore, #tpu.memory_space<semaphore_mem>>) src(%arg8 : memref<128x128xf32, #tpu.memory_space<vmem>>) dst(%dma_wait3A_858 : memref<10112x128xf32, #tpu.memory_space<vmem_shared>>)
        tpu.yield
      }) : () -> ()
      %dma_start3A_627 = arith.constant 0 : i32
      %dma_start3A_628 = arith.constant 4 : i32
      %dma_start3A_629 = arith.constant 0 : i32
      %dma_start3A_630 = arith.constant 0 : i32
      %dma_start3A_631 = tpu.memref_slice %arg8[%dma_start3A_629, %dma_start3A_630] : memref<128x128xf32, #tpu.memory_space<vmem>> -> memref<64x128xf32, #tpu.memory_space<vmem>>
      %dma_start3A_632 = arith.constant 0 : i32
      %dma_start3A_633 = arith.constant 0 : i32
      %dma_start3A_634 = tpu.memref_slice %arg7[%dma_start3A_627, %dma_start3A_632, %dma_start3A_633] : memref<2x8x128xi32, #tpu.memory_space<vmem>> -> memref<1x8x128xi32, #tpu.memory_space<vmem>>
      %dma_start3A_635 = tpu.memref_squeeze %dma_start3A_634 : memref<1x8x128xi32, #tpu.memory_space<vmem>> -> memref<8x128xi32, #tpu.memory_space<vmem>>
      %dma_start3A_636 = arith.constant 0 : i32
      %dma_start3A_637 = tpu.memref_slice %dma_start3A_635[%dma_start3A_628, %dma_start3A_636] : memref<8x128xi32, #tpu.memory_space<vmem>> -> memref<1x128xi32, #tpu.memory_space<vmem>>
      %dma_start3A_638 = tpu.memref_squeeze %dma_start3A_637 : memref<1x128xi32, #tpu.memory_space<vmem>> -> memref<128xi32, #tpu.memory_space<vmem>>
      %dma_start3A_639 = arith.constant 0 : i32
      %dma_start3A_640 = tpu.memref_slice %dma_start3A_638[%dma_start3A_639] : memref<128xi32, #tpu.memory_space<vmem>> -> memref<64xi32, #tpu.memory_space<vmem>>
      %dma_start3A_641 = arith.constant 0 : i32
      %dma_start3A_642 = arith.constant 0 : i32
      %dma_start3A_643 = tpu.memref_slice %arg2[%dma_start3A_641, %dma_start3A_642] : memref<10000x128xf32, #tpu.memory_space<hbm>> -> memref<10000x128xf32, #tpu.memory_space<hbm>>
      tpu.enqueue_indirect_dma source(%dma_start3A_643 : memref<10000x128xf32, #tpu.memory_space<hbm>>) target(%dma_start3A_631 : memref<64x128xf32, #tpu.memory_space<vmem>>) offsets(%dma_start3A_640 : memref<64xi32, #tpu.memory_space<vmem>>) semaphore(%arg13 : memref<!tpu.dma_semaphore, #tpu.memory_space<semaphore_mem>>)
      %dma_start3A_644 = arith.constant 0 : i32
      %dma_start3A_645 = arith.constant 4 : i32
      %dma_start3A_646 = arith.constant 64 : i32
      %dma_start3A_647 = arith.constant 0 : i32
      %dma_start3A_648 = tpu.memref_slice %arg8[%dma_start3A_646, %dma_start3A_647] : memref<128x128xf32, #tpu.memory_space<vmem>> -> memref<64x128xf32, #tpu.memory_space<vmem>>
      %dma_start3A_649 = arith.constant 0 : i32
      %dma_start3A_650 = arith.constant 0 : i32
      %dma_start3A_651 = tpu.memref_slice %arg7[%dma_start3A_644, %dma_start3A_649, %dma_start3A_650] : memref<2x8x128xi32, #tpu.memory_space<vmem>> -> memref<1x8x128xi32, #tpu.memory_space<vmem>>
      %dma_start3A_652 = tpu.memref_squeeze %dma_start3A_651 : memref<1x8x128xi32, #tpu.memory_space<vmem>> -> memref<8x128xi32, #tpu.memory_space<vmem>>
      %dma_start3A_653 = arith.constant 0 : i32
      %dma_start3A_654 = tpu.memref_slice %dma_start3A_652[%dma_start3A_645, %dma_start3A_653] : memref<8x128xi32, #tpu.memory_space<vmem>> -> memref<1x128xi32, #tpu.memory_space<vmem>>
      %dma_start3A_655 = tpu.memref_squeeze %dma_start3A_654 : memref<1x128xi32, #tpu.memory_space<vmem>> -> memref<128xi32, #tpu.memory_space<vmem>>
      %dma_start3A_656 = arith.constant 64 : i32
      %dma_start3A_657 = tpu.memref_slice %dma_start3A_655[%dma_start3A_656] : memref<128xi32, #tpu.memory_space<vmem>> -> memref<64xi32, #tpu.memory_space<vmem>>
      %dma_start3A_658 = arith.constant 0 : i32
      %dma_start3A_659 = arith.constant 0 : i32
      %dma_start3A_660 = tpu.memref_slice %arg2[%dma_start3A_658, %dma_start3A_659] : memref<10000x128xf32, #tpu.memory_space<hbm>> -> memref<10000x128xf32, #tpu.memory_space<hbm>>
      tpu.enqueue_indirect_dma source(%dma_start3A_660 : memref<10000x128xf32, #tpu.memory_space<hbm>>) target(%dma_start3A_648 : memref<64x128xf32, #tpu.memory_space<vmem>>) offsets(%dma_start3A_657 : memref<64xi32, #tpu.memory_space<vmem>>) semaphore(%arg13 : memref<!tpu.dma_semaphore, #tpu.memory_space<semaphore_mem>>)
      %dma_wait3A_661 = arith.constant 0 : i32
      %dma_wait3A_662 = arith.constant 3 : i32
      %dma_wait3A_663 = arith.constant 0 : i32
      %dma_wait3A_664 = arith.constant 0 : i32
      %dma_wait3A_665 = tpu.memref_slice %arg7[%dma_wait3A_661, %dma_wait3A_663, %dma_wait3A_664] : memref<2x8x128xi32, #tpu.memory_space<vmem>> -> memref<1x8x128xi32, #tpu.memory_space<vmem>>
      %dma_wait3A_666 = tpu.memref_squeeze %dma_wait3A_665 : memref<1x8x128xi32, #tpu.memory_space<vmem>> -> memref<8x128xi32, #tpu.memory_space<vmem>>
      %dma_wait3A_667 = arith.constant 0 : i32
      %dma_wait3A_668 = tpu.memref_slice %dma_wait3A_666[%dma_wait3A_662, %dma_wait3A_667] : memref<8x128xi32, #tpu.memory_space<vmem>> -> memref<1x128xi32, #tpu.memory_space<vmem>>
      %dma_wait3A_669 = tpu.memref_squeeze %dma_wait3A_668 : memref<1x128xi32, #tpu.memory_space<vmem>> -> memref<128xi32, #tpu.memory_space<vmem>>
      %dma_wait3A_670 = arith.constant 0 : i32
      %dma_wait3A_671 = arith.constant 0 : i32
      %dma_wait3A_672 = tpu.memref_slice %arg2[%dma_wait3A_670, %dma_wait3A_671] : memref<10000x128xf32, #tpu.memory_space<hbm>> -> memref<10000x128xf32, #tpu.memory_space<hbm>>
      tpu.wait_indirect_dma semaphore(%arg14 : memref<!tpu.dma_semaphore, #tpu.memory_space<semaphore_mem>>) src(%dma_wait3A_672 : memref<10000x128xf32, #tpu.memory_space<hbm>>) dst(%arg9 : memref<128x128xf32, #tpu.memory_space<vmem>>)
      %run_scoped3A_673 = arith.constant 1 : i32
      %run_scoped3A_674 = arith.constant 3 : i32
      "tpu.region"() ({
        %run_scoped3A_838 = tpu.sem_alloc : memref<!tpu.dma_semaphore, #tpu.memory_space<semaphore_mem>>
        %dma_start3A_839 = arith.constant 0 : i32
        %dma_start3A_840 = arith.constant 0 : i32
        %dma_start3A_841 = tpu.memref_slice %arg7[%run_scoped3A_673, %dma_start3A_839, %dma_start3A_840] : memref<2x8x128xi32, #tpu.memory_space<vmem>> -> memref<1x8x128xi32, #tpu.memory_space<vmem>>
        %dma_start3A_842 = tpu.memref_squeeze %dma_start3A_841 : memref<1x8x128xi32, #tpu.memory_space<vmem>> -> memref<8x128xi32, #tpu.memory_space<vmem>>
        %dma_start3A_843 = arith.constant 0 : i32
        %dma_start3A_844 = tpu.memref_slice %dma_start3A_842[%run_scoped3A_674, %dma_start3A_843] : memref<8x128xi32, #tpu.memory_space<vmem>> -> memref<1x128xi32, #tpu.memory_space<vmem>>
        %dma_start3A_845 = tpu.memref_squeeze %dma_start3A_844 : memref<1x128xi32, #tpu.memory_space<vmem>> -> memref<128xi32, #tpu.memory_space<vmem>>
        %dma_start3A_846 = arith.constant 0 : i32
        %dma_start3A_847 = arith.constant 0 : i32
        %dma_start3A_848 = tpu.memref_slice %arg10[%dma_start3A_846, %dma_start3A_847] : memref<10112x128xf32, #tpu.memory_space<vmem_shared>> -> memref<10112x128xf32, #tpu.memory_space<vmem_shared>>
        tpu.enqueue_indirect_dma source(%arg9 : memref<128x128xf32, #tpu.memory_space<vmem>>) target(%dma_start3A_848 : memref<10112x128xf32, #tpu.memory_space<vmem_shared>>) offsets(%dma_start3A_845 : memref<128xi32, #tpu.memory_space<vmem>>) semaphore(%run_scoped3A_838 : memref<!tpu.dma_semaphore, #tpu.memory_space<semaphore_mem>>) {add = true}
        %dma_wait3A_849 = arith.constant 0 : i32
        %dma_wait3A_850 = arith.constant 0 : i32
        %dma_wait3A_851 = tpu.memref_slice %arg7[%run_scoped3A_673, %dma_wait3A_849, %dma_wait3A_850] : memref<2x8x128xi32, #tpu.memory_space<vmem>> -> memref<1x8x128xi32, #tpu.memory_space<vmem>>
        %dma_wait3A_852 = tpu.memref_squeeze %dma_wait3A_851 : memref<1x8x128xi32, #tpu.memory_space<vmem>> -> memref<8x128xi32, #tpu.memory_space<vmem>>
        %dma_wait3A_853 = arith.constant 0 : i32
        %dma_wait3A_854 = tpu.memref_slice %dma_wait3A_852[%run_scoped3A_674, %dma_wait3A_853] : memref<8x128xi32, #tpu.memory_space<vmem>> -> memref<1x128xi32, #tpu.memory_space<vmem>>
        %dma_wait3A_855 = tpu.memref_squeeze %dma_wait3A_854 : memref<1x128xi32, #tpu.memory_space<vmem>> -> memref<128xi32, #tpu.memory_space<vmem>>
        %dma_wait3A_856 = arith.constant 0 : i32
        %dma_wait3A_857 = arith.constant 0 : i32
        %dma_wait3A_858 = tpu.memref_slice %arg10[%dma_wait3A_856, %dma_wait3A_857] : memref<10112x128xf32, #tpu.memory_space<vmem_shared>> -> memref<10112x128xf32, #tpu.memory_space<vmem_shared>>
        tpu.wait_indirect_dma semaphore(%run_scoped3A_838 : memref<!tpu.dma_semaphore, #tpu.memory_space<semaphore_mem>>) src(%arg9 : memref<128x128xf32, #tpu.memory_space<vmem>>) dst(%dma_wait3A_858 : memref<10112x128xf32, #tpu.memory_space<vmem_shared>>)
        tpu.yield
      }) : () -> ()
      %dma_start3A_675 = arith.constant 0 : i32
      %dma_start3A_676 = arith.constant 5 : i32
      %dma_start3A_677 = arith.constant 0 : i32
      %dma_start3A_678 = arith.constant 0 : i32
      %dma_start3A_679 = tpu.memref_slice %arg9[%dma_start3A_677, %dma_start3A_678] : memref<128x128xf32, #tpu.memory_space<vmem>> -> memref<64x128xf32, #tpu.memory_space<vmem>>
      %dma_start3A_680 = arith.constant 0 : i32
      %dma_start3A_681 = arith.constant 0 : i32
      %dma_start3A_682 = tpu.memref_slice %arg7[%dma_start3A_675, %dma_start3A_680, %dma_start3A_681] : memref<2x8x128xi32, #tpu.memory_space<vmem>> -> memref<1x8x128xi32, #tpu.memory_space<vmem>>
      %dma_start3A_683 = tpu.memref_squeeze %dma_start3A_682 : memref<1x8x128xi32, #tpu.memory_space<vmem>> -> memref<8x128xi32, #tpu.memory_space<vmem>>
      %dma_start3A_684 = arith.constant 0 : i32
      %dma_start3A_685 = tpu.memref_slice %dma_start3A_683[%dma_start3A_676, %dma_start3A_684] : memref<8x128xi32, #tpu.memory_space<vmem>> -> memref<1x128xi32, #tpu.memory_space<vmem>>
      %dma_start3A_686 = tpu.memref_squeeze %dma_start3A_685 : memref<1x128xi32, #tpu.memory_space<vmem>> -> memref<128xi32, #tpu.memory_space<vmem>>
      %dma_start3A_687 = arith.constant 0 : i32
      %dma_start3A_688 = tpu.memref_slice %dma_start3A_686[%dma_start3A_687] : memref<128xi32, #tpu.memory_space<vmem>> -> memref<64xi32, #tpu.memory_space<vmem>>
      %dma_start3A_689 = arith.constant 0 : i32
      %dma_start3A_690 = arith.constant 0 : i32
      %dma_start3A_691 = tpu.memref_slice %arg2[%dma_start3A_689, %dma_start3A_690] : memref<10000x128xf32, #tpu.memory_space<hbm>> -> memref<10000x128xf32, #tpu.memory_space<hbm>>
      tpu.enqueue_indirect_dma source(%dma_start3A_691 : memref<10000x128xf32, #tpu.memory_space<hbm>>) target(%dma_start3A_679 : memref<64x128xf32, #tpu.memory_space<vmem>>) offsets(%dma_start3A_688 : memref<64xi32, #tpu.memory_space<vmem>>) semaphore(%arg14 : memref<!tpu.dma_semaphore, #tpu.memory_space<semaphore_mem>>)
      %dma_start3A_692 = arith.constant 0 : i32
      %dma_start3A_693 = arith.constant 5 : i32
      %dma_start3A_694 = arith.constant 64 : i32
      %dma_start3A_695 = arith.constant 0 : i32
      %dma_start3A_696 = tpu.memref_slice %arg9[%dma_start3A_694, %dma_start3A_695] : memref<128x128xf32, #tpu.memory_space<vmem>> -> memref<64x128xf32, #tpu.memory_space<vmem>>
      %dma_start3A_697 = arith.constant 0 : i32
      %dma_start3A_698 = arith.constant 0 : i32
      %dma_start3A_699 = tpu.memref_slice %arg7[%dma_start3A_692, %dma_start3A_697, %dma_start3A_698] : memref<2x8x128xi32, #tpu.memory_space<vmem>> -> memref<1x8x128xi32, #tpu.memory_space<vmem>>
      %dma_start3A_700 = tpu.memref_squeeze %dma_start3A_699 : memref<1x8x128xi32, #tpu.memory_space<vmem>> -> memref<8x128xi32, #tpu.memory_space<vmem>>
      %dma_start3A_701 = arith.constant 0 : i32
      %dma_start3A_702 = tpu.memref_slice %dma_start3A_700[%dma_start3A_693, %dma_start3A_701] : memref<8x128xi32, #tpu.memory_space<vmem>> -> memref<1x128xi32, #tpu.memory_space<vmem>>
      %dma_start3A_703 = tpu.memref_squeeze %dma_start3A_702 : memref<1x128xi32, #tpu.memory_space<vmem>> -> memref<128xi32, #tpu.memory_space<vmem>>
      %dma_start3A_704 = arith.constant 64 : i32
      %dma_start3A_705 = tpu.memref_slice %dma_start3A_703[%dma_start3A_704] : memref<128xi32, #tpu.memory_space<vmem>> -> memref<64xi32, #tpu.memory_space<vmem>>
      %dma_start3A_706 = arith.constant 0 : i32
      %dma_start3A_707 = arith.constant 0 : i32
      %dma_start3A_708 = tpu.memref_slice %arg2[%dma_start3A_706, %dma_start3A_707] : memref<10000x128xf32, #tpu.memory_space<hbm>> -> memref<10000x128xf32, #tpu.memory_space<hbm>>
      tpu.enqueue_indirect_dma source(%dma_start3A_708 : memref<10000x128xf32, #tpu.memory_space<hbm>>) target(%dma_start3A_696 : memref<64x128xf32, #tpu.memory_space<vmem>>) offsets(%dma_start3A_705 : memref<64xi32, #tpu.memory_space<vmem>>) semaphore(%arg14 : memref<!tpu.dma_semaphore, #tpu.memory_space<semaphore_mem>>)
      %dma_wait3A_709 = arith.constant 0 : i32
      %dma_wait3A_710 = arith.constant 4 : i32
      %dma_wait3A_711 = arith.constant 0 : i32
      %dma_wait3A_712 = arith.constant 0 : i32
      %dma_wait3A_713 = tpu.memref_slice %arg7[%dma_wait3A_709, %dma_wait3A_711, %dma_wait3A_712] : memref<2x8x128xi32, #tpu.memory_space<vmem>> -> memref<1x8x128xi32, #tpu.memory_space<vmem>>
      %dma_wait3A_714 = tpu.memref_squeeze %dma_wait3A_713 : memref<1x8x128xi32, #tpu.memory_space<vmem>> -> memref<8x128xi32, #tpu.memory_space<vmem>>
      %dma_wait3A_715 = arith.constant 0 : i32
      %dma_wait3A_716 = tpu.memref_slice %dma_wait3A_714[%dma_wait3A_710, %dma_wait3A_715] : memref<8x128xi32, #tpu.memory_space<vmem>> -> memref<1x128xi32, #tpu.memory_space<vmem>>
      %dma_wait3A_717 = tpu.memref_squeeze %dma_wait3A_716 : memref<1x128xi32, #tpu.memory_space<vmem>> -> memref<128xi32, #tpu.memory_space<vmem>>
      %dma_wait3A_718 = arith.constant 0 : i32
      %dma_wait3A_719 = arith.constant 0 : i32
      %dma_wait3A_720 = tpu.memref_slice %arg2[%dma_wait3A_718, %dma_wait3A_719] : memref<10000x128xf32, #tpu.memory_space<hbm>> -> memref<10000x128xf32, #tpu.memory_space<hbm>>
      tpu.wait_indirect_dma semaphore(%arg13 : memref<!tpu.dma_semaphore, #tpu.memory_space<semaphore_mem>>) src(%dma_wait3A_720 : memref<10000x128xf32, #tpu.memory_space<hbm>>) dst(%arg8 : memref<128x128xf32, #tpu.memory_space<vmem>>)
      %run_scoped3A_721 = arith.constant 1 : i32
      %run_scoped3A_722 = arith.constant 4 : i32
      "tpu.region"() ({
        %run_scoped3A_838 = tpu.sem_alloc : memref<!tpu.dma_semaphore, #tpu.memory_space<semaphore_mem>>
        %dma_start3A_839 = arith.constant 0 : i32
        %dma_start3A_840 = arith.constant 0 : i32
        %dma_start3A_841 = tpu.memref_slice %arg7[%run_scoped3A_721, %dma_start3A_839, %dma_start3A_840] : memref<2x8x128xi32, #tpu.memory_space<vmem>> -> memref<1x8x128xi32, #tpu.memory_space<vmem>>
        %dma_start3A_842 = tpu.memref_squeeze %dma_start3A_841 : memref<1x8x128xi32, #tpu.memory_space<vmem>> -> memref<8x128xi32, #tpu.memory_space<vmem>>
        %dma_start3A_843 = arith.constant 0 : i32
        %dma_start3A_844 = tpu.memref_slice %dma_start3A_842[%run_scoped3A_722, %dma_start3A_843] : memref<8x128xi32, #tpu.memory_space<vmem>> -> memref<1x128xi32, #tpu.memory_space<vmem>>
        %dma_start3A_845 = tpu.memref_squeeze %dma_start3A_844 : memref<1x128xi32, #tpu.memory_space<vmem>> -> memref<128xi32, #tpu.memory_space<vmem>>
        %dma_start3A_846 = arith.constant 0 : i32
        %dma_start3A_847 = arith.constant 0 : i32
        %dma_start3A_848 = tpu.memref_slice %arg10[%dma_start3A_846, %dma_start3A_847] : memref<10112x128xf32, #tpu.memory_space<vmem_shared>> -> memref<10112x128xf32, #tpu.memory_space<vmem_shared>>
        tpu.enqueue_indirect_dma source(%arg8 : memref<128x128xf32, #tpu.memory_space<vmem>>) target(%dma_start3A_848 : memref<10112x128xf32, #tpu.memory_space<vmem_shared>>) offsets(%dma_start3A_845 : memref<128xi32, #tpu.memory_space<vmem>>) semaphore(%run_scoped3A_838 : memref<!tpu.dma_semaphore, #tpu.memory_space<semaphore_mem>>) {add = true}
        %dma_wait3A_849 = arith.constant 0 : i32
        %dma_wait3A_850 = arith.constant 0 : i32
        %dma_wait3A_851 = tpu.memref_slice %arg7[%run_scoped3A_721, %dma_wait3A_849, %dma_wait3A_850] : memref<2x8x128xi32, #tpu.memory_space<vmem>> -> memref<1x8x128xi32, #tpu.memory_space<vmem>>
        %dma_wait3A_852 = tpu.memref_squeeze %dma_wait3A_851 : memref<1x8x128xi32, #tpu.memory_space<vmem>> -> memref<8x128xi32, #tpu.memory_space<vmem>>
        %dma_wait3A_853 = arith.constant 0 : i32
        %dma_wait3A_854 = tpu.memref_slice %dma_wait3A_852[%run_scoped3A_722, %dma_wait3A_853] : memref<8x128xi32, #tpu.memory_space<vmem>> -> memref<1x128xi32, #tpu.memory_space<vmem>>
        %dma_wait3A_855 = tpu.memref_squeeze %dma_wait3A_854 : memref<1x128xi32, #tpu.memory_space<vmem>> -> memref<128xi32, #tpu.memory_space<vmem>>
        %dma_wait3A_856 = arith.constant 0 : i32
        %dma_wait3A_857 = arith.constant 0 : i32
        %dma_wait3A_858 = tpu.memref_slice %arg10[%dma_wait3A_856, %dma_wait3A_857] : memref<10112x128xf32, #tpu.memory_space<vmem_shared>> -> memref<10112x128xf32, #tpu.memory_space<vmem_shared>>
        tpu.wait_indirect_dma semaphore(%run_scoped3A_838 : memref<!tpu.dma_semaphore, #tpu.memory_space<semaphore_mem>>) src(%arg8 : memref<128x128xf32, #tpu.memory_space<vmem>>) dst(%dma_wait3A_858 : memref<10112x128xf32, #tpu.memory_space<vmem_shared>>)
        tpu.yield
      }) : () -> ()
      %dma_start3A_723 = arith.constant 0 : i32
      %dma_start3A_724 = arith.constant 6 : i32
      %dma_start3A_725 = arith.constant 0 : i32
      %dma_start3A_726 = arith.constant 0 : i32
      %dma_start3A_727 = tpu.memref_slice %arg8[%dma_start3A_725, %dma_start3A_726] : memref<128x128xf32, #tpu.memory_space<vmem>> -> memref<64x128xf32, #tpu.memory_space<vmem>>
      %dma_start3A_728 = arith.constant 0 : i32
      %dma_start3A_729 = arith.constant 0 : i32
      %dma_start3A_730 = tpu.memref_slice %arg7[%dma_start3A_723, %dma_start3A_728, %dma_start3A_729] : memref<2x8x128xi32, #tpu.memory_space<vmem>> -> memref<1x8x128xi32, #tpu.memory_space<vmem>>
      %dma_start3A_731 = tpu.memref_squeeze %dma_start3A_730 : memref<1x8x128xi32, #tpu.memory_space<vmem>> -> memref<8x128xi32, #tpu.memory_space<vmem>>
      %dma_start3A_732 = arith.constant 0 : i32
      %dma_start3A_733 = tpu.memref_slice %dma_start3A_731[%dma_start3A_724, %dma_start3A_732] : memref<8x128xi32, #tpu.memory_space<vmem>> -> memref<1x128xi32, #tpu.memory_space<vmem>>
      %dma_start3A_734 = tpu.memref_squeeze %dma_start3A_733 : memref<1x128xi32, #tpu.memory_space<vmem>> -> memref<128xi32, #tpu.memory_space<vmem>>
      %dma_start3A_735 = arith.constant 0 : i32
      %dma_start3A_736 = tpu.memref_slice %dma_start3A_734[%dma_start3A_735] : memref<128xi32, #tpu.memory_space<vmem>> -> memref<64xi32, #tpu.memory_space<vmem>>
      %dma_start3A_737 = arith.constant 0 : i32
      %dma_start3A_738 = arith.constant 0 : i32
      %dma_start3A_739 = tpu.memref_slice %arg2[%dma_start3A_737, %dma_start3A_738] : memref<10000x128xf32, #tpu.memory_space<hbm>> -> memref<10000x128xf32, #tpu.memory_space<hbm>>
      tpu.enqueue_indirect_dma source(%dma_start3A_739 : memref<10000x128xf32, #tpu.memory_space<hbm>>) target(%dma_start3A_727 : memref<64x128xf32, #tpu.memory_space<vmem>>) offsets(%dma_start3A_736 : memref<64xi32, #tpu.memory_space<vmem>>) semaphore(%arg13 : memref<!tpu.dma_semaphore, #tpu.memory_space<semaphore_mem>>)
      %dma_start3A_740 = arith.constant 0 : i32
      %dma_start3A_741 = arith.constant 6 : i32
      %dma_start3A_742 = arith.constant 64 : i32
      %dma_start3A_743 = arith.constant 0 : i32
      %dma_start3A_744 = tpu.memref_slice %arg8[%dma_start3A_742, %dma_start3A_743] : memref<128x128xf32, #tpu.memory_space<vmem>> -> memref<64x128xf32, #tpu.memory_space<vmem>>
      %dma_start3A_745 = arith.constant 0 : i32
      %dma_start3A_746 = arith.constant 0 : i32
      %dma_start3A_747 = tpu.memref_slice %arg7[%dma_start3A_740, %dma_start3A_745, %dma_start3A_746] : memref<2x8x128xi32, #tpu.memory_space<vmem>> -> memref<1x8x128xi32, #tpu.memory_space<vmem>>
      %dma_start3A_748 = tpu.memref_squeeze %dma_start3A_747 : memref<1x8x128xi32, #tpu.memory_space<vmem>> -> memref<8x128xi32, #tpu.memory_space<vmem>>
      %dma_start3A_749 = arith.constant 0 : i32
      %dma_start3A_750 = tpu.memref_slice %dma_start3A_748[%dma_start3A_741, %dma_start3A_749] : memref<8x128xi32, #tpu.memory_space<vmem>> -> memref<1x128xi32, #tpu.memory_space<vmem>>
      %dma_start3A_751 = tpu.memref_squeeze %dma_start3A_750 : memref<1x128xi32, #tpu.memory_space<vmem>> -> memref<128xi32, #tpu.memory_space<vmem>>
      %dma_start3A_752 = arith.constant 64 : i32
      %dma_start3A_753 = tpu.memref_slice %dma_start3A_751[%dma_start3A_752] : memref<128xi32, #tpu.memory_space<vmem>> -> memref<64xi32, #tpu.memory_space<vmem>>
      %dma_start3A_754 = arith.constant 0 : i32
      %dma_start3A_755 = arith.constant 0 : i32
      %dma_start3A_756 = tpu.memref_slice %arg2[%dma_start3A_754, %dma_start3A_755] : memref<10000x128xf32, #tpu.memory_space<hbm>> -> memref<10000x128xf32, #tpu.memory_space<hbm>>
      tpu.enqueue_indirect_dma source(%dma_start3A_756 : memref<10000x128xf32, #tpu.memory_space<hbm>>) target(%dma_start3A_744 : memref<64x128xf32, #tpu.memory_space<vmem>>) offsets(%dma_start3A_753 : memref<64xi32, #tpu.memory_space<vmem>>) semaphore(%arg13 : memref<!tpu.dma_semaphore, #tpu.memory_space<semaphore_mem>>)
      %dma_wait3A_757 = arith.constant 0 : i32
      %dma_wait3A_758 = arith.constant 5 : i32
      %dma_wait3A_759 = arith.constant 0 : i32
      %dma_wait3A_760 = arith.constant 0 : i32
      %dma_wait3A_761 = tpu.memref_slice %arg7[%dma_wait3A_757, %dma_wait3A_759, %dma_wait3A_760] : memref<2x8x128xi32, #tpu.memory_space<vmem>> -> memref<1x8x128xi32, #tpu.memory_space<vmem>>
      %dma_wait3A_762 = tpu.memref_squeeze %dma_wait3A_761 : memref<1x8x128xi32, #tpu.memory_space<vmem>> -> memref<8x128xi32, #tpu.memory_space<vmem>>
      %dma_wait3A_763 = arith.constant 0 : i32
      %dma_wait3A_764 = tpu.memref_slice %dma_wait3A_762[%dma_wait3A_758, %dma_wait3A_763] : memref<8x128xi32, #tpu.memory_space<vmem>> -> memref<1x128xi32, #tpu.memory_space<vmem>>
      %dma_wait3A_765 = tpu.memref_squeeze %dma_wait3A_764 : memref<1x128xi32, #tpu.memory_space<vmem>> -> memref<128xi32, #tpu.memory_space<vmem>>
      %dma_wait3A_766 = arith.constant 0 : i32
      %dma_wait3A_767 = arith.constant 0 : i32
      %dma_wait3A_768 = tpu.memref_slice %arg2[%dma_wait3A_766, %dma_wait3A_767] : memref<10000x128xf32, #tpu.memory_space<hbm>> -> memref<10000x128xf32, #tpu.memory_space<hbm>>
      tpu.wait_indirect_dma semaphore(%arg14 : memref<!tpu.dma_semaphore, #tpu.memory_space<semaphore_mem>>) src(%dma_wait3A_768 : memref<10000x128xf32, #tpu.memory_space<hbm>>) dst(%arg9 : memref<128x128xf32, #tpu.memory_space<vmem>>)
      %run_scoped3A_769 = arith.constant 1 : i32
      %run_scoped3A_770 = arith.constant 5 : i32
      "tpu.region"() ({
        %run_scoped3A_838 = tpu.sem_alloc : memref<!tpu.dma_semaphore, #tpu.memory_space<semaphore_mem>>
        %dma_start3A_839 = arith.constant 0 : i32
        %dma_start3A_840 = arith.constant 0 : i32
        %dma_start3A_841 = tpu.memref_slice %arg7[%run_scoped3A_769, %dma_start3A_839, %dma_start3A_840] : memref<2x8x128xi32, #tpu.memory_space<vmem>> -> memref<1x8x128xi32, #tpu.memory_space<vmem>>
        %dma_start3A_842 = tpu.memref_squeeze %dma_start3A_841 : memref<1x8x128xi32, #tpu.memory_space<vmem>> -> memref<8x128xi32, #tpu.memory_space<vmem>>
        %dma_start3A_843 = arith.constant 0 : i32
        %dma_start3A_844 = tpu.memref_slice %dma_start3A_842[%run_scoped3A_770, %dma_start3A_843] : memref<8x128xi32, #tpu.memory_space<vmem>> -> memref<1x128xi32, #tpu.memory_space<vmem>>
        %dma_start3A_845 = tpu.memref_squeeze %dma_start3A_844 : memref<1x128xi32, #tpu.memory_space<vmem>> -> memref<128xi32, #tpu.memory_space<vmem>>
        %dma_start3A_846 = arith.constant 0 : i32
        %dma_start3A_847 = arith.constant 0 : i32
        %dma_start3A_848 = tpu.memref_slice %arg10[%dma_start3A_846, %dma_start3A_847] : memref<10112x128xf32, #tpu.memory_space<vmem_shared>> -> memref<10112x128xf32, #tpu.memory_space<vmem_shared>>
        tpu.enqueue_indirect_dma source(%arg9 : memref<128x128xf32, #tpu.memory_space<vmem>>) target(%dma_start3A_848 : memref<10112x128xf32, #tpu.memory_space<vmem_shared>>) offsets(%dma_start3A_845 : memref<128xi32, #tpu.memory_space<vmem>>) semaphore(%run_scoped3A_838 : memref<!tpu.dma_semaphore, #tpu.memory_space<semaphore_mem>>) {add = true}
        %dma_wait3A_849 = arith.constant 0 : i32
        %dma_wait3A_850 = arith.constant 0 : i32
        %dma_wait3A_851 = tpu.memref_slice %arg7[%run_scoped3A_769, %dma_wait3A_849, %dma_wait3A_850] : memref<2x8x128xi32, #tpu.memory_space<vmem>> -> memref<1x8x128xi32, #tpu.memory_space<vmem>>
        %dma_wait3A_852 = tpu.memref_squeeze %dma_wait3A_851 : memref<1x8x128xi32, #tpu.memory_space<vmem>> -> memref<8x128xi32, #tpu.memory_space<vmem>>
        %dma_wait3A_853 = arith.constant 0 : i32
        %dma_wait3A_854 = tpu.memref_slice %dma_wait3A_852[%run_scoped3A_770, %dma_wait3A_853] : memref<8x128xi32, #tpu.memory_space<vmem>> -> memref<1x128xi32, #tpu.memory_space<vmem>>
        %dma_wait3A_855 = tpu.memref_squeeze %dma_wait3A_854 : memref<1x128xi32, #tpu.memory_space<vmem>> -> memref<128xi32, #tpu.memory_space<vmem>>
        %dma_wait3A_856 = arith.constant 0 : i32
        %dma_wait3A_857 = arith.constant 0 : i32
        %dma_wait3A_858 = tpu.memref_slice %arg10[%dma_wait3A_856, %dma_wait3A_857] : memref<10112x128xf32, #tpu.memory_space<vmem_shared>> -> memref<10112x128xf32, #tpu.memory_space<vmem_shared>>
        tpu.wait_indirect_dma semaphore(%run_scoped3A_838 : memref<!tpu.dma_semaphore, #tpu.memory_space<semaphore_mem>>) src(%arg9 : memref<128x128xf32, #tpu.memory_space<vmem>>) dst(%dma_wait3A_858 : memref<10112x128xf32, #tpu.memory_space<vmem_shared>>)
        tpu.yield
      }) : () -> ()
      %dma_start3A_771 = arith.constant 0 : i32
      %dma_start3A_772 = arith.constant 7 : i32
      %dma_start3A_773 = arith.constant 0 : i32
      %dma_start3A_774 = arith.constant 0 : i32
      %dma_start3A_775 = tpu.memref_slice %arg9[%dma_start3A_773, %dma_start3A_774] : memref<128x128xf32, #tpu.memory_space<vmem>> -> memref<64x128xf32, #tpu.memory_space<vmem>>
      %dma_start3A_776 = arith.constant 0 : i32
      %dma_start3A_777 = arith.constant 0 : i32
      %dma_start3A_778 = tpu.memref_slice %arg7[%dma_start3A_771, %dma_start3A_776, %dma_start3A_777] : memref<2x8x128xi32, #tpu.memory_space<vmem>> -> memref<1x8x128xi32, #tpu.memory_space<vmem>>
      %dma_start3A_779 = tpu.memref_squeeze %dma_start3A_778 : memref<1x8x128xi32, #tpu.memory_space<vmem>> -> memref<8x128xi32, #tpu.memory_space<vmem>>
      %dma_start3A_780 = arith.constant 0 : i32
      %dma_start3A_781 = tpu.memref_slice %dma_start3A_779[%dma_start3A_772, %dma_start3A_780] : memref<8x128xi32, #tpu.memory_space<vmem>> -> memref<1x128xi32, #tpu.memory_space<vmem>>
      %dma_start3A_782 = tpu.memref_squeeze %dma_start3A_781 : memref<1x128xi32, #tpu.memory_space<vmem>> -> memref<128xi32, #tpu.memory_space<vmem>>
      %dma_start3A_783 = arith.constant 0 : i32
      %dma_start3A_784 = tpu.memref_slice %dma_start3A_782[%dma_start3A_783] : memref<128xi32, #tpu.memory_space<vmem>> -> memref<64xi32, #tpu.memory_space<vmem>>
      %dma_start3A_785 = arith.constant 0 : i32
      %dma_start3A_786 = arith.constant 0 : i32
      %dma_start3A_787 = tpu.memref_slice %arg2[%dma_start3A_785, %dma_start3A_786] : memref<10000x128xf32, #tpu.memory_space<hbm>> -> memref<10000x128xf32, #tpu.memory_space<hbm>>
      tpu.enqueue_indirect_dma source(%dma_start3A_787 : memref<10000x128xf32, #tpu.memory_space<hbm>>) target(%dma_start3A_775 : memref<64x128xf32, #tpu.memory_space<vmem>>) offsets(%dma_start3A_784 : memref<64xi32, #tpu.memory_space<vmem>>) semaphore(%arg14 : memref<!tpu.dma_semaphore, #tpu.memory_space<semaphore_mem>>)
      %dma_start3A_788 = arith.constant 0 : i32
      %dma_start3A_789 = arith.constant 7 : i32
      %dma_start3A_790 = arith.constant 64 : i32
      %dma_start3A_791 = arith.constant 0 : i32
      %dma_start3A_792 = tpu.memref_slice %arg9[%dma_start3A_790, %dma_start3A_791] : memref<128x128xf32, #tpu.memory_space<vmem>> -> memref<64x128xf32, #tpu.memory_space<vmem>>
      %dma_start3A_793 = arith.constant 0 : i32
      %dma_start3A_794 = arith.constant 0 : i32
      %dma_start3A_795 = tpu.memref_slice %arg7[%dma_start3A_788, %dma_start3A_793, %dma_start3A_794] : memref<2x8x128xi32, #tpu.memory_space<vmem>> -> memref<1x8x128xi32, #tpu.memory_space<vmem>>
      %dma_start3A_796 = tpu.memref_squeeze %dma_start3A_795 : memref<1x8x128xi32, #tpu.memory_space<vmem>> -> memref<8x128xi32, #tpu.memory_space<vmem>>
      %dma_start3A_797 = arith.constant 0 : i32
      %dma_start3A_798 = tpu.memref_slice %dma_start3A_796[%dma_start3A_789, %dma_start3A_797] : memref<8x128xi32, #tpu.memory_space<vmem>> -> memref<1x128xi32, #tpu.memory_space<vmem>>
      %dma_start3A_799 = tpu.memref_squeeze %dma_start3A_798 : memref<1x128xi32, #tpu.memory_space<vmem>> -> memref<128xi32, #tpu.memory_space<vmem>>
      %dma_start3A_800 = arith.constant 64 : i32
      %dma_start3A_801 = tpu.memref_slice %dma_start3A_799[%dma_start3A_800] : memref<128xi32, #tpu.memory_space<vmem>> -> memref<64xi32, #tpu.memory_space<vmem>>
      %dma_start3A_802 = arith.constant 0 : i32
      %dma_start3A_803 = arith.constant 0 : i32
      %dma_start3A_804 = tpu.memref_slice %arg2[%dma_start3A_802, %dma_start3A_803] : memref<10000x128xf32, #tpu.memory_space<hbm>> -> memref<10000x128xf32, #tpu.memory_space<hbm>>
      tpu.enqueue_indirect_dma source(%dma_start3A_804 : memref<10000x128xf32, #tpu.memory_space<hbm>>) target(%dma_start3A_792 : memref<64x128xf32, #tpu.memory_space<vmem>>) offsets(%dma_start3A_801 : memref<64xi32, #tpu.memory_space<vmem>>) semaphore(%arg14 : memref<!tpu.dma_semaphore, #tpu.memory_space<semaphore_mem>>)
      %dma_wait3A_805 = arith.constant 0 : i32
      %dma_wait3A_806 = arith.constant 6 : i32
      %dma_wait3A_807 = arith.constant 0 : i32
      %dma_wait3A_808 = arith.constant 0 : i32
      %dma_wait3A_809 = tpu.memref_slice %arg7[%dma_wait3A_805, %dma_wait3A_807, %dma_wait3A_808] : memref<2x8x128xi32, #tpu.memory_space<vmem>> -> memref<1x8x128xi32, #tpu.memory_space<vmem>>
      %dma_wait3A_810 = tpu.memref_squeeze %dma_wait3A_809 : memref<1x8x128xi32, #tpu.memory_space<vmem>> -> memref<8x128xi32, #tpu.memory_space<vmem>>
      %dma_wait3A_811 = arith.constant 0 : i32
      %dma_wait3A_812 = tpu.memref_slice %dma_wait3A_810[%dma_wait3A_806, %dma_wait3A_811] : memref<8x128xi32, #tpu.memory_space<vmem>> -> memref<1x128xi32, #tpu.memory_space<vmem>>
      %dma_wait3A_813 = tpu.memref_squeeze %dma_wait3A_812 : memref<1x128xi32, #tpu.memory_space<vmem>> -> memref<128xi32, #tpu.memory_space<vmem>>
      %dma_wait3A_814 = arith.constant 0 : i32
      %dma_wait3A_815 = arith.constant 0 : i32
      %dma_wait3A_816 = tpu.memref_slice %arg2[%dma_wait3A_814, %dma_wait3A_815] : memref<10000x128xf32, #tpu.memory_space<hbm>> -> memref<10000x128xf32, #tpu.memory_space<hbm>>
      tpu.wait_indirect_dma semaphore(%arg13 : memref<!tpu.dma_semaphore, #tpu.memory_space<semaphore_mem>>) src(%dma_wait3A_816 : memref<10000x128xf32, #tpu.memory_space<hbm>>) dst(%arg8 : memref<128x128xf32, #tpu.memory_space<vmem>>)
      %run_scoped3A_817 = arith.constant 1 : i32
      %run_scoped3A_818 = arith.constant 6 : i32
      "tpu.region"() ({
        %run_scoped3A_838 = tpu.sem_alloc : memref<!tpu.dma_semaphore, #tpu.memory_space<semaphore_mem>>
        %dma_start3A_839 = arith.constant 0 : i32
        %dma_start3A_840 = arith.constant 0 : i32
        %dma_start3A_841 = tpu.memref_slice %arg7[%run_scoped3A_817, %dma_start3A_839, %dma_start3A_840] : memref<2x8x128xi32, #tpu.memory_space<vmem>> -> memref<1x8x128xi32, #tpu.memory_space<vmem>>
        %dma_start3A_842 = tpu.memref_squeeze %dma_start3A_841 : memref<1x8x128xi32, #tpu.memory_space<vmem>> -> memref<8x128xi32, #tpu.memory_space<vmem>>
        %dma_start3A_843 = arith.constant 0 : i32
        %dma_start3A_844 = tpu.memref_slice %dma_start3A_842[%run_scoped3A_818, %dma_start3A_843] : memref<8x128xi32, #tpu.memory_space<vmem>> -> memref<1x128xi32, #tpu.memory_space<vmem>>
        %dma_start3A_845 = tpu.memref_squeeze %dma_start3A_844 : memref<1x128xi32, #tpu.memory_space<vmem>> -> memref<128xi32, #tpu.memory_space<vmem>>
        %dma_start3A_846 = arith.constant 0 : i32
        %dma_start3A_847 = arith.constant 0 : i32
        %dma_start3A_848 = tpu.memref_slice %arg10[%dma_start3A_846, %dma_start3A_847] : memref<10112x128xf32, #tpu.memory_space<vmem_shared>> -> memref<10112x128xf32, #tpu.memory_space<vmem_shared>>
        tpu.enqueue_indirect_dma source(%arg8 : memref<128x128xf32, #tpu.memory_space<vmem>>) target(%dma_start3A_848 : memref<10112x128xf32, #tpu.memory_space<vmem_shared>>) offsets(%dma_start3A_845 : memref<128xi32, #tpu.memory_space<vmem>>) semaphore(%run_scoped3A_838 : memref<!tpu.dma_semaphore, #tpu.memory_space<semaphore_mem>>) {add = true}
        %dma_wait3A_849 = arith.constant 0 : i32
        %dma_wait3A_850 = arith.constant 0 : i32
        %dma_wait3A_851 = tpu.memref_slice %arg7[%run_scoped3A_817, %dma_wait3A_849, %dma_wait3A_850] : memref<2x8x128xi32, #tpu.memory_space<vmem>> -> memref<1x8x128xi32, #tpu.memory_space<vmem>>
        %dma_wait3A_852 = tpu.memref_squeeze %dma_wait3A_851 : memref<1x8x128xi32, #tpu.memory_space<vmem>> -> memref<8x128xi32, #tpu.memory_space<vmem>>
        %dma_wait3A_853 = arith.constant 0 : i32
        %dma_wait3A_854 = tpu.memref_slice %dma_wait3A_852[%run_scoped3A_818, %dma_wait3A_853] : memref<8x128xi32, #tpu.memory_space<vmem>> -> memref<1x128xi32, #tpu.memory_space<vmem>>
        %dma_wait3A_855 = tpu.memref_squeeze %dma_wait3A_854 : memref<1x128xi32, #tpu.memory_space<vmem>> -> memref<128xi32, #tpu.memory_space<vmem>>
        %dma_wait3A_856 = arith.constant 0 : i32
        %dma_wait3A_857 = arith.constant 0 : i32
        %dma_wait3A_858 = tpu.memref_slice %arg10[%dma_wait3A_856, %dma_wait3A_857] : memref<10112x128xf32, #tpu.memory_space<vmem_shared>> -> memref<10112x128xf32, #tpu.memory_space<vmem_shared>>
        tpu.wait_indirect_dma semaphore(%run_scoped3A_838 : memref<!tpu.dma_semaphore, #tpu.memory_space<semaphore_mem>>) src(%arg8 : memref<128x128xf32, #tpu.memory_space<vmem>>) dst(%dma_wait3A_858 : memref<10112x128xf32, #tpu.memory_space<vmem_shared>>)
        tpu.yield
      }) : () -> ()
      %lt3A_819 = arith.constant 4 : i32
      %lt3A_820 = arith.cmpi slt, %scan3A_69, %lt3A_819 : i32
      %convert_element_type3A_821 = arith.extui %lt3A_820 : i1 to i32
      %cond3A_822 = arith.constant 0 : i32
      %cond3A_823 = arith.cmpi ne, %convert_element_type3A_821, %cond3A_822 : i32
      scf.if %cond3A_823 {
        %dma_wait3A_838 = arith.constant 0 : i32
        %dma_wait3A_839 = arith.constant 0 : i32
        %dma_wait3A_840 = arith.constant 0 : i32
        %dma_wait3A_841 = arith.constant 0 : i32
        %dma_wait3A_842 = tpu.memref_slice %arg3[%dma_wait3A_838, %dma_wait3A_839, %dma_wait3A_840, %dma_wait3A_841] : memref<320x2x8x128xi32, #tpu.memory_space<hbm>> -> memref<1x2x8x128xi32, #tpu.memory_space<hbm>>
        %dma_wait3A_843 = tpu.memref_squeeze %dma_wait3A_842 : memref<1x2x8x128xi32, #tpu.memory_space<hbm>> -> memref<2x8x128xi32, #tpu.memory_space<hbm>>
        %dma_wait3A_844 = arith.constant 0 : i32
        %dma_wait3A_845 = arith.constant 0 : i32
        %dma_wait3A_846 = arith.constant 0 : i32
        %dma_wait3A_847 = tpu.memref_slice %arg3[%dma_wait3A_838, %dma_wait3A_844, %dma_wait3A_845, %dma_wait3A_846] : memref<320x2x8x128xi32, #tpu.memory_space<hbm>> -> memref<1x2x8x128xi32, #tpu.memory_space<hbm>>
        %dma_wait3A_848 = tpu.memref_squeeze %dma_wait3A_847 : memref<1x2x8x128xi32, #tpu.memory_space<hbm>> -> memref<2x8x128xi32, #tpu.memory_space<hbm>>
        tpu.wait_dma2 semaphore(%arg11 : memref<!tpu.dma_semaphore, #tpu.memory_space<semaphore_mem>>) src(%dma_wait3A_848 : memref<2x8x128xi32, #tpu.memory_space<hbm>>) dst(%arg6 : memref<2x8x128xi32, #tpu.memory_space<vmem>>)
        %dma_start3A_849 = arith.constant 0 : i32
        %dma_start3A_850 = arith.constant 0 : i32
        %dma_start3A_851 = arith.constant 0 : i32
        %dma_start3A_852 = arith.constant 0 : i32
        %dma_start3A_853 = tpu.memref_slice %arg8[%dma_start3A_851, %dma_start3A_852] : memref<128x128xf32, #tpu.memory_space<vmem>> -> memref<64x128xf32, #tpu.memory_space<vmem>>
        %dma_start3A_854 = arith.constant 0 : i32
        %dma_start3A_855 = arith.constant 0 : i32
        %dma_start3A_856 = tpu.memref_slice %arg6[%dma_start3A_849, %dma_start3A_854, %dma_start3A_855] : memref<2x8x128xi32, #tpu.memory_space<vmem>> -> memref<1x8x128xi32, #tpu.memory_space<vmem>>
        %dma_start3A_857 = tpu.memref_squeeze %dma_start3A_856 : memref<1x8x128xi32, #tpu.memory_space<vmem>> -> memref<8x128xi32, #tpu.memory_space<vmem>>
        %dma_start3A_858 = arith.constant 0 : i32
        %dma_start3A_859 = tpu.memref_slice %dma_start3A_857[%dma_start3A_850, %dma_start3A_858] : memref<8x128xi32, #tpu.memory_space<vmem>> -> memref<1x128xi32, #tpu.memory_space<vmem>>
        %dma_start3A_860 = tpu.memref_squeeze %dma_start3A_859 : memref<1x128xi32, #tpu.memory_space<vmem>> -> memref<128xi32, #tpu.memory_space<vmem>>
        %dma_start3A_861 = arith.constant 0 : i32
        %dma_start3A_862 = tpu.memref_slice %dma_start3A_860[%dma_start3A_861] : memref<128xi32, #tpu.memory_space<vmem>> -> memref<64xi32, #tpu.memory_space<vmem>>
        %dma_start3A_863 = arith.constant 0 : i32
        %dma_start3A_864 = arith.constant 0 : i32
        %dma_start3A_865 = tpu.memref_slice %arg2[%dma_start3A_863, %dma_start3A_864] : memref<10000x128xf32, #tpu.memory_space<hbm>> -> memref<10000x128xf32, #tpu.memory_space<hbm>>
        tpu.enqueue_indirect_dma source(%dma_start3A_865 : memref<10000x128xf32, #tpu.memory_space<hbm>>) target(%dma_start3A_853 : memref<64x128xf32, #tpu.memory_space<vmem>>) offsets(%dma_start3A_862 : memref<64xi32, #tpu.memory_space<vmem>>) semaphore(%arg13 : memref<!tpu.dma_semaphore, #tpu.memory_space<semaphore_mem>>)
        %dma_start3A_866 = arith.constant 0 : i32
        %dma_start3A_867 = arith.constant 0 : i32
        %dma_start3A_868 = arith.constant 64 : i32
        %dma_start3A_869 = arith.constant 0 : i32
        %dma_start3A_870 = tpu.memref_slice %arg8[%dma_start3A_868, %dma_start3A_869] : memref<128x128xf32, #tpu.memory_space<vmem>> -> memref<64x128xf32, #tpu.memory_space<vmem>>
        %dma_start3A_871 = arith.constant 0 : i32
        %dma_start3A_872 = arith.constant 0 : i32
        %dma_start3A_873 = tpu.memref_slice %arg6[%dma_start3A_866, %dma_start3A_871, %dma_start3A_872] : memref<2x8x128xi32, #tpu.memory_space<vmem>> -> memref<1x8x128xi32, #tpu.memory_space<vmem>>
        %dma_start3A_874 = tpu.memref_squeeze %dma_start3A_873 : memref<1x8x128xi32, #tpu.memory_space<vmem>> -> memref<8x128xi32, #tpu.memory_space<vmem>>
        %dma_start3A_875 = arith.constant 0 : i32
        %dma_start3A_876 = tpu.memref_slice %dma_start3A_874[%dma_start3A_867, %dma_start3A_875] : memref<8x128xi32, #tpu.memory_space<vmem>> -> memref<1x128xi32, #tpu.memory_space<vmem>>
        %dma_start3A_877 = tpu.memref_squeeze %dma_start3A_876 : memref<1x128xi32, #tpu.memory_space<vmem>> -> memref<128xi32, #tpu.memory_space<vmem>>
        %dma_start3A_878 = arith.constant 64 : i32
        %dma_start3A_879 = tpu.memref_slice %dma_start3A_877[%dma_start3A_878] : memref<128xi32, #tpu.memory_space<vmem>> -> memref<64xi32, #tpu.memory_space<vmem>>
        %dma_start3A_880 = arith.constant 0 : i32
        %dma_start3A_881 = arith.constant 0 : i32
        %dma_start3A_882 = tpu.memref_slice %arg2[%dma_start3A_880, %dma_start3A_881] : memref<10000x128xf32, #tpu.memory_space<hbm>> -> memref<10000x128xf32, #tpu.memory_space<hbm>>
        tpu.enqueue_indirect_dma source(%dma_start3A_882 : memref<10000x128xf32, #tpu.memory_space<hbm>>) target(%dma_start3A_870 : memref<64x128xf32, #tpu.memory_space<vmem>>) offsets(%dma_start3A_879 : memref<64xi32, #tpu.memory_space<vmem>>) semaphore(%arg13 : memref<!tpu.dma_semaphore, #tpu.memory_space<semaphore_mem>>)
      } else {
      }
      %dma_wait3A_824 = arith.constant 0 : i32
      %dma_wait3A_825 = arith.constant 7 : i32
      %dma_wait3A_826 = arith.constant 0 : i32
      %dma_wait3A_827 = arith.constant 0 : i32
      %dma_wait3A_828 = tpu.memref_slice %arg7[%dma_wait3A_824, %dma_wait3A_826, %dma_wait3A_827] : memref<2x8x128xi32, #tpu.memory_space<vmem>> -> memref<1x8x128xi32, #tpu.memory_space<vmem>>
      %dma_wait3A_829 = tpu.memref_squeeze %dma_wait3A_828 : memref<1x8x128xi32, #tpu.memory_space<vmem>> -> memref<8x128xi32, #tpu.memory_space<vmem>>
      %dma_wait3A_830 = arith.constant 0 : i32
      %dma_wait3A_831 = tpu.memref_slice %dma_wait3A_829[%dma_wait3A_825, %dma_wait3A_830] : memref<8x128xi32, #tpu.memory_space<vmem>> -> memref<1x128xi32, #tpu.memory_space<vmem>>
      %dma_wait3A_832 = tpu.memref_squeeze %dma_wait3A_831 : memref<1x128xi32, #tpu.memory_space<vmem>> -> memref<128xi32, #tpu.memory_space<vmem>>
      %dma_wait3A_833 = arith.constant 0 : i32
      %dma_wait3A_834 = arith.constant 0 : i32
      %dma_wait3A_835 = tpu.memref_slice %arg2[%dma_wait3A_833, %dma_wait3A_834] : memref<10000x128xf32, #tpu.memory_space<hbm>> -> memref<10000x128xf32, #tpu.memory_space<hbm>>
      tpu.wait_indirect_dma semaphore(%arg14 : memref<!tpu.dma_semaphore, #tpu.memory_space<semaphore_mem>>) src(%dma_wait3A_835 : memref<10000x128xf32, #tpu.memory_space<hbm>>) dst(%arg9 : memref<128x128xf32, #tpu.memory_space<vmem>>)
      %run_scoped3A_836 = arith.constant 1 : i32
      %run_scoped3A_837 = arith.constant 7 : i32
      "tpu.region"() ({
        %run_scoped3A_838 = tpu.sem_alloc : memref<!tpu.dma_semaphore, #tpu.memory_space<semaphore_mem>>
        %dma_start3A_839 = arith.constant 0 : i32
        %dma_start3A_840 = arith.constant 0 : i32
        %dma_start3A_841 = tpu.memref_slice %arg7[%run_scoped3A_836, %dma_start3A_839, %dma_start3A_840] : memref<2x8x128xi32, #tpu.memory_space<vmem>> -> memref<1x8x128xi32, #tpu.memory_space<vmem>>
        %dma_start3A_842 = tpu.memref_squeeze %dma_start3A_841 : memref<1x8x128xi32, #tpu.memory_space<vmem>> -> memref<8x128xi32, #tpu.memory_space<vmem>>
        %dma_start3A_843 = arith.constant 0 : i32
        %dma_start3A_844 = tpu.memref_slice %dma_start3A_842[%run_scoped3A_837, %dma_start3A_843] : memref<8x128xi32, #tpu.memory_space<vmem>> -> memref<1x128xi32, #tpu.memory_space<vmem>>
        %dma_start3A_845 = tpu.memref_squeeze %dma_start3A_844 : memref<1x128xi32, #tpu.memory_space<vmem>> -> memref<128xi32, #tpu.memory_space<vmem>>
        %dma_start3A_846 = arith.constant 0 : i32
        %dma_start3A_847 = arith.constant 0 : i32
        %dma_start3A_848 = tpu.memref_slice %arg10[%dma_start3A_846, %dma_start3A_847] : memref<10112x128xf32, #tpu.memory_space<vmem_shared>> -> memref<10112x128xf32, #tpu.memory_space<vmem_shared>>
        tpu.enqueue_indirect_dma source(%arg9 : memref<128x128xf32, #tpu.memory_space<vmem>>) target(%dma_start3A_848 : memref<10112x128xf32, #tpu.memory_space<vmem_shared>>) offsets(%dma_start3A_845 : memref<128xi32, #tpu.memory_space<vmem>>) semaphore(%run_scoped3A_838 : memref<!tpu.dma_semaphore, #tpu.memory_space<semaphore_mem>>) {add = true}
        %dma_wait3A_849 = arith.constant 0 : i32
        %dma_wait3A_850 = arith.constant 0 : i32
        %dma_wait3A_851 = tpu.memref_slice %arg7[%run_scoped3A_836, %dma_wait3A_849, %dma_wait3A_850] : memref<2x8x128xi32, #tpu.memory_space<vmem>> -> memref<1x8x128xi32, #tpu.memory_space<vmem>>
        %dma_wait3A_852 = tpu.memref_squeeze %dma_wait3A_851 : memref<1x8x128xi32, #tpu.memory_space<vmem>> -> memref<8x128xi32, #tpu.memory_space<vmem>>
        %dma_wait3A_853 = arith.constant 0 : i32
        %dma_wait3A_854 = tpu.memref_slice %dma_wait3A_852[%run_scoped3A_837, %dma_wait3A_853] : memref<8x128xi32, #tpu.memory_space<vmem>> -> memref<1x128xi32, #tpu.memory_space<vmem>>
        %dma_wait3A_855 = tpu.memref_squeeze %dma_wait3A_854 : memref<1x128xi32, #tpu.memory_space<vmem>> -> memref<128xi32, #tpu.memory_space<vmem>>
        %dma_wait3A_856 = arith.constant 0 : i32
        %dma_wait3A_857 = arith.constant 0 : i32
        %dma_wait3A_858 = tpu.memref_slice %arg10[%dma_wait3A_856, %dma_wait3A_857] : memref<10112x128xf32, #tpu.memory_space<vmem_shared>> -> memref<10112x128xf32, #tpu.memory_space<vmem_shared>>
        tpu.wait_indirect_dma semaphore(%run_scoped3A_838 : memref<!tpu.dma_semaphore, #tpu.memory_space<semaphore_mem>>) src(%arg9 : memref<128x128xf32, #tpu.memory_space<vmem>>) dst(%dma_wait3A_858 : memref<10112x128xf32, #tpu.memory_space<vmem_shared>>)
        tpu.yield
      }) : () -> ()
    }
    %scan3A_64 = arith.constant 5 : i32
    %barrier3A_65 = arith.constant 0 : index
    tpu.barrier barrier_id(%barrier3A_65)
    %mul3A_66 = arith.constant 10112 : i32
    %mul3A_67 = arith.muli %arg0, %mul3A_66 : i32
    %add3A_68 = arith.addi %mul3A_67, %mul3A_2 : i32
    "tpu.region"() ({
      %run_scoped3A = tpu.sem_alloc : memref<!tpu.dma_semaphore, #tpu.memory_space<semaphore_mem>>
      %dma_start3A_69 = arith.constant 0 : i32
      %dma_start3A_70 = tpu.memref_slice %arg5[%add3A_68, %dma_start3A_69] : memref<20224x128xf32, #tpu.memory_space<hbm>> -> memref<632x128xf32, #tpu.memory_space<hbm>>
      %dma_start3A_71 = arith.constant 0 : i32
      %dma_start3A_72 = tpu.memref_slice %arg10[%mul3A_2, %dma_start3A_71] : memref<10112x128xf32, #tpu.memory_space<vmem_shared>> -> memref<632x128xf32, #tpu.memory_space<vmem_shared>>
      tpu.enqueue_dma source(%dma_start3A_72 : memref<632x128xf32, #tpu.memory_space<vmem_shared>>) target(%dma_start3A_70 : memref<632x128xf32, #tpu.memory_space<hbm>>) target_semaphore(%run_scoped3A : memref<!tpu.dma_semaphore, #tpu.memory_space<semaphore_mem>>)
      %dma_wait3A_73 = arith.constant 0 : i32
      %dma_wait3A_74 = tpu.memref_slice %arg5[%add3A_68, %dma_wait3A_73] : memref<20224x128xf32, #tpu.memory_space<hbm>> -> memref<632x128xf32, #tpu.memory_space<hbm>>
      %dma_wait3A_75 = arith.constant 0 : i32
      %dma_wait3A_76 = tpu.memref_slice %arg10[%mul3A_2, %dma_wait3A_75] : memref<10112x128xf32, #tpu.memory_space<vmem_shared>> -> memref<632x128xf32, #tpu.memory_space<vmem_shared>>
      tpu.wait_dma2 semaphore(%run_scoped3A : memref<!tpu.dma_semaphore, #tpu.memory_space<semaphore_mem>>) src(%dma_wait3A_76 : memref<632x128xf32, #tpu.memory_space<vmem_shared>>) dst(%dma_wait3A_74 : memref<632x128xf32, #tpu.memory_space<hbm>>)
      tpu.yield
    }) : () -> ()
    return
  }
}

#map = affine_map<(d0, d1) -> (0, 0, 0, 0)>
#map1 = affine_map<(d0, d1) -> (0, 0)>
module attributes {stable_mosaic.version = 14 : i64} {
  func.func @_deg_body(%arg0: i32, %arg1: i32, %arg2: memref<320x1x8x128xi32, #tpu.memory_space<hbm>>, %arg3: memref<128x16xf32, #tpu.memory_space<hbm>>, %arg4: memref<10112x16xf32, #tpu.memory_space<hbm>>, %arg5: memref<20224x16xf32, #tpu.memory_space<hbm>>, %arg6: memref<1x8x128xi32, #tpu.memory_space<vmem>>, %arg7: memref<1x8x128xi32, #tpu.memory_space<vmem>>, %arg8: memref<128x16xf32, #tpu.memory_space<vmem>>, %arg9: memref<10112x16xf32, #tpu.memory_space<vmem_shared>>, %arg10: memref<!tpu.dma_semaphore, #tpu.memory_space<semaphore_mem>>, %arg11: memref<!tpu.dma_semaphore, #tpu.memory_space<semaphore_mem>>) attributes {dimension_semantics = [#tpu.dimension_semantics<core_parallel>, #tpu.dimension_semantics<subcore_parallel>], iteration_bounds = array<i64: 2, 16>, scalar_prefetch = 0 : i64, scratch_operands = 6 : i64, tpu.core_type = #tpu.core_type<sc_vector_subcore>, window_params = [{transform_indices = #map}, {transform_indices = #map1}, {transform_indices = #map1}, {transform_indices = #map1}]} {
    %mul3A = arith.constant 2 : i32
    %mul3A_0 = arith.muli %arg1, %mul3A : i32
    %add3A = arith.addi %mul3A_0, %arg0 : i32
    %mul3A_1 = arith.constant 632 : i32
    %mul3A_2 = arith.muli %arg1, %mul3A_1 : i32
    "tpu.region"() ({
      %run_scoped3A = tpu.sem_alloc : memref<!tpu.dma_semaphore, #tpu.memory_space<semaphore_mem>>
      %dma_start3A = arith.constant 0 : i32
      %dma_start3A_203 = tpu.memref_slice %arg9[%mul3A_2, %dma_start3A] : memref<10112x16xf32, #tpu.memory_space<vmem_shared>> -> memref<632x16xf32, #tpu.memory_space<vmem_shared>>
      %dma_start3A_204 = arith.constant 0 : i32
      %dma_start3A_205 = tpu.memref_slice %arg4[%mul3A_2, %dma_start3A_204] : memref<10112x16xf32, #tpu.memory_space<hbm>> -> memref<632x16xf32, #tpu.memory_space<hbm>>
      tpu.enqueue_dma source(%dma_start3A_205 : memref<632x16xf32, #tpu.memory_space<hbm>>) target(%dma_start3A_203 : memref<632x16xf32, #tpu.memory_space<vmem_shared>>) target_semaphore(%run_scoped3A : memref<!tpu.dma_semaphore, #tpu.memory_space<semaphore_mem>>)
      %dma_wait3A_206 = arith.constant 0 : i32
      %dma_wait3A_207 = tpu.memref_slice %arg9[%mul3A_2, %dma_wait3A_206] : memref<10112x16xf32, #tpu.memory_space<vmem_shared>> -> memref<632x16xf32, #tpu.memory_space<vmem_shared>>
      %dma_wait3A_208 = arith.constant 0 : i32
      %dma_wait3A_209 = tpu.memref_slice %arg4[%mul3A_2, %dma_wait3A_208] : memref<10112x16xf32, #tpu.memory_space<hbm>> -> memref<632x16xf32, #tpu.memory_space<hbm>>
      tpu.wait_dma2 semaphore(%run_scoped3A : memref<!tpu.dma_semaphore, #tpu.memory_space<semaphore_mem>>) src(%dma_wait3A_209 : memref<632x16xf32, #tpu.memory_space<hbm>>) dst(%dma_wait3A_207 : memref<632x16xf32, #tpu.memory_space<vmem_shared>>)
      tpu.yield
    }) : () -> ()
    "tpu.region"() ({
      %run_scoped3A = tpu.sem_alloc : memref<!tpu.dma_semaphore, #tpu.memory_space<semaphore_mem>>
      tpu.enqueue_dma source(%arg3 : memref<128x16xf32, #tpu.memory_space<hbm>>) target(%arg8 : memref<128x16xf32, #tpu.memory_space<vmem>>) target_semaphore(%run_scoped3A : memref<!tpu.dma_semaphore, #tpu.memory_space<semaphore_mem>>)
      tpu.wait_dma2 semaphore(%run_scoped3A : memref<!tpu.dma_semaphore, #tpu.memory_space<semaphore_mem>>) src(%arg3 : memref<128x16xf32, #tpu.memory_space<hbm>>) dst(%arg8 : memref<128x16xf32, #tpu.memory_space<vmem>>)
      tpu.yield
    }) : () -> ()
    %barrier3A = arith.constant 0 : index
    tpu.barrier barrier_id(%barrier3A)
    %scan3A = arith.constant 0 : i32
    %scan3A_3 = arith.constant 0 : i32
    %scan3A_4 = arith.constant 5 : i32
    %scan3A_5 = arith.addi %scan3A_3, %scan3A_4 : i32
    %scan3A_6 = arith.constant 1 : i32
    scf.for %scan3A_203 = %scan3A_3 to %scan3A_5 step %scan3A_6  : i32 {
      %mul3A_204 = arith.constant 2 : i32
      %mul3A_205 = arith.muli %mul3A_204, %scan3A_203 : i32
      %gt3A = arith.constant 0 : i32
      %gt3A_206 = arith.cmpi sgt, %scan3A_203, %gt3A : i32
      %convert_element_type3A = arith.extui %gt3A_206 : i1 to i32
      %cond3A = arith.constant 0 : i32
      %cond3A_207 = arith.cmpi ne, %convert_element_type3A, %cond3A : i32
      scf.if %cond3A_207 {
        %dma_wait3A_412 = arith.constant 0 : i32
        %dma_wait3A_413 = arith.constant 0 : i32
        %dma_wait3A_414 = arith.constant 0 : i32
        %dma_wait3A_415 = arith.constant 0 : i32
        %dma_wait3A_416 = tpu.memref_slice %arg6[%dma_wait3A_412, %dma_wait3A_414, %dma_wait3A_415] : memref<1x8x128xi32, #tpu.memory_space<vmem>> -> memref<1x8x128xi32, #tpu.memory_space<vmem>>
        %dma_wait3A_417 = tpu.memref_squeeze %dma_wait3A_416 : memref<1x8x128xi32, #tpu.memory_space<vmem>> -> memref<8x128xi32, #tpu.memory_space<vmem>>
        %dma_wait3A_418 = arith.constant 0 : i32
        %dma_wait3A_419 = tpu.memref_slice %dma_wait3A_417[%dma_wait3A_413, %dma_wait3A_418] : memref<8x128xi32, #tpu.memory_space<vmem>> -> memref<1x128xi32, #tpu.memory_space<vmem>>
        %dma_wait3A_420 = tpu.memref_squeeze %dma_wait3A_419 : memref<1x128xi32, #tpu.memory_space<vmem>> -> memref<128xi32, #tpu.memory_space<vmem>>
        %dma_wait3A_421 = arith.constant 0 : i32
        %dma_wait3A_422 = arith.constant 0 : i32
        %dma_wait3A_423 = tpu.memref_slice %arg9[%dma_wait3A_421, %dma_wait3A_422] : memref<10112x16xf32, #tpu.memory_space<vmem_shared>> -> memref<10112x16xf32, #tpu.memory_space<vmem_shared>>
        tpu.wait_indirect_dma semaphore(%arg10 : memref<!tpu.dma_semaphore, #tpu.memory_space<semaphore_mem>>) src(%arg8 : memref<128x16xf32, #tpu.memory_space<vmem>>) dst(%dma_wait3A_423 : memref<10112x16xf32, #tpu.memory_space<vmem_shared>>)
        %dma_wait3A_424 = arith.constant 0 : i32
        %dma_wait3A_425 = arith.constant 1 : i32
        %dma_wait3A_426 = arith.constant 0 : i32
        %dma_wait3A_427 = arith.constant 0 : i32
        %dma_wait3A_428 = tpu.memref_slice %arg6[%dma_wait3A_424, %dma_wait3A_426, %dma_wait3A_427] : memref<1x8x128xi32, #tpu.memory_space<vmem>> -> memref<1x8x128xi32, #tpu.memory_space<vmem>>
        %dma_wait3A_429 = tpu.memref_squeeze %dma_wait3A_428 : memref<1x8x128xi32, #tpu.memory_space<vmem>> -> memref<8x128xi32, #tpu.memory_space<vmem>>
        %dma_wait3A_430 = arith.constant 0 : i32
        %dma_wait3A_431 = tpu.memref_slice %dma_wait3A_429[%dma_wait3A_425, %dma_wait3A_430] : memref<8x128xi32, #tpu.memory_space<vmem>> -> memref<1x128xi32, #tpu.memory_space<vmem>>
        %dma_wait3A_432 = tpu.memref_squeeze %dma_wait3A_431 : memref<1x128xi32, #tpu.memory_space<vmem>> -> memref<128xi32, #tpu.memory_space<vmem>>
        %dma_wait3A_433 = arith.constant 0 : i32
        %dma_wait3A_434 = arith.constant 0 : i32
        %dma_wait3A_435 = tpu.memref_slice %arg9[%dma_wait3A_433, %dma_wait3A_434] : memref<10112x16xf32, #tpu.memory_space<vmem_shared>> -> memref<10112x16xf32, #tpu.memory_space<vmem_shared>>
        tpu.wait_indirect_dma semaphore(%arg10 : memref<!tpu.dma_semaphore, #tpu.memory_space<semaphore_mem>>) src(%arg8 : memref<128x16xf32, #tpu.memory_space<vmem>>) dst(%dma_wait3A_435 : memref<10112x16xf32, #tpu.memory_space<vmem_shared>>)
        %dma_wait3A_436 = arith.constant 0 : i32
        %dma_wait3A_437 = arith.constant 2 : i32
        %dma_wait3A_438 = arith.constant 0 : i32
        %dma_wait3A_439 = arith.constant 0 : i32
        %dma_wait3A_440 = tpu.memref_slice %arg6[%dma_wait3A_436, %dma_wait3A_438, %dma_wait3A_439] : memref<1x8x128xi32, #tpu.memory_space<vmem>> -> memref<1x8x128xi32, #tpu.memory_space<vmem>>
        %dma_wait3A_441 = tpu.memref_squeeze %dma_wait3A_440 : memref<1x8x128xi32, #tpu.memory_space<vmem>> -> memref<8x128xi32, #tpu.memory_space<vmem>>
        %dma_wait3A_442 = arith.constant 0 : i32
        %dma_wait3A_443 = tpu.memref_slice %dma_wait3A_441[%dma_wait3A_437, %dma_wait3A_442] : memref<8x128xi32, #tpu.memory_space<vmem>> -> memref<1x128xi32, #tpu.memory_space<vmem>>
        %dma_wait3A_444 = tpu.memref_squeeze %dma_wait3A_443 : memref<1x128xi32, #tpu.memory_space<vmem>> -> memref<128xi32, #tpu.memory_space<vmem>>
        %dma_wait3A_445 = arith.constant 0 : i32
        %dma_wait3A_446 = arith.constant 0 : i32
        %dma_wait3A_447 = tpu.memref_slice %arg9[%dma_wait3A_445, %dma_wait3A_446] : memref<10112x16xf32, #tpu.memory_space<vmem_shared>> -> memref<10112x16xf32, #tpu.memory_space<vmem_shared>>
        tpu.wait_indirect_dma semaphore(%arg10 : memref<!tpu.dma_semaphore, #tpu.memory_space<semaphore_mem>>) src(%arg8 : memref<128x16xf32, #tpu.memory_space<vmem>>) dst(%dma_wait3A_447 : memref<10112x16xf32, #tpu.memory_space<vmem_shared>>)
        %dma_wait3A_448 = arith.constant 0 : i32
        %dma_wait3A_449 = arith.constant 3 : i32
        %dma_wait3A_450 = arith.constant 0 : i32
        %dma_wait3A_451 = arith.constant 0 : i32
        %dma_wait3A_452 = tpu.memref_slice %arg6[%dma_wait3A_448, %dma_wait3A_450, %dma_wait3A_451] : memref<1x8x128xi32, #tpu.memory_space<vmem>> -> memref<1x8x128xi32, #tpu.memory_space<vmem>>
        %dma_wait3A_453 = tpu.memref_squeeze %dma_wait3A_452 : memref<1x8x128xi32, #tpu.memory_space<vmem>> -> memref<8x128xi32, #tpu.memory_space<vmem>>
        %dma_wait3A_454 = arith.constant 0 : i32
        %dma_wait3A_455 = tpu.memref_slice %dma_wait3A_453[%dma_wait3A_449, %dma_wait3A_454] : memref<8x128xi32, #tpu.memory_space<vmem>> -> memref<1x128xi32, #tpu.memory_space<vmem>>
        %dma_wait3A_456 = tpu.memref_squeeze %dma_wait3A_455 : memref<1x128xi32, #tpu.memory_space<vmem>> -> memref<128xi32, #tpu.memory_space<vmem>>
        %dma_wait3A_457 = arith.constant 0 : i32
        %dma_wait3A_458 = arith.constant 0 : i32
        %dma_wait3A_459 = tpu.memref_slice %arg9[%dma_wait3A_457, %dma_wait3A_458] : memref<10112x16xf32, #tpu.memory_space<vmem_shared>> -> memref<10112x16xf32, #tpu.memory_space<vmem_shared>>
        tpu.wait_indirect_dma semaphore(%arg10 : memref<!tpu.dma_semaphore, #tpu.memory_space<semaphore_mem>>) src(%arg8 : memref<128x16xf32, #tpu.memory_space<vmem>>) dst(%dma_wait3A_459 : memref<10112x16xf32, #tpu.memory_space<vmem_shared>>)
        %dma_wait3A_460 = arith.constant 0 : i32
        %dma_wait3A_461 = arith.constant 4 : i32
        %dma_wait3A_462 = arith.constant 0 : i32
        %dma_wait3A_463 = arith.constant 0 : i32
        %dma_wait3A_464 = tpu.memref_slice %arg6[%dma_wait3A_460, %dma_wait3A_462, %dma_wait3A_463] : memref<1x8x128xi32, #tpu.memory_space<vmem>> -> memref<1x8x128xi32, #tpu.memory_space<vmem>>
        %dma_wait3A_465 = tpu.memref_squeeze %dma_wait3A_464 : memref<1x8x128xi32, #tpu.memory_space<vmem>> -> memref<8x128xi32, #tpu.memory_space<vmem>>
        %dma_wait3A_466 = arith.constant 0 : i32
        %dma_wait3A_467 = tpu.memref_slice %dma_wait3A_465[%dma_wait3A_461, %dma_wait3A_466] : memref<8x128xi32, #tpu.memory_space<vmem>> -> memref<1x128xi32, #tpu.memory_space<vmem>>
        %dma_wait3A_468 = tpu.memref_squeeze %dma_wait3A_467 : memref<1x128xi32, #tpu.memory_space<vmem>> -> memref<128xi32, #tpu.memory_space<vmem>>
        %dma_wait3A_469 = arith.constant 0 : i32
        %dma_wait3A_470 = arith.constant 0 : i32
        %dma_wait3A_471 = tpu.memref_slice %arg9[%dma_wait3A_469, %dma_wait3A_470] : memref<10112x16xf32, #tpu.memory_space<vmem_shared>> -> memref<10112x16xf32, #tpu.memory_space<vmem_shared>>
        tpu.wait_indirect_dma semaphore(%arg10 : memref<!tpu.dma_semaphore, #tpu.memory_space<semaphore_mem>>) src(%arg8 : memref<128x16xf32, #tpu.memory_space<vmem>>) dst(%dma_wait3A_471 : memref<10112x16xf32, #tpu.memory_space<vmem_shared>>)
        %dma_wait3A_472 = arith.constant 0 : i32
        %dma_wait3A_473 = arith.constant 5 : i32
        %dma_wait3A_474 = arith.constant 0 : i32
        %dma_wait3A_475 = arith.constant 0 : i32
        %dma_wait3A_476 = tpu.memref_slice %arg6[%dma_wait3A_472, %dma_wait3A_474, %dma_wait3A_475] : memref<1x8x128xi32, #tpu.memory_space<vmem>> -> memref<1x8x128xi32, #tpu.memory_space<vmem>>
        %dma_wait3A_477 = tpu.memref_squeeze %dma_wait3A_476 : memref<1x8x128xi32, #tpu.memory_space<vmem>> -> memref<8x128xi32, #tpu.memory_space<vmem>>
        %dma_wait3A_478 = arith.constant 0 : i32
        %dma_wait3A_479 = tpu.memref_slice %dma_wait3A_477[%dma_wait3A_473, %dma_wait3A_478] : memref<8x128xi32, #tpu.memory_space<vmem>> -> memref<1x128xi32, #tpu.memory_space<vmem>>
        %dma_wait3A_480 = tpu.memref_squeeze %dma_wait3A_479 : memref<1x128xi32, #tpu.memory_space<vmem>> -> memref<128xi32, #tpu.memory_space<vmem>>
        %dma_wait3A_481 = arith.constant 0 : i32
        %dma_wait3A_482 = arith.constant 0 : i32
        %dma_wait3A_483 = tpu.memref_slice %arg9[%dma_wait3A_481, %dma_wait3A_482] : memref<10112x16xf32, #tpu.memory_space<vmem_shared>> -> memref<10112x16xf32, #tpu.memory_space<vmem_shared>>
        tpu.wait_indirect_dma semaphore(%arg10 : memref<!tpu.dma_semaphore, #tpu.memory_space<semaphore_mem>>) src(%arg8 : memref<128x16xf32, #tpu.memory_space<vmem>>) dst(%dma_wait3A_483 : memref<10112x16xf32, #tpu.memory_space<vmem_shared>>)
        %dma_wait3A_484 = arith.constant 0 : i32
        %dma_wait3A_485 = arith.constant 6 : i32
        %dma_wait3A_486 = arith.constant 0 : i32
        %dma_wait3A_487 = arith.constant 0 : i32
        %dma_wait3A_488 = tpu.memref_slice %arg6[%dma_wait3A_484, %dma_wait3A_486, %dma_wait3A_487] : memref<1x8x128xi32, #tpu.memory_space<vmem>> -> memref<1x8x128xi32, #tpu.memory_space<vmem>>
        %dma_wait3A_489 = tpu.memref_squeeze %dma_wait3A_488 : memref<1x8x128xi32, #tpu.memory_space<vmem>> -> memref<8x128xi32, #tpu.memory_space<vmem>>
        %dma_wait3A_490 = arith.constant 0 : i32
        %dma_wait3A_491 = tpu.memref_slice %dma_wait3A_489[%dma_wait3A_485, %dma_wait3A_490] : memref<8x128xi32, #tpu.memory_space<vmem>> -> memref<1x128xi32, #tpu.memory_space<vmem>>
        %dma_wait3A_492 = tpu.memref_squeeze %dma_wait3A_491 : memref<1x128xi32, #tpu.memory_space<vmem>> -> memref<128xi32, #tpu.memory_space<vmem>>
        %dma_wait3A_493 = arith.constant 0 : i32
        %dma_wait3A_494 = arith.constant 0 : i32
        %dma_wait3A_495 = tpu.memref_slice %arg9[%dma_wait3A_493, %dma_wait3A_494] : memref<10112x16xf32, #tpu.memory_space<vmem_shared>> -> memref<10112x16xf32, #tpu.memory_space<vmem_shared>>
        tpu.wait_indirect_dma semaphore(%arg10 : memref<!tpu.dma_semaphore, #tpu.memory_space<semaphore_mem>>) src(%arg8 : memref<128x16xf32, #tpu.memory_space<vmem>>) dst(%dma_wait3A_495 : memref<10112x16xf32, #tpu.memory_space<vmem_shared>>)
        %dma_wait3A_496 = arith.constant 0 : i32
        %dma_wait3A_497 = arith.constant 7 : i32
        %dma_wait3A_498 = arith.constant 0 : i32
        %dma_wait3A_499 = arith.constant 0 : i32
        %dma_wait3A_500 = tpu.memref_slice %arg6[%dma_wait3A_496, %dma_wait3A_498, %dma_wait3A_499] : memref<1x8x128xi32, #tpu.memory_space<vmem>> -> memref<1x8x128xi32, #tpu.memory_space<vmem>>
        %dma_wait3A_501 = tpu.memref_squeeze %dma_wait3A_500 : memref<1x8x128xi32, #tpu.memory_space<vmem>> -> memref<8x128xi32, #tpu.memory_space<vmem>>
        %dma_wait3A_502 = arith.constant 0 : i32
        %dma_wait3A_503 = tpu.memref_slice %dma_wait3A_501[%dma_wait3A_497, %dma_wait3A_502] : memref<8x128xi32, #tpu.memory_space<vmem>> -> memref<1x128xi32, #tpu.memory_space<vmem>>
        %dma_wait3A_504 = tpu.memref_squeeze %dma_wait3A_503 : memref<1x128xi32, #tpu.memory_space<vmem>> -> memref<128xi32, #tpu.memory_space<vmem>>
        %dma_wait3A_505 = arith.constant 0 : i32
        %dma_wait3A_506 = arith.constant 0 : i32
        %dma_wait3A_507 = tpu.memref_slice %arg9[%dma_wait3A_505, %dma_wait3A_506] : memref<10112x16xf32, #tpu.memory_space<vmem_shared>> -> memref<10112x16xf32, #tpu.memory_space<vmem_shared>>
        tpu.wait_indirect_dma semaphore(%arg10 : memref<!tpu.dma_semaphore, #tpu.memory_space<semaphore_mem>>) src(%arg8 : memref<128x16xf32, #tpu.memory_space<vmem>>) dst(%dma_wait3A_507 : memref<10112x16xf32, #tpu.memory_space<vmem_shared>>)
      } else {
      }
      %mul3A_208 = arith.constant 10 : i32
      %mul3A_209 = arith.muli %add3A, %mul3A_208 : i32
      %add3A_210 = arith.addi %mul3A_209, %mul3A_205 : i32
      "tpu.region"() ({
        %run_scoped3A = tpu.sem_alloc : memref<!tpu.dma_semaphore, #tpu.memory_space<semaphore_mem>>
        %dma_start3A_412 = arith.constant 0 : i32
        %dma_start3A_413 = arith.constant 0 : i32
        %dma_start3A_414 = arith.constant 0 : i32
        %dma_start3A_415 = tpu.memref_slice %arg2[%add3A_210, %dma_start3A_412, %dma_start3A_413, %dma_start3A_414] : memref<320x1x8x128xi32, #tpu.memory_space<hbm>> -> memref<1x1x8x128xi32, #tpu.memory_space<hbm>>
        %dma_start3A_416 = tpu.memref_squeeze %dma_start3A_415 : memref<1x1x8x128xi32, #tpu.memory_space<hbm>> -> memref<1x8x128xi32, #tpu.memory_space<hbm>>
        %dma_start3A_417 = arith.constant 0 : i32
        %dma_start3A_418 = arith.constant 0 : i32
        %dma_start3A_419 = arith.constant 0 : i32
        %dma_start3A_420 = tpu.memref_slice %arg2[%add3A_210, %dma_start3A_417, %dma_start3A_418, %dma_start3A_419] : memref<320x1x8x128xi32, #tpu.memory_space<hbm>> -> memref<1x1x8x128xi32, #tpu.memory_space<hbm>>
        %dma_start3A_421 = tpu.memref_squeeze %dma_start3A_420 : memref<1x1x8x128xi32, #tpu.memory_space<hbm>> -> memref<1x8x128xi32, #tpu.memory_space<hbm>>
        tpu.enqueue_dma source(%dma_start3A_421 : memref<1x8x128xi32, #tpu.memory_space<hbm>>) target(%arg6 : memref<1x8x128xi32, #tpu.memory_space<vmem>>) target_semaphore(%run_scoped3A : memref<!tpu.dma_semaphore, #tpu.memory_space<semaphore_mem>>)
        %dma_wait3A_422 = arith.constant 0 : i32
        %dma_wait3A_423 = arith.constant 0 : i32
        %dma_wait3A_424 = arith.constant 0 : i32
        %dma_wait3A_425 = tpu.memref_slice %arg2[%add3A_210, %dma_wait3A_422, %dma_wait3A_423, %dma_wait3A_424] : memref<320x1x8x128xi32, #tpu.memory_space<hbm>> -> memref<1x1x8x128xi32, #tpu.memory_space<hbm>>
        %dma_wait3A_426 = tpu.memref_squeeze %dma_wait3A_425 : memref<1x1x8x128xi32, #tpu.memory_space<hbm>> -> memref<1x8x128xi32, #tpu.memory_space<hbm>>
        %dma_wait3A_427 = arith.constant 0 : i32
        %dma_wait3A_428 = arith.constant 0 : i32
        %dma_wait3A_429 = arith.constant 0 : i32
        %dma_wait3A_430 = tpu.memref_slice %arg2[%add3A_210, %dma_wait3A_427, %dma_wait3A_428, %dma_wait3A_429] : memref<320x1x8x128xi32, #tpu.memory_space<hbm>> -> memref<1x1x8x128xi32, #tpu.memory_space<hbm>>
        %dma_wait3A_431 = tpu.memref_squeeze %dma_wait3A_430 : memref<1x1x8x128xi32, #tpu.memory_space<hbm>> -> memref<1x8x128xi32, #tpu.memory_space<hbm>>
        tpu.wait_dma2 semaphore(%run_scoped3A : memref<!tpu.dma_semaphore, #tpu.memory_space<semaphore_mem>>) src(%dma_wait3A_431 : memref<1x8x128xi32, #tpu.memory_space<hbm>>) dst(%arg6 : memref<1x8x128xi32, #tpu.memory_space<vmem>>)
        tpu.yield
      }) : () -> ()
      %dma_start3A = arith.constant 0 : i32
      %dma_start3A_211 = arith.constant 0 : i32
      %dma_start3A_212 = arith.constant 0 : i32
      %dma_start3A_213 = arith.constant 0 : i32
      %dma_start3A_214 = tpu.memref_slice %arg6[%dma_start3A, %dma_start3A_212, %dma_start3A_213] : memref<1x8x128xi32, #tpu.memory_space<vmem>> -> memref<1x8x128xi32, #tpu.memory_space<vmem>>
      %dma_start3A_215 = tpu.memref_squeeze %dma_start3A_214 : memref<1x8x128xi32, #tpu.memory_space<vmem>> -> memref<8x128xi32, #tpu.memory_space<vmem>>
      %dma_start3A_216 = arith.constant 0 : i32
      %dma_start3A_217 = tpu.memref_slice %dma_start3A_215[%dma_start3A_211, %dma_start3A_216] : memref<8x128xi32, #tpu.memory_space<vmem>> -> memref<1x128xi32, #tpu.memory_space<vmem>>
      %dma_start3A_218 = tpu.memref_squeeze %dma_start3A_217 : memref<1x128xi32, #tpu.memory_space<vmem>> -> memref<128xi32, #tpu.memory_space<vmem>>
      %dma_start3A_219 = arith.constant 0 : i32
      %dma_start3A_220 = arith.constant 0 : i32
      %dma_start3A_221 = tpu.memref_slice %arg9[%dma_start3A_219, %dma_start3A_220] : memref<10112x16xf32, #tpu.memory_space<vmem_shared>> -> memref<10112x16xf32, #tpu.memory_space<vmem_shared>>
      tpu.enqueue_indirect_dma source(%arg8 : memref<128x16xf32, #tpu.memory_space<vmem>>) target(%dma_start3A_221 : memref<10112x16xf32, #tpu.memory_space<vmem_shared>>) offsets(%dma_start3A_218 : memref<128xi32, #tpu.memory_space<vmem>>) semaphore(%arg10 : memref<!tpu.dma_semaphore, #tpu.memory_space<semaphore_mem>>) {add = true}
      %dma_start3A_222 = arith.constant 0 : i32
      %dma_start3A_223 = arith.constant 1 : i32
      %dma_start3A_224 = arith.constant 0 : i32
      %dma_start3A_225 = arith.constant 0 : i32
      %dma_start3A_226 = tpu.memref_slice %arg6[%dma_start3A_222, %dma_start3A_224, %dma_start3A_225] : memref<1x8x128xi32, #tpu.memory_space<vmem>> -> memref<1x8x128xi32, #tpu.memory_space<vmem>>
      %dma_start3A_227 = tpu.memref_squeeze %dma_start3A_226 : memref<1x8x128xi32, #tpu.memory_space<vmem>> -> memref<8x128xi32, #tpu.memory_space<vmem>>
      %dma_start3A_228 = arith.constant 0 : i32
      %dma_start3A_229 = tpu.memref_slice %dma_start3A_227[%dma_start3A_223, %dma_start3A_228] : memref<8x128xi32, #tpu.memory_space<vmem>> -> memref<1x128xi32, #tpu.memory_space<vmem>>
      %dma_start3A_230 = tpu.memref_squeeze %dma_start3A_229 : memref<1x128xi32, #tpu.memory_space<vmem>> -> memref<128xi32, #tpu.memory_space<vmem>>
      %dma_start3A_231 = arith.constant 0 : i32
      %dma_start3A_232 = arith.constant 0 : i32
      %dma_start3A_233 = tpu.memref_slice %arg9[%dma_start3A_231, %dma_start3A_232] : memref<10112x16xf32, #tpu.memory_space<vmem_shared>> -> memref<10112x16xf32, #tpu.memory_space<vmem_shared>>
      tpu.enqueue_indirect_dma source(%arg8 : memref<128x16xf32, #tpu.memory_space<vmem>>) target(%dma_start3A_233 : memref<10112x16xf32, #tpu.memory_space<vmem_shared>>) offsets(%dma_start3A_230 : memref<128xi32, #tpu.memory_space<vmem>>) semaphore(%arg10 : memref<!tpu.dma_semaphore, #tpu.memory_space<semaphore_mem>>) {add = true}
      %dma_start3A_234 = arith.constant 0 : i32
      %dma_start3A_235 = arith.constant 2 : i32
      %dma_start3A_236 = arith.constant 0 : i32
      %dma_start3A_237 = arith.constant 0 : i32
      %dma_start3A_238 = tpu.memref_slice %arg6[%dma_start3A_234, %dma_start3A_236, %dma_start3A_237] : memref<1x8x128xi32, #tpu.memory_space<vmem>> -> memref<1x8x128xi32, #tpu.memory_space<vmem>>
      %dma_start3A_239 = tpu.memref_squeeze %dma_start3A_238 : memref<1x8x128xi32, #tpu.memory_space<vmem>> -> memref<8x128xi32, #tpu.memory_space<vmem>>
      %dma_start3A_240 = arith.constant 0 : i32
      %dma_start3A_241 = tpu.memref_slice %dma_start3A_239[%dma_start3A_235, %dma_start3A_240] : memref<8x128xi32, #tpu.memory_space<vmem>> -> memref<1x128xi32, #tpu.memory_space<vmem>>
      %dma_start3A_242 = tpu.memref_squeeze %dma_start3A_241 : memref<1x128xi32, #tpu.memory_space<vmem>> -> memref<128xi32, #tpu.memory_space<vmem>>
      %dma_start3A_243 = arith.constant 0 : i32
      %dma_start3A_244 = arith.constant 0 : i32
      %dma_start3A_245 = tpu.memref_slice %arg9[%dma_start3A_243, %dma_start3A_244] : memref<10112x16xf32, #tpu.memory_space<vmem_shared>> -> memref<10112x16xf32, #tpu.memory_space<vmem_shared>>
      tpu.enqueue_indirect_dma source(%arg8 : memref<128x16xf32, #tpu.memory_space<vmem>>) target(%dma_start3A_245 : memref<10112x16xf32, #tpu.memory_space<vmem_shared>>) offsets(%dma_start3A_242 : memref<128xi32, #tpu.memory_space<vmem>>) semaphore(%arg10 : memref<!tpu.dma_semaphore, #tpu.memory_space<semaphore_mem>>) {add = true}
      %dma_start3A_246 = arith.constant 0 : i32
      %dma_start3A_247 = arith.constant 3 : i32
      %dma_start3A_248 = arith.constant 0 : i32
      %dma_start3A_249 = arith.constant 0 : i32
      %dma_start3A_250 = tpu.memref_slice %arg6[%dma_start3A_246, %dma_start3A_248, %dma_start3A_249] : memref<1x8x128xi32, #tpu.memory_space<vmem>> -> memref<1x8x128xi32, #tpu.memory_space<vmem>>
      %dma_start3A_251 = tpu.memref_squeeze %dma_start3A_250 : memref<1x8x128xi32, #tpu.memory_space<vmem>> -> memref<8x128xi32, #tpu.memory_space<vmem>>
      %dma_start3A_252 = arith.constant 0 : i32
      %dma_start3A_253 = tpu.memref_slice %dma_start3A_251[%dma_start3A_247, %dma_start3A_252] : memref<8x128xi32, #tpu.memory_space<vmem>> -> memref<1x128xi32, #tpu.memory_space<vmem>>
      %dma_start3A_254 = tpu.memref_squeeze %dma_start3A_253 : memref<1x128xi32, #tpu.memory_space<vmem>> -> memref<128xi32, #tpu.memory_space<vmem>>
      %dma_start3A_255 = arith.constant 0 : i32
      %dma_start3A_256 = arith.constant 0 : i32
      %dma_start3A_257 = tpu.memref_slice %arg9[%dma_start3A_255, %dma_start3A_256] : memref<10112x16xf32, #tpu.memory_space<vmem_shared>> -> memref<10112x16xf32, #tpu.memory_space<vmem_shared>>
      tpu.enqueue_indirect_dma source(%arg8 : memref<128x16xf32, #tpu.memory_space<vmem>>) target(%dma_start3A_257 : memref<10112x16xf32, #tpu.memory_space<vmem_shared>>) offsets(%dma_start3A_254 : memref<128xi32, #tpu.memory_space<vmem>>) semaphore(%arg10 : memref<!tpu.dma_semaphore, #tpu.memory_space<semaphore_mem>>) {add = true}
      %dma_start3A_258 = arith.constant 0 : i32
      %dma_start3A_259 = arith.constant 4 : i32
      %dma_start3A_260 = arith.constant 0 : i32
      %dma_start3A_261 = arith.constant 0 : i32
      %dma_start3A_262 = tpu.memref_slice %arg6[%dma_start3A_258, %dma_start3A_260, %dma_start3A_261] : memref<1x8x128xi32, #tpu.memory_space<vmem>> -> memref<1x8x128xi32, #tpu.memory_space<vmem>>
      %dma_start3A_263 = tpu.memref_squeeze %dma_start3A_262 : memref<1x8x128xi32, #tpu.memory_space<vmem>> -> memref<8x128xi32, #tpu.memory_space<vmem>>
      %dma_start3A_264 = arith.constant 0 : i32
      %dma_start3A_265 = tpu.memref_slice %dma_start3A_263[%dma_start3A_259, %dma_start3A_264] : memref<8x128xi32, #tpu.memory_space<vmem>> -> memref<1x128xi32, #tpu.memory_space<vmem>>
      %dma_start3A_266 = tpu.memref_squeeze %dma_start3A_265 : memref<1x128xi32, #tpu.memory_space<vmem>> -> memref<128xi32, #tpu.memory_space<vmem>>
      %dma_start3A_267 = arith.constant 0 : i32
      %dma_start3A_268 = arith.constant 0 : i32
      %dma_start3A_269 = tpu.memref_slice %arg9[%dma_start3A_267, %dma_start3A_268] : memref<10112x16xf32, #tpu.memory_space<vmem_shared>> -> memref<10112x16xf32, #tpu.memory_space<vmem_shared>>
      tpu.enqueue_indirect_dma source(%arg8 : memref<128x16xf32, #tpu.memory_space<vmem>>) target(%dma_start3A_269 : memref<10112x16xf32, #tpu.memory_space<vmem_shared>>) offsets(%dma_start3A_266 : memref<128xi32, #tpu.memory_space<vmem>>) semaphore(%arg10 : memref<!tpu.dma_semaphore, #tpu.memory_space<semaphore_mem>>) {add = true}
      %dma_start3A_270 = arith.constant 0 : i32
      %dma_start3A_271 = arith.constant 5 : i32
      %dma_start3A_272 = arith.constant 0 : i32
      %dma_start3A_273 = arith.constant 0 : i32
      %dma_start3A_274 = tpu.memref_slice %arg6[%dma_start3A_270, %dma_start3A_272, %dma_start3A_273] : memref<1x8x128xi32, #tpu.memory_space<vmem>> -> memref<1x8x128xi32, #tpu.memory_space<vmem>>
      %dma_start3A_275 = tpu.memref_squeeze %dma_start3A_274 : memref<1x8x128xi32, #tpu.memory_space<vmem>> -> memref<8x128xi32, #tpu.memory_space<vmem>>
      %dma_start3A_276 = arith.constant 0 : i32
      %dma_start3A_277 = tpu.memref_slice %dma_start3A_275[%dma_start3A_271, %dma_start3A_276] : memref<8x128xi32, #tpu.memory_space<vmem>> -> memref<1x128xi32, #tpu.memory_space<vmem>>
      %dma_start3A_278 = tpu.memref_squeeze %dma_start3A_277 : memref<1x128xi32, #tpu.memory_space<vmem>> -> memref<128xi32, #tpu.memory_space<vmem>>
      %dma_start3A_279 = arith.constant 0 : i32
      %dma_start3A_280 = arith.constant 0 : i32
      %dma_start3A_281 = tpu.memref_slice %arg9[%dma_start3A_279, %dma_start3A_280] : memref<10112x16xf32, #tpu.memory_space<vmem_shared>> -> memref<10112x16xf32, #tpu.memory_space<vmem_shared>>
      tpu.enqueue_indirect_dma source(%arg8 : memref<128x16xf32, #tpu.memory_space<vmem>>) target(%dma_start3A_281 : memref<10112x16xf32, #tpu.memory_space<vmem_shared>>) offsets(%dma_start3A_278 : memref<128xi32, #tpu.memory_space<vmem>>) semaphore(%arg10 : memref<!tpu.dma_semaphore, #tpu.memory_space<semaphore_mem>>) {add = true}
      %dma_start3A_282 = arith.constant 0 : i32
      %dma_start3A_283 = arith.constant 6 : i32
      %dma_start3A_284 = arith.constant 0 : i32
      %dma_start3A_285 = arith.constant 0 : i32
      %dma_start3A_286 = tpu.memref_slice %arg6[%dma_start3A_282, %dma_start3A_284, %dma_start3A_285] : memref<1x8x128xi32, #tpu.memory_space<vmem>> -> memref<1x8x128xi32, #tpu.memory_space<vmem>>
      %dma_start3A_287 = tpu.memref_squeeze %dma_start3A_286 : memref<1x8x128xi32, #tpu.memory_space<vmem>> -> memref<8x128xi32, #tpu.memory_space<vmem>>
      %dma_start3A_288 = arith.constant 0 : i32
      %dma_start3A_289 = tpu.memref_slice %dma_start3A_287[%dma_start3A_283, %dma_start3A_288] : memref<8x128xi32, #tpu.memory_space<vmem>> -> memref<1x128xi32, #tpu.memory_space<vmem>>
      %dma_start3A_290 = tpu.memref_squeeze %dma_start3A_289 : memref<1x128xi32, #tpu.memory_space<vmem>> -> memref<128xi32, #tpu.memory_space<vmem>>
      %dma_start3A_291 = arith.constant 0 : i32
      %dma_start3A_292 = arith.constant 0 : i32
      %dma_start3A_293 = tpu.memref_slice %arg9[%dma_start3A_291, %dma_start3A_292] : memref<10112x16xf32, #tpu.memory_space<vmem_shared>> -> memref<10112x16xf32, #tpu.memory_space<vmem_shared>>
      tpu.enqueue_indirect_dma source(%arg8 : memref<128x16xf32, #tpu.memory_space<vmem>>) target(%dma_start3A_293 : memref<10112x16xf32, #tpu.memory_space<vmem_shared>>) offsets(%dma_start3A_290 : memref<128xi32, #tpu.memory_space<vmem>>) semaphore(%arg10 : memref<!tpu.dma_semaphore, #tpu.memory_space<semaphore_mem>>) {add = true}
      %dma_start3A_294 = arith.constant 0 : i32
      %dma_start3A_295 = arith.constant 7 : i32
      %dma_start3A_296 = arith.constant 0 : i32
      %dma_start3A_297 = arith.constant 0 : i32
      %dma_start3A_298 = tpu.memref_slice %arg6[%dma_start3A_294, %dma_start3A_296, %dma_start3A_297] : memref<1x8x128xi32, #tpu.memory_space<vmem>> -> memref<1x8x128xi32, #tpu.memory_space<vmem>>
      %dma_start3A_299 = tpu.memref_squeeze %dma_start3A_298 : memref<1x8x128xi32, #tpu.memory_space<vmem>> -> memref<8x128xi32, #tpu.memory_space<vmem>>
      %dma_start3A_300 = arith.constant 0 : i32
      %dma_start3A_301 = tpu.memref_slice %dma_start3A_299[%dma_start3A_295, %dma_start3A_300] : memref<8x128xi32, #tpu.memory_space<vmem>> -> memref<1x128xi32, #tpu.memory_space<vmem>>
      %dma_start3A_302 = tpu.memref_squeeze %dma_start3A_301 : memref<1x128xi32, #tpu.memory_space<vmem>> -> memref<128xi32, #tpu.memory_space<vmem>>
      %dma_start3A_303 = arith.constant 0 : i32
      %dma_start3A_304 = arith.constant 0 : i32
      %dma_start3A_305 = tpu.memref_slice %arg9[%dma_start3A_303, %dma_start3A_304] : memref<10112x16xf32, #tpu.memory_space<vmem_shared>> -> memref<10112x16xf32, #tpu.memory_space<vmem_shared>>
      tpu.enqueue_indirect_dma source(%arg8 : memref<128x16xf32, #tpu.memory_space<vmem>>) target(%dma_start3A_305 : memref<10112x16xf32, #tpu.memory_space<vmem_shared>>) offsets(%dma_start3A_302 : memref<128xi32, #tpu.memory_space<vmem>>) semaphore(%arg10 : memref<!tpu.dma_semaphore, #tpu.memory_space<semaphore_mem>>) {add = true}
      %gt3A_306 = arith.constant 0 : i32
      %gt3A_307 = arith.cmpi sgt, %scan3A_203, %gt3A_306 : i32
      %convert_element_type3A_308 = arith.extui %gt3A_307 : i1 to i32
      %cond3A_309 = arith.constant 0 : i32
      %cond3A_310 = arith.cmpi ne, %convert_element_type3A_308, %cond3A_309 : i32
      scf.if %cond3A_310 {
        %dma_wait3A_412 = arith.constant 0 : i32
        %dma_wait3A_413 = arith.constant 0 : i32
        %dma_wait3A_414 = arith.constant 0 : i32
        %dma_wait3A_415 = arith.constant 0 : i32
        %dma_wait3A_416 = tpu.memref_slice %arg7[%dma_wait3A_412, %dma_wait3A_414, %dma_wait3A_415] : memref<1x8x128xi32, #tpu.memory_space<vmem>> -> memref<1x8x128xi32, #tpu.memory_space<vmem>>
        %dma_wait3A_417 = tpu.memref_squeeze %dma_wait3A_416 : memref<1x8x128xi32, #tpu.memory_space<vmem>> -> memref<8x128xi32, #tpu.memory_space<vmem>>
        %dma_wait3A_418 = arith.constant 0 : i32
        %dma_wait3A_419 = tpu.memref_slice %dma_wait3A_417[%dma_wait3A_413, %dma_wait3A_418] : memref<8x128xi32, #tpu.memory_space<vmem>> -> memref<1x128xi32, #tpu.memory_space<vmem>>
        %dma_wait3A_420 = tpu.memref_squeeze %dma_wait3A_419 : memref<1x128xi32, #tpu.memory_space<vmem>> -> memref<128xi32, #tpu.memory_space<vmem>>
        %dma_wait3A_421 = arith.constant 0 : i32
        %dma_wait3A_422 = arith.constant 0 : i32
        %dma_wait3A_423 = tpu.memref_slice %arg9[%dma_wait3A_421, %dma_wait3A_422] : memref<10112x16xf32, #tpu.memory_space<vmem_shared>> -> memref<10112x16xf32, #tpu.memory_space<vmem_shared>>
        tpu.wait_indirect_dma semaphore(%arg11 : memref<!tpu.dma_semaphore, #tpu.memory_space<semaphore_mem>>) src(%arg8 : memref<128x16xf32, #tpu.memory_space<vmem>>) dst(%dma_wait3A_423 : memref<10112x16xf32, #tpu.memory_space<vmem_shared>>)
        %dma_wait3A_424 = arith.constant 0 : i32
        %dma_wait3A_425 = arith.constant 1 : i32
        %dma_wait3A_426 = arith.constant 0 : i32
        %dma_wait3A_427 = arith.constant 0 : i32
        %dma_wait3A_428 = tpu.memref_slice %arg7[%dma_wait3A_424, %dma_wait3A_426, %dma_wait3A_427] : memref<1x8x128xi32, #tpu.memory_space<vmem>> -> memref<1x8x128xi32, #tpu.memory_space<vmem>>
        %dma_wait3A_429 = tpu.memref_squeeze %dma_wait3A_428 : memref<1x8x128xi32, #tpu.memory_space<vmem>> -> memref<8x128xi32, #tpu.memory_space<vmem>>
        %dma_wait3A_430 = arith.constant 0 : i32
        %dma_wait3A_431 = tpu.memref_slice %dma_wait3A_429[%dma_wait3A_425, %dma_wait3A_430] : memref<8x128xi32, #tpu.memory_space<vmem>> -> memref<1x128xi32, #tpu.memory_space<vmem>>
        %dma_wait3A_432 = tpu.memref_squeeze %dma_wait3A_431 : memref<1x128xi32, #tpu.memory_space<vmem>> -> memref<128xi32, #tpu.memory_space<vmem>>
        %dma_wait3A_433 = arith.constant 0 : i32
        %dma_wait3A_434 = arith.constant 0 : i32
        %dma_wait3A_435 = tpu.memref_slice %arg9[%dma_wait3A_433, %dma_wait3A_434] : memref<10112x16xf32, #tpu.memory_space<vmem_shared>> -> memref<10112x16xf32, #tpu.memory_space<vmem_shared>>
        tpu.wait_indirect_dma semaphore(%arg11 : memref<!tpu.dma_semaphore, #tpu.memory_space<semaphore_mem>>) src(%arg8 : memref<128x16xf32, #tpu.memory_space<vmem>>) dst(%dma_wait3A_435 : memref<10112x16xf32, #tpu.memory_space<vmem_shared>>)
        %dma_wait3A_436 = arith.constant 0 : i32
        %dma_wait3A_437 = arith.constant 2 : i32
        %dma_wait3A_438 = arith.constant 0 : i32
        %dma_wait3A_439 = arith.constant 0 : i32
        %dma_wait3A_440 = tpu.memref_slice %arg7[%dma_wait3A_436, %dma_wait3A_438, %dma_wait3A_439] : memref<1x8x128xi32, #tpu.memory_space<vmem>> -> memref<1x8x128xi32, #tpu.memory_space<vmem>>
        %dma_wait3A_441 = tpu.memref_squeeze %dma_wait3A_440 : memref<1x8x128xi32, #tpu.memory_space<vmem>> -> memref<8x128xi32, #tpu.memory_space<vmem>>
        %dma_wait3A_442 = arith.constant 0 : i32
        %dma_wait3A_443 = tpu.memref_slice %dma_wait3A_441[%dma_wait3A_437, %dma_wait3A_442] : memref<8x128xi32, #tpu.memory_space<vmem>> -> memref<1x128xi32, #tpu.memory_space<vmem>>
        %dma_wait3A_444 = tpu.memref_squeeze %dma_wait3A_443 : memref<1x128xi32, #tpu.memory_space<vmem>> -> memref<128xi32, #tpu.memory_space<vmem>>
        %dma_wait3A_445 = arith.constant 0 : i32
        %dma_wait3A_446 = arith.constant 0 : i32
        %dma_wait3A_447 = tpu.memref_slice %arg9[%dma_wait3A_445, %dma_wait3A_446] : memref<10112x16xf32, #tpu.memory_space<vmem_shared>> -> memref<10112x16xf32, #tpu.memory_space<vmem_shared>>
        tpu.wait_indirect_dma semaphore(%arg11 : memref<!tpu.dma_semaphore, #tpu.memory_space<semaphore_mem>>) src(%arg8 : memref<128x16xf32, #tpu.memory_space<vmem>>) dst(%dma_wait3A_447 : memref<10112x16xf32, #tpu.memory_space<vmem_shared>>)
        %dma_wait3A_448 = arith.constant 0 : i32
        %dma_wait3A_449 = arith.constant 3 : i32
        %dma_wait3A_450 = arith.constant 0 : i32
        %dma_wait3A_451 = arith.constant 0 : i32
        %dma_wait3A_452 = tpu.memref_slice %arg7[%dma_wait3A_448, %dma_wait3A_450, %dma_wait3A_451] : memref<1x8x128xi32, #tpu.memory_space<vmem>> -> memref<1x8x128xi32, #tpu.memory_space<vmem>>
        %dma_wait3A_453 = tpu.memref_squeeze %dma_wait3A_452 : memref<1x8x128xi32, #tpu.memory_space<vmem>> -> memref<8x128xi32, #tpu.memory_space<vmem>>
        %dma_wait3A_454 = arith.constant 0 : i32
        %dma_wait3A_455 = tpu.memref_slice %dma_wait3A_453[%dma_wait3A_449, %dma_wait3A_454] : memref<8x128xi32, #tpu.memory_space<vmem>> -> memref<1x128xi32, #tpu.memory_space<vmem>>
        %dma_wait3A_456 = tpu.memref_squeeze %dma_wait3A_455 : memref<1x128xi32, #tpu.memory_space<vmem>> -> memref<128xi32, #tpu.memory_space<vmem>>
        %dma_wait3A_457 = arith.constant 0 : i32
        %dma_wait3A_458 = arith.constant 0 : i32
        %dma_wait3A_459 = tpu.memref_slice %arg9[%dma_wait3A_457, %dma_wait3A_458] : memref<10112x16xf32, #tpu.memory_space<vmem_shared>> -> memref<10112x16xf32, #tpu.memory_space<vmem_shared>>
        tpu.wait_indirect_dma semaphore(%arg11 : memref<!tpu.dma_semaphore, #tpu.memory_space<semaphore_mem>>) src(%arg8 : memref<128x16xf32, #tpu.memory_space<vmem>>) dst(%dma_wait3A_459 : memref<10112x16xf32, #tpu.memory_space<vmem_shared>>)
        %dma_wait3A_460 = arith.constant 0 : i32
        %dma_wait3A_461 = arith.constant 4 : i32
        %dma_wait3A_462 = arith.constant 0 : i32
        %dma_wait3A_463 = arith.constant 0 : i32
        %dma_wait3A_464 = tpu.memref_slice %arg7[%dma_wait3A_460, %dma_wait3A_462, %dma_wait3A_463] : memref<1x8x128xi32, #tpu.memory_space<vmem>> -> memref<1x8x128xi32, #tpu.memory_space<vmem>>
        %dma_wait3A_465 = tpu.memref_squeeze %dma_wait3A_464 : memref<1x8x128xi32, #tpu.memory_space<vmem>> -> memref<8x128xi32, #tpu.memory_space<vmem>>
        %dma_wait3A_466 = arith.constant 0 : i32
        %dma_wait3A_467 = tpu.memref_slice %dma_wait3A_465[%dma_wait3A_461, %dma_wait3A_466] : memref<8x128xi32, #tpu.memory_space<vmem>> -> memref<1x128xi32, #tpu.memory_space<vmem>>
        %dma_wait3A_468 = tpu.memref_squeeze %dma_wait3A_467 : memref<1x128xi32, #tpu.memory_space<vmem>> -> memref<128xi32, #tpu.memory_space<vmem>>
        %dma_wait3A_469 = arith.constant 0 : i32
        %dma_wait3A_470 = arith.constant 0 : i32
        %dma_wait3A_471 = tpu.memref_slice %arg9[%dma_wait3A_469, %dma_wait3A_470] : memref<10112x16xf32, #tpu.memory_space<vmem_shared>> -> memref<10112x16xf32, #tpu.memory_space<vmem_shared>>
        tpu.wait_indirect_dma semaphore(%arg11 : memref<!tpu.dma_semaphore, #tpu.memory_space<semaphore_mem>>) src(%arg8 : memref<128x16xf32, #tpu.memory_space<vmem>>) dst(%dma_wait3A_471 : memref<10112x16xf32, #tpu.memory_space<vmem_shared>>)
        %dma_wait3A_472 = arith.constant 0 : i32
        %dma_wait3A_473 = arith.constant 5 : i32
        %dma_wait3A_474 = arith.constant 0 : i32
        %dma_wait3A_475 = arith.constant 0 : i32
        %dma_wait3A_476 = tpu.memref_slice %arg7[%dma_wait3A_472, %dma_wait3A_474, %dma_wait3A_475] : memref<1x8x128xi32, #tpu.memory_space<vmem>> -> memref<1x8x128xi32, #tpu.memory_space<vmem>>
        %dma_wait3A_477 = tpu.memref_squeeze %dma_wait3A_476 : memref<1x8x128xi32, #tpu.memory_space<vmem>> -> memref<8x128xi32, #tpu.memory_space<vmem>>
        %dma_wait3A_478 = arith.constant 0 : i32
        %dma_wait3A_479 = tpu.memref_slice %dma_wait3A_477[%dma_wait3A_473, %dma_wait3A_478] : memref<8x128xi32, #tpu.memory_space<vmem>> -> memref<1x128xi32, #tpu.memory_space<vmem>>
        %dma_wait3A_480 = tpu.memref_squeeze %dma_wait3A_479 : memref<1x128xi32, #tpu.memory_space<vmem>> -> memref<128xi32, #tpu.memory_space<vmem>>
        %dma_wait3A_481 = arith.constant 0 : i32
        %dma_wait3A_482 = arith.constant 0 : i32
        %dma_wait3A_483 = tpu.memref_slice %arg9[%dma_wait3A_481, %dma_wait3A_482] : memref<10112x16xf32, #tpu.memory_space<vmem_shared>> -> memref<10112x16xf32, #tpu.memory_space<vmem_shared>>
        tpu.wait_indirect_dma semaphore(%arg11 : memref<!tpu.dma_semaphore, #tpu.memory_space<semaphore_mem>>) src(%arg8 : memref<128x16xf32, #tpu.memory_space<vmem>>) dst(%dma_wait3A_483 : memref<10112x16xf32, #tpu.memory_space<vmem_shared>>)
        %dma_wait3A_484 = arith.constant 0 : i32
        %dma_wait3A_485 = arith.constant 6 : i32
        %dma_wait3A_486 = arith.constant 0 : i32
        %dma_wait3A_487 = arith.constant 0 : i32
        %dma_wait3A_488 = tpu.memref_slice %arg7[%dma_wait3A_484, %dma_wait3A_486, %dma_wait3A_487] : memref<1x8x128xi32, #tpu.memory_space<vmem>> -> memref<1x8x128xi32, #tpu.memory_space<vmem>>
        %dma_wait3A_489 = tpu.memref_squeeze %dma_wait3A_488 : memref<1x8x128xi32, #tpu.memory_space<vmem>> -> memref<8x128xi32, #tpu.memory_space<vmem>>
        %dma_wait3A_490 = arith.constant 0 : i32
        %dma_wait3A_491 = tpu.memref_slice %dma_wait3A_489[%dma_wait3A_485, %dma_wait3A_490] : memref<8x128xi32, #tpu.memory_space<vmem>> -> memref<1x128xi32, #tpu.memory_space<vmem>>
        %dma_wait3A_492 = tpu.memref_squeeze %dma_wait3A_491 : memref<1x128xi32, #tpu.memory_space<vmem>> -> memref<128xi32, #tpu.memory_space<vmem>>
        %dma_wait3A_493 = arith.constant 0 : i32
        %dma_wait3A_494 = arith.constant 0 : i32
        %dma_wait3A_495 = tpu.memref_slice %arg9[%dma_wait3A_493, %dma_wait3A_494] : memref<10112x16xf32, #tpu.memory_space<vmem_shared>> -> memref<10112x16xf32, #tpu.memory_space<vmem_shared>>
        tpu.wait_indirect_dma semaphore(%arg11 : memref<!tpu.dma_semaphore, #tpu.memory_space<semaphore_mem>>) src(%arg8 : memref<128x16xf32, #tpu.memory_space<vmem>>) dst(%dma_wait3A_495 : memref<10112x16xf32, #tpu.memory_space<vmem_shared>>)
        %dma_wait3A_496 = arith.constant 0 : i32
        %dma_wait3A_497 = arith.constant 7 : i32
        %dma_wait3A_498 = arith.constant 0 : i32
        %dma_wait3A_499 = arith.constant 0 : i32
        %dma_wait3A_500 = tpu.memref_slice %arg7[%dma_wait3A_496, %dma_wait3A_498, %dma_wait3A_499] : memref<1x8x128xi32, #tpu.memory_space<vmem>> -> memref<1x8x128xi32, #tpu.memory_space<vmem>>
        %dma_wait3A_501 = tpu.memref_squeeze %dma_wait3A_500 : memref<1x8x128xi32, #tpu.memory_space<vmem>> -> memref<8x128xi32, #tpu.memory_space<vmem>>
        %dma_wait3A_502 = arith.constant 0 : i32
        %dma_wait3A_503 = tpu.memref_slice %dma_wait3A_501[%dma_wait3A_497, %dma_wait3A_502] : memref<8x128xi32, #tpu.memory_space<vmem>> -> memref<1x128xi32, #tpu.memory_space<vmem>>
        %dma_wait3A_504 = tpu.memref_squeeze %dma_wait3A_503 : memref<1x128xi32, #tpu.memory_space<vmem>> -> memref<128xi32, #tpu.memory_space<vmem>>
        %dma_wait3A_505 = arith.constant 0 : i32
        %dma_wait3A_506 = arith.constant 0 : i32
        %dma_wait3A_507 = tpu.memref_slice %arg9[%dma_wait3A_505, %dma_wait3A_506] : memref<10112x16xf32, #tpu.memory_space<vmem_shared>> -> memref<10112x16xf32, #tpu.memory_space<vmem_shared>>
        tpu.wait_indirect_dma semaphore(%arg11 : memref<!tpu.dma_semaphore, #tpu.memory_space<semaphore_mem>>) src(%arg8 : memref<128x16xf32, #tpu.memory_space<vmem>>) dst(%dma_wait3A_507 : memref<10112x16xf32, #tpu.memory_space<vmem_shared>>)
      } else {
      }
      %add3A_311 = arith.constant 1 : i32
      %add3A_312 = arith.addi %mul3A_205, %add3A_311 : i32
      %mul3A_313 = arith.constant 10 : i32
      %mul3A_314 = arith.muli %add3A, %mul3A_313 : i32
      %add3A_315 = arith.addi %mul3A_314, %add3A_312 : i32
      "tpu.region"() ({
        %run_scoped3A = tpu.sem_alloc : memref<!tpu.dma_semaphore, #tpu.memory_space<semaphore_mem>>
        %dma_start3A_412 = arith.constant 0 : i32
        %dma_start3A_413 = arith.constant 0 : i32
        %dma_start3A_414 = arith.constant 0 : i32
        %dma_start3A_415 = tpu.memref_slice %arg2[%add3A_315, %dma_start3A_412, %dma_start3A_413, %dma_start3A_414] : memref<320x1x8x128xi32, #tpu.memory_space<hbm>> -> memref<1x1x8x128xi32, #tpu.memory_space<hbm>>
        %dma_start3A_416 = tpu.memref_squeeze %dma_start3A_415 : memref<1x1x8x128xi32, #tpu.memory_space<hbm>> -> memref<1x8x128xi32, #tpu.memory_space<hbm>>
        %dma_start3A_417 = arith.constant 0 : i32
        %dma_start3A_418 = arith.constant 0 : i32
        %dma_start3A_419 = arith.constant 0 : i32
        %dma_start3A_420 = tpu.memref_slice %arg2[%add3A_315, %dma_start3A_417, %dma_start3A_418, %dma_start3A_419] : memref<320x1x8x128xi32, #tpu.memory_space<hbm>> -> memref<1x1x8x128xi32, #tpu.memory_space<hbm>>
        %dma_start3A_421 = tpu.memref_squeeze %dma_start3A_420 : memref<1x1x8x128xi32, #tpu.memory_space<hbm>> -> memref<1x8x128xi32, #tpu.memory_space<hbm>>
        tpu.enqueue_dma source(%dma_start3A_421 : memref<1x8x128xi32, #tpu.memory_space<hbm>>) target(%arg7 : memref<1x8x128xi32, #tpu.memory_space<vmem>>) target_semaphore(%run_scoped3A : memref<!tpu.dma_semaphore, #tpu.memory_space<semaphore_mem>>)
        %dma_wait3A_422 = arith.constant 0 : i32
        %dma_wait3A_423 = arith.constant 0 : i32
        %dma_wait3A_424 = arith.constant 0 : i32
        %dma_wait3A_425 = tpu.memref_slice %arg2[%add3A_315, %dma_wait3A_422, %dma_wait3A_423, %dma_wait3A_424] : memref<320x1x8x128xi32, #tpu.memory_space<hbm>> -> memref<1x1x8x128xi32, #tpu.memory_space<hbm>>
        %dma_wait3A_426 = tpu.memref_squeeze %dma_wait3A_425 : memref<1x1x8x128xi32, #tpu.memory_space<hbm>> -> memref<1x8x128xi32, #tpu.memory_space<hbm>>
        %dma_wait3A_427 = arith.constant 0 : i32
        %dma_wait3A_428 = arith.constant 0 : i32
        %dma_wait3A_429 = arith.constant 0 : i32
        %dma_wait3A_430 = tpu.memref_slice %arg2[%add3A_315, %dma_wait3A_427, %dma_wait3A_428, %dma_wait3A_429] : memref<320x1x8x128xi32, #tpu.memory_space<hbm>> -> memref<1x1x8x128xi32, #tpu.memory_space<hbm>>
        %dma_wait3A_431 = tpu.memref_squeeze %dma_wait3A_430 : memref<1x1x8x128xi32, #tpu.memory_space<hbm>> -> memref<1x8x128xi32, #tpu.memory_space<hbm>>
        tpu.wait_dma2 semaphore(%run_scoped3A : memref<!tpu.dma_semaphore, #tpu.memory_space<semaphore_mem>>) src(%dma_wait3A_431 : memref<1x8x128xi32, #tpu.memory_space<hbm>>) dst(%arg7 : memref<1x8x128xi32, #tpu.memory_space<vmem>>)
        tpu.yield
      }) : () -> ()
      %dma_start3A_316 = arith.constant 0 : i32
      %dma_start3A_317 = arith.constant 0 : i32
      %dma_start3A_318 = arith.constant 0 : i32
      %dma_start3A_319 = arith.constant 0 : i32
      %dma_start3A_320 = tpu.memref_slice %arg7[%dma_start3A_316, %dma_start3A_318, %dma_start3A_319] : memref<1x8x128xi32, #tpu.memory_space<vmem>> -> memref<1x8x128xi32, #tpu.memory_space<vmem>>
      %dma_start3A_321 = tpu.memref_squeeze %dma_start3A_320 : memref<1x8x128xi32, #tpu.memory_space<vmem>> -> memref<8x128xi32, #tpu.memory_space<vmem>>
      %dma_start3A_322 = arith.constant 0 : i32
      %dma_start3A_323 = tpu.memref_slice %dma_start3A_321[%dma_start3A_317, %dma_start3A_322] : memref<8x128xi32, #tpu.memory_space<vmem>> -> memref<1x128xi32, #tpu.memory_space<vmem>>
      %dma_start3A_324 = tpu.memref_squeeze %dma_start3A_323 : memref<1x128xi32, #tpu.memory_space<vmem>> -> memref<128xi32, #tpu.memory_space<vmem>>
      %dma_start3A_325 = arith.constant 0 : i32
      %dma_start3A_326 = arith.constant 0 : i32
      %dma_start3A_327 = tpu.memref_slice %arg9[%dma_start3A_325, %dma_start3A_326] : memref<10112x16xf32, #tpu.memory_space<vmem_shared>> -> memref<10112x16xf32, #tpu.memory_space<vmem_shared>>
      tpu.enqueue_indirect_dma source(%arg8 : memref<128x16xf32, #tpu.memory_space<vmem>>) target(%dma_start3A_327 : memref<10112x16xf32, #tpu.memory_space<vmem_shared>>) offsets(%dma_start3A_324 : memref<128xi32, #tpu.memory_space<vmem>>) semaphore(%arg11 : memref<!tpu.dma_semaphore, #tpu.memory_space<semaphore_mem>>) {add = true}
      %dma_start3A_328 = arith.constant 0 : i32
      %dma_start3A_329 = arith.constant 1 : i32
      %dma_start3A_330 = arith.constant 0 : i32
      %dma_start3A_331 = arith.constant 0 : i32
      %dma_start3A_332 = tpu.memref_slice %arg7[%dma_start3A_328, %dma_start3A_330, %dma_start3A_331] : memref<1x8x128xi32, #tpu.memory_space<vmem>> -> memref<1x8x128xi32, #tpu.memory_space<vmem>>
      %dma_start3A_333 = tpu.memref_squeeze %dma_start3A_332 : memref<1x8x128xi32, #tpu.memory_space<vmem>> -> memref<8x128xi32, #tpu.memory_space<vmem>>
      %dma_start3A_334 = arith.constant 0 : i32
      %dma_start3A_335 = tpu.memref_slice %dma_start3A_333[%dma_start3A_329, %dma_start3A_334] : memref<8x128xi32, #tpu.memory_space<vmem>> -> memref<1x128xi32, #tpu.memory_space<vmem>>
      %dma_start3A_336 = tpu.memref_squeeze %dma_start3A_335 : memref<1x128xi32, #tpu.memory_space<vmem>> -> memref<128xi32, #tpu.memory_space<vmem>>
      %dma_start3A_337 = arith.constant 0 : i32
      %dma_start3A_338 = arith.constant 0 : i32
      %dma_start3A_339 = tpu.memref_slice %arg9[%dma_start3A_337, %dma_start3A_338] : memref<10112x16xf32, #tpu.memory_space<vmem_shared>> -> memref<10112x16xf32, #tpu.memory_space<vmem_shared>>
      tpu.enqueue_indirect_dma source(%arg8 : memref<128x16xf32, #tpu.memory_space<vmem>>) target(%dma_start3A_339 : memref<10112x16xf32, #tpu.memory_space<vmem_shared>>) offsets(%dma_start3A_336 : memref<128xi32, #tpu.memory_space<vmem>>) semaphore(%arg11 : memref<!tpu.dma_semaphore, #tpu.memory_space<semaphore_mem>>) {add = true}
      %dma_start3A_340 = arith.constant 0 : i32
      %dma_start3A_341 = arith.constant 2 : i32
      %dma_start3A_342 = arith.constant 0 : i32
      %dma_start3A_343 = arith.constant 0 : i32
      %dma_start3A_344 = tpu.memref_slice %arg7[%dma_start3A_340, %dma_start3A_342, %dma_start3A_343] : memref<1x8x128xi32, #tpu.memory_space<vmem>> -> memref<1x8x128xi32, #tpu.memory_space<vmem>>
      %dma_start3A_345 = tpu.memref_squeeze %dma_start3A_344 : memref<1x8x128xi32, #tpu.memory_space<vmem>> -> memref<8x128xi32, #tpu.memory_space<vmem>>
      %dma_start3A_346 = arith.constant 0 : i32
      %dma_start3A_347 = tpu.memref_slice %dma_start3A_345[%dma_start3A_341, %dma_start3A_346] : memref<8x128xi32, #tpu.memory_space<vmem>> -> memref<1x128xi32, #tpu.memory_space<vmem>>
      %dma_start3A_348 = tpu.memref_squeeze %dma_start3A_347 : memref<1x128xi32, #tpu.memory_space<vmem>> -> memref<128xi32, #tpu.memory_space<vmem>>
      %dma_start3A_349 = arith.constant 0 : i32
      %dma_start3A_350 = arith.constant 0 : i32
      %dma_start3A_351 = tpu.memref_slice %arg9[%dma_start3A_349, %dma_start3A_350] : memref<10112x16xf32, #tpu.memory_space<vmem_shared>> -> memref<10112x16xf32, #tpu.memory_space<vmem_shared>>
      tpu.enqueue_indirect_dma source(%arg8 : memref<128x16xf32, #tpu.memory_space<vmem>>) target(%dma_start3A_351 : memref<10112x16xf32, #tpu.memory_space<vmem_shared>>) offsets(%dma_start3A_348 : memref<128xi32, #tpu.memory_space<vmem>>) semaphore(%arg11 : memref<!tpu.dma_semaphore, #tpu.memory_space<semaphore_mem>>) {add = true}
      %dma_start3A_352 = arith.constant 0 : i32
      %dma_start3A_353 = arith.constant 3 : i32
      %dma_start3A_354 = arith.constant 0 : i32
      %dma_start3A_355 = arith.constant 0 : i32
      %dma_start3A_356 = tpu.memref_slice %arg7[%dma_start3A_352, %dma_start3A_354, %dma_start3A_355] : memref<1x8x128xi32, #tpu.memory_space<vmem>> -> memref<1x8x128xi32, #tpu.memory_space<vmem>>
      %dma_start3A_357 = tpu.memref_squeeze %dma_start3A_356 : memref<1x8x128xi32, #tpu.memory_space<vmem>> -> memref<8x128xi32, #tpu.memory_space<vmem>>
      %dma_start3A_358 = arith.constant 0 : i32
      %dma_start3A_359 = tpu.memref_slice %dma_start3A_357[%dma_start3A_353, %dma_start3A_358] : memref<8x128xi32, #tpu.memory_space<vmem>> -> memref<1x128xi32, #tpu.memory_space<vmem>>
      %dma_start3A_360 = tpu.memref_squeeze %dma_start3A_359 : memref<1x128xi32, #tpu.memory_space<vmem>> -> memref<128xi32, #tpu.memory_space<vmem>>
      %dma_start3A_361 = arith.constant 0 : i32
      %dma_start3A_362 = arith.constant 0 : i32
      %dma_start3A_363 = tpu.memref_slice %arg9[%dma_start3A_361, %dma_start3A_362] : memref<10112x16xf32, #tpu.memory_space<vmem_shared>> -> memref<10112x16xf32, #tpu.memory_space<vmem_shared>>
      tpu.enqueue_indirect_dma source(%arg8 : memref<128x16xf32, #tpu.memory_space<vmem>>) target(%dma_start3A_363 : memref<10112x16xf32, #tpu.memory_space<vmem_shared>>) offsets(%dma_start3A_360 : memref<128xi32, #tpu.memory_space<vmem>>) semaphore(%arg11 : memref<!tpu.dma_semaphore, #tpu.memory_space<semaphore_mem>>) {add = true}
      %dma_start3A_364 = arith.constant 0 : i32
      %dma_start3A_365 = arith.constant 4 : i32
      %dma_start3A_366 = arith.constant 0 : i32
      %dma_start3A_367 = arith.constant 0 : i32
      %dma_start3A_368 = tpu.memref_slice %arg7[%dma_start3A_364, %dma_start3A_366, %dma_start3A_367] : memref<1x8x128xi32, #tpu.memory_space<vmem>> -> memref<1x8x128xi32, #tpu.memory_space<vmem>>
      %dma_start3A_369 = tpu.memref_squeeze %dma_start3A_368 : memref<1x8x128xi32, #tpu.memory_space<vmem>> -> memref<8x128xi32, #tpu.memory_space<vmem>>
      %dma_start3A_370 = arith.constant 0 : i32
      %dma_start3A_371 = tpu.memref_slice %dma_start3A_369[%dma_start3A_365, %dma_start3A_370] : memref<8x128xi32, #tpu.memory_space<vmem>> -> memref<1x128xi32, #tpu.memory_space<vmem>>
      %dma_start3A_372 = tpu.memref_squeeze %dma_start3A_371 : memref<1x128xi32, #tpu.memory_space<vmem>> -> memref<128xi32, #tpu.memory_space<vmem>>
      %dma_start3A_373 = arith.constant 0 : i32
      %dma_start3A_374 = arith.constant 0 : i32
      %dma_start3A_375 = tpu.memref_slice %arg9[%dma_start3A_373, %dma_start3A_374] : memref<10112x16xf32, #tpu.memory_space<vmem_shared>> -> memref<10112x16xf32, #tpu.memory_space<vmem_shared>>
      tpu.enqueue_indirect_dma source(%arg8 : memref<128x16xf32, #tpu.memory_space<vmem>>) target(%dma_start3A_375 : memref<10112x16xf32, #tpu.memory_space<vmem_shared>>) offsets(%dma_start3A_372 : memref<128xi32, #tpu.memory_space<vmem>>) semaphore(%arg11 : memref<!tpu.dma_semaphore, #tpu.memory_space<semaphore_mem>>) {add = true}
      %dma_start3A_376 = arith.constant 0 : i32
      %dma_start3A_377 = arith.constant 5 : i32
      %dma_start3A_378 = arith.constant 0 : i32
      %dma_start3A_379 = arith.constant 0 : i32
      %dma_start3A_380 = tpu.memref_slice %arg7[%dma_start3A_376, %dma_start3A_378, %dma_start3A_379] : memref<1x8x128xi32, #tpu.memory_space<vmem>> -> memref<1x8x128xi32, #tpu.memory_space<vmem>>
      %dma_start3A_381 = tpu.memref_squeeze %dma_start3A_380 : memref<1x8x128xi32, #tpu.memory_space<vmem>> -> memref<8x128xi32, #tpu.memory_space<vmem>>
      %dma_start3A_382 = arith.constant 0 : i32
      %dma_start3A_383 = tpu.memref_slice %dma_start3A_381[%dma_start3A_377, %dma_start3A_382] : memref<8x128xi32, #tpu.memory_space<vmem>> -> memref<1x128xi32, #tpu.memory_space<vmem>>
      %dma_start3A_384 = tpu.memref_squeeze %dma_start3A_383 : memref<1x128xi32, #tpu.memory_space<vmem>> -> memref<128xi32, #tpu.memory_space<vmem>>
      %dma_start3A_385 = arith.constant 0 : i32
      %dma_start3A_386 = arith.constant 0 : i32
      %dma_start3A_387 = tpu.memref_slice %arg9[%dma_start3A_385, %dma_start3A_386] : memref<10112x16xf32, #tpu.memory_space<vmem_shared>> -> memref<10112x16xf32, #tpu.memory_space<vmem_shared>>
      tpu.enqueue_indirect_dma source(%arg8 : memref<128x16xf32, #tpu.memory_space<vmem>>) target(%dma_start3A_387 : memref<10112x16xf32, #tpu.memory_space<vmem_shared>>) offsets(%dma_start3A_384 : memref<128xi32, #tpu.memory_space<vmem>>) semaphore(%arg11 : memref<!tpu.dma_semaphore, #tpu.memory_space<semaphore_mem>>) {add = true}
      %dma_start3A_388 = arith.constant 0 : i32
      %dma_start3A_389 = arith.constant 6 : i32
      %dma_start3A_390 = arith.constant 0 : i32
      %dma_start3A_391 = arith.constant 0 : i32
      %dma_start3A_392 = tpu.memref_slice %arg7[%dma_start3A_388, %dma_start3A_390, %dma_start3A_391] : memref<1x8x128xi32, #tpu.memory_space<vmem>> -> memref<1x8x128xi32, #tpu.memory_space<vmem>>
      %dma_start3A_393 = tpu.memref_squeeze %dma_start3A_392 : memref<1x8x128xi32, #tpu.memory_space<vmem>> -> memref<8x128xi32, #tpu.memory_space<vmem>>
      %dma_start3A_394 = arith.constant 0 : i32
      %dma_start3A_395 = tpu.memref_slice %dma_start3A_393[%dma_start3A_389, %dma_start3A_394] : memref<8x128xi32, #tpu.memory_space<vmem>> -> memref<1x128xi32, #tpu.memory_space<vmem>>
      %dma_start3A_396 = tpu.memref_squeeze %dma_start3A_395 : memref<1x128xi32, #tpu.memory_space<vmem>> -> memref<128xi32, #tpu.memory_space<vmem>>
      %dma_start3A_397 = arith.constant 0 : i32
      %dma_start3A_398 = arith.constant 0 : i32
      %dma_start3A_399 = tpu.memref_slice %arg9[%dma_start3A_397, %dma_start3A_398] : memref<10112x16xf32, #tpu.memory_space<vmem_shared>> -> memref<10112x16xf32, #tpu.memory_space<vmem_shared>>
      tpu.enqueue_indirect_dma source(%arg8 : memref<128x16xf32, #tpu.memory_space<vmem>>) target(%dma_start3A_399 : memref<10112x16xf32, #tpu.memory_space<vmem_shared>>) offsets(%dma_start3A_396 : memref<128xi32, #tpu.memory_space<vmem>>) semaphore(%arg11 : memref<!tpu.dma_semaphore, #tpu.memory_space<semaphore_mem>>) {add = true}
      %dma_start3A_400 = arith.constant 0 : i32
      %dma_start3A_401 = arith.constant 7 : i32
      %dma_start3A_402 = arith.constant 0 : i32
      %dma_start3A_403 = arith.constant 0 : i32
      %dma_start3A_404 = tpu.memref_slice %arg7[%dma_start3A_400, %dma_start3A_402, %dma_start3A_403] : memref<1x8x128xi32, #tpu.memory_space<vmem>> -> memref<1x8x128xi32, #tpu.memory_space<vmem>>
      %dma_start3A_405 = tpu.memref_squeeze %dma_start3A_404 : memref<1x8x128xi32, #tpu.memory_space<vmem>> -> memref<8x128xi32, #tpu.memory_space<vmem>>
      %dma_start3A_406 = arith.constant 0 : i32
      %dma_start3A_407 = tpu.memref_slice %dma_start3A_405[%dma_start3A_401, %dma_start3A_406] : memref<8x128xi32, #tpu.memory_space<vmem>> -> memref<1x128xi32, #tpu.memory_space<vmem>>
      %dma_start3A_408 = tpu.memref_squeeze %dma_start3A_407 : memref<1x128xi32, #tpu.memory_space<vmem>> -> memref<128xi32, #tpu.memory_space<vmem>>
      %dma_start3A_409 = arith.constant 0 : i32
      %dma_start3A_410 = arith.constant 0 : i32
      %dma_start3A_411 = tpu.memref_slice %arg9[%dma_start3A_409, %dma_start3A_410] : memref<10112x16xf32, #tpu.memory_space<vmem_shared>> -> memref<10112x16xf32, #tpu.memory_space<vmem_shared>>
      tpu.enqueue_indirect_dma source(%arg8 : memref<128x16xf32, #tpu.memory_space<vmem>>) target(%dma_start3A_411 : memref<10112x16xf32, #tpu.memory_space<vmem_shared>>) offsets(%dma_start3A_408 : memref<128xi32, #tpu.memory_space<vmem>>) semaphore(%arg11 : memref<!tpu.dma_semaphore, #tpu.memory_space<semaphore_mem>>) {add = true}
    }
    %scan3A_7 = arith.constant 5 : i32
    %dma_wait3A = arith.constant 0 : i32
    %dma_wait3A_8 = arith.constant 0 : i32
    %dma_wait3A_9 = arith.constant 0 : i32
    %dma_wait3A_10 = arith.constant 0 : i32
    %dma_wait3A_11 = tpu.memref_slice %arg6[%dma_wait3A, %dma_wait3A_9, %dma_wait3A_10] : memref<1x8x128xi32, #tpu.memory_space<vmem>> -> memref<1x8x128xi32, #tpu.memory_space<vmem>>
    %dma_wait3A_12 = tpu.memref_squeeze %dma_wait3A_11 : memref<1x8x128xi32, #tpu.memory_space<vmem>> -> memref<8x128xi32, #tpu.memory_space<vmem>>
    %dma_wait3A_13 = arith.constant 0 : i32
    %dma_wait3A_14 = tpu.memref_slice %dma_wait3A_12[%dma_wait3A_8, %dma_wait3A_13] : memref<8x128xi32, #tpu.memory_space<vmem>> -> memref<1x128xi32, #tpu.memory_space<vmem>>
    %dma_wait3A_15 = tpu.memref_squeeze %dma_wait3A_14 : memref<1x128xi32, #tpu.memory_space<vmem>> -> memref<128xi32, #tpu.memory_space<vmem>>
    %dma_wait3A_16 = arith.constant 0 : i32
    %dma_wait3A_17 = arith.constant 0 : i32
    %dma_wait3A_18 = tpu.memref_slice %arg9[%dma_wait3A_16, %dma_wait3A_17] : memref<10112x16xf32, #tpu.memory_space<vmem_shared>> -> memref<10112x16xf32, #tpu.memory_space<vmem_shared>>
    tpu.wait_indirect_dma semaphore(%arg10 : memref<!tpu.dma_semaphore, #tpu.memory_space<semaphore_mem>>) src(%arg8 : memref<128x16xf32, #tpu.memory_space<vmem>>) dst(%dma_wait3A_18 : memref<10112x16xf32, #tpu.memory_space<vmem_shared>>)
    %dma_wait3A_19 = arith.constant 0 : i32
    %dma_wait3A_20 = arith.constant 1 : i32
    %dma_wait3A_21 = arith.constant 0 : i32
    %dma_wait3A_22 = arith.constant 0 : i32
    %dma_wait3A_23 = tpu.memref_slice %arg6[%dma_wait3A_19, %dma_wait3A_21, %dma_wait3A_22] : memref<1x8x128xi32, #tpu.memory_space<vmem>> -> memref<1x8x128xi32, #tpu.memory_space<vmem>>
    %dma_wait3A_24 = tpu.memref_squeeze %dma_wait3A_23 : memref<1x8x128xi32, #tpu.memory_space<vmem>> -> memref<8x128xi32, #tpu.memory_space<vmem>>
    %dma_wait3A_25 = arith.constant 0 : i32
    %dma_wait3A_26 = tpu.memref_slice %dma_wait3A_24[%dma_wait3A_20, %dma_wait3A_25] : memref<8x128xi32, #tpu.memory_space<vmem>> -> memref<1x128xi32, #tpu.memory_space<vmem>>
    %dma_wait3A_27 = tpu.memref_squeeze %dma_wait3A_26 : memref<1x128xi32, #tpu.memory_space<vmem>> -> memref<128xi32, #tpu.memory_space<vmem>>
    %dma_wait3A_28 = arith.constant 0 : i32
    %dma_wait3A_29 = arith.constant 0 : i32
    %dma_wait3A_30 = tpu.memref_slice %arg9[%dma_wait3A_28, %dma_wait3A_29] : memref<10112x16xf32, #tpu.memory_space<vmem_shared>> -> memref<10112x16xf32, #tpu.memory_space<vmem_shared>>
    tpu.wait_indirect_dma semaphore(%arg10 : memref<!tpu.dma_semaphore, #tpu.memory_space<semaphore_mem>>) src(%arg8 : memref<128x16xf32, #tpu.memory_space<vmem>>) dst(%dma_wait3A_30 : memref<10112x16xf32, #tpu.memory_space<vmem_shared>>)
    %dma_wait3A_31 = arith.constant 0 : i32
    %dma_wait3A_32 = arith.constant 2 : i32
    %dma_wait3A_33 = arith.constant 0 : i32
    %dma_wait3A_34 = arith.constant 0 : i32
    %dma_wait3A_35 = tpu.memref_slice %arg6[%dma_wait3A_31, %dma_wait3A_33, %dma_wait3A_34] : memref<1x8x128xi32, #tpu.memory_space<vmem>> -> memref<1x8x128xi32, #tpu.memory_space<vmem>>
    %dma_wait3A_36 = tpu.memref_squeeze %dma_wait3A_35 : memref<1x8x128xi32, #tpu.memory_space<vmem>> -> memref<8x128xi32, #tpu.memory_space<vmem>>
    %dma_wait3A_37 = arith.constant 0 : i32
    %dma_wait3A_38 = tpu.memref_slice %dma_wait3A_36[%dma_wait3A_32, %dma_wait3A_37] : memref<8x128xi32, #tpu.memory_space<vmem>> -> memref<1x128xi32, #tpu.memory_space<vmem>>
    %dma_wait3A_39 = tpu.memref_squeeze %dma_wait3A_38 : memref<1x128xi32, #tpu.memory_space<vmem>> -> memref<128xi32, #tpu.memory_space<vmem>>
    %dma_wait3A_40 = arith.constant 0 : i32
    %dma_wait3A_41 = arith.constant 0 : i32
    %dma_wait3A_42 = tpu.memref_slice %arg9[%dma_wait3A_40, %dma_wait3A_41] : memref<10112x16xf32, #tpu.memory_space<vmem_shared>> -> memref<10112x16xf32, #tpu.memory_space<vmem_shared>>
    tpu.wait_indirect_dma semaphore(%arg10 : memref<!tpu.dma_semaphore, #tpu.memory_space<semaphore_mem>>) src(%arg8 : memref<128x16xf32, #tpu.memory_space<vmem>>) dst(%dma_wait3A_42 : memref<10112x16xf32, #tpu.memory_space<vmem_shared>>)
    %dma_wait3A_43 = arith.constant 0 : i32
    %dma_wait3A_44 = arith.constant 3 : i32
    %dma_wait3A_45 = arith.constant 0 : i32
    %dma_wait3A_46 = arith.constant 0 : i32
    %dma_wait3A_47 = tpu.memref_slice %arg6[%dma_wait3A_43, %dma_wait3A_45, %dma_wait3A_46] : memref<1x8x128xi32, #tpu.memory_space<vmem>> -> memref<1x8x128xi32, #tpu.memory_space<vmem>>
    %dma_wait3A_48 = tpu.memref_squeeze %dma_wait3A_47 : memref<1x8x128xi32, #tpu.memory_space<vmem>> -> memref<8x128xi32, #tpu.memory_space<vmem>>
    %dma_wait3A_49 = arith.constant 0 : i32
    %dma_wait3A_50 = tpu.memref_slice %dma_wait3A_48[%dma_wait3A_44, %dma_wait3A_49] : memref<8x128xi32, #tpu.memory_space<vmem>> -> memref<1x128xi32, #tpu.memory_space<vmem>>
    %dma_wait3A_51 = tpu.memref_squeeze %dma_wait3A_50 : memref<1x128xi32, #tpu.memory_space<vmem>> -> memref<128xi32, #tpu.memory_space<vmem>>
    %dma_wait3A_52 = arith.constant 0 : i32
    %dma_wait3A_53 = arith.constant 0 : i32
    %dma_wait3A_54 = tpu.memref_slice %arg9[%dma_wait3A_52, %dma_wait3A_53] : memref<10112x16xf32, #tpu.memory_space<vmem_shared>> -> memref<10112x16xf32, #tpu.memory_space<vmem_shared>>
    tpu.wait_indirect_dma semaphore(%arg10 : memref<!tpu.dma_semaphore, #tpu.memory_space<semaphore_mem>>) src(%arg8 : memref<128x16xf32, #tpu.memory_space<vmem>>) dst(%dma_wait3A_54 : memref<10112x16xf32, #tpu.memory_space<vmem_shared>>)
    %dma_wait3A_55 = arith.constant 0 : i32
    %dma_wait3A_56 = arith.constant 4 : i32
    %dma_wait3A_57 = arith.constant 0 : i32
    %dma_wait3A_58 = arith.constant 0 : i32
    %dma_wait3A_59 = tpu.memref_slice %arg6[%dma_wait3A_55, %dma_wait3A_57, %dma_wait3A_58] : memref<1x8x128xi32, #tpu.memory_space<vmem>> -> memref<1x8x128xi32, #tpu.memory_space<vmem>>
    %dma_wait3A_60 = tpu.memref_squeeze %dma_wait3A_59 : memref<1x8x128xi32, #tpu.memory_space<vmem>> -> memref<8x128xi32, #tpu.memory_space<vmem>>
    %dma_wait3A_61 = arith.constant 0 : i32
    %dma_wait3A_62 = tpu.memref_slice %dma_wait3A_60[%dma_wait3A_56, %dma_wait3A_61] : memref<8x128xi32, #tpu.memory_space<vmem>> -> memref<1x128xi32, #tpu.memory_space<vmem>>
    %dma_wait3A_63 = tpu.memref_squeeze %dma_wait3A_62 : memref<1x128xi32, #tpu.memory_space<vmem>> -> memref<128xi32, #tpu.memory_space<vmem>>
    %dma_wait3A_64 = arith.constant 0 : i32
    %dma_wait3A_65 = arith.constant 0 : i32
    %dma_wait3A_66 = tpu.memref_slice %arg9[%dma_wait3A_64, %dma_wait3A_65] : memref<10112x16xf32, #tpu.memory_space<vmem_shared>> -> memref<10112x16xf32, #tpu.memory_space<vmem_shared>>
    tpu.wait_indirect_dma semaphore(%arg10 : memref<!tpu.dma_semaphore, #tpu.memory_space<semaphore_mem>>) src(%arg8 : memref<128x16xf32, #tpu.memory_space<vmem>>) dst(%dma_wait3A_66 : memref<10112x16xf32, #tpu.memory_space<vmem_shared>>)
    %dma_wait3A_67 = arith.constant 0 : i32
    %dma_wait3A_68 = arith.constant 5 : i32
    %dma_wait3A_69 = arith.constant 0 : i32
    %dma_wait3A_70 = arith.constant 0 : i32
    %dma_wait3A_71 = tpu.memref_slice %arg6[%dma_wait3A_67, %dma_wait3A_69, %dma_wait3A_70] : memref<1x8x128xi32, #tpu.memory_space<vmem>> -> memref<1x8x128xi32, #tpu.memory_space<vmem>>
    %dma_wait3A_72 = tpu.memref_squeeze %dma_wait3A_71 : memref<1x8x128xi32, #tpu.memory_space<vmem>> -> memref<8x128xi32, #tpu.memory_space<vmem>>
    %dma_wait3A_73 = arith.constant 0 : i32
    %dma_wait3A_74 = tpu.memref_slice %dma_wait3A_72[%dma_wait3A_68, %dma_wait3A_73] : memref<8x128xi32, #tpu.memory_space<vmem>> -> memref<1x128xi32, #tpu.memory_space<vmem>>
    %dma_wait3A_75 = tpu.memref_squeeze %dma_wait3A_74 : memref<1x128xi32, #tpu.memory_space<vmem>> -> memref<128xi32, #tpu.memory_space<vmem>>
    %dma_wait3A_76 = arith.constant 0 : i32
    %dma_wait3A_77 = arith.constant 0 : i32
    %dma_wait3A_78 = tpu.memref_slice %arg9[%dma_wait3A_76, %dma_wait3A_77] : memref<10112x16xf32, #tpu.memory_space<vmem_shared>> -> memref<10112x16xf32, #tpu.memory_space<vmem_shared>>
    tpu.wait_indirect_dma semaphore(%arg10 : memref<!tpu.dma_semaphore, #tpu.memory_space<semaphore_mem>>) src(%arg8 : memref<128x16xf32, #tpu.memory_space<vmem>>) dst(%dma_wait3A_78 : memref<10112x16xf32, #tpu.memory_space<vmem_shared>>)
    %dma_wait3A_79 = arith.constant 0 : i32
    %dma_wait3A_80 = arith.constant 6 : i32
    %dma_wait3A_81 = arith.constant 0 : i32
    %dma_wait3A_82 = arith.constant 0 : i32
    %dma_wait3A_83 = tpu.memref_slice %arg6[%dma_wait3A_79, %dma_wait3A_81, %dma_wait3A_82] : memref<1x8x128xi32, #tpu.memory_space<vmem>> -> memref<1x8x128xi32, #tpu.memory_space<vmem>>
    %dma_wait3A_84 = tpu.memref_squeeze %dma_wait3A_83 : memref<1x8x128xi32, #tpu.memory_space<vmem>> -> memref<8x128xi32, #tpu.memory_space<vmem>>
    %dma_wait3A_85 = arith.constant 0 : i32
    %dma_wait3A_86 = tpu.memref_slice %dma_wait3A_84[%dma_wait3A_80, %dma_wait3A_85] : memref<8x128xi32, #tpu.memory_space<vmem>> -> memref<1x128xi32, #tpu.memory_space<vmem>>
    %dma_wait3A_87 = tpu.memref_squeeze %dma_wait3A_86 : memref<1x128xi32, #tpu.memory_space<vmem>> -> memref<128xi32, #tpu.memory_space<vmem>>
    %dma_wait3A_88 = arith.constant 0 : i32
    %dma_wait3A_89 = arith.constant 0 : i32
    %dma_wait3A_90 = tpu.memref_slice %arg9[%dma_wait3A_88, %dma_wait3A_89] : memref<10112x16xf32, #tpu.memory_space<vmem_shared>> -> memref<10112x16xf32, #tpu.memory_space<vmem_shared>>
    tpu.wait_indirect_dma semaphore(%arg10 : memref<!tpu.dma_semaphore, #tpu.memory_space<semaphore_mem>>) src(%arg8 : memref<128x16xf32, #tpu.memory_space<vmem>>) dst(%dma_wait3A_90 : memref<10112x16xf32, #tpu.memory_space<vmem_shared>>)
    %dma_wait3A_91 = arith.constant 0 : i32
    %dma_wait3A_92 = arith.constant 7 : i32
    %dma_wait3A_93 = arith.constant 0 : i32
    %dma_wait3A_94 = arith.constant 0 : i32
    %dma_wait3A_95 = tpu.memref_slice %arg6[%dma_wait3A_91, %dma_wait3A_93, %dma_wait3A_94] : memref<1x8x128xi32, #tpu.memory_space<vmem>> -> memref<1x8x128xi32, #tpu.memory_space<vmem>>
    %dma_wait3A_96 = tpu.memref_squeeze %dma_wait3A_95 : memref<1x8x128xi32, #tpu.memory_space<vmem>> -> memref<8x128xi32, #tpu.memory_space<vmem>>
    %dma_wait3A_97 = arith.constant 0 : i32
    %dma_wait3A_98 = tpu.memref_slice %dma_wait3A_96[%dma_wait3A_92, %dma_wait3A_97] : memref<8x128xi32, #tpu.memory_space<vmem>> -> memref<1x128xi32, #tpu.memory_space<vmem>>
    %dma_wait3A_99 = tpu.memref_squeeze %dma_wait3A_98 : memref<1x128xi32, #tpu.memory_space<vmem>> -> memref<128xi32, #tpu.memory_space<vmem>>
    %dma_wait3A_100 = arith.constant 0 : i32
    %dma_wait3A_101 = arith.constant 0 : i32
    %dma_wait3A_102 = tpu.memref_slice %arg9[%dma_wait3A_100, %dma_wait3A_101] : memref<10112x16xf32, #tpu.memory_space<vmem_shared>> -> memref<10112x16xf32, #tpu.memory_space<vmem_shared>>
    tpu.wait_indirect_dma semaphore(%arg10 : memref<!tpu.dma_semaphore, #tpu.memory_space<semaphore_mem>>) src(%arg8 : memref<128x16xf32, #tpu.memory_space<vmem>>) dst(%dma_wait3A_102 : memref<10112x16xf32, #tpu.memory_space<vmem_shared>>)
    %dma_wait3A_103 = arith.constant 0 : i32
    %dma_wait3A_104 = arith.constant 0 : i32
    %dma_wait3A_105 = arith.constant 0 : i32
    %dma_wait3A_106 = arith.constant 0 : i32
    %dma_wait3A_107 = tpu.memref_slice %arg7[%dma_wait3A_103, %dma_wait3A_105, %dma_wait3A_106] : memref<1x8x128xi32, #tpu.memory_space<vmem>> -> memref<1x8x128xi32, #tpu.memory_space<vmem>>
    %dma_wait3A_108 = tpu.memref_squeeze %dma_wait3A_107 : memref<1x8x128xi32, #tpu.memory_space<vmem>> -> memref<8x128xi32, #tpu.memory_space<vmem>>
    %dma_wait3A_109 = arith.constant 0 : i32
    %dma_wait3A_110 = tpu.memref_slice %dma_wait3A_108[%dma_wait3A_104, %dma_wait3A_109] : memref<8x128xi32, #tpu.memory_space<vmem>> -> memref<1x128xi32, #tpu.memory_space<vmem>>
    %dma_wait3A_111 = tpu.memref_squeeze %dma_wait3A_110 : memref<1x128xi32, #tpu.memory_space<vmem>> -> memref<128xi32, #tpu.memory_space<vmem>>
    %dma_wait3A_112 = arith.constant 0 : i32
    %dma_wait3A_113 = arith.constant 0 : i32
    %dma_wait3A_114 = tpu.memref_slice %arg9[%dma_wait3A_112, %dma_wait3A_113] : memref<10112x16xf32, #tpu.memory_space<vmem_shared>> -> memref<10112x16xf32, #tpu.memory_space<vmem_shared>>
    tpu.wait_indirect_dma semaphore(%arg11 : memref<!tpu.dma_semaphore, #tpu.memory_space<semaphore_mem>>) src(%arg8 : memref<128x16xf32, #tpu.memory_space<vmem>>) dst(%dma_wait3A_114 : memref<10112x16xf32, #tpu.memory_space<vmem_shared>>)
    %dma_wait3A_115 = arith.constant 0 : i32
    %dma_wait3A_116 = arith.constant 1 : i32
    %dma_wait3A_117 = arith.constant 0 : i32
    %dma_wait3A_118 = arith.constant 0 : i32
    %dma_wait3A_119 = tpu.memref_slice %arg7[%dma_wait3A_115, %dma_wait3A_117, %dma_wait3A_118] : memref<1x8x128xi32, #tpu.memory_space<vmem>> -> memref<1x8x128xi32, #tpu.memory_space<vmem>>
    %dma_wait3A_120 = tpu.memref_squeeze %dma_wait3A_119 : memref<1x8x128xi32, #tpu.memory_space<vmem>> -> memref<8x128xi32, #tpu.memory_space<vmem>>
    %dma_wait3A_121 = arith.constant 0 : i32
    %dma_wait3A_122 = tpu.memref_slice %dma_wait3A_120[%dma_wait3A_116, %dma_wait3A_121] : memref<8x128xi32, #tpu.memory_space<vmem>> -> memref<1x128xi32, #tpu.memory_space<vmem>>
    %dma_wait3A_123 = tpu.memref_squeeze %dma_wait3A_122 : memref<1x128xi32, #tpu.memory_space<vmem>> -> memref<128xi32, #tpu.memory_space<vmem>>
    %dma_wait3A_124 = arith.constant 0 : i32
    %dma_wait3A_125 = arith.constant 0 : i32
    %dma_wait3A_126 = tpu.memref_slice %arg9[%dma_wait3A_124, %dma_wait3A_125] : memref<10112x16xf32, #tpu.memory_space<vmem_shared>> -> memref<10112x16xf32, #tpu.memory_space<vmem_shared>>
    tpu.wait_indirect_dma semaphore(%arg11 : memref<!tpu.dma_semaphore, #tpu.memory_space<semaphore_mem>>) src(%arg8 : memref<128x16xf32, #tpu.memory_space<vmem>>) dst(%dma_wait3A_126 : memref<10112x16xf32, #tpu.memory_space<vmem_shared>>)
    %dma_wait3A_127 = arith.constant 0 : i32
    %dma_wait3A_128 = arith.constant 2 : i32
    %dma_wait3A_129 = arith.constant 0 : i32
    %dma_wait3A_130 = arith.constant 0 : i32
    %dma_wait3A_131 = tpu.memref_slice %arg7[%dma_wait3A_127, %dma_wait3A_129, %dma_wait3A_130] : memref<1x8x128xi32, #tpu.memory_space<vmem>> -> memref<1x8x128xi32, #tpu.memory_space<vmem>>
    %dma_wait3A_132 = tpu.memref_squeeze %dma_wait3A_131 : memref<1x8x128xi32, #tpu.memory_space<vmem>> -> memref<8x128xi32, #tpu.memory_space<vmem>>
    %dma_wait3A_133 = arith.constant 0 : i32
    %dma_wait3A_134 = tpu.memref_slice %dma_wait3A_132[%dma_wait3A_128, %dma_wait3A_133] : memref<8x128xi32, #tpu.memory_space<vmem>> -> memref<1x128xi32, #tpu.memory_space<vmem>>
    %dma_wait3A_135 = tpu.memref_squeeze %dma_wait3A_134 : memref<1x128xi32, #tpu.memory_space<vmem>> -> memref<128xi32, #tpu.memory_space<vmem>>
    %dma_wait3A_136 = arith.constant 0 : i32
    %dma_wait3A_137 = arith.constant 0 : i32
    %dma_wait3A_138 = tpu.memref_slice %arg9[%dma_wait3A_136, %dma_wait3A_137] : memref<10112x16xf32, #tpu.memory_space<vmem_shared>> -> memref<10112x16xf32, #tpu.memory_space<vmem_shared>>
    tpu.wait_indirect_dma semaphore(%arg11 : memref<!tpu.dma_semaphore, #tpu.memory_space<semaphore_mem>>) src(%arg8 : memref<128x16xf32, #tpu.memory_space<vmem>>) dst(%dma_wait3A_138 : memref<10112x16xf32, #tpu.memory_space<vmem_shared>>)
    %dma_wait3A_139 = arith.constant 0 : i32
    %dma_wait3A_140 = arith.constant 3 : i32
    %dma_wait3A_141 = arith.constant 0 : i32
    %dma_wait3A_142 = arith.constant 0 : i32
    %dma_wait3A_143 = tpu.memref_slice %arg7[%dma_wait3A_139, %dma_wait3A_141, %dma_wait3A_142] : memref<1x8x128xi32, #tpu.memory_space<vmem>> -> memref<1x8x128xi32, #tpu.memory_space<vmem>>
    %dma_wait3A_144 = tpu.memref_squeeze %dma_wait3A_143 : memref<1x8x128xi32, #tpu.memory_space<vmem>> -> memref<8x128xi32, #tpu.memory_space<vmem>>
    %dma_wait3A_145 = arith.constant 0 : i32
    %dma_wait3A_146 = tpu.memref_slice %dma_wait3A_144[%dma_wait3A_140, %dma_wait3A_145] : memref<8x128xi32, #tpu.memory_space<vmem>> -> memref<1x128xi32, #tpu.memory_space<vmem>>
    %dma_wait3A_147 = tpu.memref_squeeze %dma_wait3A_146 : memref<1x128xi32, #tpu.memory_space<vmem>> -> memref<128xi32, #tpu.memory_space<vmem>>
    %dma_wait3A_148 = arith.constant 0 : i32
    %dma_wait3A_149 = arith.constant 0 : i32
    %dma_wait3A_150 = tpu.memref_slice %arg9[%dma_wait3A_148, %dma_wait3A_149] : memref<10112x16xf32, #tpu.memory_space<vmem_shared>> -> memref<10112x16xf32, #tpu.memory_space<vmem_shared>>
    tpu.wait_indirect_dma semaphore(%arg11 : memref<!tpu.dma_semaphore, #tpu.memory_space<semaphore_mem>>) src(%arg8 : memref<128x16xf32, #tpu.memory_space<vmem>>) dst(%dma_wait3A_150 : memref<10112x16xf32, #tpu.memory_space<vmem_shared>>)
    %dma_wait3A_151 = arith.constant 0 : i32
    %dma_wait3A_152 = arith.constant 4 : i32
    %dma_wait3A_153 = arith.constant 0 : i32
    %dma_wait3A_154 = arith.constant 0 : i32
    %dma_wait3A_155 = tpu.memref_slice %arg7[%dma_wait3A_151, %dma_wait3A_153, %dma_wait3A_154] : memref<1x8x128xi32, #tpu.memory_space<vmem>> -> memref<1x8x128xi32, #tpu.memory_space<vmem>>
    %dma_wait3A_156 = tpu.memref_squeeze %dma_wait3A_155 : memref<1x8x128xi32, #tpu.memory_space<vmem>> -> memref<8x128xi32, #tpu.memory_space<vmem>>
    %dma_wait3A_157 = arith.constant 0 : i32
    %dma_wait3A_158 = tpu.memref_slice %dma_wait3A_156[%dma_wait3A_152, %dma_wait3A_157] : memref<8x128xi32, #tpu.memory_space<vmem>> -> memref<1x128xi32, #tpu.memory_space<vmem>>
    %dma_wait3A_159 = tpu.memref_squeeze %dma_wait3A_158 : memref<1x128xi32, #tpu.memory_space<vmem>> -> memref<128xi32, #tpu.memory_space<vmem>>
    %dma_wait3A_160 = arith.constant 0 : i32
    %dma_wait3A_161 = arith.constant 0 : i32
    %dma_wait3A_162 = tpu.memref_slice %arg9[%dma_wait3A_160, %dma_wait3A_161] : memref<10112x16xf32, #tpu.memory_space<vmem_shared>> -> memref<10112x16xf32, #tpu.memory_space<vmem_shared>>
    tpu.wait_indirect_dma semaphore(%arg11 : memref<!tpu.dma_semaphore, #tpu.memory_space<semaphore_mem>>) src(%arg8 : memref<128x16xf32, #tpu.memory_space<vmem>>) dst(%dma_wait3A_162 : memref<10112x16xf32, #tpu.memory_space<vmem_shared>>)
    %dma_wait3A_163 = arith.constant 0 : i32
    %dma_wait3A_164 = arith.constant 5 : i32
    %dma_wait3A_165 = arith.constant 0 : i32
    %dma_wait3A_166 = arith.constant 0 : i32
    %dma_wait3A_167 = tpu.memref_slice %arg7[%dma_wait3A_163, %dma_wait3A_165, %dma_wait3A_166] : memref<1x8x128xi32, #tpu.memory_space<vmem>> -> memref<1x8x128xi32, #tpu.memory_space<vmem>>
    %dma_wait3A_168 = tpu.memref_squeeze %dma_wait3A_167 : memref<1x8x128xi32, #tpu.memory_space<vmem>> -> memref<8x128xi32, #tpu.memory_space<vmem>>
    %dma_wait3A_169 = arith.constant 0 : i32
    %dma_wait3A_170 = tpu.memref_slice %dma_wait3A_168[%dma_wait3A_164, %dma_wait3A_169] : memref<8x128xi32, #tpu.memory_space<vmem>> -> memref<1x128xi32, #tpu.memory_space<vmem>>
    %dma_wait3A_171 = tpu.memref_squeeze %dma_wait3A_170 : memref<1x128xi32, #tpu.memory_space<vmem>> -> memref<128xi32, #tpu.memory_space<vmem>>
    %dma_wait3A_172 = arith.constant 0 : i32
    %dma_wait3A_173 = arith.constant 0 : i32
    %dma_wait3A_174 = tpu.memref_slice %arg9[%dma_wait3A_172, %dma_wait3A_173] : memref<10112x16xf32, #tpu.memory_space<vmem_shared>> -> memref<10112x16xf32, #tpu.memory_space<vmem_shared>>
    tpu.wait_indirect_dma semaphore(%arg11 : memref<!tpu.dma_semaphore, #tpu.memory_space<semaphore_mem>>) src(%arg8 : memref<128x16xf32, #tpu.memory_space<vmem>>) dst(%dma_wait3A_174 : memref<10112x16xf32, #tpu.memory_space<vmem_shared>>)
    %dma_wait3A_175 = arith.constant 0 : i32
    %dma_wait3A_176 = arith.constant 6 : i32
    %dma_wait3A_177 = arith.constant 0 : i32
    %dma_wait3A_178 = arith.constant 0 : i32
    %dma_wait3A_179 = tpu.memref_slice %arg7[%dma_wait3A_175, %dma_wait3A_177, %dma_wait3A_178] : memref<1x8x128xi32, #tpu.memory_space<vmem>> -> memref<1x8x128xi32, #tpu.memory_space<vmem>>
    %dma_wait3A_180 = tpu.memref_squeeze %dma_wait3A_179 : memref<1x8x128xi32, #tpu.memory_space<vmem>> -> memref<8x128xi32, #tpu.memory_space<vmem>>
    %dma_wait3A_181 = arith.constant 0 : i32
    %dma_wait3A_182 = tpu.memref_slice %dma_wait3A_180[%dma_wait3A_176, %dma_wait3A_181] : memref<8x128xi32, #tpu.memory_space<vmem>> -> memref<1x128xi32, #tpu.memory_space<vmem>>
    %dma_wait3A_183 = tpu.memref_squeeze %dma_wait3A_182 : memref<1x128xi32, #tpu.memory_space<vmem>> -> memref<128xi32, #tpu.memory_space<vmem>>
    %dma_wait3A_184 = arith.constant 0 : i32
    %dma_wait3A_185 = arith.constant 0 : i32
    %dma_wait3A_186 = tpu.memref_slice %arg9[%dma_wait3A_184, %dma_wait3A_185] : memref<10112x16xf32, #tpu.memory_space<vmem_shared>> -> memref<10112x16xf32, #tpu.memory_space<vmem_shared>>
    tpu.wait_indirect_dma semaphore(%arg11 : memref<!tpu.dma_semaphore, #tpu.memory_space<semaphore_mem>>) src(%arg8 : memref<128x16xf32, #tpu.memory_space<vmem>>) dst(%dma_wait3A_186 : memref<10112x16xf32, #tpu.memory_space<vmem_shared>>)
    %dma_wait3A_187 = arith.constant 0 : i32
    %dma_wait3A_188 = arith.constant 7 : i32
    %dma_wait3A_189 = arith.constant 0 : i32
    %dma_wait3A_190 = arith.constant 0 : i32
    %dma_wait3A_191 = tpu.memref_slice %arg7[%dma_wait3A_187, %dma_wait3A_189, %dma_wait3A_190] : memref<1x8x128xi32, #tpu.memory_space<vmem>> -> memref<1x8x128xi32, #tpu.memory_space<vmem>>
    %dma_wait3A_192 = tpu.memref_squeeze %dma_wait3A_191 : memref<1x8x128xi32, #tpu.memory_space<vmem>> -> memref<8x128xi32, #tpu.memory_space<vmem>>
    %dma_wait3A_193 = arith.constant 0 : i32
    %dma_wait3A_194 = tpu.memref_slice %dma_wait3A_192[%dma_wait3A_188, %dma_wait3A_193] : memref<8x128xi32, #tpu.memory_space<vmem>> -> memref<1x128xi32, #tpu.memory_space<vmem>>
    %dma_wait3A_195 = tpu.memref_squeeze %dma_wait3A_194 : memref<1x128xi32, #tpu.memory_space<vmem>> -> memref<128xi32, #tpu.memory_space<vmem>>
    %dma_wait3A_196 = arith.constant 0 : i32
    %dma_wait3A_197 = arith.constant 0 : i32
    %dma_wait3A_198 = tpu.memref_slice %arg9[%dma_wait3A_196, %dma_wait3A_197] : memref<10112x16xf32, #tpu.memory_space<vmem_shared>> -> memref<10112x16xf32, #tpu.memory_space<vmem_shared>>
    tpu.wait_indirect_dma semaphore(%arg11 : memref<!tpu.dma_semaphore, #tpu.memory_space<semaphore_mem>>) src(%arg8 : memref<128x16xf32, #tpu.memory_space<vmem>>) dst(%dma_wait3A_198 : memref<10112x16xf32, #tpu.memory_space<vmem_shared>>)
    %barrier3A_199 = arith.constant 0 : index
    tpu.barrier barrier_id(%barrier3A_199)
    %mul3A_200 = arith.constant 10112 : i32
    %mul3A_201 = arith.muli %arg0, %mul3A_200 : i32
    %add3A_202 = arith.addi %mul3A_201, %mul3A_2 : i32
    "tpu.region"() ({
      %run_scoped3A = tpu.sem_alloc : memref<!tpu.dma_semaphore, #tpu.memory_space<semaphore_mem>>
      %dma_start3A = arith.constant 0 : i32
      %dma_start3A_203 = tpu.memref_slice %arg5[%add3A_202, %dma_start3A] : memref<20224x16xf32, #tpu.memory_space<hbm>> -> memref<632x16xf32, #tpu.memory_space<hbm>>
      %dma_start3A_204 = arith.constant 0 : i32
      %dma_start3A_205 = tpu.memref_slice %arg9[%mul3A_2, %dma_start3A_204] : memref<10112x16xf32, #tpu.memory_space<vmem_shared>> -> memref<632x16xf32, #tpu.memory_space<vmem_shared>>
      tpu.enqueue_dma source(%dma_start3A_205 : memref<632x16xf32, #tpu.memory_space<vmem_shared>>) target(%dma_start3A_203 : memref<632x16xf32, #tpu.memory_space<hbm>>) target_semaphore(%run_scoped3A : memref<!tpu.dma_semaphore, #tpu.memory_space<semaphore_mem>>)
      %dma_wait3A_206 = arith.constant 0 : i32
      %dma_wait3A_207 = tpu.memref_slice %arg5[%add3A_202, %dma_wait3A_206] : memref<20224x16xf32, #tpu.memory_space<hbm>> -> memref<632x16xf32, #tpu.memory_space<hbm>>
      %dma_wait3A_208 = arith.constant 0 : i32
      %dma_wait3A_209 = tpu.memref_slice %arg9[%mul3A_2, %dma_wait3A_208] : memref<10112x16xf32, #tpu.memory_space<vmem_shared>> -> memref<632x16xf32, #tpu.memory_space<vmem_shared>>
      tpu.wait_dma2 semaphore(%run_scoped3A : memref<!tpu.dma_semaphore, #tpu.memory_space<semaphore_mem>>) src(%dma_wait3A_209 : memref<632x16xf32, #tpu.memory_space<vmem_shared>>) dst(%dma_wait3A_207 : memref<632x16xf32, #tpu.memory_space<hbm>>)
      tpu.yield
    }) : () -> ()
    return
  }
}

module attributes {stable_mosaic.version = 14 : i64} {
  func.func @_mm_body(%arg0: i32, %arg1: memref<1000x128xf32, #tpu.memory_space<vmem>>, %arg2: memref<2x1000x16xf32, #tpu.memory_space<vmem>>, %arg3: memref<128x128xf32, #tpu.memory_space<vmem>>, %arg4: memref<128x128xf32, #tpu.memory_space<vmem>>, %arg5: memref<128xf32, #tpu.memory_space<vmem>>, %arg6: memref<128xf32, #tpu.memory_space<vmem>>, %arg7: memref<1000x128xf32, #tpu.memory_space<vmem>>, %arg8: memref<1000x128xf32, #tpu.memory_space<vmem>>) attributes {dimension_semantics = [#tpu.dimension_semantics<arbitrary>], iteration_bounds = array<i64: 10>, scalar_prefetch = 0 : i64, scratch_operands = 0 : i64, tpu.core_type = #tpu.core_type<tc>, window_params = [{transform_indices = @transform_0, window_bounds = array<i64: 1000, 128>}, {transform_indices = @transform_1, window_bounds = array<i64: 2, 1000, 16>}, {pipeline_mode = #tpu.pipeline_mode<synchronous>, transform_indices = @transform_2, window_bounds = array<i64: 128, 128>}, {pipeline_mode = #tpu.pipeline_mode<synchronous>, transform_indices = @transform_3, window_bounds = array<i64: 128, 128>}, {pipeline_mode = #tpu.pipeline_mode<synchronous>, transform_indices = @transform_4, window_bounds = array<i64: 128>}, {pipeline_mode = #tpu.pipeline_mode<synchronous>, transform_indices = @transform_5, window_bounds = array<i64: 128>}, {transform_indices = @transform_6, window_bounds = array<i64: 1000, 128>}, {transform_indices = @transform_7, window_bounds = array<i64: 1000, 128>}]} {
    %get3A = arith.constant 0 : index
    %get3A_0 = arith.constant 0 : index
    %get3A_1 = vector.load %arg1[%get3A, %get3A_0] : memref<1000x128xf32, #tpu.memory_space<vmem>>, vector<1000x128xf32>
    %get3A_2 = arith.constant 0 : index
    %get3A_3 = arith.constant 0 : index
    %get3A_4 = arith.constant 0 : index
    %get3A_5 = vector.load %arg2[%get3A_2, %get3A_3, %get3A_4] : memref<2x1000x16xf32, #tpu.memory_space<vmem>>, vector<1x1000x16xf32>
    %get3A_6 = vector.shape_cast %get3A_5 : vector<1x1000x16xf32> to vector<1000x16xf32>
    %get3A_7 = arith.constant 1 : index
    %get3A_8 = arith.constant 0 : index
    %get3A_9 = arith.constant 0 : index
    %get3A_10 = vector.load %arg2[%get3A_7, %get3A_8, %get3A_9] : memref<2x1000x16xf32, #tpu.memory_space<vmem>>, vector<1x1000x16xf32>
    %get3A_11 = vector.shape_cast %get3A_10 : vector<1x1000x16xf32> to vector<1000x16xf32>
    %add3A = arith.addf %get3A_6, %get3A_11 : vector<1000x16xf32>
    %gt3A = arith.constant 0.000000e+00 : f32
    %gt3A_12 = vector.broadcast %gt3A : f32 to vector<1000x16xf32>
    %gt3A_13 = arith.cmpf ogt, %add3A, %gt3A_12 : vector<1000x16xf32>
    %rsqrt3A = math.rsqrt %add3A : vector<1000x16xf32>
    %jit3A = arith.constant 0.000000e+00 : f32
    %broadcast_in_dim3A = vector.broadcast %jit3A : f32 to vector<1000x16xf32>
    %select_n3A = arith.select %gt3A_13, %rsqrt3A, %broadcast_in_dim3A : vector<1000x16xi1>, vector<1000x16xf32>
    %slice3A = vector.extract_strided_slice %select_n3A {offsets = [0, 0], sizes = [1000, 1], strides = [1, 1]} : vector<1000x16xf32> to vector<1000x1xf32>
    %get3A_14 = arith.constant 0 : index
    %get3A_15 = arith.constant 0 : index
    %get3A_16 = vector.load %arg3[%get3A_14, %get3A_15] : memref<128x128xf32, #tpu.memory_space<vmem>>, vector<128x128xf32>
    %dot_general3A = arith.constant dense<0.000000e+00> : vector<1000x128xf32>
    %dot_general3A_17 = tpu.matmul %get3A_1, %get3A_16, %dot_general3A {dimension_numbers = #tpu.dot_dimension_numbers<[1], [0], [0], [1], [0, 0, 1, 1], [], []>, transpose_lhs_hint = false} : vector<1000x128xf32>, vector<128x128xf32>, vector<1000x128xf32> -> vector<1000x128xf32>
    %mul3A = vector.broadcast %slice3A : vector<1000x1xf32> to vector<1000x128xf32>
    %mul3A_18 = arith.mulf %dot_general3A_17, %mul3A : vector<1000x128xf32>
    %swap3A = arith.constant 0 : index
    %swap3A_19 = arith.constant 0 : index
    %swap3A_20 = vector.load %arg7[%swap3A, %swap3A_19] : memref<1000x128xf32, #tpu.memory_space<vmem>>, vector<1000x128xf32>
    tpu.vector_store %arg7[%swap3A, %swap3A_19], %mul3A_18 {strides = array<i32>} : memref<1000x128xf32, #tpu.memory_space<vmem>>, vector<1000x128xf32>,
    %get3A_21 = arith.constant 0 : index
    %get3A_22 = arith.constant 0 : index
    %get3A_23 = vector.load %arg4[%get3A_21, %get3A_22] : memref<128x128xf32, #tpu.memory_space<vmem>>, vector<128x128xf32>
    %dot_general3A_24 = arith.constant dense<0.000000e+00> : vector<1000x128xf32>
    %dot_general3A_25 = tpu.matmul %get3A_1, %get3A_23, %dot_general3A_24 {dimension_numbers = #tpu.dot_dimension_numbers<[1], [0], [0], [1], [0, 0, 1, 1], [], []>, transpose_lhs_hint = false} : vector<1000x128xf32>, vector<128x128xf32>, vector<1000x128xf32> -> vector<1000x128xf32>
    %get3A_26 = arith.constant 0 : index
    %get3A_27 = vector.load %arg5[%get3A_26] : memref<128xf32, #tpu.memory_space<vmem>>, vector<128xf32>
    %broadcast_in_dim3A_28 = vector.shape_cast %get3A_27 : vector<128xf32> to vector<1x128xf32>
    %add3A_29 = vector.broadcast %broadcast_in_dim3A_28 : vector<1x128xf32> to vector<1000x128xf32>
    %add3A_30 = arith.addf %dot_general3A_25, %add3A_29 : vector<1000x128xf32>
    %get3A_31 = arith.constant 0 : index
    %get3A_32 = vector.load %arg6[%get3A_31] : memref<128xf32, #tpu.memory_space<vmem>>, vector<128xf32>
    %broadcast_in_dim3A_33 = vector.shape_cast %get3A_32 : vector<128xf32> to vector<1x128xf32>
    %add3A_34 = vector.broadcast %broadcast_in_dim3A_33 : vector<1x128xf32> to vector<1000x128xf32>
    %add3A_35 = arith.addf %add3A_30, %add3A_34 : vector<1000x128xf32>
    %swap3A_36 = arith.constant 0 : index
    %swap3A_37 = arith.constant 0 : index
    %swap3A_38 = vector.load %arg8[%swap3A_36, %swap3A_37] : memref<1000x128xf32, #tpu.memory_space<vmem>>, vector<1000x128xf32>
    tpu.vector_store %arg8[%swap3A_36, %swap3A_37], %add3A_35 {strides = array<i32>} : memref<1000x128xf32, #tpu.memory_space<vmem>>, vector<1000x128xf32>,
    return
  }
  func.func @transform_0(%arg0: i32) -> (i32, i32) {
    %c0_i32 = arith.constant 0 : i32
    %c0_i32_0 = arith.constant 0 : i32
    return %arg0, %c0_i32 : i32, i32
  }
  func.func @transform_1(%arg0: i32) -> (i32, i32, i32) {
    %c0_i32 = arith.constant 0 : i32
    %c0_i32_0 = arith.constant 0 : i32
    %c0_i32_1 = arith.constant 0 : i32
    return %c0_i32, %arg0, %c0_i32_0 : i32, i32, i32
  }
  func.func @transform_2(%arg0: i32) -> (i32, i32) {
    %c0_i32 = arith.constant 0 : i32
    %c0_i32_0 = arith.constant 0 : i32
    %c0_i32_1 = arith.constant 0 : i32
    return %c0_i32, %c0_i32_0 : i32, i32
  }
  func.func @transform_3(%arg0: i32) -> (i32, i32) {
    %c0_i32 = arith.constant 0 : i32
    %c0_i32_0 = arith.constant 0 : i32
    %c0_i32_1 = arith.constant 0 : i32
    return %c0_i32, %c0_i32_0 : i32, i32
  }
  func.func @transform_4(%arg0: i32) -> i32 {
    %c0_i32 = arith.constant 0 : i32
    %c0_i32_0 = arith.constant 0 : i32
    return %c0_i32 : i32
  }
  func.func @transform_5(%arg0: i32) -> i32 {
    %c0_i32 = arith.constant 0 : i32
    %c0_i32_0 = arith.constant 0 : i32
    return %c0_i32 : i32
  }
  func.func @transform_6(%arg0: i32) -> (i32, i32) {
    %c0_i32 = arith.constant 0 : i32
    %c0_i32_0 = arith.constant 0 : i32
    return %arg0, %c0_i32 : i32, i32
  }
  func.func @transform_7(%arg0: i32) -> (i32, i32) {
    %c0_i32 = arith.constant 0 : i32
    %c0_i32_0 = arith.constant 0 : i32
    return %arg0, %c0_i32 : i32, i32
  }
}

module attributes {stable_mosaic.version = 14 : i64} {
  func.func @_fin_body(%arg0: i32, %arg1: memref<2x1000x128xf32, #tpu.memory_space<vmem>>, %arg2: memref<2x1000x16xf32, #tpu.memory_space<vmem>>, %arg3: memref<1000x128xf32, #tpu.memory_space<vmem>>, %arg4: memref<1000x128xf32, #tpu.memory_space<vmem>>) attributes {dimension_semantics = [#tpu.dimension_semantics<arbitrary>], iteration_bounds = array<i64: 10>, scalar_prefetch = 0 : i64, scratch_operands = 0 : i64, tpu.core_type = #tpu.core_type<tc>, window_params = [{transform_indices = @transform_0, window_bounds = array<i64: 2, 1000, 128>}, {transform_indices = @transform_1, window_bounds = array<i64: 2, 1000, 16>}, {transform_indices = @transform_2, window_bounds = array<i64: 1000, 128>}, {transform_indices = @transform_3, window_bounds = array<i64: 1000, 128>}]} {
    %get3A = arith.constant 0 : index
    %get3A_0 = arith.constant 0 : index
    %get3A_1 = arith.constant 0 : index
    %get3A_2 = vector.load %arg2[%get3A, %get3A_0, %get3A_1] : memref<2x1000x16xf32, #tpu.memory_space<vmem>>, vector<1x1000x16xf32>
    %get3A_3 = vector.shape_cast %get3A_2 : vector<1x1000x16xf32> to vector<1000x16xf32>
    %get3A_4 = arith.constant 1 : index
    %get3A_5 = arith.constant 0 : index
    %get3A_6 = arith.constant 0 : index
    %get3A_7 = vector.load %arg2[%get3A_4, %get3A_5, %get3A_6] : memref<2x1000x16xf32, #tpu.memory_space<vmem>>, vector<1x1000x16xf32>
    %get3A_8 = vector.shape_cast %get3A_7 : vector<1x1000x16xf32> to vector<1000x16xf32>
    %add3A = arith.addf %get3A_3, %get3A_8 : vector<1000x16xf32>
    %gt3A = arith.constant 0.000000e+00 : f32
    %gt3A_9 = vector.broadcast %gt3A : f32 to vector<1000x16xf32>
    %gt3A_10 = arith.cmpf ogt, %add3A, %gt3A_9 : vector<1000x16xf32>
    %rsqrt3A = math.rsqrt %add3A : vector<1000x16xf32>
    %jit3A = arith.constant 0.000000e+00 : f32
    %broadcast_in_dim3A = vector.broadcast %jit3A : f32 to vector<1000x16xf32>
    %select_n3A = arith.select %gt3A_10, %rsqrt3A, %broadcast_in_dim3A : vector<1000x16xi1>, vector<1000x16xf32>
    %slice3A = vector.extract_strided_slice %select_n3A {offsets = [0, 0], sizes = [1000, 1], strides = [1, 1]} : vector<1000x16xf32> to vector<1000x1xf32>
    %get3A_11 = arith.constant 0 : index
    %get3A_12 = arith.constant 0 : index
    %get3A_13 = arith.constant 0 : index
    %get3A_14 = vector.load %arg1[%get3A_11, %get3A_12, %get3A_13] : memref<2x1000x128xf32, #tpu.memory_space<vmem>>, vector<1x1000x128xf32>
    %get3A_15 = vector.shape_cast %get3A_14 : vector<1x1000x128xf32> to vector<1000x128xf32>
    %get3A_16 = arith.constant 1 : index
    %get3A_17 = arith.constant 0 : index
    %get3A_18 = arith.constant 0 : index
    %get3A_19 = vector.load %arg1[%get3A_16, %get3A_17, %get3A_18] : memref<2x1000x128xf32, #tpu.memory_space<vmem>>, vector<1x1000x128xf32>
    %get3A_20 = vector.shape_cast %get3A_19 : vector<1x1000x128xf32> to vector<1000x128xf32>
    %add3A_21 = arith.addf %get3A_15, %get3A_20 : vector<1000x128xf32>
    %mul3A = vector.broadcast %slice3A : vector<1000x1xf32> to vector<1000x128xf32>
    %mul3A_22 = arith.mulf %add3A_21, %mul3A : vector<1000x128xf32>
    %get3A_23 = arith.constant 0 : index
    %get3A_24 = arith.constant 0 : index
    %get3A_25 = vector.load %arg3[%get3A_23, %get3A_24] : memref<1000x128xf32, #tpu.memory_space<vmem>>, vector<1000x128xf32>
    %add3A_26 = arith.addf %mul3A_22, %get3A_25 : vector<1000x128xf32>
    %swap3A = arith.constant 0 : index
    %swap3A_27 = arith.constant 0 : index
    %swap3A_28 = vector.load %arg4[%swap3A, %swap3A_27] : memref<1000x128xf32, #tpu.memory_space<vmem>>, vector<1000x128xf32>
    tpu.vector_store %arg4[%swap3A, %swap3A_27], %add3A_26 {strides = array<i32>} : memref<1000x128xf32, #tpu.memory_space<vmem>>, vector<1000x128xf32>,
    return
  }
  func.func @transform_0(%arg0: i32) -> (i32, i32, i32) {
    %c0_i32 = arith.constant 0 : i32
    %c0_i32_0 = arith.constant 0 : i32
    %c0_i32_1 = arith.constant 0 : i32
    return %c0_i32, %arg0, %c0_i32_0 : i32, i32, i32
  }
  func.func @transform_1(%arg0: i32) -> (i32, i32, i32) {
    %c0_i32 = arith.constant 0 : i32
    %c0_i32_0 = arith.constant 0 : i32
    %c0_i32_1 = arith.constant 0 : i32
    return %c0_i32, %arg0, %c0_i32_0 : i32, i32, i32
  }
  func.func @transform_2(%arg0: i32) -> (i32, i32) {
    %c0_i32 = arith.constant 0 : i32
    %c0_i32_0 = arith.constant 0 : i32
    return %arg0, %c0_i32 : i32, i32
  }
  func.func @transform_3(%arg0: i32) -> (i32, i32) {
    %c0_i32 = arith.constant 0 : i32
    %c0_i32_0 = arith.constant 0 : i32
    return %arg0, %c0_i32 : i32, i32
  }
}

</mosaic_0001>

<sc_bundles>
// kernel: kernel.6.cloned.1.call-start
scs
__scs_entry_jumppad:
0x0: {  	(pc) =	sbr.rel $0x88, $3  }
0x1: {  	(tag) =	ssettag $0x0;
	lr =	simm.s32 $0x1  }
0x2: {  	[smem:$0x3F9B] =	sst lr;
	_ =	strace $0xD0000000  }
0x3: {  	_ = 	snop  }
0x4: {  	_ = 	snop  }
0x5: {  	_ = 	snop  }
0x6: {  	_ = 	snop  }
0x7: {  	_ = 	snop  }
__scs_overlays_trampoline_lowered:
0x8: {  	[smem:$0x3FAA] =	sst s0  }
0x9: {  	[smem:$0x3FAB] =	sst s1  }
0xa: {  	[smem:$0x3FAC] =	sst s2  }
0xb: {  	[smem:$0x3FAD] =	sst s3  }
0xc: {  	[smem:$0x3FAE] =	sst s4  }
0xd: {  	[smem:$0x3FAF] =	sst s5  }
0xe: {  	[smem:$0x3FB0] =	sst s6  }
0xf: {  	[smem:$0x3FB1] =	sst s7  }
0x10: {  	[smem:$0x3FB2] =	sst s8  }
0x11: {  	[smem:$0x3FB3] =	sst s9;
	s0 =	simm.s32 @!p0 $0x0  }
0x12: {  	s1 =	sld [smem:$0x3F99];
	s0 =	simm.s32 @p0 $0x1  }
0x13: {  	[smem:$0x3FB4] =	sst s0;
	s0 =	simm.s32 @!p1 $0x0  }
0x14: {  	s2 =	sld [smem:$0x3F98];
	s0 =	simm.s32 @p1 $0x1  }
0x15: {  	[smem:$0x3FB5] =	sst s0;
	s0 =	simm.s32 @!p2 $0x0  }
0x16: {  	s3 =	sld [smem:$0x3FDB];
	s0 =	simm.s32 @p2 $0x1  }
0x17: {  	s4 =	simm.s32 $0x1BF5;
	[smem:$0x3FB7] =	sst s0  }
0x18: {  	s0 =	sld [smem:$0x3F9A];
	_ =	swait.ge [sflag:s4], $0x0  }
0x19: {  	s7 =	sld [smem:$0x3F9B]  }
0x1a: {  	s8 =	sadd.s32 $0xFFFFE003, lr  }
0x1b: {  	s9 =	sadd.s32 $0xFFFFFEF7, lr;
	s5 =	simm.s32 $0xFFFFFFFF;
	p2 =	slt.u32 s8, $0xFFFFF086  }
0x1c: {  	p1 =	slt.u32 s9, $0xF7A;
	s5 =	simm.s32 @!p2 $0x0  }
0x1d: {  	s5 =	simm.s32 @p1 $0x1;
	p0 =	seq.s32 s7, s2  }
0x1e: {  	s7 =	smul.u32 @!p0 $0xF7A, s2;
	p2 =	seq.s32 @!p0 s5, $0x0  }
0x1f: {  	s9 =	smul.u32 $0xF7A, s1;
	s8 =	simm.s32 @!p0 $0x1BF5;
	p2 =	por !p2, p0  }
0x20: {  	[sflag:s8] =	ssyncset.s32 @!p0 $0xFFFFF086;
	s6 =	sadd.s32 @!p0 s3, s7;
	s7 =	simm.s32 @!p0 $0x108  }
0x21: {  	s3 =	sadd.s32 s3, s9;
	s6 =	sadd.s32 @!p0 $0x88, s6;
	s7 =	simm.s32 @p2 $0x1082  }
0x22: {  	[simem:s7], [sflag:s8] =	dma.local @!p0 [hbm:s6], $0xF7A  }
0x23: {  	s9 =	sor.u32 $0xD0000000, s2;
	s6 =	simm.s32 $0x108;
	_ =	swait.ge @!p0 [sflag:s8], $0x0  }
0x24: {  	s3 =	sadd.s32 $0x88, s3;
	s6 =	simm.s32 @!p1 $0x1082;
	[sflag:s4] =	ssyncset.s32 $0xFFFFF086  }
0x25: {  	[simem:s6], [sflag:s4] =	dma.local [hbm:s3], $0xF7A  }
0x26: {  	[smem:$0x3F9B] =	sst s1;
	(tag) =	ssettag s2;
	_ =	strace s9  }
0x27: {  	s1 =	sld [smem:$0x3FAB]  }
0x28: {  	s2 =	sld [smem:$0x3FAC]  }
0x29: {  	s4 =	sld [smem:$0x3FAE]  }
0x2a: {  	p0 =	seq.s32 s5, $0x0;
	s5 =	sld [smem:$0x3FAF]  }
0x2b: {  	s6 =	sld [smem:$0x3FB0]  }
0x2c: {  	s7 =	sld [smem:$0x3FB1]  }
0x2d: {  	s3 =	simm.s32 $0x108;
	s8 =	sld [smem:$0x3FB2]  }
0x2e: {  	s3 =	simm.s32 @!p0 $0x1082;
	s9 =	sld [smem:$0x3FB3]  }
0x2f: {  	lr =	sadd.s32 s0, s3;
	s0 =	sld [smem:$0x3FAA]  }
0x30: {  	s3 =	sld [smem:$0x3FAD]  }
0x31: {  	[smem:$0x3FB6] =	sst s10  }
0x32: {  	s10 =	sld [smem:$0x3FB4];
	_ =	sdelay $0x3  }
0x33: {  	p0 =	seq.s32 s10, $0x1;
	s10 =	sld [smem:$0x3FB6];
	_ =	sdelay $0x3  }
0x34: {  	[smem:$0x3FB6] =	sst s10  }
0x35: {  	s10 =	sld [smem:$0x3FB5];
	_ =	sdelay $0x3  }
0x36: {  	p1 =	seq.s32 s10, $0x1;
	s10 =	sld [smem:$0x3FB6];
	_ =	sdelay $0x3  }
0x37: {  	[smem:$0x3FB6] =	sst s10  }
0x38: {  	s10 =	sld [smem:$0x3FB7]  }
0x39: {  	_ = 	snop;
	(pc) =	sbr.ind lr, $3  }
0x3a: {  	_ = 	snop  }
0x3b: {  	_ = 	snop  }
0x3c: {  	p2 =	seq.s32 s10, $0x1;
	s10 =	sld [smem:$0x3FB6]  }
0x3d: {  	_ =	shalt  }
0x3e: {  	_ =	shalt  }
0x3f: {  	_ =	shalt  }
0x40: {  	_ =	shalt  }
0x41: {  	_ =	shalt  }
0x42: {  	_ =	shalt  }
0x43: {  	_ =	shalt  }
0x44: {  	_ =	shalt  }
0x45: {  	_ =	shalt  }
0x46: {  	_ =	shalt  }
0x47: {  	_ =	shalt  }
0x48: {  	_ =	shalt  }
0x49: {  	_ =	shalt  }
0x4a: {  	_ =	shalt  }
0x4b: {  	_ =	shalt  }
0x4c: {  	_ =	shalt  }
0x4d: {  	_ =	shalt  }
0x4e: {  	_ =	shalt  }
0x4f: {  	_ =	shalt  }
0x50: {  	_ =	shalt  }
0x51: {  	_ =	shalt  }
0x52: {  	_ =	shalt  }
0x53: {  	_ =	shalt  }
0x54: {  	_ =	shalt  }
0x55: {  	_ =	shalt  }
0x56: {  	_ =	shalt  }
0x57: {  	_ =	shalt  }
0x58: {  	_ =	shalt  }
0x59: {  	_ =	shalt  }
0x5a: {  	_ =	shalt  }
0x5b: {  	_ =	shalt  }
0x5c: {  	_ =	shalt  }
0x5d: {  	_ =	shalt  }
0x5e: {  	_ =	shalt  }
0x5f: {  	_ =	shalt  }
0x60: {  	_ =	shalt  }
0x61: {  	_ =	shalt  }
0x62: {  	_ =	shalt  }
0x63: {  	_ =	shalt  }
0x64: {  	_ =	shalt  }
0x65: {  	_ =	shalt  }
0x66: {  	_ =	shalt  }
0x67: {  	_ =	shalt  }
0x68: {  	_ =	shalt  }
0x69: {  	_ =	shalt  }
0x6a: {  	_ =	shalt  }
0x6b: {  	_ =	shalt  }
0x6c: {  	_ =	shalt  }
0x6d: {  	_ =	shalt  }
0x6e: {  	_ =	shalt  }
0x6f: {  	_ =	shalt  }
0x70: {  	_ =	shalt  }
0x71: {  	_ =	shalt  }
0x72: {  	_ =	shalt  }
0x73: {  	_ =	shalt  }
0x74: {  	_ =	shalt  }
0x75: {  	_ =	shalt  }
0x76: {  	_ =	shalt  }
0x77: {  	_ =	shalt  }
0x78: {  	_ =	shalt  }
0x79: {  	_ =	shalt  }
0x7a: {  	_ =	shalt  }
0x7b: {  	_ =	shalt  }
0x7c: {  	_ =	shalt  }
0x7d: {  	_ =	shalt  }
0x7e: {  	_ =	shalt  }
0x7f: {  	_ =	shalt  }
0x80: {  	_ =	shalt  }
0x81: {  	_ =	shalt  }
0x82: {  	_ =	shalt  }
0x83: {  	_ =	shalt  }
0x84: {  	_ =	shalt  }
0x85: {  	_ =	shalt  }
0x86: {  	_ =	shalt  }
0x87: {  	_ =	shalt  }
.Lfunc_end0:
.L_simem_size_0:
called_computation_lowered:
.L_overlay_start_0:
0x88: {  	s2 =	sld [smem:$0x3FD9]  }
0x89: {  	s3 =	sld [smem:$0x3FFE];
	_ =	sdelay $0x1  }
0x8a: {  	s1 =	srdreg.scid  }
0x8b: {  	s0 =	sand.u32 $0x1, s1  }
0x8c: {  	s17 =	sshll.u32 s0, $0xA;
	s2 =	sadd.s32 s3, s2  }
0x8d: {  	s2 =	sadd.s32 s2, s17  }
0x8e: {  	[smem:$0x3FC2] =	sst s2  }
0x8f: {  	_ = 	snop  }
0x90: {  	s2 =	sld [smem:$0x3FD0];
	(tm) =	ssettm $0x1  }
0x91: {  	s18 =	sld [smem:$0x3FFB];
	_ =	sdelay $0x3  }
0x92: {  	_ =	strace s18  }
0x93: {  	s3 =	sld [smem:$0x3FFC];
	_ =	sdelay $0x3  }
0x94: {  	_ =	strace s3  }
0x95: {  	s3 =	sld [smem:$0x3FFD];
	_ =	sdelay $0x3  }
0x96: {  	_ =	strace s3  }
0x97: {  	_ =	strace $0x8FFFFFFF  }
0x98: {  	s19 =	sld [smem:$0x3FDB];
	_ =	sdelay $0x1  }
0x99: {  	s4 =	simm.s32 $_scs_section_size  }
0x9a: {  	s5 =	simm.s32 $_size__tile_overlayer_lowered;
	s6 =	simm.s32 $_tile_overlayer_lowered  }
0x9b: {  	s22 =	simm.s32 $0x1BFF;
	s21 =	sshll.u32 s6, $0x1;
	s3 =	sadd.s32 s4, s19  }
0x9c: {  	s7 =	simm.s32 $0x0;
	s20 =	sshll.u32 s5, $0x1;
	s5 =	sadd.s32 s21, s3  }
0x9d: {  	[timem:s7], [sflag:s22] =	dma.local [hbm:s5], s20  }
0x9e: {  	_ =	swait.ge [sflag:s22], s20  }
0x9f: {  	s4 =	ssub.s32 $0x0, s20;
	[sflag:s22] =	ssyncset.done $0x0  }
0xa0: {  	[sflag:s22] =	ssyncadd.s32 s4;
	_ =	sdelay $0x1  }
0xa1: {  	s23 =	simm.s32 $0x1B8B  }
0xa2: {  	_ =	swait.ge [sflag:s23], $0x1  }
0xa3: {  	[sflag:s23] =	ssyncset.done $0x0  }
0xa4: {  	s25 =	simm.s32 $0x1B8E;
	s24 =	sld [smem:$0x3FFE];
	[sflag:s23] =	ssyncadd.s32 $0xFFFFFFFF  }
0xa5: {  	s26 =	simm.s32 $execute0_lowered;
	[smem:$0x3FD2] =	sst s25  }
0xa6: {  	s5 =	sshll.u32 s26, $0x1;
	_ =	strace $0x80000046;
	[dreg:$0x1] =	wrdreg $0xFFFFFFFF  }
0xa7: {  	s28 =	simm.s32 $_size_execute0_lowered;
	s3 =	sadd.s32 s3, s5;
	[dreg:$0x0] =	wrdreg $0x0  }
0xa8: {  	s5 =	sshll.u32 s28, $0x1;
	[dreg:$0x2] =	wrdreg s3  }
0xa9: {  	[dreg:$0x3] =	wrdreg s5  }
0xaa: {  	[dreg:$0x4] =	wrdreg $0xC0  }
0xab: {  	_ =	task [dreg:s7], $0x5FFFF  }
0xac: {  	[dreg:$0x1] =	wrdreg $0xFFFFFFFF  }
0xad: {  	[dreg:$0x0] =	wrdreg $0x60  }
0xae: {  	[dreg:$0x2] =	wrdreg s2  }
0xaf: {  	[dreg:$0x3] =	wrdreg s24  }
0xb0: {  	[dreg:$0x4] =	wrdreg $0x10000  }
0xb1: {  	[dreg:$0x5] =	wrdreg $0x9  }
0xb2: {  	_ =	task.clear_ibuf [dreg:s7], $0x6FFFF;
	_ =	strace $0x90000046  }
0xb3: {  	s29 =	simm.s32 $0x9;
	_ =	strace $0x80000048  }
0xb4: {  	_ =	swait.ge [sflag:s29], $0x1  }
0xb5: {  	[sflag:s29] =	ssyncadd.s32 $0xFFFFFFFF  }
0xb6: {  	_ =	strace $0x90000048  }
0xb7: {  	_ =	sfence  }
0xb8: {  	s30 =	sld [smem:$0x0];
	_ =	sdelay $0x2  }
0xb9: {  	s31 =	sshll.u32 s1, $0xD;
	s1 =	sshrl.u32 s1, $0x2  }
0xba: {  	s3 =	sand.u32 $0x4000, s31;
	s1 =	sadd.s32 s1, s30  }
0xbb: {  	s0 =	sor.u32 s3, s0;
	s1 =	sshll.u32 s1, $0x11  }
0xbc: {  	s0 =	sor.u32 s1, s0  }
0xbd: {  	s0 =	sadd.s32 $0x8F2B, s0  }
0xbe: {  	[sflag:s0] =	ssyncadd.remote.s32 $0x1  }
0xbf: {  	_ =	sfence.sel $0xFFFF  }
0xc0: {  	[dreg:$0x0] =	wrdreg $0xFFFFFFFF;
	(pc) =	sbr.abs _section_cstart, $3  }
0xc1: {  	[dreg:$0x1] =	wrdreg $0xFFFFFFFF  }
0xc2: {  	_ =	task.clear_ibuf [dreg:s7], $0x2FFFF;
	_ =	strace $0x9FFFFFFF  }
0xc3: {  	(tm) =	ssettm $0x7FFFFFFF  }
tec
execute0_lowered:
.L_overlay_start_1:
0x0: {  	(tag) =	ssettag $0x1  }
0x1: {  	s0 =	rddreg [dreg:$0x0]  }
0x2: {  	s1 =	rddreg [dreg:$0x1]  }
0x3: {  	s2 =	rddreg [dreg:$0x2]  }
0x4: {  	s11 =	stileid.u32;
	s5 =	srdreg.scid;
	s3 =	simm.s32 $0x0  }
0x5: {  	s12 =	simm.s32 $0x3;
	s13 =	simm.s32 $0x800;
	s14 =	simm.s32 $0x80  }
0x6: {  	s15 =	simm.s32 $0x100;
	s16 =	simm.s32 $0x180;
	s17 =	simm.s32 $0x200  }
0x7: {  	s18 =	simm.s32 $0x280;
	s28 =	simm.s32 $0x700;
	s4 =	smul.u32 $0x2780, s11  }
0x8: {  	s29 =	simm.s32 $0x780;
	s30 =	simm.s32 $0x1;
	s6 =	smul.u32 $0x4F0, s11  }
0x9: {  	s31 =	simm.s32 $0x2;
	s5 =	sand.u32 $0x1, s5;
	s20 =	smul.u32 $0x14, s11  }
0xa: {  	[smem:$0x7FF] =	sst s3;
	s9 =	sadd.s32 $0x1600, s1;
	s25 =	smul.u32 $0xA00, s11  }
0xb: {  	s23 =	sshll.u32 s11, $0x6;
	s8 =	smul.u32 $0x4F00, s5;
	_ =	strace $0x80000047  }
0xc: {  	[dreg:$0x4] =	wrdreg s9;
	s19 =	ssub.s32 $0x2, s5;
	s10 =	smul.u32 $0xA, s5  }
0xd: {  	s5 =	smul.u32 $0x500, s5;
	s7 =	sshrl.u32 s4, $0x3;
	s21 =	sshrl.u32 s19, $0x1  }
0xe: {  	s4 =	sadd.s32 s4, s2;
	s7 =	sadd.s32 s7, s1;
	s6 =	sadd.s32 s6, s8  }
0xf: {  	s8 =	ssub.s32 s19, s21;
	s24 =	sadd.s32 s10, s20;
	s11 =	sshrl.u32 s4, $0x3  }
0x10: {  	s19 =	simm.s32 $0x300;
	s20 =	simm.s32 $0x380;
	s21 =	simm.s32 $0x400  }
0x11: {  	s1 =	sadd.s32 s6, s1;
	s22 =	sadd.s32 $0x1800, s7;
	s6 =	sor.u32 $0x1C03, s23  }
0x12: {  	s10 =	sshll.u32 s24, $0x7;
	s8 =	smax.u32 s8, $0x1;
	s23 =	simm.s32 $0x500  }
0x13: {  	s24 =	simm.s32 $0x580;
	[dreg:$0x5] =	wrdreg s22;
	s1 =	sadd.s32 $0x6800, s1  }
0x14: {  	s26 =	sadd.s32 s10, s0;
	s0 =	sadd.s32 s25, s0;
	s22 =	simm.s32 $0x480  }
0x15: {  	s25 =	simm.s32 $0x600;
	[dreg:$0x6] =	wrdreg s1;
	s9 =	sadd.s32 $0x80, s26  }
0x16: {  	s10 =	sadd.s32 s5, s0;
	s26 =	simm.s32 $0x680;
	s0 =	simm.s32 $0x0  }
.LBB2_1:
0x17: {  	s1 =	rddreg [dreg:$0x5]  }
0x18: {  	[spmem:s11], [sflag:s6] =	dma.local [hbm:s1], $0x4F0  }
0x19: {  	_ =	swait.ge [sflag:s12], $0x4F0  }
0x1a: {  	[sflag:s12] =	ssyncset.done $0x0  }
0x1b: {  	s4 =	rddreg [dreg:$0x4];
	[sflag:s12] =	ssyncadd.s32 $0xFFFFFB10  }
0x1c: {  	[tilespmem:s13], [sflag:$0x3] =	stream.linear.gather [hbm4b:s4+s3], $0x800, $0x38;
	[tilespmem:$0x3780] =	vst v63  }
0x1d: {  	_ =	swait.ge [sflag:s12], $0x800  }
0x1e: {  	p0 =	por $0x1, $0x1;
	[sflag:s12] =	ssyncset.done $0x0  }
0x1f: {  	p0 =	por p0, p0;
	[sflag:s12] =	ssyncadd.s32 $0xFFFFF800  }
0x20: {  	s1 =	simm.s32 @!p0 $0x1;
	[bflag:$0x0] =	sbarrier.arrive $0xFFFF  }
0x21: {  	_ =	swait.ge @!p0 [sflag:s1], $0x800  }
0x22: {  	[sflag:s1] =	ssyncset.done @!p0 $0x0  }
0x23: {  	[sflag:s1] =	ssyncadd.s32 @!p0 $0xFFFFF800  }
0x24: {  	_ =	swait.ge @!p0 [sflag:s1], $0x800  }
0x25: {  	[sflag:s1] =	ssyncset.done @!p0 $0x0  }
0x26: {  	[sflag:s1] =	ssyncadd.s32 @!p0 $0xFFFFF800  }
0x27: {  	_ =	swait.ge @!p0 [sflag:s1], $0x800  }
0x28: {  	[sflag:s1] =	ssyncset.done @!p0 $0x0  }
0x29: {  	[sflag:s1] =	ssyncadd.s32 @!p0 $0xFFFFF800  }
0x2a: {  	_ =	swait.ge @!p0 [sflag:s1], $0x800  }
0x2b: {  	[sflag:s1] =	ssyncset.done @!p0 $0x0  }
0x2c: {  	[sflag:s1] =	ssyncadd.s32 @!p0 $0xFFFFF800  }
0x2d: {  	_ =	swait.ge @!p0 [sflag:s1], $0x800  }
0x2e: {  	[sflag:s1] =	ssyncset.done @!p0 $0x0  }
0x2f: {  	[sflag:s1] =	ssyncadd.s32 @!p0 $0xFFFFF800  }
0x30: {  	_ =	swait.ge @!p0 [sflag:s1], $0x800  }
0x31: {  	[sflag:s1] =	ssyncset.done @!p0 $0x0  }
0x32: {  	[sflag:s1] =	ssyncadd.s32 @!p0 $0xFFFFF800  }
0x33: {  	_ =	swait.ge @!p0 [sflag:s1], $0x800  }
0x34: {  	[sflag:s1] =	ssyncset.done @!p0 $0x0  }
0x35: {  	[sflag:s1] =	ssyncadd.s32 @!p0 $0xFFFFF800  }
0x36: {  	_ =	swait.ge @!p0 [sflag:s1], $0x800  }
0x37: {  	[sflag:s1] =	ssyncset.done @!p0 $0x0  }
0x38: {  	s5 =	sadd.s32 $0x0, s10;
	[sflag:s1] =	ssyncadd.s32 @!p0 $0xFFFFF800  }
0x39: {  	[tilespmem:s3], [sflag:$0x3] =	stream.linear.gather [hbm4b:s5+s3], $0x400, $0x38;
	[tilespmem:$0x3780] =	vst v63  }
0x3a: {  	_ =	swait.ge [sflag:s12], $0x400  }
0x3b: {  	[sflag:s12] =	ssyncset.done $0x0  }
0x3c: {  	[sflag:s12] =	ssyncadd.s32 $0xFFFFFC00  }
0x3d: {  	[spmem:s2] =	stream.indirect.scatter.add.f32 [tilespmem:s13], [sflag:$0x1], $0x10, s3, s14, $0xb8;
	[tilespmem:$0x3780] =	vst v63  }
0x3e: {  	_ = 	snop  }
0x3f: {  	[spmem:s2] =	stream.indirect.scatter.add.f32 [tilespmem:s13], [sflag:$0x1], $0x10, s14, s14, $0xb8;
	[tilespmem:$0x3780] =	vst v63  }
0x40: {  	_ = 	snop  }
0x41: {  	[spmem:s2] =	stream.indirect.scatter.add.f32 [tilespmem:s13], [sflag:$0x1], $0x10, s15, s14, $0xb8;
	[tilespmem:$0x3780] =	vst v63  }
0x42: {  	_ = 	snop  }
0x43: {  	[spmem:s2] =	stream.indirect.scatter.add.f32 [tilespmem:s13], [sflag:$0x1], $0x10, s16, s14, $0xb8;
	[tilespmem:$0x3780] =	vst v63  }
0x44: {  	_ = 	snop  }
0x45: {  	[spmem:s2] =	stream.indirect.scatter.add.f32 [tilespmem:s13], [sflag:$0x1], $0x10, s17, s14, $0xb8;
	[tilespmem:$0x3780] =	vst v63  }
0x46: {  	_ = 	snop  }
0x47: {  	[spmem:s2] =	stream.indirect.scatter.add.f32 [tilespmem:s13], [sflag:$0x1], $0x10, s18, s14, $0xb8;
	[tilespmem:$0x3780] =	vst v63  }
0x48: {  	_ = 	snop  }
0x49: {  	[spmem:s2] =	stream.indirect.scatter.add.f32 [tilespmem:s13], [sflag:$0x1], $0x10, s19, s14, $0xb8;
	[tilespmem:$0x3780] =	vst v63  }
0x4a: {  	s1 =	simm.s32 @!p0 $0x2  }
0x4b: {  	[spmem:s2] =	stream.indirect.scatter.add.f32 [tilespmem:s13], [sflag:$0x1], $0x10, s20, s14, $0xb8;
	[tilespmem:$0x3780] =	vst v63  }
0x4c: {  	_ =	swait.ge @!p0 [sflag:s1], $0x800  }
0x4d: {  	[sflag:s1] =	ssyncset.done @!p0 $0x0  }
0x4e: {  	[sflag:s1] =	ssyncadd.s32 @!p0 $0xFFFFF800  }
0x4f: {  	_ =	swait.ge @!p0 [sflag:s1], $0x800  }
0x50: {  	[sflag:s1] =	ssyncset.done @!p0 $0x0  }
0x51: {  	[sflag:s1] =	ssyncadd.s32 @!p0 $0xFFFFF800  }
0x52: {  	_ =	swait.ge @!p0 [sflag:s1], $0x800  }
0x53: {  	[sflag:s1] =	ssyncset.done @!p0 $0x0  }
0x54: {  	[sflag:s1] =	ssyncadd.s32 @!p0 $0xFFFFF800  }
0x55: {  	_ =	swait.ge @!p0 [sflag:s1], $0x800  }
0x56: {  	[sflag:s1] =	ssyncset.done @!p0 $0x0  }
0x57: {  	[sflag:s1] =	ssyncadd.s32 @!p0 $0xFFFFF800  }
0x58: {  	_ =	swait.ge @!p0 [sflag:s1], $0x800  }
0x59: {  	[sflag:s1] =	ssyncset.done @!p0 $0x0  }
0x5a: {  	[sflag:s1] =	ssyncadd.s32 @!p0 $0xFFFFF800  }
0x5b: {  	_ =	swait.ge @!p0 [sflag:s1], $0x800  }
0x5c: {  	[sflag:s1] =	ssyncset.done @!p0 $0x0  }
0x5d: {  	[sflag:s1] =	ssyncadd.s32 @!p0 $0xFFFFF800  }
0x5e: {  	_ =	swait.ge @!p0 [sflag:s1], $0x800  }
0x5f: {  	[sflag:s1] =	ssyncset.done @!p0 $0x0  }
0x60: {  	[sflag:s1] =	ssyncadd.s32 @!p0 $0xFFFFF800  }
0x61: {  	_ =	swait.ge @!p0 [sflag:s1], $0x800  }
0x62: {  	[sflag:s1] =	ssyncset.done @!p0 $0x0  }
0x63: {  	s7 =	sadd.s32 $0x0, s9;
	[sflag:s1] =	ssyncadd.s32 @!p0 $0xFFFFF800  }
0x64: {  	[tilespmem:s21], [sflag:$0x3] =	stream.linear.gather [hbm4b:s7+s3], $0x400, $0x38;
	[tilespmem:$0x3780] =	vst v63  }
0x65: {  	_ =	swait.ge [sflag:s12], $0x400  }
0x66: {  	[sflag:s12] =	ssyncset.done $0x0  }
0x67: {  	[sflag:s12] =	ssyncadd.s32 $0xFFFFFC00  }
0x68: {  	[spmem:s2] =	stream.indirect.scatter.add.f32 [tilespmem:s13], [sflag:$0x2], $0x10, s21, s14, $0xb8;
	[tilespmem:$0x3780] =	vst v63  }
0x69: {  	_ = 	snop  }
0x6a: {  	[spmem:s2] =	stream.indirect.scatter.add.f32 [tilespmem:s13], [sflag:$0x2], $0x10, s22, s14, $0xb8;
	[tilespmem:$0x3780] =	vst v63  }
0x6b: {  	_ = 	snop  }
0x6c: {  	[spmem:s2] =	stream.indirect.scatter.add.f32 [tilespmem:s13], [sflag:$0x2], $0x10, s23, s14, $0xb8;
	[tilespmem:$0x3780] =	vst v63  }
0x6d: {  	_ = 	snop  }
0x6e: {  	[spmem:s2] =	stream.indirect.scatter.add.f32 [tilespmem:s13], [sflag:$0x2], $0x10, s24, s14, $0xb8;
	[tilespmem:$0x3780] =	vst v63  }
0x6f: {  	_ = 	snop  }
0x70: {  	[spmem:s2] =	stream.indirect.scatter.add.f32 [tilespmem:s13], [sflag:$0x2], $0x10, s25, s14, $0xb8;
	[tilespmem:$0x3780] =	vst v63  }
0x71: {  	p6 =	por $0x0, $0x0  }
0x72: {  	[spmem:s2] =	stream.indirect.scatter.add.f32 [tilespmem:s13], [sflag:$0x2], $0x10, s26, s14, $0xb8;
	[tilespmem:$0x3780] =	vst v63  }
0x73: {  	s4 =	simm.s32 $0x200;
	s1 =	simm.s32 $0x100;
	p0 =	por p6, p6  }
0x74: {  	[spmem:s2] =	stream.indirect.scatter.add.f32 [tilespmem:s13], [sflag:$0x2], $0x10, s28, s14, $0xb8;
	[tilespmem:$0x3780] =	vst v63  }
.LBB2_2:
0x75: {  	[spmem:s2] =	stream.indirect.scatter.add.f32 [tilespmem:s13], [sflag:$0x2], $0x10, s29, s14, $0xb8;
	[tilespmem:$0x3780] =	vst v63  }
0x76: {  	s5 =	smov.u32 s4  }
0x77: {  	s4 =	sadd.s32 $0x100, s4;
	s7 =	simm.s32 @!p0 $0x1;
	p2 =	seq.s32 s5, $0x0  }
0x78: {  	p1 =	sne.s32 s4, $0x500;
	_ =	swait.ge @!p0 [sflag:s7], $0x800  }
0x79: {  	[sflag:s7] =	ssyncset.done @!p0 $0x0  }
0x7a: {  	[sflag:s7] =	ssyncadd.s32 @!p0 $0xFFFFF800  }
0x7b: {  	_ =	swait.ge @!p0 [sflag:s7], $0x800  }
0x7c: {  	[sflag:s7] =	ssyncset.done @!p0 $0x0  }
0x7d: {  	[sflag:s7] =	ssyncadd.s32 @!p0 $0xFFFFF800  }
0x7e: {  	_ =	swait.ge @!p0 [sflag:s7], $0x800  }
0x7f: {  	[sflag:s7] =	ssyncset.done @!p0 $0x0  }
0x80: {  	[sflag:s7] =	ssyncadd.s32 @!p0 $0xFFFFF800  }
0x81: {  	_ =	swait.ge @!p0 [sflag:s7], $0x800  }
0x82: {  	[sflag:s7] =	ssyncset.done @!p0 $0x0  }
0x83: {  	[sflag:s7] =	ssyncadd.s32 @!p0 $0xFFFFF800  }
0x84: {  	_ =	swait.ge @!p0 [sflag:s7], $0x800  }
0x85: {  	[sflag:s7] =	ssyncset.done @!p0 $0x0  }
0x86: {  	[sflag:s7] =	ssyncadd.s32 @!p0 $0xFFFFF800  }
0x87: {  	_ =	swait.ge @!p0 [sflag:s7], $0x800  }
0x88: {  	[sflag:s7] =	ssyncset.done @!p0 $0x0  }
0x89: {  	[sflag:s7] =	ssyncadd.s32 @!p0 $0xFFFFF800  }
0x8a: {  	_ =	swait.ge @!p0 [sflag:s7], $0x800  }
0x8b: {  	[sflag:s7] =	ssyncset.done @!p0 $0x0  }
0x8c: {  	[sflag:s7] =	ssyncadd.s32 @!p0 $0xFFFFF800  }
0x8d: {  	_ =	swait.ge @!p0 [sflag:s7], $0x800  }
0x8e: {  	[sflag:s7] =	ssyncset.done @!p0 $0x0  }
0x8f: {  	[sflag:s7] =	ssyncadd.s32 @!p0 $0xFFFFF800;
	s7 =	sadd.s32 s1, s10  }
0x90: {  	[tilespmem:s3], [sflag:$0x3] =	stream.linear.gather [hbm4b:s7+s3], $0x400, $0x38;
	[tilespmem:$0x3780] =	vst v63  }
0x91: {  	_ =	swait.ge [sflag:s12], $0x400  }
0x92: {  	[sflag:s12] =	ssyncset.done $0x0  }
0x93: {  	[sflag:s12] =	ssyncadd.s32 $0xFFFFFC00  }
0x94: {  	[spmem:s2] =	stream.indirect.scatter.add.f32 [tilespmem:s13], [sflag:$0x1], $0x10, s3, s14, $0xb8;
	[tilespmem:$0x3780] =	vst v63  }
0x95: {  	_ = 	snop  }
0x96: {  	[spmem:s2] =	stream.indirect.scatter.add.f32 [tilespmem:s13], [sflag:$0x1], $0x10, s14, s14, $0xb8;
	[tilespmem:$0x3780] =	vst v63  }
0x97: {  	_ = 	snop  }
0x98: {  	[spmem:s2] =	stream.indirect.scatter.add.f32 [tilespmem:s13], [sflag:$0x1], $0x10, s15, s14, $0xb8;
	[tilespmem:$0x3780] =	vst v63  }
0x99: {  	_ = 	snop  }
0x9a: {  	[spmem:s2] =	stream.indirect.scatter.add.f32 [tilespmem:s13], [sflag:$0x1], $0x10, s16, s14, $0xb8;
	[tilespmem:$0x3780] =	vst v63  }
0x9b: {  	_ = 	snop  }
0x9c: {  	[spmem:s2] =	stream.indirect.scatter.add.f32 [tilespmem:s13], [sflag:$0x1], $0x10, s17, s14, $0xb8;
	[tilespmem:$0x3780] =	vst v63  }
0x9d: {  	_ = 	snop  }
0x9e: {  	[spmem:s2] =	stream.indirect.scatter.add.f32 [tilespmem:s13], [sflag:$0x1], $0x10, s18, s14, $0xb8;
	[tilespmem:$0x3780] =	vst v63  }
0x9f: {  	_ = 	snop  }
0xa0: {  	[spmem:s2] =	stream.indirect.scatter.add.f32 [tilespmem:s13], [sflag:$0x1], $0x10, s19, s14, $0xb8;
	[tilespmem:$0x3780] =	vst v63  }
0xa1: {  	s7 =	simm.s32 @!p0 $0x2  }
0xa2: {  	[spmem:s2] =	stream.indirect.scatter.add.f32 [tilespmem:s13], [sflag:$0x1], $0x10, s20, s14, $0xb8;
	[tilespmem:$0x3780] =	vst v63  }
0xa3: {  	_ =	swait.ge @!p0 [sflag:s7], $0x800  }
0xa4: {  	[sflag:s7] =	ssyncset.done @!p0 $0x0  }
0xa5: {  	[sflag:s7] =	ssyncadd.s32 @!p0 $0xFFFFF800  }
0xa6: {  	_ =	swait.ge @!p0 [sflag:s7], $0x800  }
0xa7: {  	[sflag:s7] =	ssyncset.done @!p0 $0x0  }
0xa8: {  	[sflag:s7] =	ssyncadd.s32 @!p0 $0xFFFFF800  }
0xa9: {  	_ =	swait.ge @!p0 [sflag:s7], $0x800  }
0xaa: {  	[sflag:s7] =	ssyncset.done @!p0 $0x0  }
0xab: {  	[sflag:s7] =	ssyncadd.s32 @!p0 $0xFFFFF800  }
0xac: {  	_ =	swait.ge @!p0 [sflag:s7], $0x800  }
0xad: {  	[sflag:s7] =	ssyncset.done @!p0 $0x0  }
0xae: {  	[sflag:s7] =	ssyncadd.s32 @!p0 $0xFFFFF800  }
0xaf: {  	_ =	swait.ge @!p0 [sflag:s7], $0x800  }
0xb0: {  	[sflag:s7] =	ssyncset.done @!p0 $0x0  }
0xb1: {  	[sflag:s7] =	ssyncadd.s32 @!p0 $0xFFFFF800  }
0xb2: {  	_ =	swait.ge @!p0 [sflag:s7], $0x800  }
0xb3: {  	[sflag:s7] =	ssyncset.done @!p0 $0x0  }
0xb4: {  	[sflag:s7] =	ssyncadd.s32 @!p0 $0xFFFFF800  }
0xb5: {  	_ =	swait.ge @!p0 [sflag:s7], $0x800  }
0xb6: {  	[sflag:s7] =	ssyncset.done @!p0 $0x0  }
0xb7: {  	[sflag:s7] =	ssyncadd.s32 @!p0 $0xFFFFF800  }
0xb8: {  	_ =	swait.ge @!p0 [sflag:s7], $0x800  }
0xb9: {  	[sflag:s7] =	ssyncset.done @!p0 $0x0  }
0xba: {  	[sflag:s7] =	ssyncadd.s32 @!p0 $0xFFFFF800;
	s7 =	sadd.s32 s1, s9;
	s1 =	smov.u32 s5  }
0xbb: {  	[tilespmem:s21], [sflag:$0x3] =	stream.linear.gather [hbm4b:s7+s3], $0x400, $0x38;
	[tilespmem:$0x3780] =	vst v63  }
0xbc: {  	p0 =	por p2, p2;
	_ =	swait.ge [sflag:s12], $0x400  }
0xbd: {  	[sflag:s12] =	ssyncset.done $0x0  }
0xbe: {  	[sflag:s12] =	ssyncadd.s32 $0xFFFFFC00  }
0xbf: {  	[spmem:s2] =	stream.indirect.scatter.add.f32 [tilespmem:s13], [sflag:$0x2], $0x10, s21, s14, $0xb8;
	[tilespmem:$0x3780] =	vst v63  }
0xc0: {  	_ = 	snop  }
0xc1: {  	[spmem:s2] =	stream.indirect.scatter.add.f32 [tilespmem:s13], [sflag:$0x2], $0x10, s22, s14, $0xb8;
	[tilespmem:$0x3780] =	vst v63  }
0xc2: {  	_ = 	snop  }
0xc3: {  	[spmem:s2] =	stream.indirect.scatter.add.f32 [tilespmem:s13], [sflag:$0x2], $0x10, s23, s14, $0xb8;
	[tilespmem:$0x3780] =	vst v63  }
0xc4: {  	_ = 	snop  }
0xc5: {  	[spmem:s2] =	stream.indirect.scatter.add.f32 [tilespmem:s13], [sflag:$0x2], $0x10, s24, s14, $0xb8;
	[tilespmem:$0x3780] =	vst v63  }
0xc6: {  	_ = 	snop  }
0xc7: {  	[spmem:s2] =	stream.indirect.scatter.add.f32 [tilespmem:s13], [sflag:$0x2], $0x10, s25, s14, $0xb8;
	[tilespmem:$0x3780] =	vst v63  }
.Ltmp0:
0xc8: {  	_ = 	snop;
	(pc) =	sbr.rel @p1 .LBB2_2-.Ltmp0, $4  }
0xc9: {  	_ = 	snop  }
0xca: {  	[spmem:s2] =	stream.indirect.scatter.add.f32 [tilespmem:s13], [sflag:$0x2], $0x10, s26, s14, $0xb8;
	[tilespmem:$0x3780] =	vst v63  }
0xcb: {  	_ = 	snop  }
0xcc: {  	[spmem:s2] =	stream.indirect.scatter.add.f32 [tilespmem:s13], [sflag:$0x2], $0x10, s28, s14, $0xb8;
	[tilespmem:$0x3780] =	vst v63  }
0xcd: {  	[spmem:s2] =	stream.indirect.scatter.add.f32 [tilespmem:s13], [sflag:$0x2], $0x10, s29, s14, $0xb8;
	[tilespmem:$0x3780] =	vst v63  }
0xce: {  	s4 =	simm.s32 @!p0 $0x1  }
0xcf: {  	_ =	swait.ge @!p0 [sflag:s4], $0x800  }
0xd0: {  	[sflag:s4] =	ssyncset.done @!p0 $0x0  }
0xd1: {  	[sflag:s4] =	ssyncadd.s32 @!p0 $0xFFFFF800  }
0xd2: {  	_ =	swait.ge @!p0 [sflag:s4], $0x800  }
0xd3: {  	[sflag:s4] =	ssyncset.done @!p0 $0x0  }
0xd4: {  	[sflag:s4] =	ssyncadd.s32 @!p0 $0xFFFFF800  }
0xd5: {  	_ =	swait.ge @!p0 [sflag:s4], $0x800  }
0xd6: {  	[sflag:s4] =	ssyncset.done @!p0 $0x0  }
0xd7: {  	[sflag:s4] =	ssyncadd.s32 @!p0 $0xFFFFF800  }
0xd8: {  	_ =	swait.ge @!p0 [sflag:s4], $0x800  }
0xd9: {  	[sflag:s4] =	ssyncset.done @!p0 $0x0  }
0xda: {  	[sflag:s4] =	ssyncadd.s32 @!p0 $0xFFFFF800  }
0xdb: {  	_ =	swait.ge @!p0 [sflag:s4], $0x800  }
0xdc: {  	[sflag:s4] =	ssyncset.done @!p0 $0x0  }
0xdd: {  	[sflag:s4] =	ssyncadd.s32 @!p0 $0xFFFFF800  }
0xde: {  	_ =	swait.ge @!p0 [sflag:s4], $0x800  }
0xdf: {  	[sflag:s4] =	ssyncset.done @!p0 $0x0  }
0xe0: {  	[sflag:s4] =	ssyncadd.s32 @!p0 $0xFFFFF800  }
0xe1: {  	_ =	swait.ge @!p0 [sflag:s4], $0x800  }
0xe2: {  	[sflag:s4] =	ssyncset.done @!p0 $0x0  }
0xe3: {  	[sflag:s4] =	ssyncadd.s32 @!p0 $0xFFFFF800  }
0xe4: {  	_ =	swait.ge @!p0 [sflag:s4], $0x800  }
0xe5: {  	[sflag:s4] =	ssyncset.done @!p0 $0x0  }
0xe6: {  	s7 =	sadd.s32 s1, s10;
	[sflag:s4] =	ssyncadd.s32 @!p0 $0xFFFFF800  }
0xe7: {  	[tilespmem:s3], [sflag:$0x3] =	stream.linear.gather [hbm4b:s7+s3], $0x400, $0x38;
	[tilespmem:$0x3780] =	vst v63  }
0xe8: {  	_ =	swait.ge [sflag:s12], $0x400  }
0xe9: {  	[sflag:s12] =	ssyncset.done $0x0  }
0xea: {  	[sflag:s12] =	ssyncadd.s32 $0xFFFFFC00  }
0xeb: {  	[spmem:s2] =	stream.indirect.scatter.add.f32 [tilespmem:s13], [sflag:$0x1], $0x10, s3, s14, $0xb8;
	[tilespmem:$0x3780] =	vst v63  }
0xec: {  	_ = 	snop  }
0xed: {  	[spmem:s2] =	stream.indirect.scatter.add.f32 [tilespmem:s13], [sflag:$0x1], $0x10, s14, s14, $0xb8;
	[tilespmem:$0x3780] =	vst v63  }
0xee: {  	_ = 	snop  }
0xef: {  	[spmem:s2] =	stream.indirect.scatter.add.f32 [tilespmem:s13], [sflag:$0x1], $0x10, s15, s14, $0xb8;
	[tilespmem:$0x3780] =	vst v63  }
0xf0: {  	_ = 	snop  }
0xf1: {  	[spmem:s2] =	stream.indirect.scatter.add.f32 [tilespmem:s13], [sflag:$0x1], $0x10, s16, s14, $0xb8;
	[tilespmem:$0x3780] =	vst v63  }
0xf2: {  	_ = 	snop  }
0xf3: {  	[spmem:s2] =	stream.indirect.scatter.add.f32 [tilespmem:s13], [sflag:$0x1], $0x10, s17, s14, $0xb8;
	[tilespmem:$0x3780] =	vst v63  }
0xf4: {  	_ = 	snop  }
0xf5: {  	[spmem:s2] =	stream.indirect.scatter.add.f32 [tilespmem:s13], [sflag:$0x1], $0x10, s18, s14, $0xb8;
	[tilespmem:$0x3780] =	vst v63  }
0xf6: {  	_ = 	snop  }
0xf7: {  	[spmem:s2] =	stream.indirect.scatter.add.f32 [tilespmem:s13], [sflag:$0x1], $0x10, s19, s14, $0xb8;
	[tilespmem:$0x3780] =	vst v63  }
0xf8: {  	s4 =	simm.s32 @!p0 $0x2  }
0xf9: {  	[spmem:s2] =	stream.indirect.scatter.add.f32 [tilespmem:s13], [sflag:$0x1], $0x10, s20, s14, $0xb8;
	[tilespmem:$0x3780] =	vst v63  }
0xfa: {  	_ =	swait.ge @!p0 [sflag:s4], $0x800  }
0xfb: {  	[sflag:s4] =	ssyncset.done @!p0 $0x0  }
0xfc: {  	[sflag:s4] =	ssyncadd.s32 @!p0 $0xFFFFF800  }
0xfd: {  	_ =	swait.ge @!p0 [sflag:s4], $0x800  }
0xfe: {  	[sflag:s4] =	ssyncset.done @!p0 $0x0  }
0xff: {  	[sflag:s4] =	ssyncadd.s32 @!p0 $0xFFFFF800  }
0x100: {  	_ =	swait.ge @!p0 [sflag:s4], $0x800  }
0x101: {  	[sflag:s4] =	ssyncset.done @!p0 $0x0  }
0x102: {  	[sflag:s4] =	ssyncadd.s32 @!p0 $0xFFFFF800  }
0x103: {  	_ =	swait.ge @!p0 [sflag:s4], $0x800  }
0x104: {  	[sflag:s4] =	ssyncset.done @!p0 $0x0  }
0x105: {  	[sflag:s4] =	ssyncadd.s32 @!p0 $0xFFFFF800  }
0x106: {  	_ =	swait.ge @!p0 [sflag:s4], $0x800  }
0x107: {  	[sflag:s4] =	ssyncset.done @!p0 $0x0  }
0x108: {  	[sflag:s4] =	ssyncadd.s32 @!p0 $0xFFFFF800  }
0x109: {  	_ =	swait.ge @!p0 [sflag:s4], $0x800  }
0x10a: {  	[sflag:s4] =	ssyncset.done @!p0 $0x0  }
0x10b: {  	[sflag:s4] =	ssyncadd.s32 @!p0 $0xFFFFF800  }
0x10c: {  	_ =	swait.ge @!p0 [sflag:s4], $0x800  }
0x10d: {  	[sflag:s4] =	ssyncset.done @!p0 $0x0  }
0x10e: {  	[sflag:s4] =	ssyncadd.s32 @!p0 $0xFFFFF800  }
0x10f: {  	_ =	swait.ge @!p0 [sflag:s4], $0x800  }
0x110: {  	[sflag:s4] =	ssyncset.done @!p0 $0x0  }
0x111: {  	s5 =	sadd.s32 s1, s9;
	[sflag:s4] =	ssyncadd.s32 @!p0 $0xFFFFF800  }
0x112: {  	[tilespmem:s21], [sflag:$0x3] =	stream.linear.gather [hbm4b:s5+s3], $0x400, $0x38;
	[tilespmem:$0x3780] =	vst v63  }
0x113: {  	_ =	swait.ge [sflag:s12], $0x400  }
0x114: {  	[sflag:s12] =	ssyncset.done $0x0  }
0x115: {  	[sflag:s12] =	ssyncadd.s32 $0xFFFFFC00  }
0x116: {  	[spmem:s2] =	stream.indirect.scatter.add.f32 [tilespmem:s13], [sflag:$0x2], $0x10, s21, s14, $0xb8;
	[tilespmem:$0x3780] =	vst v63  }
0x117: {  	_ = 	snop  }
0x118: {  	[spmem:s2] =	stream.indirect.scatter.add.f32 [tilespmem:s13], [sflag:$0x2], $0x10, s22, s14, $0xb8;
	[tilespmem:$0x3780] =	vst v63  }
0x119: {  	_ = 	snop  }
0x11a: {  	[spmem:s2] =	stream.indirect.scatter.add.f32 [tilespmem:s13], [sflag:$0x2], $0x10, s23, s14, $0xb8;
	[tilespmem:$0x3780] =	vst v63  }
0x11b: {  	_ = 	snop  }
0x11c: {  	[spmem:s2] =	stream.indirect.scatter.add.f32 [tilespmem:s13], [sflag:$0x2], $0x10, s24, s14, $0xb8;
	[tilespmem:$0x3780] =	vst v63  }
0x11d: {  	_ = 	snop  }
0x11e: {  	[spmem:s2] =	stream.indirect.scatter.add.f32 [tilespmem:s13], [sflag:$0x2], $0x10, s25, s14, $0xb8;
	[tilespmem:$0x3780] =	vst v63  }
0x11f: {  	_ = 	snop  }
0x120: {  	[spmem:s2] =	stream.indirect.scatter.add.f32 [tilespmem:s13], [sflag:$0x2], $0x10, s26, s14, $0xb8;
	[tilespmem:$0x3780] =	vst v63  }
0x121: {  	_ = 	snop  }
0x122: {  	[spmem:s2] =	stream.indirect.scatter.add.f32 [tilespmem:s13], [sflag:$0x2], $0x10, s28, s14, $0xb8;
	[tilespmem:$0x3780] =	vst v63  }
0x123: {  	_ = 	snop  }
0x124: {  	[spmem:s2] =	stream.indirect.scatter.add.f32 [tilespmem:s13], [sflag:$0x2], $0x10, s29, s14, $0xb8;
	[tilespmem:$0x3780] =	vst v63  }
0x125: {  	_ =	swait.ge [sflag:s30], $0x800  }
0x126: {  	[sflag:s30] =	ssyncset.done $0x0  }
0x127: {  	[sflag:s30] =	ssyncadd.s32 $0xFFFFF800  }
0x128: {  	_ =	swait.ge [sflag:s30], $0x800  }
0x129: {  	[sflag:s30] =	ssyncset.done $0x0  }
0x12a: {  	[sflag:s30] =	ssyncadd.s32 $0xFFFFF800  }
0x12b: {  	_ =	swait.ge [sflag:s30], $0x800  }
0x12c: {  	[sflag:s30] =	ssyncset.done $0x0  }
0x12d: {  	[sflag:s30] =	ssyncadd.s32 $0xFFFFF800  }
0x12e: {  	_ =	swait.ge [sflag:s30], $0x800  }
0x12f: {  	[sflag:s30] =	ssyncset.done $0x0  }
0x130: {  	[sflag:s30] =	ssyncadd.s32 $0xFFFFF800  }
0x131: {  	_ =	swait.ge [sflag:s30], $0x800  }
0x132: {  	[sflag:s30] =	ssyncset.done $0x0  }
0x133: {  	[sflag:s30] =	ssyncadd.s32 $0xFFFFF800  }
0x134: {  	_ =	swait.ge [sflag:s30], $0x800  }
0x135: {  	[sflag:s30] =	ssyncset.done $0x0  }
0x136: {  	[sflag:s30] =	ssyncadd.s32 $0xFFFFF800  }
0x137: {  	_ =	swait.ge [sflag:s30], $0x800  }
0x138: {  	[sflag:s30] =	ssyncset.done $0x0  }
0x139: {  	[sflag:s30] =	ssyncadd.s32 $0xFFFFF800  }
0x13a: {  	_ =	swait.ge [sflag:s30], $0x800  }
0x13b: {  	[sflag:s30] =	ssyncset.done $0x0  }
0x13c: {  	[sflag:s30] =	ssyncadd.s32 $0xFFFFF800  }
0x13d: {  	_ =	swait.ge [sflag:s31], $0x800  }
0x13e: {  	[sflag:s31] =	ssyncset.done $0x0  }
0x13f: {  	[sflag:s31] =	ssyncadd.s32 $0xFFFFF800  }
0x140: {  	_ =	swait.ge [sflag:s31], $0x800  }
0x141: {  	[sflag:s31] =	ssyncset.done $0x0  }
0x142: {  	[sflag:s31] =	ssyncadd.s32 $0xFFFFF800  }
0x143: {  	_ =	swait.ge [sflag:s31], $0x800  }
0x144: {  	[sflag:s31] =	ssyncset.done $0x0  }
0x145: {  	[sflag:s31] =	ssyncadd.s32 $0xFFFFF800  }
0x146: {  	_ =	swait.ge [sflag:s31], $0x800  }
0x147: {  	[sflag:s31] =	ssyncset.done $0x0  }
0x148: {  	[sflag:s31] =	ssyncadd.s32 $0xFFFFF800  }
0x149: {  	_ =	swait.ge [sflag:s31], $0x800  }
0x14a: {  	[sflag:s31] =	ssyncset.done $0x0  }
0x14b: {  	[sflag:s31] =	ssyncadd.s32 $0xFFFFF800  }
0x14c: {  	_ =	swait.ge [sflag:s31], $0x800  }
0x14d: {  	[sflag:s31] =	ssyncset.done $0x0  }
0x14e: {  	[sflag:s31] =	ssyncadd.s32 $0xFFFFF800  }
0x14f: {  	_ =	swait.ge [sflag:s31], $0x800  }
0x150: {  	[sflag:s31] =	ssyncset.done $0x0  }
0x151: {  	[sflag:s31] =	ssyncadd.s32 $0xFFFFF800  }
0x152: {  	_ =	swait.ge [sflag:s31], $0x800  }
0x153: {  	[sflag:s31] =	ssyncset.done $0x0  }
0x154: {  	s0 =	sadd.s32 $0x1, s0;
	[sflag:s31] =	ssyncadd.s32 $0xFFFFF800  }
0x155: {  	p0 =	sne.s32 s0, s8;
	[bflag:$0x0] =	sbarrier.arrive $0xFFFF  }
.Ltmp1:
0x156: {  	s7 =	rddreg [dreg:$0x6];
	(pc) =	sbr.rel @p0 .LBB2_1-.Ltmp1, $4  }
0x157: {  	[hbm:s7], [sflag:s6] =	dma.local [spmem:s11], $0x4F0  }
0x158: {  	_ =	swait.ge [sflag:s12], $0x4F0  }
0x159: {  	[sflag:s12] =	ssyncset.done $0x0  }
0x15a: {  	[sflag:s12] =	ssyncadd.s32 $0xFFFFFB10  }
0x15b: {  	_ =	sfence.sel $0x180000  }
0x15c: {  	[bflag:$0x0] =	sbarrier.arrive $0xFFFF  }
0x15d: {  	_ =	strace $0x90000047  }
0x15e: {  	s0 =	stileid.u32;
	[bflag:$0x2] =	sbarrier.arrive $0xFFFF  }
0x15f: {  	p0 =	sne.s32 s0, $0x0;
	s0 =	rddreg [dreg:$0x3]  }
0x160: {  	s0 =	sadd.s32 @!p0 $0x100000, s0  }
0x161: {  	[sflag:s0] =	ssyncadd.tile.s32 @!p0 $0x1;
	_ =	shalt  }
.Lfunc_end2:
_tile_overlayer_lowered:
.L_overlay_start_2:
0x162: {  	(tag) =	ssettag $0x2  }
0x163: {  	s0 =	rddreg [dreg:$0x0];
	s2 =	stileid.u32  }
0x164: {  	s1 =	rddreg [dreg:$0x1];
	p0 =	sne.s32 s2, $0x0  }
0x165: {  	s3 =	rddreg [dreg:$0x2];
	[bflag:$0x3] =	sbarrier.arrive $0xFFFF;
	s2 =	simm.s32 @!p0 $0x1C03  }
0x166: {  	[timem:s3], [sflag:s2] =	dma.local @!p0 [hbm:s0], s1  }
0x167: {  	s0 =	simm.s32 @!p0 $0x3  }
0x168: {  	_ =	swait.ge @!p0 [sflag:s0], s1  }
0x169: {  	s1 =	ssub.s32 @!p0 $0x0, s1;
	[sflag:s0] =	ssyncset.done @!p0 $0x0  }
0x16a: {  	[sflag:s0] =	ssyncadd.s32 @!p0 s1  }
0x16b: {  	[bflag:$0x3] =	sbarrier.arrive $0xFFFF  }
0x16c: {  	_ =	shalt  }

// kernel: kernel.9.cloned.1.call-start
scs
__scs_entry_jumppad:
0x0: {  	(pc) =	sbr.rel $0x88, $3  }
0x1: {  	(tag) =	ssettag $0x0;
	lr =	simm.s32 $0x1  }
0x2: {  	[smem:$0x3F9B] =	sst lr;
	_ =	strace $0xD0000000  }
0x3: {  	_ = 	snop  }
0x4: {  	_ = 	snop  }
0x5: {  	_ = 	snop  }
0x6: {  	_ = 	snop  }
0x7: {  	_ = 	snop  }
__scs_overlays_trampoline_lowered:
0x8: {  	[smem:$0x3FAA] =	sst s0  }
0x9: {  	[smem:$0x3FAB] =	sst s1  }
0xa: {  	[smem:$0x3FAC] =	sst s2  }
0xb: {  	[smem:$0x3FAD] =	sst s3  }
0xc: {  	[smem:$0x3FAE] =	sst s4  }
0xd: {  	[smem:$0x3FAF] =	sst s5  }
0xe: {  	[smem:$0x3FB0] =	sst s6  }
0xf: {  	[smem:$0x3FB1] =	sst s7  }
0x10: {  	[smem:$0x3FB2] =	sst s8  }
0x11: {  	[smem:$0x3FB3] =	sst s9;
	s0 =	simm.s32 @!p0 $0x0  }
0x12: {  	s1 =	sld [smem:$0x3F99];
	s0 =	simm.s32 @p0 $0x1  }
0x13: {  	[smem:$0x3FB4] =	sst s0;
	s0 =	simm.s32 @!p1 $0x0  }
0x14: {  	s2 =	sld [smem:$0x3F98];
	s0 =	simm.s32 @p1 $0x1  }
0x15: {  	[smem:$0x3FB5] =	sst s0;
	s0 =	simm.s32 @!p2 $0x0  }
0x16: {  	s3 =	sld [smem:$0x3FDB];
	s0 =	simm.s32 @p2 $0x1  }
0x17: {  	s4 =	simm.s32 $0x1BF5;
	[smem:$0x3FB7] =	sst s0  }
0x18: {  	s0 =	sld [smem:$0x3F9A];
	_ =	swait.ge [sflag:s4], $0x0  }
0x19: {  	s7 =	sld [smem:$0x3F9B]  }
0x1a: {  	s8 =	sadd.s32 $0xFFFFE003, lr  }
0x1b: {  	s9 =	sadd.s32 $0xFFFFFEF7, lr;
	s5 =	simm.s32 $0xFFFFFFFF;
	p2 =	slt.u32 s8, $0xFFFFF086  }
0x1c: {  	p1 =	slt.u32 s9, $0xF7A;
	s5 =	simm.s32 @!p2 $0x0  }
0x1d: {  	s5 =	simm.s32 @p1 $0x1;
	p0 =	seq.s32 s7, s2  }
0x1e: {  	s7 =	smul.u32 @!p0 $0xF7A, s2;
	p2 =	seq.s32 @!p0 s5, $0x0  }
0x1f: {  	s9 =	smul.u32 $0xF7A, s1;
	s8 =	simm.s32 @!p0 $0x1BF5;
	p2 =	por !p2, p0  }
0x20: {  	[sflag:s8] =	ssyncset.s32 @!p0 $0xFFFFF086;
	s6 =	sadd.s32 @!p0 s3, s7;
	s7 =	simm.s32 @!p0 $0x108  }
0x21: {  	s3 =	sadd.s32 s3, s9;
	s6 =	sadd.s32 @!p0 $0x88, s6;
	s7 =	simm.s32 @p2 $0x1082  }
0x22: {  	[simem:s7], [sflag:s8] =	dma.local @!p0 [hbm:s6], $0xF7A  }
0x23: {  	s9 =	sor.u32 $0xD0000000, s2;
	s6 =	simm.s32 $0x108;
	_ =	swait.ge @!p0 [sflag:s8], $0x0  }
0x24: {  	s3 =	sadd.s32 $0x88, s3;
	s6 =	simm.s32 @!p1 $0x1082;
	[sflag:s4] =	ssyncset.s32 $0xFFFFF086  }
0x25: {  	[simem:s6], [sflag:s4] =	dma.local [hbm:s3], $0xF7A  }
0x26: {  	[smem:$0x3F9B] =	sst s1;
	(tag) =	ssettag s2;
	_ =	strace s9  }
0x27: {  	s1 =	sld [smem:$0x3FAB]  }
0x28: {  	s2 =	sld [smem:$0x3FAC]  }
0x29: {  	s4 =	sld [smem:$0x3FAE]  }
0x2a: {  	p0 =	seq.s32 s5, $0x0;
	s5 =	sld [smem:$0x3FAF]  }
0x2b: {  	s6 =	sld [smem:$0x3FB0]  }
0x2c: {  	s7 =	sld [smem:$0x3FB1]  }
0x2d: {  	s3 =	simm.s32 $0x108;
	s8 =	sld [smem:$0x3FB2]  }
0x2e: {  	s3 =	simm.s32 @!p0 $0x1082;
	s9 =	sld [smem:$0x3FB3]  }
0x2f: {  	lr =	sadd.s32 s0, s3;
	s0 =	sld [smem:$0x3FAA]  }
0x30: {  	s3 =	sld [smem:$0x3FAD]  }
0x31: {  	[smem:$0x3FB6] =	sst s10  }
0x32: {  	s10 =	sld [smem:$0x3FB4];
	_ =	sdelay $0x3  }
0x33: {  	p0 =	seq.s32 s10, $0x1;
	s10 =	sld [smem:$0x3FB6];
	_ =	sdelay $0x3  }
0x34: {  	[smem:$0x3FB6] =	sst s10  }
0x35: {  	s10 =	sld [smem:$0x3FB5];
	_ =	sdelay $0x3  }
0x36: {  	p1 =	seq.s32 s10, $0x1;
	s10 =	sld [smem:$0x3FB6];
	_ =	sdelay $0x3  }
0x37: {  	[smem:$0x3FB6] =	sst s10  }
0x38: {  	s10 =	sld [smem:$0x3FB7]  }
0x39: {  	_ = 	snop;
	(pc) =	sbr.ind lr, $3  }
0x3a: {  	_ = 	snop  }
0x3b: {  	_ = 	snop  }
0x3c: {  	p2 =	seq.s32 s10, $0x1;
	s10 =	sld [smem:$0x3FB6]  }
0x3d: {  	_ =	shalt  }
0x3e: {  	_ =	shalt  }
0x3f: {  	_ =	shalt  }
0x40: {  	_ =	shalt  }
0x41: {  	_ =	shalt  }
0x42: {  	_ =	shalt  }
0x43: {  	_ =	shalt  }
0x44: {  	_ =	shalt  }
0x45: {  	_ =	shalt  }
0x46: {  	_ =	shalt  }
0x47: {  	_ =	shalt  }
0x48: {  	_ =	shalt  }
0x49: {  	_ =	shalt  }
0x4a: {  	_ =	shalt  }
0x4b: {  	_ =	shalt  }
0x4c: {  	_ =	shalt  }
0x4d: {  	_ =	shalt  }
0x4e: {  	_ =	shalt  }
0x4f: {  	_ =	shalt  }
0x50: {  	_ =	shalt  }
0x51: {  	_ =	shalt  }
0x52: {  	_ =	shalt  }
0x53: {  	_ =	shalt  }
0x54: {  	_ =	shalt  }
0x55: {  	_ =	shalt  }
0x56: {  	_ =	shalt  }
0x57: {  	_ =	shalt  }
0x58: {  	_ =	shalt  }
0x59: {  	_ =	shalt  }
0x5a: {  	_ =	shalt  }
0x5b: {  	_ =	shalt  }
0x5c: {  	_ =	shalt  }
0x5d: {  	_ =	shalt  }
0x5e: {  	_ =	shalt  }
0x5f: {  	_ =	shalt  }
0x60: {  	_ =	shalt  }
0x61: {  	_ =	shalt  }
0x62: {  	_ =	shalt  }
0x63: {  	_ =	shalt  }
0x64: {  	_ =	shalt  }
0x65: {  	_ =	shalt  }
0x66: {  	_ =	shalt  }
0x67: {  	_ =	shalt  }
0x68: {  	_ =	shalt  }
0x69: {  	_ =	shalt  }
0x6a: {  	_ =	shalt  }
0x6b: {  	_ =	shalt  }
0x6c: {  	_ =	shalt  }
0x6d: {  	_ =	shalt  }
0x6e: {  	_ =	shalt  }
0x6f: {  	_ =	shalt  }
0x70: {  	_ =	shalt  }
0x71: {  	_ =	shalt  }
0x72: {  	_ =	shalt  }
0x73: {  	_ =	shalt  }
0x74: {  	_ =	shalt  }
0x75: {  	_ =	shalt  }
0x76: {  	_ =	shalt  }
0x77: {  	_ =	shalt  }
0x78: {  	_ =	shalt  }
0x79: {  	_ =	shalt  }
0x7a: {  	_ =	shalt  }
0x7b: {  	_ =	shalt  }
0x7c: {  	_ =	shalt  }
0x7d: {  	_ =	shalt  }
0x7e: {  	_ =	shalt  }
0x7f: {  	_ =	shalt  }
0x80: {  	_ =	shalt  }
0x81: {  	_ =	shalt  }
0x82: {  	_ =	shalt  }
0x83: {  	_ =	shalt  }
0x84: {  	_ =	shalt  }
0x85: {  	_ =	shalt  }
0x86: {  	_ =	shalt  }
0x87: {  	_ =	shalt  }
.Lfunc_end0:
.L_simem_size_0:
called_computation.1_lowered:
.L_overlay_start_0:
0x88: {  	s2 =	sld [smem:$0x3FD9]  }
0x89: {  	s3 =	sld [smem:$0x3FFE];
	_ =	sdelay $0x1  }
0x8a: {  	s1 =	srdreg.scid  }
0x8b: {  	s0 =	sand.u32 $0x1, s1  }
0x8c: {  	s17 =	sshll.u32 s0, $0xA;
	s2 =	sadd.s32 s3, s2  }
0x8d: {  	s2 =	sadd.s32 s2, s17  }
0x8e: {  	[smem:$0x3FC2] =	sst s2  }
0x8f: {  	_ = 	snop  }
0x90: {  	s2 =	sld [smem:$0x3FD0];
	(tm) =	ssettm $0x1  }
0x91: {  	s18 =	sld [smem:$0x3FFB];
	_ =	sdelay $0x3  }
0x92: {  	_ =	strace s18  }
0x93: {  	s3 =	sld [smem:$0x3FFC];
	_ =	sdelay $0x3  }
0x94: {  	_ =	strace s3  }
0x95: {  	s3 =	sld [smem:$0x3FFD];
	_ =	sdelay $0x3  }
0x96: {  	_ =	strace s3  }
0x97: {  	_ =	strace $0x8FFFFFFF  }
0x98: {  	s19 =	sld [smem:$0x3FDB];
	_ =	sdelay $0x1  }
0x99: {  	s4 =	simm.s32 $_scs_section_size  }
0x9a: {  	s5 =	simm.s32 $_size__tile_overlayer_lowered;
	s6 =	simm.s32 $_tile_overlayer_lowered  }
0x9b: {  	s22 =	simm.s32 $0x1BFF;
	s21 =	sshll.u32 s6, $0x1;
	s3 =	sadd.s32 s4, s19  }
0x9c: {  	s7 =	simm.s32 $0x0;
	s20 =	sshll.u32 s5, $0x1;
	s5 =	sadd.s32 s21, s3  }
0x9d: {  	[timem:s7], [sflag:s22] =	dma.local [hbm:s5], s20  }
0x9e: {  	_ =	swait.ge [sflag:s22], s20  }
0x9f: {  	s4 =	ssub.s32 $0x0, s20;
	[sflag:s22] =	ssyncset.done $0x0  }
0xa0: {  	[sflag:s22] =	ssyncadd.s32 s4;
	_ =	sdelay $0x1  }
0xa1: {  	s23 =	simm.s32 $0x1B8B  }
0xa2: {  	_ =	swait.ge [sflag:s23], $0x1  }
0xa3: {  	[sflag:s23] =	ssyncset.done $0x0  }
0xa4: {  	s25 =	simm.s32 $0x1B8E;
	s24 =	sld [smem:$0x3FFE];
	[sflag:s23] =	ssyncadd.s32 $0xFFFFFFFF  }
0xa5: {  	s26 =	simm.s32 $execute0_lowered;
	[smem:$0x3FD2] =	sst s25  }
0xa6: {  	s5 =	sshll.u32 s26, $0x1;
	_ =	strace $0x80000049;
	[dreg:$0x1] =	wrdreg $0xFFFFFFFF  }
0xa7: {  	s28 =	simm.s32 $_size_execute0_lowered;
	s3 =	sadd.s32 s3, s5;
	[dreg:$0x0] =	wrdreg $0x0  }
0xa8: {  	s5 =	sshll.u32 s28, $0x1;
	[dreg:$0x2] =	wrdreg s3  }
0xa9: {  	[dreg:$0x3] =	wrdreg s5  }
0xaa: {  	[dreg:$0x4] =	wrdreg $0xC0  }
0xab: {  	_ =	task [dreg:s7], $0x5FFFF  }
0xac: {  	[dreg:$0x1] =	wrdreg $0xFFFFFFFF  }
0xad: {  	[dreg:$0x0] =	wrdreg $0x60  }
0xae: {  	[dreg:$0x2] =	wrdreg s2  }
0xaf: {  	[dreg:$0x3] =	wrdreg s24  }
0xb0: {  	[dreg:$0x4] =	wrdreg $0x90000  }
0xb1: {  	[dreg:$0x5] =	wrdreg $0x9  }
0xb2: {  	_ =	task.clear_ibuf [dreg:s7], $0x6FFFF;
	_ =	strace $0x90000049  }
0xb3: {  	s29 =	simm.s32 $0x9;
	_ =	strace $0x8000004B  }
0xb4: {  	_ =	swait.ge [sflag:s29], $0x1  }
0xb5: {  	[sflag:s29] =	ssyncadd.s32 $0xFFFFFFFF  }
0xb6: {  	_ =	strace $0x9000004B  }
0xb7: {  	_ =	sfence  }
0xb8: {  	s30 =	sld [smem:$0x0];
	_ =	sdelay $0x2  }
0xb9: {  	s31 =	sshll.u32 s1, $0xD;
	s1 =	sshrl.u32 s1, $0x2  }
0xba: {  	s3 =	sand.u32 $0x4000, s31;
	s1 =	sadd.s32 s1, s30  }
0xbb: {  	s0 =	sor.u32 s3, s0;
	s1 =	sshll.u32 s1, $0x11  }
0xbc: {  	s0 =	sor.u32 s1, s0  }
0xbd: {  	s0 =	sadd.s32 $0x8F2B, s0  }
0xbe: {  	[sflag:s0] =	ssyncadd.remote.s32 $0x1  }
0xbf: {  	_ =	sfence.sel $0xFFFF  }
0xc0: {  	[dreg:$0x0] =	wrdreg $0xFFFFFFFF;
	(pc) =	sbr.abs _section_cstart, $3  }
0xc1: {  	[dreg:$0x1] =	wrdreg $0xFFFFFFFF  }
0xc2: {  	_ =	task.clear_ibuf [dreg:s7], $0x2FFFF;
	_ =	strace $0x9FFFFFFF  }
0xc3: {  	(tm) =	ssettm $0x7FFFFFFF  }
tec
execute0_lowered:
.L_overlay_start_1:
0x0: {  	(tag) =	ssettag $0x1  }
0x1: {  	s11 =	stileid.u32;
	s0 =	srdreg.scid  }
0x2: {  	s1 =	sand.u32 $0x1, s0;
	s17 =	smul.u32 $0x14, s11  }
0x3: {  	s2 =	rddreg [dreg:$0x0];
	s4 =	smul.u32 $0xA, s1  }
0x4: {  	s5 =	rddreg [dreg:$0x1]  }
0x5: {  	s3 =	rddreg [dreg:$0x2];
	s6 =	sadd.s32 s4, s17;
	s4 =	simm.s32 $0x0  }
0x6: {  	s18 =	simm.s32 $0xC0;
	[smem:$0x7FF] =	sst s4  }
0x7: {  	s19 =	simm.s32 $0x400;
	_ =	strace $0x8000004A;
	[dreg:$0x6] =	wrdreg s18  }
0x8: {  	s21 =	simm.s32 $0x100;
	[dreg:$0x7] =	wrdreg s19  }
0x9: {  	s22 =	simm.s32 $0x140;
	[dreg:$0x8] =	wrdreg s21  }
0xa: {  	s23 =	simm.s32 $0x480;
	s24 =	simm.s32 $0x180;
	[dreg:$0x9] =	wrdreg s22  }
0xb: {  	s25 =	simm.s32 $0x1C0;
	s9 =	smul.u32 $0x2780, s11;
	[dreg:$0xa] =	wrdreg s23  }
0xc: {  	s26 =	simm.s32 $0x500;
	s10 =	smul.u32 $0x27800, s1;
	[dreg:$0xb] =	wrdreg s24  }
0xd: {  	s12 =	simm.s32 $0x240;
	s14 =	simm.s32 $0x580;
	[dreg:$0xc] =	wrdreg s25  }
0xe: {  	s9 =	sadd.s32 s9, s10;
	s10 =	simm.s32 $0x200;
	[dreg:$0xd] =	wrdreg s26  }
0xf: {  	s16 =	simm.s32 $0x280;
	s20 =	smul.u32 $0x13C00, s11;
	[dreg:$0xe] =	wrdreg s10  }
0x10: {  	s0 =	sadd.s32 $0x10600, s5;
	s13 =	ssub.s32 $0x2, s1;
	[dreg:$0xf] =	wrdreg s12  }
0x11: {  	s8 =	sshrl.u32 s20, $0x3;
	s15 =	sshrl.u32 s13, $0x1;
	[dreg:$0x10] =	wrdreg s14  }
0x12: {  	s8 =	sadd.s32 s8, s5;
	s17 =	simm.s32 $0x2C0;
	[dreg:$0x11] =	wrdreg s16  }
0x13: {  	s5 =	sadd.s32 s9, s5;
	s8 =	sadd.s32 $0x72800, s8;
	[dreg:$0x12] =	wrdreg s17  }
0x14: {  	s9 =	ssub.s32 s13, s15;
	s15 =	simm.s32 $0x8C0;
	[smem:$0x7F0] =	sst s8  }
0x15: {  	s28 =	simm.s32 $0xE80;
	s18 =	simm.s32 $0x600;
	[dreg:$0x1d] =	wrdreg s15  }
0x16: {  	s29 =	simm.s32 $0xB80;
	s21 =	simm.s32 $0x340;
	[dreg:$0x13] =	wrdreg s18  }
0x17: {  	s30 =	simm.s32 $0xBC0;
	s22 =	simm.s32 $0x680;
	[dreg:$0x15] =	wrdreg s21  }
0x18: {  	s31 =	simm.s32 $0xF00;
	s24 =	simm.s32 $0x380;
	[dreg:$0x16] =	wrdreg s22  }
0x19: {  	s6 =	sshll.u32 s6, $0x8;
	s25 =	simm.s32 $0x3C0;
	[dreg:$0x17] =	wrdreg s24  }
0x1a: {  	s19 =	sshll.u32 s11, $0x1;
	s26 =	simm.s32 $0x700;
	[dreg:$0x18] =	wrdreg s25  }
0x1b: {  	s23 =	sshll.u32 s11, $0x6;
	s11 =	sadd.s32 $0x9A000, s5;
	[dreg:$0x19] =	wrdreg s26  }
0x1c: {  	s6 =	sadd.s32 s6, s0;
	s10 =	simm.s32 $0x840;
	[smem:$0x7F2] =	sst s11  }
0x1d: {  	s12 =	simm.s32 $0x780;
	s13 =	smax.u32 s9, $0x1;
	[dreg:$0x1a] =	wrdreg s10  }
0x1e: {  	s14 =	simm.s32 $0x880;
	s16 =	simm.s32 $0xC00;
	[smem:$0x7F3] =	sst s13  }
0x1f: {  	s17 =	simm.s32 $0x900;
	s15 =	simm.s32 $0x3000;
	[dreg:$0x1b] =	wrdreg s12  }
0x20: {  	s7 =	sadd.s32 $0x200, s6;
	s6 =	sadd.s32 $0x100, s6;
	[dreg:$0x1c] =	wrdreg s14  }
0x21: {  	s1 =	sor.u32 s1, s19;
	s11 =	simm.s32 $0x5;
	[dreg:$0x1e] =	wrdreg s16  }
0x22: {  	s13 =	simm.s32 $0x40;
	[dreg:$0x1f] =	wrdreg s17;
	s18 =	simm.s32 $0x940  }
0x23: {  	s14 =	simm.s32 $0x1000;
	s19 =	simm.s32 $0xC80;
	[dreg:$0x4] =	wrdreg s7  }
0x24: {  	s16 =	simm.s32 $0x800;
	s21 =	simm.s32 $0x9C0;
	[dreg:$0x5] =	wrdreg s6  }
0x25: {  	s17 =	simm.s32 $0x80;
	s22 =	simm.s32 $0xD00;
	[smem:$0x7F4] =	sst s18  }
0x26: {  	s24 =	simm.s32 $0xA40;
	s25 =	simm.s32 $0xD80;
	[smem:$0x7F5] =	sst s19  }
0x27: {  	s26 =	simm.s32 $0xA80;
	s7 =	sadd.s32 s20, s3;
	[smem:$0x7F7] =	sst s21  }
0x28: {  	s20 =	simm.s32 $0x300;
	s1 =	smul.u32 $0xA00, s1;
	[smem:$0x7F8] =	sst s22  }
0x29: {  	s6 =	sor.u32 $0x1C05, s23;
	s18 =	simm.s32 $0x5000;
	[smem:$0x7FA] =	sst s24  }
0x2a: {  	s23 =	simm.s32 $0xA00;
	s19 =	simm.s32 $0x7000;
	[smem:$0x7FB] =	sst s25  }
0x2b: {  	s21 =	simm.s32 $0x4;
	s22 =	simm.s32 $0x2;
	[smem:$0x7FC] =	sst s26  }
0x2c: {  	s24 =	simm.s32 $0xE00;
	s25 =	simm.s32 $0xB00;
	[dreg:$0x14] =	wrdreg s20  }
0x2d: {  	s26 =	simm.s32 $0xB40;
	s20 =	simm.s32 $0x980;
	[smem:$0x7F9] =	sst s23  }
0x2e: {  	s7 =	sshrl.u32 s7, $0x3;
	s23 =	simm.s32 $0xAC0;
	[smem:$0x7F6] =	sst s20  }
0x2f: {  	s0 =	sadd.s32 s0, s1;
	s20 =	simm.s32 $0x3;
	[smem:$0x7FD] =	sst s7  }
0x30: {  	s1 =	simm.s32 $0xF80;
	[smem:$0x7F1] =	sst s0;
	s0 =	simm.s32 $0x0  }
.LBB2_1:
0x31: {  	s5 =	sld [smem:$0x7F0];
	_ =	sdelay $0x2  }
0x32: {  	[spmem:s7], [sflag:s6] =	dma.local [hbm:s5], $0x2780  }
0x33: {  	_ =	swait.ge [sflag:s11], $0x2780  }
0x34: {  	[sflag:s11] =	ssyncset.done $0x0  }
0x35: {  	[sflag:s11] =	ssyncadd.s32 $0xFFFFD880  }
0x36: {  	[bflag:$0x0] =	sbarrier.arrive $0xFFFF  }
0x37: {  	s9 =	sld [smem:$0x7F1];
	_ =	sdelay $0x1  }
0x38: {  	s12 =	simm.s32 $0x1  }
0x39: {  	[tilespmem:s4], [sflag:$0x1] =	stream.linear.gather [hbm4b:s9+s4], $0x800, $0x38;
	[tilespmem:$0x1CC00] =	vst v63  }
0x3a: {  	_ =	swait.ge [sflag:s12], $0x800  }
0x3b: {  	[sflag:s12] =	ssyncset.done $0x0  }
0x3c: {  	[sflag:s12] =	ssyncadd.s32 $0xFFFFF800  }
0x3d: {  	[tilespmem:s14], [sflag:$0x3] =	stream.indirect.gather [hbm4b:s2+s13], $0x80, s4, s13, $0xb8;
	[tilespmem:$0x1CC00] =	vst v63  }
0x3e: {  	s10 =	smov.u32 s6;
	s6 =	rddreg [dreg:$0x5]  }
0x3f: {  	[tilespmem:s15], [sflag:$0x3] =	stream.indirect.gather [hbm4b:s2+s13], $0x80, s13, s13, $0xb8;
	[tilespmem:$0x1CC00] =	vst v63  }
0x40: {  	s5 =	sadd.s32 $0x0, s6  }
0x41: {  	[tilespmem:s16], [sflag:$0x2] =	stream.linear.gather [hbm4b:s5+s4], $0x800, $0x38;
	[tilespmem:$0x1CC00] =	vst v63  }
0x42: {  	_ = 	snop  }
0x43: {  	[tilespmem:s18], [sflag:$0x4] =	stream.indirect.gather [hbm4b:s2+s13], $0x80, s17, s13, $0xb8;
	[tilespmem:$0x1CC00] =	vst v63  }
0x44: {  	s7 =	rddreg [dreg:$0x6]  }
0x45: {  	[tilespmem:s19], [sflag:$0x4] =	stream.indirect.gather [hbm4b:s2+s13], $0x80, s7, s13, $0xb8;
	[tilespmem:$0x1CC00] =	vst v63  }
0x46: {  	_ =	swait.ge [sflag:s20], $0x4000  }
0x47: {  	[sflag:s20] =	ssyncset.done $0x0  }
0x48: {  	s8 =	rddreg [dreg:$0x7];
	[sflag:s20] =	ssyncadd.s32 $0xFFFFC000  }
0x49: {  	[spmem:s3] =	stream.indirect.scatter.add.f32 [tilespmem:s14], [sflag:$0x5], $0x80, s8, s17, $0xb8;
	[tilespmem:$0x1CC00] =	vst v63  }
0x4a: {  	_ =	swait.ge [sflag:s11], $0x4000  }
0x4b: {  	[sflag:s11] =	ssyncset.done $0x0  }
0x4c: {  	s9 =	rddreg [dreg:$0x8];
	[sflag:s11] =	ssyncadd.s32 $0xFFFFC000  }
0x4d: {  	[tilespmem:s14], [sflag:$0x3] =	stream.indirect.gather [hbm4b:s2+s13], $0x80, s9, s13, $0xb8;
	[tilespmem:$0x1CC00] =	vst v63  }
0x4e: {  	s12 =	rddreg [dreg:$0x9]  }
0x4f: {  	[tilespmem:s15], [sflag:$0x3] =	stream.indirect.gather [hbm4b:s2+s13], $0x80, s12, s13, $0xb8;
	[tilespmem:$0x1CC00] =	vst v63  }
0x50: {  	_ =	swait.ge [sflag:s21], $0x4000  }
0x51: {  	[sflag:s21] =	ssyncset.done $0x0  }
0x52: {  	s6 =	rddreg [dreg:$0xa];
	[sflag:s21] =	ssyncadd.s32 $0xFFFFC000  }
0x53: {  	[spmem:s3] =	stream.indirect.scatter.add.f32 [tilespmem:s18], [sflag:$0x5], $0x80, s6, s17, $0xb8;
	[tilespmem:$0x1CC00] =	vst v63  }
0x54: {  	_ =	swait.ge [sflag:s11], $0x4000  }
0x55: {  	[sflag:s11] =	ssyncset.done $0x0  }
0x56: {  	s7 =	rddreg [dreg:$0xb];
	[sflag:s11] =	ssyncadd.s32 $0xFFFFC000  }
0x57: {  	[tilespmem:s18], [sflag:$0x4] =	stream.indirect.gather [hbm4b:s2+s13], $0x80, s7, s13, $0xb8;
	[tilespmem:$0x1CC00] =	vst v63  }
0x58: {  	s8 =	rddreg [dreg:$0xc]  }
0x59: {  	[tilespmem:s19], [sflag:$0x4] =	stream.indirect.gather [hbm4b:s2+s13], $0x80, s8, s13, $0xb8;
	[tilespmem:$0x1CC00] =	vst v63  }
0x5a: {  	_ =	swait.ge [sflag:s20], $0x4000  }
0x5b: {  	[sflag:s20] =	ssyncset.done $0x0  }
0x5c: {  	s9 =	rddreg [dreg:$0xd];
	[sflag:s20] =	ssyncadd.s32 $0xFFFFC000  }
0x5d: {  	[spmem:s3] =	stream.indirect.scatter.add.f32 [tilespmem:s14], [sflag:$0x5], $0x80, s9, s17, $0xb8;
	[tilespmem:$0x1CC00] =	vst v63  }
0x5e: {  	_ =	swait.ge [sflag:s11], $0x4000  }
0x5f: {  	[sflag:s11] =	ssyncset.done $0x0  }
0x60: {  	s12 =	rddreg [dreg:$0xe];
	[sflag:s11] =	ssyncadd.s32 $0xFFFFC000  }
0x61: {  	[tilespmem:s14], [sflag:$0x3] =	stream.indirect.gather [hbm4b:s2+s13], $0x80, s12, s13, $0xb8;
	[tilespmem:$0x1CC00] =	vst v63  }
0x62: {  	s6 =	rddreg [dreg:$0xf]  }
0x63: {  	[tilespmem:s15], [sflag:$0x3] =	stream.indirect.gather [hbm4b:s2+s13], $0x80, s6, s13, $0xb8;
	[tilespmem:$0x1CC00] =	vst v63  }
0x64: {  	_ =	swait.ge [sflag:s21], $0x4000  }
0x65: {  	[sflag:s21] =	ssyncset.done $0x0  }
0x66: {  	s8 =	rddreg [dreg:$0x10];
	[sflag:s21] =	ssyncadd.s32 $0xFFFFC000  }
0x67: {  	[spmem:s3] =	stream.indirect.scatter.add.f32 [tilespmem:s18], [sflag:$0x5], $0x80, s8, s17, $0xb8;
	[tilespmem:$0x1CC00] =	vst v63  }
0x68: {  	_ =	swait.ge [sflag:s11], $0x4000  }
0x69: {  	[sflag:s11] =	ssyncset.done $0x0  }
0x6a: {  	s9 =	rddreg [dreg:$0x11];
	[sflag:s11] =	ssyncadd.s32 $0xFFFFC000  }
0x6b: {  	[tilespmem:s18], [sflag:$0x4] =	stream.indirect.gather [hbm4b:s2+s13], $0x80, s9, s13, $0xb8;
	[tilespmem:$0x1CC00] =	vst v63  }
0x6c: {  	s12 =	rddreg [dreg:$0x12]  }
0x6d: {  	[tilespmem:s19], [sflag:$0x4] =	stream.indirect.gather [hbm4b:s2+s13], $0x80, s12, s13, $0xb8;
	[tilespmem:$0x1CC00] =	vst v63  }
0x6e: {  	_ =	swait.ge [sflag:s20], $0x4000  }
0x6f: {  	[sflag:s20] =	ssyncset.done $0x0  }
0x70: {  	s6 =	rddreg [dreg:$0x13];
	[sflag:s20] =	ssyncadd.s32 $0xFFFFC000  }
0x71: {  	[spmem:s3] =	stream.indirect.scatter.add.f32 [tilespmem:s14], [sflag:$0x5], $0x80, s6, s17, $0xb8;
	[tilespmem:$0x1CC00] =	vst v63  }
0x72: {  	_ =	swait.ge [sflag:s11], $0x4000  }
0x73: {  	[sflag:s11] =	ssyncset.done $0x0  }
0x74: {  	s7 =	rddreg [dreg:$0x14];
	[sflag:s11] =	ssyncadd.s32 $0xFFFFC000  }
0x75: {  	[tilespmem:s14], [sflag:$0x3] =	stream.indirect.gather [hbm4b:s2+s13], $0x80, s7, s13, $0xb8;
	[tilespmem:$0x1CC00] =	vst v63  }
0x76: {  	s8 =	rddreg [dreg:$0x15]  }
0x77: {  	[tilespmem:s15], [sflag:$0x3] =	stream.indirect.gather [hbm4b:s2+s13], $0x80, s8, s13, $0xb8;
	[tilespmem:$0x1CC00] =	vst v63  }
0x78: {  	_ =	swait.ge [sflag:s21], $0x4000  }
0x79: {  	[sflag:s21] =	ssyncset.done $0x0  }
0x7a: {  	s9 =	rddreg [dreg:$0x16];
	[sflag:s21] =	ssyncadd.s32 $0xFFFFC000  }
0x7b: {  	[spmem:s3] =	stream.indirect.scatter.add.f32 [tilespmem:s18], [sflag:$0x5], $0x80, s9, s17, $0xb8;
	[tilespmem:$0x1CC00] =	vst v63  }
0x7c: {  	_ =	swait.ge [sflag:s11], $0x4000  }
0x7d: {  	[sflag:s11] =	ssyncset.done $0x0  }
0x7e: {  	s12 =	rddreg [dreg:$0x17];
	[sflag:s11] =	ssyncadd.s32 $0xFFFFC000  }
0x7f: {  	[tilespmem:s18], [sflag:$0x4] =	stream.indirect.gather [hbm4b:s2+s13], $0x80, s12, s13, $0xb8;
	[tilespmem:$0x1CC00] =	vst v63  }
0x80: {  	s6 =	rddreg [dreg:$0x18]  }
0x81: {  	[tilespmem:s19], [sflag:$0x4] =	stream.indirect.gather [hbm4b:s2+s13], $0x80, s6, s13, $0xb8;
	[tilespmem:$0x1CC00] =	vst v63  }
0x82: {  	_ =	swait.ge [sflag:s20], $0x4000  }
0x83: {  	[sflag:s20] =	ssyncset.done $0x0  }
0x84: {  	s7 =	rddreg [dreg:$0x19];
	[sflag:s20] =	ssyncadd.s32 $0xFFFFC000  }
0x85: {  	[spmem:s3] =	stream.indirect.scatter.add.f32 [tilespmem:s14], [sflag:$0x5], $0x80, s7, s17, $0xb8;
	[tilespmem:$0x1CC00] =	vst v63  }
0x86: {  	_ =	swait.ge [sflag:s11], $0x4000  }
0x87: {  	[sflag:s11] =	ssyncset.done $0x0  }
0x88: {  	[sflag:s11] =	ssyncadd.s32 $0xFFFFC000  }
0x89: {  	_ =	swait.ge [sflag:s22], $0x800  }
0x8a: {  	[sflag:s22] =	ssyncset.done $0x0  }
0x8b: {  	[sflag:s22] =	ssyncadd.s32 $0xFFFFF800  }
0x8c: {  	[tilespmem:s14], [sflag:$0x3] =	stream.indirect.gather [hbm4b:s2+s13], $0x80, s16, s13, $0xb8;
	[tilespmem:$0x1CC00] =	vst v63  }
0x8d: {  	s8 =	rddreg [dreg:$0x1a]  }
0x8e: {  	[tilespmem:s15], [sflag:$0x3] =	stream.indirect.gather [hbm4b:s2+s13], $0x80, s8, s13, $0xb8;
	[tilespmem:$0x1CC00] =	vst v63  }
0x8f: {  	_ =	swait.ge [sflag:s21], $0x4000  }
0x90: {  	[sflag:s21] =	ssyncset.done $0x0  }
0x91: {  	s9 =	rddreg [dreg:$0x1b];
	[sflag:s21] =	ssyncadd.s32 $0xFFFFC000  }
0x92: {  	[spmem:s3] =	stream.indirect.scatter.add.f32 [tilespmem:s18], [sflag:$0x5], $0x80, s9, s17, $0xb8;
	[tilespmem:$0x1CC00] =	vst v63  }
0x93: {  	_ =	swait.ge [sflag:s11], $0x4000  }
0x94: {  	p0 =	por $0x0, $0x0;
	s5 =	rddreg [dreg:$0x4];
	[sflag:s11] =	ssyncset.done $0x0  }
0x95: {  	[sflag:s11] =	ssyncadd.s32 $0xFFFFC000;
	s8 =	sadd.s32 @!p0 $0x0, s5;
	s5 =	simm.s32 @!p0 $0x0  }
0x96: {  	[tilespmem:s5], [sflag:$0x1] =	stream.linear.gather @!p0 [hbm4b:s8+s5], $0x800, $0x38;
	[tilespmem:$0x1CC00] =	vst v63  }
0x97: {  	s12 =	rddreg [dreg:$0x1c]  }
0x98: {  	[tilespmem:s18], [sflag:$0x4] =	stream.indirect.gather [hbm4b:s2+s13], $0x80, s12, s13, $0xb8;
	[tilespmem:$0x1CC00] =	vst v63  }
0x99: {  	s6 =	rddreg [dreg:$0x1d]  }
0x9a: {  	[tilespmem:s19], [sflag:$0x4] =	stream.indirect.gather [hbm4b:s2+s13], $0x80, s6, s13, $0xb8;
	[tilespmem:$0x1CC00] =	vst v63  }
0x9b: {  	_ =	swait.ge [sflag:s20], $0x4000  }
0x9c: {  	[sflag:s20] =	ssyncset.done $0x0  }
0x9d: {  	s9 =	rddreg [dreg:$0x1e];
	[sflag:s20] =	ssyncadd.s32 $0xFFFFC000  }
0x9e: {  	[spmem:s3] =	stream.indirect.scatter.add.f32 [tilespmem:s14], [sflag:$0x5], $0x80, s9, s17, $0xb8;
	[tilespmem:$0x1CC00] =	vst v63  }
0x9f: {  	_ =	swait.ge [sflag:s11], $0x4000  }
0xa0: {  	s12 =	rddreg [dreg:$0x1f];
	[sflag:s11] =	ssyncset.done $0x0  }
0xa1: {  	s6 =	sld [smem:$0x7F4];
	[sflag:s11] =	ssyncadd.s32 $0xFFFFC000  }
0xa2: {  	[tilespmem:s14], [sflag:$0x3] =	stream.indirect.gather [hbm4b:s2+s13], $0x80, s12, s13, $0xb8;
	[tilespmem:$0x1CC00] =	vst v63  }
0xa3: {  	_ = 	snop  }
0xa4: {  	[tilespmem:s15], [sflag:$0x3] =	stream.indirect.gather [hbm4b:s2+s13], $0x80, s6, s13, $0xb8;
	[tilespmem:$0x1CC00] =	vst v63  }
0xa5: {  	_ =	swait.ge [sflag:s21], $0x4000  }
0xa6: {  	s9 =	sld [smem:$0x7F5]  }
0xa7: {  	[sflag:s21] =	ssyncset.done $0x0  }
0xa8: {  	[sflag:s21] =	ssyncadd.s32 $0xFFFFC000  }
0xa9: {  	[spmem:s3] =	stream.indirect.scatter.add.f32 [tilespmem:s18], [sflag:$0x5], $0x80, s9, s17, $0xb8;
	[tilespmem:$0x1CC00] =	vst v63  }
0xaa: {  	_ =	swait.ge [sflag:s11], $0x4000  }
0xab: {  	s12 =	sld [smem:$0x7F6]  }
0xac: {  	[sflag:s11] =	ssyncset.done $0x0  }
0xad: {  	s6 =	sld [smem:$0x7F7];
	[sflag:s11] =	ssyncadd.s32 $0xFFFFC000  }
0xae: {  	[tilespmem:s18], [sflag:$0x4] =	stream.indirect.gather [hbm4b:s2+s13], $0x80, s12, s13, $0xb8;
	[tilespmem:$0x1CC00] =	vst v63  }
0xaf: {  	_ = 	snop  }
0xb0: {  	[tilespmem:s19], [sflag:$0x4] =	stream.indirect.gather [hbm4b:s2+s13], $0x80, s6, s13, $0xb8;
	[tilespmem:$0x1CC00] =	vst v63  }
0xb1: {  	_ =	swait.ge [sflag:s20], $0x4000  }
0xb2: {  	s9 =	sld [smem:$0x7F8]  }
0xb3: {  	[sflag:s20] =	ssyncset.done $0x0  }
0xb4: {  	[sflag:s20] =	ssyncadd.s32 $0xFFFFC000  }
0xb5: {  	[spmem:s3] =	stream.indirect.scatter.add.f32 [tilespmem:s14], [sflag:$0x5], $0x80, s9, s17, $0xb8;
	[tilespmem:$0x1CC00] =	vst v63  }
0xb6: {  	_ =	swait.ge [sflag:s11], $0x4000  }
0xb7: {  	s12 =	sld [smem:$0x7F9]  }
0xb8: {  	[sflag:s11] =	ssyncset.done $0x0  }
0xb9: {  	s6 =	sld [smem:$0x7FA];
	[sflag:s11] =	ssyncadd.s32 $0xFFFFC000  }
0xba: {  	[tilespmem:s14], [sflag:$0x3] =	stream.indirect.gather [hbm4b:s2+s13], $0x80, s12, s13, $0xb8;
	[tilespmem:$0x1CC00] =	vst v63  }
0xbb: {  	_ = 	snop  }
0xbc: {  	[tilespmem:s15], [sflag:$0x3] =	stream.indirect.gather [hbm4b:s2+s13], $0x80, s6, s13, $0xb8;
	[tilespmem:$0x1CC00] =	vst v63  }
0xbd: {  	_ =	swait.ge [sflag:s21], $0x4000  }
0xbe: {  	s9 =	sld [smem:$0x7FB]  }
0xbf: {  	[sflag:s21] =	ssyncset.done $0x0  }
0xc0: {  	[sflag:s21] =	ssyncadd.s32 $0xFFFFC000  }
0xc1: {  	[spmem:s3] =	stream.indirect.scatter.add.f32 [tilespmem:s18], [sflag:$0x5], $0x80, s9, s17, $0xb8;
	[tilespmem:$0x1CC00] =	vst v63  }
0xc2: {  	_ =	swait.ge [sflag:s11], $0x4000  }
0xc3: {  	s12 =	sld [smem:$0x7FC]  }
0xc4: {  	[sflag:s11] =	ssyncset.done $0x0  }
0xc5: {  	[sflag:s11] =	ssyncadd.s32 $0xFFFFC000  }
0xc6: {  	[tilespmem:s18], [sflag:$0x4] =	stream.indirect.gather [hbm4b:s2+s13], $0x80, s12, s13, $0xb8;
	[tilespmem:$0x1CC00] =	vst v63  }
0xc7: {  	_ = 	snop  }
0xc8: {  	[tilespmem:s19], [sflag:$0x4] =	stream.indirect.gather [hbm4b:s2+s13], $0x80, s23, s13, $0xb8;
	[tilespmem:$0x1CC00] =	vst v63  }
0xc9: {  	_ =	swait.ge [sflag:s20], $0x4000  }
0xca: {  	[sflag:s20] =	ssyncset.done $0x0  }
0xcb: {  	[sflag:s20] =	ssyncadd.s32 $0xFFFFC000  }
0xcc: {  	[spmem:s3] =	stream.indirect.scatter.add.f32 [tilespmem:s14], [sflag:$0x5], $0x80, s24, s17, $0xb8;
	[tilespmem:$0x1CC00] =	vst v63  }
0xcd: {  	_ =	swait.ge [sflag:s11], $0x4000  }
0xce: {  	[sflag:s11] =	ssyncset.done $0x0  }
0xcf: {  	[sflag:s11] =	ssyncadd.s32 $0xFFFFC000  }
0xd0: {  	[tilespmem:s14], [sflag:$0x3] =	stream.indirect.gather [hbm4b:s2+s13], $0x80, s25, s13, $0xb8;
	[tilespmem:$0x1CC00] =	vst v63  }
0xd1: {  	_ = 	snop  }
0xd2: {  	[tilespmem:s15], [sflag:$0x3] =	stream.indirect.gather [hbm4b:s2+s13], $0x80, s26, s13, $0xb8;
	[tilespmem:$0x1CC00] =	vst v63  }
0xd3: {  	_ =	swait.ge [sflag:s21], $0x4000  }
0xd4: {  	[sflag:s21] =	ssyncset.done $0x0  }
0xd5: {  	[sflag:s21] =	ssyncadd.s32 $0xFFFFC000  }
0xd6: {  	[spmem:s3] =	stream.indirect.scatter.add.f32 [tilespmem:s18], [sflag:$0x5], $0x80, s28, s17, $0xb8;
	[tilespmem:$0x1CC00] =	vst v63  }
0xd7: {  	_ =	swait.ge [sflag:s11], $0x4000  }
0xd8: {  	[sflag:s11] =	ssyncset.done $0x0  }
0xd9: {  	[sflag:s11] =	ssyncadd.s32 $0xFFFFC000  }
0xda: {  	[tilespmem:s18], [sflag:$0x4] =	stream.indirect.gather [hbm4b:s2+s13], $0x80, s29, s13, $0xb8;
	[tilespmem:$0x1CC00] =	vst v63  }
0xdb: {  	_ = 	snop  }
0xdc: {  	[tilespmem:s19], [sflag:$0x4] =	stream.indirect.gather [hbm4b:s2+s13], $0x80, s30, s13, $0xb8;
	[tilespmem:$0x1CC00] =	vst v63  }
0xdd: {  	_ =	swait.ge [sflag:s20], $0x4000  }
0xde: {  	[sflag:s20] =	ssyncset.done $0x0  }
0xdf: {  	[sflag:s20] =	ssyncadd.s32 $0xFFFFC000  }
0xe0: {  	[spmem:s3] =	stream.indirect.scatter.add.f32 [tilespmem:s14], [sflag:$0x5], $0x80, s31, s17, $0xb8;
	[tilespmem:$0x1CC00] =	vst v63  }
0xe1: {  	_ =	swait.ge [sflag:s11], $0x4000  }
0xe2: {  	[sflag:s11] =	ssyncset.done $0x0  }
0xe3: {  	s7 =	simm.s32 @!p0 $0x1;
	[sflag:s11] =	ssyncadd.s32 $0xFFFFC000  }
0xe4: {  	_ =	swait.ge @!p0 [sflag:s7], $0x800  }
0xe5: {  	[sflag:s7] =	ssyncset.done @!p0 $0x0  }
0xe6: {  	s8 =	simm.s32 @!p0 $0x1000;
	[sflag:s7] =	ssyncadd.s32 @!p0 $0xFFFFF800;
	s7 =	simm.s32 @!p0 $0x40  }
0xe7: {  	[tilespmem:s8], [sflag:$0x3] =	stream.indirect.gather @!p0 [hbm4b:s2+s7], $0x80, s5, s7, $0xb8;
	[tilespmem:$0x1CC00] =	vst v63  }
0xe8: {  	s5 =	simm.s32 @!p0 $0x3000  }
0xe9: {  	[tilespmem:s5], [sflag:$0x3] =	stream.indirect.gather @!p0 [hbm4b:s2+s7], $0x80, s7, s7, $0xb8;
	[tilespmem:$0x1CC00] =	vst v63  }
0xea: {  	_ =	swait.ge [sflag:s21], $0x4000  }
0xeb: {  	[sflag:s21] =	ssyncset.done $0x0  }
0xec: {  	[sflag:s21] =	ssyncadd.s32 $0xFFFFC000  }
0xed: {  	[spmem:s3] =	stream.indirect.scatter.add.f32 [tilespmem:s18], [sflag:$0x5], $0x80, s1, s17, $0xb8;
	[tilespmem:$0x1CC00] =	vst v63  }
0xee: {  	s5 =	simm.s32 $0x200;
	_ =	swait.ge [sflag:s11], $0x4000  }
0xef: {  	s7 =	simm.s32 $0x400;
	s9 =	rddreg [dreg:$0x5];
	[sflag:s11] =	ssyncset.done $0x0  }
.LBB2_2:
0xf0: {  	[sflag:s11] =	ssyncadd.s32 $0xFFFFC000;
	s9 =	sadd.s32 s5, s9  }
0xf1: {  	[tilespmem:s16], [sflag:$0x2] =	stream.linear.gather [hbm4b:s9+s4], $0x800, $0x38;
	[tilespmem:$0x1CC00] =	vst v63  }
0xf2: {  	_ = 	snop  }
0xf3: {  	[tilespmem:s18], [sflag:$0x4] =	stream.indirect.gather [hbm4b:s2+s13], $0x80, s17, s13, $0xb8;
	[tilespmem:$0x1CC00] =	vst v63  }
0xf4: {  	s6 =	rddreg [dreg:$0x6]  }
0xf5: {  	[tilespmem:s19], [sflag:$0x4] =	stream.indirect.gather [hbm4b:s2+s13], $0x80, s6, s13, $0xb8;
	[tilespmem:$0x1CC00] =	vst v63  }
0xf6: {  	_ =	swait.ge [sflag:s20], $0x4000  }
0xf7: {  	[sflag:s20] =	ssyncset.done $0x0  }
0xf8: {  	s12 =	rddreg [dreg:$0x7];
	[sflag:s20] =	ssyncadd.s32 $0xFFFFC000  }
0xf9: {  	[spmem:s3] =	stream.indirect.scatter.add.f32 [tilespmem:s14], [sflag:$0x5], $0x80, s12, s17, $0xb8;
	[tilespmem:$0x1CC00] =	vst v63  }
0xfa: {  	_ =	swait.ge [sflag:s11], $0x4000  }
0xfb: {  	[sflag:s11] =	ssyncset.done $0x0  }
0xfc: {  	s6 =	rddreg [dreg:$0x8];
	[sflag:s11] =	ssyncadd.s32 $0xFFFFC000  }
0xfd: {  	[tilespmem:s14], [sflag:$0x3] =	stream.indirect.gather [hbm4b:s2+s13], $0x80, s6, s13, $0xb8;
	[tilespmem:$0x1CC00] =	vst v63  }
0xfe: {  	s12 =	rddreg [dreg:$0x9]  }
0xff: {  	[tilespmem:s15], [sflag:$0x3] =	stream.indirect.gather [hbm4b:s2+s13], $0x80, s12, s13, $0xb8;
	[tilespmem:$0x1CC00] =	vst v63  }
0x100: {  	_ =	swait.ge [sflag:s21], $0x4000  }
0x101: {  	[sflag:s21] =	ssyncset.done $0x0  }
0x102: {  	s6 =	rddreg [dreg:$0xa];
	[sflag:s21] =	ssyncadd.s32 $0xFFFFC000  }
0x103: {  	[spmem:s3] =	stream.indirect.scatter.add.f32 [tilespmem:s18], [sflag:$0x5], $0x80, s6, s17, $0xb8;
	[tilespmem:$0x1CC00] =	vst v63  }
0x104: {  	_ =	swait.ge [sflag:s11], $0x4000  }
0x105: {  	[sflag:s11] =	ssyncset.done $0x0  }
0x106: {  	s12 =	rddreg [dreg:$0xb];
	[sflag:s11] =	ssyncadd.s32 $0xFFFFC000  }
0x107: {  	[tilespmem:s18], [sflag:$0x4] =	stream.indirect.gather [hbm4b:s2+s13], $0x80, s12, s13, $0xb8;
	[tilespmem:$0x1CC00] =	vst v63  }
0x108: {  	s6 =	rddreg [dreg:$0xc]  }
0x109: {  	[tilespmem:s19], [sflag:$0x4] =	stream.indirect.gather [hbm4b:s2+s13], $0x80, s6, s13, $0xb8;
	[tilespmem:$0x1CC00] =	vst v63  }
0x10a: {  	_ =	swait.ge [sflag:s20], $0x4000  }
0x10b: {  	[sflag:s20] =	ssyncset.done $0x0  }
0x10c: {  	s6 =	rddreg [dreg:$0xd];
	[sflag:s20] =	ssyncadd.s32 $0xFFFFC000  }
0x10d: {  	[spmem:s3] =	stream.indirect.scatter.add.f32 [tilespmem:s14], [sflag:$0x5], $0x80, s6, s17, $0xb8;
	[tilespmem:$0x1CC00] =	vst v63  }
0x10e: {  	_ =	swait.ge [sflag:s11], $0x4000  }
0x10f: {  	[sflag:s11] =	ssyncset.done $0x0  }
0x110: {  	s12 =	rddreg [dreg:$0xe];
	[sflag:s11] =	ssyncadd.s32 $0xFFFFC000  }
0x111: {  	[tilespmem:s14], [sflag:$0x3] =	stream.indirect.gather [hbm4b:s2+s13], $0x80, s12, s13, $0xb8;
	[tilespmem:$0x1CC00] =	vst v63  }
0x112: {  	s6 =	rddreg [dreg:$0xf]  }
0x113: {  	[tilespmem:s15], [sflag:$0x3] =	stream.indirect.gather [hbm4b:s2+s13], $0x80, s6, s13, $0xb8;
	[tilespmem:$0x1CC00] =	vst v63  }
0x114: {  	_ =	swait.ge [sflag:s21], $0x4000  }
0x115: {  	[sflag:s21] =	ssyncset.done $0x0  }
0x116: {  	s6 =	rddreg [dreg:$0x10];
	[sflag:s21] =	ssyncadd.s32 $0xFFFFC000  }
0x117: {  	[spmem:s3] =	stream.indirect.scatter.add.f32 [tilespmem:s18], [sflag:$0x5], $0x80, s6, s17, $0xb8;
	[tilespmem:$0x1CC00] =	vst v63  }
0x118: {  	_ =	swait.ge [sflag:s11], $0x4000  }
0x119: {  	[sflag:s11] =	ssyncset.done $0x0  }
0x11a: {  	s12 =	rddreg [dreg:$0x11];
	[sflag:s11] =	ssyncadd.s32 $0xFFFFC000  }
0x11b: {  	[tilespmem:s18], [sflag:$0x4] =	stream.indirect.gather [hbm4b:s2+s13], $0x80, s12, s13, $0xb8;
	[tilespmem:$0x1CC00] =	vst v63  }
0x11c: {  	s6 =	rddreg [dreg:$0x12]  }
0x11d: {  	[tilespmem:s19], [sflag:$0x4] =	stream.indirect.gather [hbm4b:s2+s13], $0x80, s6, s13, $0xb8;
	[tilespmem:$0x1CC00] =	vst v63  }
0x11e: {  	_ =	swait.ge [sflag:s20], $0x4000  }
0x11f: {  	[sflag:s20] =	ssyncset.done $0x0  }
0x120: {  	s6 =	rddreg [dreg:$0x13];
	[sflag:s20] =	ssyncadd.s32 $0xFFFFC000  }
0x121: {  	[spmem:s3] =	stream.indirect.scatter.add.f32 [tilespmem:s14], [sflag:$0x5], $0x80, s6, s17, $0xb8;
	[tilespmem:$0x1CC00] =	vst v63  }
0x122: {  	_ =	swait.ge [sflag:s11], $0x4000  }
0x123: {  	[sflag:s11] =	ssyncset.done $0x0  }
0x124: {  	s12 =	rddreg [dreg:$0x14];
	[sflag:s11] =	ssyncadd.s32 $0xFFFFC000  }
0x125: {  	[tilespmem:s14], [sflag:$0x3] =	stream.indirect.gather [hbm4b:s2+s13], $0x80, s12, s13, $0xb8;
	[tilespmem:$0x1CC00] =	vst v63  }
0x126: {  	s6 =	rddreg [dreg:$0x15]  }
0x127: {  	[tilespmem:s15], [sflag:$0x3] =	stream.indirect.gather [hbm4b:s2+s13], $0x80, s6, s13, $0xb8;
	[tilespmem:$0x1CC00] =	vst v63  }
0x128: {  	_ =	swait.ge [sflag:s21], $0x4000  }
0x129: {  	[sflag:s21] =	ssyncset.done $0x0  }
0x12a: {  	s6 =	rddreg [dreg:$0x16];
	[sflag:s21] =	ssyncadd.s32 $0xFFFFC000  }
0x12b: {  	[spmem:s3] =	stream.indirect.scatter.add.f32 [tilespmem:s18], [sflag:$0x5], $0x80, s6, s17, $0xb8;
	[tilespmem:$0x1CC00] =	vst v63  }
0x12c: {  	_ =	swait.ge [sflag:s11], $0x4000  }
0x12d: {  	[sflag:s11] =	ssyncset.done $0x0  }
0x12e: {  	s12 =	rddreg [dreg:$0x17];
	[sflag:s11] =	ssyncadd.s32 $0xFFFFC000  }
0x12f: {  	[tilespmem:s18], [sflag:$0x4] =	stream.indirect.gather [hbm4b:s2+s13], $0x80, s12, s13, $0xb8;
	[tilespmem:$0x1CC00] =	vst v63  }
0x130: {  	s6 =	rddreg [dreg:$0x18]  }
0x131: {  	[tilespmem:s19], [sflag:$0x4] =	stream.indirect.gather [hbm4b:s2+s13], $0x80, s6, s13, $0xb8;
	[tilespmem:$0x1CC00] =	vst v63  }
0x132: {  	_ =	swait.ge [sflag:s20], $0x4000  }
0x133: {  	[sflag:s20] =	ssyncset.done $0x0  }
0x134: {  	s6 =	rddreg [dreg:$0x19];
	[sflag:s20] =	ssyncadd.s32 $0xFFFFC000  }
0x135: {  	[spmem:s3] =	stream.indirect.scatter.add.f32 [tilespmem:s14], [sflag:$0x5], $0x80, s6, s17, $0xb8;
	[tilespmem:$0x1CC00] =	vst v63  }
0x136: {  	_ =	swait.ge [sflag:s11], $0x4000  }
0x137: {  	[sflag:s11] =	ssyncset.done $0x0  }
0x138: {  	[sflag:s11] =	ssyncadd.s32 $0xFFFFC000  }
0x139: {  	_ =	swait.ge [sflag:s22], $0x800  }
0x13a: {  	[sflag:s22] =	ssyncset.done $0x0  }
0x13b: {  	[sflag:s22] =	ssyncadd.s32 $0xFFFFF800  }
0x13c: {  	[tilespmem:s14], [sflag:$0x3] =	stream.indirect.gather [hbm4b:s2+s13], $0x80, s16, s13, $0xb8;
	[tilespmem:$0x1CC00] =	vst v63  }
0x13d: {  	s12 =	rddreg [dreg:$0x1a]  }
0x13e: {  	[tilespmem:s15], [sflag:$0x3] =	stream.indirect.gather [hbm4b:s2+s13], $0x80, s12, s13, $0xb8;
	[tilespmem:$0x1CC00] =	vst v63  }
0x13f: {  	_ =	swait.ge [sflag:s21], $0x4000  }
0x140: {  	[sflag:s21] =	ssyncset.done $0x0  }
0x141: {  	s6 =	rddreg [dreg:$0x1b];
	[sflag:s21] =	ssyncadd.s32 $0xFFFFC000  }
0x142: {  	[spmem:s3] =	stream.indirect.scatter.add.f32 [tilespmem:s18], [sflag:$0x5], $0x80, s6, s17, $0xb8;
	[tilespmem:$0x1CC00] =	vst v63  }
0x143: {  	_ =	swait.ge [sflag:s11], $0x4000  }
0x144: {  	p1 =	seq.s32 s5, $0x800;
	s9 =	rddreg [dreg:$0x4];
	[sflag:s11] =	ssyncset.done $0x0  }
0x145: {  	[sflag:s11] =	ssyncadd.s32 $0xFFFFC000;
	s5 =	sadd.s32 @!p1 s5, s9;
	s9 =	simm.s32 @!p1 $0x0  }
0x146: {  	[tilespmem:s9], [sflag:$0x1] =	stream.linear.gather @!p1 [hbm4b:s5+s9], $0x800, $0x38;
	[tilespmem:$0x1CC00] =	vst v63  }
0x147: {  	s12 =	rddreg [dreg:$0x1c]  }
0x148: {  	[tilespmem:s18], [sflag:$0x4] =	stream.indirect.gather [hbm4b:s2+s13], $0x80, s12, s13, $0xb8;
	[tilespmem:$0x1CC00] =	vst v63  }
0x149: {  	s6 =	rddreg [dreg:$0x1d]  }
0x14a: {  	[tilespmem:s19], [sflag:$0x4] =	stream.indirect.gather [hbm4b:s2+s13], $0x80, s6, s13, $0xb8;
	[tilespmem:$0x1CC00] =	vst v63  }
0x14b: {  	_ =	swait.ge [sflag:s20], $0x4000  }
0x14c: {  	[sflag:s20] =	ssyncset.done $0x0  }
0x14d: {  	s12 =	rddreg [dreg:$0x1e];
	[sflag:s20] =	ssyncadd.s32 $0xFFFFC000  }
0x14e: {  	[spmem:s3] =	stream.indirect.scatter.add.f32 [tilespmem:s14], [sflag:$0x5], $0x80, s12, s17, $0xb8;
	[tilespmem:$0x1CC00] =	vst v63  }
0x14f: {  	s8 =	smov.u32 s7;
	_ =	swait.ge [sflag:s11], $0x4000  }
0x150: {  	s5 =	smov.u32 s8;
	s8 =	rddreg [dreg:$0x1f];
	[sflag:s11] =	ssyncset.done $0x0  }
0x151: {  	s12 =	sld [smem:$0x7F4];
	[sflag:s11] =	ssyncadd.s32 $0xFFFFC000  }
0x152: {  	[tilespmem:s14], [sflag:$0x3] =	stream.indirect.gather [hbm4b:s2+s13], $0x80, s8, s13, $0xb8;
	[tilespmem:$0x1CC00] =	vst v63  }
0x153: {  	_ = 	snop  }
0x154: {  	[tilespmem:s15], [sflag:$0x3] =	stream.indirect.gather [hbm4b:s2+s13], $0x80, s12, s13, $0xb8;
	[tilespmem:$0x1CC00] =	vst v63  }
0x155: {  	_ =	swait.ge [sflag:s21], $0x4000  }
0x156: {  	s12 =	sld [smem:$0x7F5]  }
0x157: {  	[sflag:s21] =	ssyncset.done $0x0  }
0x158: {  	[sflag:s21] =	ssyncadd.s32 $0xFFFFC000  }
0x159: {  	[spmem:s3] =	stream.indirect.scatter.add.f32 [tilespmem:s18], [sflag:$0x5], $0x80, s12, s17, $0xb8;
	[tilespmem:$0x1CC00] =	vst v63  }
0x15a: {  	_ =	swait.ge [sflag:s11], $0x4000  }
0x15b: {  	s8 =	sld [smem:$0x7F6]  }
0x15c: {  	[sflag:s11] =	ssyncset.done $0x0  }
0x15d: {  	s12 =	sld [smem:$0x7F7];
	[sflag:s11] =	ssyncadd.s32 $0xFFFFC000  }
0x15e: {  	[tilespmem:s18], [sflag:$0x4] =	stream.indirect.gather [hbm4b:s2+s13], $0x80, s8, s13, $0xb8;
	[tilespmem:$0x1CC00] =	vst v63  }
0x15f: {  	_ = 	snop  }
0x160: {  	[tilespmem:s19], [sflag:$0x4] =	stream.indirect.gather [hbm4b:s2+s13], $0x80, s12, s13, $0xb8;
	[tilespmem:$0x1CC00] =	vst v63  }
0x161: {  	_ =	swait.ge [sflag:s20], $0x4000  }
0x162: {  	s12 =	sld [smem:$0x7F8]  }
0x163: {  	[sflag:s20] =	ssyncset.done $0x0  }
0x164: {  	[sflag:s20] =	ssyncadd.s32 $0xFFFFC000  }
0x165: {  	[spmem:s3] =	stream.indirect.scatter.add.f32 [tilespmem:s14], [sflag:$0x5], $0x80, s12, s17, $0xb8;
	[tilespmem:$0x1CC00] =	vst v63  }
0x166: {  	_ =	swait.ge [sflag:s11], $0x4000  }
0x167: {  	s8 =	sld [smem:$0x7F9]  }
0x168: {  	[sflag:s11] =	ssyncset.done $0x0  }
0x169: {  	s12 =	sld [smem:$0x7FA];
	[sflag:s11] =	ssyncadd.s32 $0xFFFFC000  }
0x16a: {  	[tilespmem:s14], [sflag:$0x3] =	stream.indirect.gather [hbm4b:s2+s13], $0x80, s8, s13, $0xb8;
	[tilespmem:$0x1CC00] =	vst v63  }
0x16b: {  	_ = 	snop  }
0x16c: {  	[tilespmem:s15], [sflag:$0x3] =	stream.indirect.gather [hbm4b:s2+s13], $0x80, s12, s13, $0xb8;
	[tilespmem:$0x1CC00] =	vst v63  }
0x16d: {  	_ =	swait.ge [sflag:s21], $0x4000  }
0x16e: {  	s8 =	sld [smem:$0x7FB]  }
0x16f: {  	[sflag:s21] =	ssyncset.done $0x0  }
0x170: {  	[sflag:s21] =	ssyncadd.s32 $0xFFFFC000  }
0x171: {  	[spmem:s3] =	stream.indirect.scatter.add.f32 [tilespmem:s18], [sflag:$0x5], $0x80, s8, s17, $0xb8;
	[tilespmem:$0x1CC00] =	vst v63  }
0x172: {  	_ =	swait.ge [sflag:s11], $0x4000  }
0x173: {  	s12 =	sld [smem:$0x7FC]  }
0x174: {  	[sflag:s11] =	ssyncset.done $0x0  }
0x175: {  	[sflag:s11] =	ssyncadd.s32 $0xFFFFC000  }
0x176: {  	[tilespmem:s18], [sflag:$0x4] =	stream.indirect.gather [hbm4b:s2+s13], $0x80, s12, s13, $0xb8;
	[tilespmem:$0x1CC00] =	vst v63  }
0x177: {  	_ = 	snop  }
0x178: {  	[tilespmem:s19], [sflag:$0x4] =	stream.indirect.gather [hbm4b:s2+s13], $0x80, s23, s13, $0xb8;
	[tilespmem:$0x1CC00] =	vst v63  }
0x179: {  	_ =	swait.ge [sflag:s20], $0x4000  }
0x17a: {  	[sflag:s20] =	ssyncset.done $0x0  }
0x17b: {  	[sflag:s20] =	ssyncadd.s32 $0xFFFFC000  }
0x17c: {  	[spmem:s3] =	stream.indirect.scatter.add.f32 [tilespmem:s14], [sflag:$0x5], $0x80, s24, s17, $0xb8;
	[tilespmem:$0x1CC00] =	vst v63  }
0x17d: {  	_ =	swait.ge [sflag:s11], $0x4000  }
0x17e: {  	[sflag:s11] =	ssyncset.done $0x0  }
0x17f: {  	[sflag:s11] =	ssyncadd.s32 $0xFFFFC000  }
0x180: {  	[tilespmem:s14], [sflag:$0x3] =	stream.indirect.gather [hbm4b:s2+s13], $0x80, s25, s13, $0xb8;
	[tilespmem:$0x1CC00] =	vst v63  }
0x181: {  	_ = 	snop  }
0x182: {  	[tilespmem:s15], [sflag:$0x3] =	stream.indirect.gather [hbm4b:s2+s13], $0x80, s26, s13, $0xb8;
	[tilespmem:$0x1CC00] =	vst v63  }
0x183: {  	_ =	swait.ge [sflag:s21], $0x4000  }
0x184: {  	[sflag:s21] =	ssyncset.done $0x0  }
0x185: {  	[sflag:s21] =	ssyncadd.s32 $0xFFFFC000  }
0x186: {  	[spmem:s3] =	stream.indirect.scatter.add.f32 [tilespmem:s18], [sflag:$0x5], $0x80, s28, s17, $0xb8;
	[tilespmem:$0x1CC00] =	vst v63  }
0x187: {  	_ =	swait.ge [sflag:s11], $0x4000  }
0x188: {  	[sflag:s11] =	ssyncset.done $0x0  }
0x189: {  	[sflag:s11] =	ssyncadd.s32 $0xFFFFC000  }
0x18a: {  	[tilespmem:s18], [sflag:$0x4] =	stream.indirect.gather [hbm4b:s2+s13], $0x80, s29, s13, $0xb8;
	[tilespmem:$0x1CC00] =	vst v63  }
0x18b: {  	_ = 	snop  }
0x18c: {  	[tilespmem:s19], [sflag:$0x4] =	stream.indirect.gather [hbm4b:s2+s13], $0x80, s30, s13, $0xb8;
	[tilespmem:$0x1CC00] =	vst v63  }
0x18d: {  	_ =	swait.ge [sflag:s20], $0x4000  }
0x18e: {  	[sflag:s20] =	ssyncset.done $0x0  }
0x18f: {  	[sflag:s20] =	ssyncadd.s32 $0xFFFFC000  }
0x190: {  	[spmem:s3] =	stream.indirect.scatter.add.f32 [tilespmem:s14], [sflag:$0x5], $0x80, s31, s17, $0xb8;
	[tilespmem:$0x1CC00] =	vst v63  }
0x191: {  	_ =	swait.ge [sflag:s11], $0x4000  }
0x192: {  	[sflag:s11] =	ssyncset.done $0x0  }
0x193: {  	s6 =	simm.s32 @!p1 $0x1;
	[sflag:s11] =	ssyncadd.s32 $0xFFFFC000  }
0x194: {  	_ =	swait.ge @!p1 [sflag:s6], $0x800  }
0x195: {  	[sflag:s6] =	ssyncset.done @!p1 $0x0  }
0x196: {  	s8 =	simm.s32 @!p1 $0x1000;
	[sflag:s6] =	ssyncadd.s32 @!p1 $0xFFFFF800;
	s6 =	simm.s32 @!p1 $0x40  }
0x197: {  	[tilespmem:s8], [sflag:$0x3] =	stream.indirect.gather @!p1 [hbm4b:s2+s6], $0x80, s9, s6, $0xb8;
	[tilespmem:$0x1CC00] =	vst v63  }
0x198: {  	s7 =	sadd.s32 $0x200, s7;
	s8 =	simm.s32 @!p1 $0x3000  }
0x199: {  	[tilespmem:s8], [sflag:$0x3] =	stream.indirect.gather @!p1 [hbm4b:s2+s6], $0x80, s6, s6, $0xb8;
	[tilespmem:$0x1CC00] =	vst v63  }
0x19a: {  	p0 =	sne.s32 s7, $0xA00;
	_ =	swait.ge [sflag:s21], $0x4000  }
.Ltmp0:
0x19b: {  	[sflag:s21] =	ssyncset.done $0x0;
	(pc) =	sbr.rel @p0 .LBB2_2-.Ltmp0, $4  }
0x19c: {  	[sflag:s21] =	ssyncadd.s32 $0xFFFFC000  }
0x19d: {  	[spmem:s3] =	stream.indirect.scatter.add.f32 [tilespmem:s18], [sflag:$0x5], $0x80, s1, s17, $0xb8;
	[tilespmem:$0x1CC00] =	vst v63  }
0x19e: {  	_ =	swait.ge [sflag:s11], $0x4000  }
0x19f: {  	s9 =	rddreg [dreg:$0x5];
	[sflag:s11] =	ssyncset.done $0x0  }
0x1a0: {  	[sflag:s11] =	ssyncadd.s32 $0xFFFFC000;
	s6 =	sadd.s32 s5, s9  }
0x1a1: {  	[tilespmem:s16], [sflag:$0x2] =	stream.linear.gather [hbm4b:s6+s4], $0x800, $0x38;
	[tilespmem:$0x1CC00] =	vst v63  }
0x1a2: {  	_ = 	snop  }
0x1a3: {  	[tilespmem:s18], [sflag:$0x4] =	stream.indirect.gather [hbm4b:s2+s13], $0x80, s17, s13, $0xb8;
	[tilespmem:$0x1CC00] =	vst v63  }
0x1a4: {  	s8 =	rddreg [dreg:$0x6]  }
0x1a5: {  	[tilespmem:s19], [sflag:$0x4] =	stream.indirect.gather [hbm4b:s2+s13], $0x80, s8, s13, $0xb8;
	[tilespmem:$0x1CC00] =	vst v63  }
0x1a6: {  	_ =	swait.ge [sflag:s20], $0x4000  }
0x1a7: {  	[sflag:s20] =	ssyncset.done $0x0  }
0x1a8: {  	s9 =	rddreg [dreg:$0x7];
	[sflag:s20] =	ssyncadd.s32 $0xFFFFC000  }
0x1a9: {  	[spmem:s3] =	stream.indirect.scatter.add.f32 [tilespmem:s14], [sflag:$0x5], $0x80, s9, s17, $0xb8;
	[tilespmem:$0x1CC00] =	vst v63  }
0x1aa: {  	_ =	swait.ge [sflag:s11], $0x4000  }
0x1ab: {  	[sflag:s11] =	ssyncset.done $0x0  }
0x1ac: {  	s12 =	rddreg [dreg:$0x8];
	[sflag:s11] =	ssyncadd.s32 $0xFFFFC000  }
0x1ad: {  	[tilespmem:s14], [sflag:$0x3] =	stream.indirect.gather [hbm4b:s2+s13], $0x80, s12, s13, $0xb8;
	[tilespmem:$0x1CC00] =	vst v63  }
0x1ae: {  	s7 =	rddreg [dreg:$0x9]  }
0x1af: {  	[tilespmem:s15], [sflag:$0x3] =	stream.indirect.gather [hbm4b:s2+s13], $0x80, s7, s13, $0xb8;
	[tilespmem:$0x1CC00] =	vst v63  }
0x1b0: {  	_ =	swait.ge [sflag:s21], $0x4000  }
0x1b1: {  	[sflag:s21] =	ssyncset.done $0x0  }
0x1b2: {  	s8 =	rddreg [dreg:$0xa];
	[sflag:s21] =	ssyncadd.s32 $0xFFFFC000  }
0x1b3: {  	[spmem:s3] =	stream.indirect.scatter.add.f32 [tilespmem:s18], [sflag:$0x5], $0x80, s8, s17, $0xb8;
	[tilespmem:$0x1CC00] =	vst v63  }
0x1b4: {  	_ =	swait.ge [sflag:s11], $0x4000  }
0x1b5: {  	[sflag:s11] =	ssyncset.done $0x0  }
0x1b6: {  	s9 =	rddreg [dreg:$0xb];
	[sflag:s11] =	ssyncadd.s32 $0xFFFFC000  }
0x1b7: {  	[tilespmem:s18], [sflag:$0x4] =	stream.indirect.gather [hbm4b:s2+s13], $0x80, s9, s13, $0xb8;
	[tilespmem:$0x1CC00] =	vst v63  }
0x1b8: {  	s12 =	rddreg [dreg:$0xc]  }
0x1b9: {  	[tilespmem:s19], [sflag:$0x4] =	stream.indirect.gather [hbm4b:s2+s13], $0x80, s12, s13, $0xb8;
	[tilespmem:$0x1CC00] =	vst v63  }
0x1ba: {  	_ =	swait.ge [sflag:s20], $0x4000  }
0x1bb: {  	[sflag:s20] =	ssyncset.done $0x0  }
0x1bc: {  	s8 =	rddreg [dreg:$0xd];
	[sflag:s20] =	ssyncadd.s32 $0xFFFFC000  }
0x1bd: {  	[spmem:s3] =	stream.indirect.scatter.add.f32 [tilespmem:s14], [sflag:$0x5], $0x80, s8, s17, $0xb8;
	[tilespmem:$0x1CC00] =	vst v63  }
0x1be: {  	_ =	swait.ge [sflag:s11], $0x4000  }
0x1bf: {  	[sflag:s11] =	ssyncset.done $0x0  }
0x1c0: {  	s9 =	rddreg [dreg:$0xe];
	[sflag:s11] =	ssyncadd.s32 $0xFFFFC000  }
0x1c1: {  	[tilespmem:s14], [sflag:$0x3] =	stream.indirect.gather [hbm4b:s2+s13], $0x80, s9, s13, $0xb8;
	[tilespmem:$0x1CC00] =	vst v63  }
0x1c2: {  	s12 =	rddreg [dreg:$0xf]  }
0x1c3: {  	[tilespmem:s15], [sflag:$0x3] =	stream.indirect.gather [hbm4b:s2+s13], $0x80, s12, s13, $0xb8;
	[tilespmem:$0x1CC00] =	vst v63  }
0x1c4: {  	_ =	swait.ge [sflag:s21], $0x4000  }
0x1c5: {  	[sflag:s21] =	ssyncset.done $0x0  }
0x1c6: {  	s8 =	rddreg [dreg:$0x10];
	[sflag:s21] =	ssyncadd.s32 $0xFFFFC000  }
0x1c7: {  	[spmem:s3] =	stream.indirect.scatter.add.f32 [tilespmem:s18], [sflag:$0x5], $0x80, s8, s17, $0xb8;
	[tilespmem:$0x1CC00] =	vst v63  }
0x1c8: {  	_ =	swait.ge [sflag:s11], $0x4000  }
0x1c9: {  	[sflag:s11] =	ssyncset.done $0x0  }
0x1ca: {  	s9 =	rddreg [dreg:$0x11];
	[sflag:s11] =	ssyncadd.s32 $0xFFFFC000  }
0x1cb: {  	[tilespmem:s18], [sflag:$0x4] =	stream.indirect.gather [hbm4b:s2+s13], $0x80, s9, s13, $0xb8;
	[tilespmem:$0x1CC00] =	vst v63  }
0x1cc: {  	s12 =	rddreg [dreg:$0x12]  }
0x1cd: {  	[tilespmem:s19], [sflag:$0x4] =	stream.indirect.gather [hbm4b:s2+s13], $0x80, s12, s13, $0xb8;
	[tilespmem:$0x1CC00] =	vst v63  }
0x1ce: {  	_ =	swait.ge [sflag:s20], $0x4000  }
0x1cf: {  	[sflag:s20] =	ssyncset.done $0x0  }
0x1d0: {  	s8 =	rddreg [dreg:$0x13];
	[sflag:s20] =	ssyncadd.s32 $0xFFFFC000  }
0x1d1: {  	[spmem:s3] =	stream.indirect.scatter.add.f32 [tilespmem:s14], [sflag:$0x5], $0x80, s8, s17, $0xb8;
	[tilespmem:$0x1CC00] =	vst v63  }
0x1d2: {  	_ =	swait.ge [sflag:s11], $0x4000  }
0x1d3: {  	[sflag:s11] =	ssyncset.done $0x0  }
0x1d4: {  	s9 =	rddreg [dreg:$0x14];
	[sflag:s11] =	ssyncadd.s32 $0xFFFFC000  }
0x1d5: {  	[tilespmem:s14], [sflag:$0x3] =	stream.indirect.gather [hbm4b:s2+s13], $0x80, s9, s13, $0xb8;
	[tilespmem:$0x1CC00] =	vst v63  }
0x1d6: {  	s12 =	rddreg [dreg:$0x15]  }
0x1d7: {  	[tilespmem:s15], [sflag:$0x3] =	stream.indirect.gather [hbm4b:s2+s13], $0x80, s12, s13, $0xb8;
	[tilespmem:$0x1CC00] =	vst v63  }
0x1d8: {  	_ =	swait.ge [sflag:s21], $0x4000  }
0x1d9: {  	[sflag:s21] =	ssyncset.done $0x0  }
0x1da: {  	s7 =	rddreg [dreg:$0x16];
	[sflag:s21] =	ssyncadd.s32 $0xFFFFC000  }
0x1db: {  	[spmem:s3] =	stream.indirect.scatter.add.f32 [tilespmem:s18], [sflag:$0x5], $0x80, s7, s17, $0xb8;
	[tilespmem:$0x1CC00] =	vst v63  }
0x1dc: {  	_ =	swait.ge [sflag:s11], $0x4000  }
0x1dd: {  	[sflag:s11] =	ssyncset.done $0x0  }
0x1de: {  	s8 =	rddreg [dreg:$0x17];
	[sflag:s11] =	ssyncadd.s32 $0xFFFFC000  }
0x1df: {  	[tilespmem:s18], [sflag:$0x4] =	stream.indirect.gather [hbm4b:s2+s13], $0x80, s8, s13, $0xb8;
	[tilespmem:$0x1CC00] =	vst v63  }
0x1e0: {  	s9 =	rddreg [dreg:$0x18]  }
0x1e1: {  	[tilespmem:s19], [sflag:$0x4] =	stream.indirect.gather [hbm4b:s2+s13], $0x80, s9, s13, $0xb8;
	[tilespmem:$0x1CC00] =	vst v63  }
0x1e2: {  	_ =	swait.ge [sflag:s20], $0x4000  }
0x1e3: {  	[sflag:s20] =	ssyncset.done $0x0  }
0x1e4: {  	s12 =	rddreg [dreg:$0x19];
	[sflag:s20] =	ssyncadd.s32 $0xFFFFC000  }
0x1e5: {  	[spmem:s3] =	stream.indirect.scatter.add.f32 [tilespmem:s14], [sflag:$0x5], $0x80, s12, s17, $0xb8;
	[tilespmem:$0x1CC00] =	vst v63  }
0x1e6: {  	_ =	swait.ge [sflag:s11], $0x4000  }
0x1e7: {  	[sflag:s11] =	ssyncset.done $0x0  }
0x1e8: {  	[sflag:s11] =	ssyncadd.s32 $0xFFFFC000  }
0x1e9: {  	_ =	swait.ge [sflag:s22], $0x800  }
0x1ea: {  	[sflag:s22] =	ssyncset.done $0x0  }
0x1eb: {  	[sflag:s22] =	ssyncadd.s32 $0xFFFFF800  }
0x1ec: {  	[tilespmem:s14], [sflag:$0x3] =	stream.indirect.gather [hbm4b:s2+s13], $0x80, s16, s13, $0xb8;
	[tilespmem:$0x1CC00] =	vst v63  }
0x1ed: {  	s7 =	rddreg [dreg:$0x1a]  }
0x1ee: {  	[tilespmem:s15], [sflag:$0x3] =	stream.indirect.gather [hbm4b:s2+s13], $0x80, s7, s13, $0xb8;
	[tilespmem:$0x1CC00] =	vst v63  }
0x1ef: {  	_ =	swait.ge [sflag:s21], $0x4000  }
0x1f0: {  	[sflag:s21] =	ssyncset.done $0x0  }
0x1f1: {  	s8 =	rddreg [dreg:$0x1b];
	[sflag:s21] =	ssyncadd.s32 $0xFFFFC000  }
0x1f2: {  	[spmem:s3] =	stream.indirect.scatter.add.f32 [tilespmem:s18], [sflag:$0x5], $0x80, s8, s17, $0xb8;
	[tilespmem:$0x1CC00] =	vst v63  }
0x1f3: {  	_ =	swait.ge [sflag:s11], $0x4000  }
0x1f4: {  	p0 =	seq.s32 s5, $0x800;
	s6 =	rddreg [dreg:$0x4];
	[sflag:s11] =	ssyncset.done $0x0  }
0x1f5: {  	[sflag:s11] =	ssyncadd.s32 $0xFFFFC000;
	s6 =	sadd.s32 @!p0 s5, s6;
	s5 =	simm.s32 @!p0 $0x0  }
0x1f6: {  	[tilespmem:s5], [sflag:$0x1] =	stream.linear.gather @!p0 [hbm4b:s6+s5], $0x800, $0x38;
	[tilespmem:$0x1CC00] =	vst v63  }
0x1f7: {  	s9 =	rddreg [dreg:$0x1c]  }
0x1f8: {  	[tilespmem:s18], [sflag:$0x4] =	stream.indirect.gather [hbm4b:s2+s13], $0x80, s9, s13, $0xb8;
	[tilespmem:$0x1CC00] =	vst v63  }
0x1f9: {  	s12 =	rddreg [dreg:$0x1d]  }
0x1fa: {  	[tilespmem:s19], [sflag:$0x4] =	stream.indirect.gather [hbm4b:s2+s13], $0x80, s12, s13, $0xb8;
	[tilespmem:$0x1CC00] =	vst v63  }
0x1fb: {  	_ =	swait.ge [sflag:s20], $0x4000  }
0x1fc: {  	[sflag:s20] =	ssyncset.done $0x0  }
0x1fd: {  	s8 =	rddreg [dreg:$0x1e];
	[sflag:s20] =	ssyncadd.s32 $0xFFFFC000  }
0x1fe: {  	[spmem:s3] =	stream.indirect.scatter.add.f32 [tilespmem:s14], [sflag:$0x5], $0x80, s8, s17, $0xb8;
	[tilespmem:$0x1CC00] =	vst v63  }
0x1ff: {  	_ =	swait.ge [sflag:s11], $0x4000  }
0x200: {  	s9 =	rddreg [dreg:$0x1f];
	[sflag:s11] =	ssyncset.done $0x0  }
0x201: {  	s12 =	sld [smem:$0x7F4];
	[sflag:s11] =	ssyncadd.s32 $0xFFFFC000  }
0x202: {  	[tilespmem:s14], [sflag:$0x3] =	stream.indirect.gather [hbm4b:s2+s13], $0x80, s9, s13, $0xb8;
	[tilespmem:$0x1CC00] =	vst v63  }
0x203: {  	_ = 	snop  }
0x204: {  	[tilespmem:s15], [sflag:$0x3] =	stream.indirect.gather [hbm4b:s2+s13], $0x80, s12, s13, $0xb8;
	[tilespmem:$0x1CC00] =	vst v63  }
0x205: {  	_ =	swait.ge [sflag:s21], $0x4000  }
0x206: {  	s8 =	sld [smem:$0x7F5]  }
0x207: {  	[sflag:s21] =	ssyncset.done $0x0  }
0x208: {  	[sflag:s21] =	ssyncadd.s32 $0xFFFFC000  }
0x209: {  	[spmem:s3] =	stream.indirect.scatter.add.f32 [tilespmem:s18], [sflag:$0x5], $0x80, s8, s17, $0xb8;
	[tilespmem:$0x1CC00] =	vst v63  }
0x20a: {  	_ =	swait.ge [sflag:s11], $0x4000  }
0x20b: {  	s9 =	sld [smem:$0x7F6]  }
0x20c: {  	[sflag:s11] =	ssyncset.done $0x0  }
0x20d: {  	s12 =	sld [smem:$0x7F7];
	[sflag:s11] =	ssyncadd.s32 $0xFFFFC000  }
0x20e: {  	[tilespmem:s18], [sflag:$0x4] =	stream.indirect.gather [hbm4b:s2+s13], $0x80, s9, s13, $0xb8;
	[tilespmem:$0x1CC00] =	vst v63  }
0x20f: {  	_ = 	snop  }
0x210: {  	[tilespmem:s19], [sflag:$0x4] =	stream.indirect.gather [hbm4b:s2+s13], $0x80, s12, s13, $0xb8;
	[tilespmem:$0x1CC00] =	vst v63  }
0x211: {  	_ =	swait.ge [sflag:s20], $0x4000  }
0x212: {  	s8 =	sld [smem:$0x7F8]  }
0x213: {  	[sflag:s20] =	ssyncset.done $0x0  }
0x214: {  	[sflag:s20] =	ssyncadd.s32 $0xFFFFC000  }
0x215: {  	[spmem:s3] =	stream.indirect.scatter.add.f32 [tilespmem:s14], [sflag:$0x5], $0x80, s8, s17, $0xb8;
	[tilespmem:$0x1CC00] =	vst v63  }
0x216: {  	_ =	swait.ge [sflag:s11], $0x4000  }
0x217: {  	s9 =	sld [smem:$0x7F9]  }
0x218: {  	[sflag:s11] =	ssyncset.done $0x0  }
0x219: {  	s12 =	sld [smem:$0x7FA];
	[sflag:s11] =	ssyncadd.s32 $0xFFFFC000  }
0x21a: {  	[tilespmem:s14], [sflag:$0x3] =	stream.indirect.gather [hbm4b:s2+s13], $0x80, s9, s13, $0xb8;
	[tilespmem:$0x1CC00] =	vst v63  }
0x21b: {  	_ = 	snop  }
0x21c: {  	[tilespmem:s15], [sflag:$0x3] =	stream.indirect.gather [hbm4b:s2+s13], $0x80, s12, s13, $0xb8;
	[tilespmem:$0x1CC00] =	vst v63  }
0x21d: {  	_ =	swait.ge [sflag:s21], $0x4000  }
0x21e: {  	s7 =	sld [smem:$0x7FB]  }
0x21f: {  	[sflag:s21] =	ssyncset.done $0x0  }
0x220: {  	[sflag:s21] =	ssyncadd.s32 $0xFFFFC000  }
0x221: {  	[spmem:s3] =	stream.indirect.scatter.add.f32 [tilespmem:s18], [sflag:$0x5], $0x80, s7, s17, $0xb8;
	[tilespmem:$0x1CC00] =	vst v63  }
0x222: {  	_ =	swait.ge [sflag:s11], $0x4000  }
0x223: {  	s8 =	sld [smem:$0x7FC]  }
0x224: {  	[sflag:s11] =	ssyncset.done $0x0  }
0x225: {  	[sflag:s11] =	ssyncadd.s32 $0xFFFFC000  }
0x226: {  	[tilespmem:s18], [sflag:$0x4] =	stream.indirect.gather [hbm4b:s2+s13], $0x80, s8, s13, $0xb8;
	[tilespmem:$0x1CC00] =	vst v63  }
0x227: {  	_ = 	snop  }
0x228: {  	[tilespmem:s19], [sflag:$0x4] =	stream.indirect.gather [hbm4b:s2+s13], $0x80, s23, s13, $0xb8;
	[tilespmem:$0x1CC00] =	vst v63  }
0x229: {  	_ =	swait.ge [sflag:s20], $0x4000  }
0x22a: {  	[sflag:s20] =	ssyncset.done $0x0  }
0x22b: {  	[sflag:s20] =	ssyncadd.s32 $0xFFFFC000  }
0x22c: {  	[spmem:s3] =	stream.indirect.scatter.add.f32 [tilespmem:s14], [sflag:$0x5], $0x80, s24, s17, $0xb8;
	[tilespmem:$0x1CC00] =	vst v63  }
0x22d: {  	_ =	swait.ge [sflag:s11], $0x4000  }
0x22e: {  	[sflag:s11] =	ssyncset.done $0x0  }
0x22f: {  	[sflag:s11] =	ssyncadd.s32 $0xFFFFC000  }
0x230: {  	[tilespmem:s14], [sflag:$0x3] =	stream.indirect.gather [hbm4b:s2+s13], $0x80, s25, s13, $0xb8;
	[tilespmem:$0x1CC00] =	vst v63  }
0x231: {  	_ = 	snop  }
0x232: {  	[tilespmem:s15], [sflag:$0x3] =	stream.indirect.gather [hbm4b:s2+s13], $0x80, s26, s13, $0xb8;
	[tilespmem:$0x1CC00] =	vst v63  }
0x233: {  	_ =	swait.ge [sflag:s21], $0x4000  }
0x234: {  	[sflag:s21] =	ssyncset.done $0x0  }
0x235: {  	[sflag:s21] =	ssyncadd.s32 $0xFFFFC000  }
0x236: {  	[spmem:s3] =	stream.indirect.scatter.add.f32 [tilespmem:s18], [sflag:$0x5], $0x80, s28, s17, $0xb8;
	[tilespmem:$0x1CC00] =	vst v63  }
0x237: {  	_ =	swait.ge [sflag:s11], $0x4000  }
0x238: {  	[sflag:s11] =	ssyncset.done $0x0  }
0x239: {  	[sflag:s11] =	ssyncadd.s32 $0xFFFFC000  }
0x23a: {  	[tilespmem:s18], [sflag:$0x4] =	stream.indirect.gather [hbm4b:s2+s13], $0x80, s29, s13, $0xb8;
	[tilespmem:$0x1CC00] =	vst v63  }
0x23b: {  	_ = 	snop  }
0x23c: {  	[tilespmem:s19], [sflag:$0x4] =	stream.indirect.gather [hbm4b:s2+s13], $0x80, s30, s13, $0xb8;
	[tilespmem:$0x1CC00] =	vst v63  }
0x23d: {  	_ =	swait.ge [sflag:s20], $0x4000  }
0x23e: {  	[sflag:s20] =	ssyncset.done $0x0  }
0x23f: {  	[sflag:s20] =	ssyncadd.s32 $0xFFFFC000  }
0x240: {  	[spmem:s3] =	stream.indirect.scatter.add.f32 [tilespmem:s14], [sflag:$0x5], $0x80, s31, s17, $0xb8;
	[tilespmem:$0x1CC00] =	vst v63  }
0x241: {  	_ =	swait.ge [sflag:s11], $0x4000  }
0x242: {  	[sflag:s11] =	ssyncset.done $0x0  }
0x243: {  	s6 =	simm.s32 @!p0 $0x1;
	[sflag:s11] =	ssyncadd.s32 $0xFFFFC000  }
0x244: {  	_ =	swait.ge @!p0 [sflag:s6], $0x800  }
0x245: {  	[sflag:s6] =	ssyncset.done @!p0 $0x0  }
0x246: {  	s7 =	simm.s32 @!p0 $0x1000;
	[sflag:s6] =	ssyncadd.s32 @!p0 $0xFFFFF800;
	s6 =	simm.s32 @!p0 $0x40  }
0x247: {  	[tilespmem:s7], [sflag:$0x3] =	stream.indirect.gather @!p0 [hbm4b:s2+s6], $0x80, s5, s6, $0xb8;
	[tilespmem:$0x1CC00] =	vst v63  }
0x248: {  	s5 =	simm.s32 @!p0 $0x3000  }
0x249: {  	[tilespmem:s5], [sflag:$0x3] =	stream.indirect.gather @!p0 [hbm4b:s2+s6], $0x80, s6, s6, $0xb8;
	[tilespmem:$0x1CC00] =	vst v63  }
0x24a: {  	_ =	swait.ge [sflag:s21], $0x4000  }
0x24b: {  	[sflag:s21] =	ssyncset.done $0x0  }
0x24c: {  	[sflag:s21] =	ssyncadd.s32 $0xFFFFC000  }
0x24d: {  	[spmem:s3] =	stream.indirect.scatter.add.f32 [tilespmem:s18], [sflag:$0x5], $0x80, s1, s17, $0xb8;
	[tilespmem:$0x1CC00] =	vst v63  }
0x24e: {  	_ =	swait.ge [sflag:s11], $0x4000  }
0x24f: {  	[sflag:s11] =	ssyncset.done $0x0  }
0x250: {  	[sflag:s11] =	ssyncadd.s32 $0xFFFFC000  }
0x251: {  	[bflag:$0x0] =	sbarrier.arrive $0xFFFF  }
0x252: {  	s9 =	sld [smem:$0x7F2]  }
0x253: {  	s7 =	sld [smem:$0x7FD];
	_ =	sdelay $0x2  }
0x254: {  	[hbm:s9], [sflag:s10] =	dma.local [spmem:s7], $0x2780  }
0x255: {  	_ =	swait.ge [sflag:s11], $0x2780  }
0x256: {  	s12 =	sld [smem:$0x7F3];
	_ =	sdelay $0x1  }
0x257: {  	s0 =	sadd.s32 $0x1, s0  }
0x258: {  	p0 =	sne.s32 s0, s12  }
.Ltmp1:
0x259: {  	_ = 	snop;
	(pc) =	sbr.rel @p0 .LBB2_1-.Ltmp1, $3  }
0x25a: {  	_ =	sdelay $0x1  }
0x25b: {  	[sflag:s11] =	ssyncset.done $0x0  }
0x25c: {  	s6 =	smov.u32 s10;
	[sflag:s11] =	ssyncadd.s32 $0xFFFFD880  }
0x25d: {  	_ =	sfence.sel $0x180000  }
0x25e: {  	[bflag:$0x0] =	sbarrier.arrive $0xFFFF  }
0x25f: {  	_ =	strace $0x9000004A  }
0x260: {  	s0 =	stileid.u32;
	[bflag:$0x2] =	sbarrier.arrive $0xFFFF  }
0x261: {  	p0 =	sne.s32 s0, $0x0;
	s0 =	rddreg [dreg:$0x3]  }
0x262: {  	s0 =	sadd.s32 @!p0 $0x100000, s0  }
0x263: {  	[sflag:s0] =	ssyncadd.tile.s32 @!p0 $0x1;
	_ =	shalt  }
.Lfunc_end2:
_tile_overlayer_lowered:
.L_overlay_start_2:
0x264: {  	(tag) =	ssettag $0x2  }
0x265: {  	s0 =	rddreg [dreg:$0x0];
	s2 =	stileid.u32  }
0x266: {  	s1 =	rddreg [dreg:$0x1];
	p0 =	sne.s32 s2, $0x0  }
0x267: {  	s3 =	rddreg [dreg:$0x2];
	[bflag:$0x3] =	sbarrier.arrive $0xFFFF;
	s2 =	simm.s32 @!p0 $0x1C05  }
0x268: {  	[timem:s3], [sflag:s2] =	dma.local @!p0 [hbm:s0], s1  }
0x269: {  	s0 =	simm.s32 @!p0 $0x5  }
0x26a: {  	_ =	swait.ge @!p0 [sflag:s0], s1  }
0x26b: {  	s1 =	ssub.s32 @!p0 $0x0, s1;
	[sflag:s0] =	ssyncset.done @!p0 $0x0  }
0x26c: {  	[sflag:s0] =	ssyncadd.s32 @!p0 s1  }
0x26d: {  	[bflag:$0x3] =	sbarrier.arrive $0xFFFF  }
0x26e: {  	_ =	shalt  }

</sc_bundles>
